<compile_context>
chip_gen: v7x
topology: tpu7x:2x2x1
jax: 0.10.2.dev20260603
libtpu: 0.0.44.dev20260713+nightly
codegen_flags: <defaults>
</compile_context>

<pallas_src>
import functools

import jax
import jax.numpy as jnp
from jax import lax
from jax.experimental import pallas as pl
from jax.experimental.pallas import tpu as pltpu
from jax.experimental.pallas import tpu_sc as plsc

N = 10000
NP = 10240
E = 320000
D = 128
NC = 2
NS = 16
NW = NC * NS
K = 128
NB = -(-E // (NW * K))
E_PAD = NB * NW * K
SEG = NP // NS

_mesh = plsc.VectorSubcoreMesh(core_axis_name="c", subcore_axis_name="s")

def _neg2d(ref, nrows):
    ncol_chunks = ref.shape[1] // 16

    def body(i, _):
        r = i // ncol_chunks
        j = i % ncol_chunks
        ref[r, pl.ds(j * 16, 16)] = -ref[r, pl.ds(j * 16, 16)]
        return 0

    lax.fori_loop(0, nrows * ncol_chunks, body, 0)


def _iota_fill(idx_ref, base):
    def body(j, _):
        idx_ref[pl.ds(j * 16, 16)] = lax.iota(jnp.int32, 16) + base + j * 16
        return 0

    lax.fori_loop(0, idx_ref.shape[0] // 16, body, 0)


def _fill2d(ref, nrows, val):
    ncol_chunks = ref.shape[1] // 16

    def body(i, _):
        r = i // ncol_chunks
        j = i % ncol_chunks
        ref[r, pl.ds(j * 16, 16)] = jnp.full((16,), val, jnp.float32)
        return 0

    lax.fori_loop(0, nrows * ncol_chunks, body, 0)


SCRUB_R = 12288


@functools.partial(
    pl.kernel,
    mesh=_mesh,
    out_type=jax.ShapeDtypeStruct((8,), jnp.float32),
    scratch_types=[
        pltpu.VMEM((K,), jnp.int32),
        pltpu.VMEM((K, D), jnp.float32),
        pltpu.VMEM_SHARED((SCRUB_R, D), jnp.float32),
    ],
)
def _scrub_kernel(out_hbm, iot_v, z_v, sp_sh):
    c = lax.axis_index("c")
    s = lax.axis_index("s")
    _fill2d(z_v, K, 0.0)
    base = s * (SCRUB_R // NS)
    for t in range(SCRUB_R // NS // K):
        _iota_fill(iot_v, base + t * K)
        pltpu.sync_copy(z_v, sp_sh.at[iot_v])

    @pl.when(jnp.logical_and(c == 0, s == 0))
    def _():
        pltpu.sync_copy(z_v.at[0, pl.ds(0, 8)], out_hbm)


@functools.partial(
    pl.kernel,
    mesh=_mesh,
    out_type=jax.ShapeDtypeStruct((NC * NP, D), jnp.float32),
    scratch_types=[
        pltpu.VMEM((K,), jnp.int32),
        pltpu.VMEM((K,), jnp.int32),
        pltpu.VMEM((K, D), jnp.float32),
        pltpu.VMEM((K, D), jnp.float32),
        pltpu.VMEM_SHARED((NP, D), jnp.float32),
        pltpu.SemaphoreType.DMA,
    ],
)
def _deg_kernel(dst_hbm, out_hbm, idx_v, iot_v, ones_v, stg_v, acc_sh, sem):
    c = lax.axis_index("c")
    s = lax.axis_index("s")
    w = s * NC + c

    _fill2d(ones_v, K, 1.0)
    for t in range(SEG // K):
        _iota_fill(iot_v, s * SEG + t * K)
        pltpu.async_copy(acc_sh.at[iot_v], stg_v, sem).wait()
        _neg2d(stg_v, K)
        pltpu.sync_copy(stg_v, acc_sh.at[iot_v], add=True)
    plsc.subcore_barrier()

    def body(i, _):
        g = i * NW + w
        pltpu.sync_copy(dst_hbm.at[pl.ds(g * K, K)], idx_v)
        pltpu.sync_copy(ones_v, acc_sh.at[idx_v], add=True)
        return 0

    lax.fori_loop(0, NB, body, 0)
    plsc.subcore_barrier()

    for t in range(SEG // K):
        _iota_fill(iot_v, s * SEG + t * K)
        pltpu.async_copy(acc_sh.at[iot_v], stg_v, sem).wait()
        pltpu.sync_copy(stg_v, out_hbm.at[pl.ds(c * NP + s * SEG + t * K, K)])


@functools.partial(
    pl.kernel,
    mesh=_mesh,
    out_type=jax.ShapeDtypeStruct((NC * NP, D), jnp.float32),
    scratch_types=[
        pltpu.VMEM((K,), jnp.int32),
        pltpu.VMEM((K,), jnp.int32),
        pltpu.VMEM((K,), jnp.int32),
        pltpu.VMEM((K,), jnp.int32),
        pltpu.VMEM((K,), jnp.int32),
        pltpu.VMEM((K, D), jnp.float32),
        pltpu.VMEM((K, D), jnp.float32),
        pltpu.VMEM_SHARED((NP, D), jnp.float32),
        pltpu.SemaphoreType.DMA,
        pltpu.SemaphoreType.DMA,
    ],
)
def _spmm_kernel(y_hbm, src_hbm, dst_hbm, out_hbm, didx_a, didx_b, sidx_a,
                 sidx_b, iot_v, rows_a, rows_b, acc_sh, sem_a, sem_b):
    c = lax.axis_index("c")
    s = lax.axis_index("s")
    w = s * NC + c

    for t in range(SEG // K):
        _iota_fill(iot_v, s * SEG + t * K)
        pltpu.async_copy(acc_sh.at[iot_v], rows_a, sem_a).wait()
        _neg2d(rows_a, K)
        pltpu.sync_copy(rows_a, acc_sh.at[iot_v], add=True)
    plsc.subcore_barrier()

    def stage(j, didx, sidx, rows, sem):
        g = j * NW + w
        pltpu.sync_copy(dst_hbm.at[pl.ds(g * K, K)], didx)
        pltpu.sync_copy(src_hbm.at[pl.ds(g * K, K)], sidx)
        return pltpu.async_copy(y_hbm.at[didx], rows, sem)

    def drain(cp, sidx, rows):
        cp.wait()
        pltpu.sync_copy(rows, acc_sh.at[sidx], add=True)

    stage(0, didx_a, sidx_a, rows_a, sem_a)

    def body(i, _):
        cb = stage(2 * i + 1, didx_b, sidx_b, rows_b, sem_b)
        pltpu.make_async_copy(y_hbm.at[pl.ds(0, K)], rows_a, sem_a).wait()
        pltpu.sync_copy(rows_a, acc_sh.at[sidx_a], add=True)
        stage(2 * i + 2, didx_a, sidx_a, rows_a, sem_a)
        cb.wait()
        pltpu.sync_copy(rows_b, acc_sh.at[sidx_b], add=True)
        return 0

    lax.fori_loop(0, (NB - 1) // 2, body, 0)
    drain(pltpu.make_async_copy(y_hbm.at[pl.ds(0, K)], rows_a, sem_a), sidx_a, rows_a)
    plsc.subcore_barrier()

    for t in range(SEG // K):
        _iota_fill(iot_v, s * SEG + t * K)
        pltpu.async_copy(acc_sh.at[iot_v], rows_a, sem_a).wait()
        pltpu.sync_copy(rows_a, out_hbm.at[pl.ds(c * NP + s * SEG + t * K, K)])


BM = 256
GRID = NP // BM


def _dinv_of(deg_ref):
    deg = deg_ref[0, :, 0:1] + deg_ref[1, :, 0:1] + 1.0
    return lax.rsqrt(deg)


def _tc1_body(deg_ref, x_ref, w1_ref, y_ref):
    dinv = _dinv_of(deg_ref)
    xw = jnp.dot(x_ref[...], w1_ref[...], preferred_element_type=jnp.float32,
                 precision=lax.Precision.HIGHEST)
    y_ref[...] = xw * dinv


def _tc2_body(deg_ref, y_ref, p_ref, b1_ref, g1_ref, bt1_ref, w2_ref, out_ref):
    dinv = _dinv_of(deg_ref)
    h = (y_ref[...] + p_ref[0] + p_ref[1]) * dinv + b1_ref[...]
    mu = jnp.mean(h, axis=1, keepdims=True)
    d = h - mu
    var = jnp.mean(d * d, axis=1, keepdims=True)
    hn = d * lax.rsqrt(var + 1e-5) * g1_ref[...] + bt1_ref[...]
    hr = jnp.maximum(hn, 0.0)
    out_ref[...] = jnp.dot(hr, w2_ref[...], preferred_element_type=jnp.float32,
                           precision=lax.Precision.HIGHEST) * dinv


def _tc3_body(deg_ref, y_ref, p_ref, b2_ref, out_ref):
    dinv = _dinv_of(deg_ref)
    out_ref[...] = (y_ref[...] + p_ref[0] + p_ref[1]) * dinv + b2_ref[...]


_deg_spec = pl.BlockSpec((NC, BM, D), lambda i: (0, i, 0))
_row_spec = pl.BlockSpec((BM, D), lambda i: (i, 0))
_p_spec = pl.BlockSpec((NC, BM, D), lambda i: (0, i, 0))
_w_spec = pl.BlockSpec((D, D), lambda i: (0, 0))
_v_spec = pl.BlockSpec((1, D), lambda i: (0, 0))
_out_sds = jax.ShapeDtypeStruct((NP, D), jnp.float32)


def kernel(x, edge_index, W1, b1, g1, beta1, W2, b2):
    src = jnp.pad(edge_index[0].astype(jnp.int32), (0, E_PAD - E), constant_values=N)
    dst = jnp.pad(edge_index[1].astype(jnp.int32), (0, E_PAD - E), constant_values=N)
    x_pad = jnp.pad(x, ((0, NP - N), (0, 0)))

    scrub = _scrub_kernel()
    dst = dst + (scrub[0] * 0.0).astype(jnp.int32)

    degp = _deg_kernel(dst).reshape(NC, NP, D)

    def spmm(y):
        return _spmm_kernel(y, src, dst).reshape(NC, NP, D)

    y1 = pl.pallas_call(
        _tc1_body,
        grid=(GRID,),
        in_specs=[_deg_spec, _row_spec, _w_spec],
        out_specs=_row_spec,
        out_shape=_out_sds,
    )(degp, x_pad, W1)

    p1 = spmm(y1)

    y2 = pl.pallas_call(
        _tc2_body,
        grid=(GRID,),
        in_specs=[_deg_spec, _row_spec, _p_spec, _v_spec, _v_spec, _v_spec, _w_spec],
        out_specs=_row_spec,
        out_shape=_out_sds,
    )(degp, y1, p1, b1.reshape(1, D), g1.reshape(1, D), beta1.reshape(1, D), W2)

    p2 = spmm(y2)

    out = pl.pallas_call(
        _tc3_body,
        grid=(GRID,),
        in_specs=[_deg_spec, _row_spec, _p_spec, _v_spec],
        out_specs=_row_spec,
        out_shape=_out_sds,
    )(degp, y2, p2, b2.reshape(1, D))

    return out[:N]

# --- scband reference (transcript-rebuilt; emitter-appended) ---
"""Pipeline reference for scband-graph-encoder-23210003268200 (READ-ONLY COPY).

The authoritative reference and input builder live on the scoring server;
editing this copy changes nothing except your own understanding.
"""

import jax, jax.numpy as jnp
import numpy as np

N = 10000
E = 320000
D_IN = 128
D_HID = 128
D_OUT = 128


def gcn_conv(x, src, dst, W, b, n):
    # PyG GCNConv with default add_self_loops=True and symmetric normalization
    loop = jnp.arange(n, dtype=src.dtype)
    row = jnp.concatenate([src, loop])
    col = jnp.concatenate([dst, loop])
    deg = jnp.zeros((n,), x.dtype).at[col].add(jnp.ones((row.shape[0],), x.dtype))
    dinv = jnp.where(deg > 0, 1.0 / jnp.sqrt(deg), 0.0)
    norm = dinv[row] * dinv[col]
    xw = x @ W
    msg = xw[col] * norm[:, None]
    out = jnp.zeros((n, W.shape[1]), x.dtype).at[row].add(msg)
    return out + b


def layer_norm(h, g, b, eps=1e-5):
    mu = jnp.mean(h, axis=-1, keepdims=True)
    var = jnp.mean((h - mu) ** 2, axis=-1, keepdims=True)
    return (h - mu) / jnp.sqrt(var + eps) * g + b


def setup_inputs(seed: int = 0) -> dict:
    key = jax.random.key(seed)
    ks = jax.random.split(key, 8)
    x = jax.random.normal(ks[0], (N, D_IN), dtype=jnp.float32)
    edge_index = jax.random.randint(ks[1], (2, E), 0, N)
    # learned parameters (glorot-style init, eval mode so dropout is identity)
    W1 = jax.random.normal(ks[2], (D_IN, D_HID), dtype=jnp.float32) * (1.0 / np.sqrt(D_IN))
    b1 = jnp.zeros((D_HID,), jnp.float32)
    g1 = jnp.ones((D_HID,), jnp.float32)
    beta1 = jnp.zeros((D_HID,), jnp.float32)
    W2 = jax.random.normal(ks[3], (D_HID, D_OUT), dtype=jnp.float32) * (1.0 / np.sqrt(D_HID))
    b2 = jnp.zeros((D_OUT,), jnp.float32)
    return {"x": x, "edge_index": edge_index, "W1": W1, "b1": b1, "g1": g1, "beta1": beta1, "W2": W2, "b2": b2}


def reference(x, edge_index, W1, b1, g1, beta1, W2, b2):
    src = edge_index[0]
    dst = edge_index[1]
    n = x.shape[0]
    h = gcn_conv(x, src, dst, W1, b1, n)
    h = layer_norm(h, g1, beta1)
    h = jax.nn.relu(h)
    out = gcn_conv(h, src, dst, W2, b2, n)
    return out

if __name__ == "__main__":
    import jax
    _d = setup_inputs()
    print(jax.jit(kernel)(*tuple(_d.values())))

</pallas_src>

<mosaic_0001>
#map = affine_map<(d0, d1) -> (0, 0)>
#map1 = affine_map<(d0, d1) -> (0)>
module attributes {stable_mosaic.version = 14 : i64} {
  func.func @_spmm_kernel(%arg0: i32, %arg1: i32, %arg2: memref<10240x128xf32, #tpu.memory_space<hbm>>, %arg3: memref<323584xi32, #tpu.memory_space<hbm>>, %arg4: memref<323584xi32, #tpu.memory_space<hbm>>, %arg5: memref<20480x128xf32, #tpu.memory_space<hbm>>, %arg6: memref<128xi32, #tpu.memory_space<vmem>>, %arg7: memref<128xi32, #tpu.memory_space<vmem>>, %arg8: memref<128xi32, #tpu.memory_space<vmem>>, %arg9: memref<128xi32, #tpu.memory_space<vmem>>, %arg10: memref<128xi32, #tpu.memory_space<vmem>>, %arg11: memref<128x128xf32, #tpu.memory_space<vmem>>, %arg12: memref<128x128xf32, #tpu.memory_space<vmem>>, %arg13: memref<10240x128xf32, #tpu.memory_space<vmem_shared>>, %arg14: memref<!tpu.dma_semaphore, #tpu.memory_space<semaphore_mem>>, %arg15: memref<!tpu.dma_semaphore, #tpu.memory_space<semaphore_mem>>) attributes {dimension_semantics = [#tpu.dimension_semantics<core_parallel>, #tpu.dimension_semantics<subcore_parallel>], iteration_bounds = array<i64: 2, 16>, scalar_prefetch = 0 : i64, scratch_operands = 10 : i64, tpu.core_type = #tpu.core_type<sc_vector_subcore>, window_params = [{transform_indices = #map}, {transform_indices = #map1}, {transform_indices = #map1}, {transform_indices = #map}]} {
    %mul3A = arith.constant 2 : i32
    %mul3A_0 = arith.muli %arg1, %mul3A : i32
    %add3A = arith.addi %mul3A_0, %arg0 : i32
    %mul3A_1 = arith.constant 640 : i32
    %mul3A_2 = arith.muli %arg1, %mul3A_1 : i32
    %add3A_3 = arith.constant 0 : i32
    %add3A_4 = arith.addi %mul3A_2, %add3A_3 : i32
    %scan3A = arith.constant 0 : i32
    %scan3A_5 = arith.constant 0 : i32
    %scan3A_6 = arith.constant 8 : i32
    %scan3A_7 = arith.addi %scan3A_5, %scan3A_6 : i32
    %scan3A_8 = arith.constant 1 : i32
    %scan3A_9 = scf.for %scan3A_261 = %scan3A_5 to %scan3A_7 step %scan3A_8 iter_args(%scan3A_262 = %scan3A) -> (i32)  : i32 {
      %iota3A = tpu.iota {dimensions = array<i32: 0>} : vector<16xi32>
      %add3A_263 = vector.broadcast %add3A_4 : i32 to vector<16xi32>
      %add3A_264 = arith.addi %iota3A, %add3A_263 : vector<16xi32>
      %mul3A_265 = arith.constant 16 : i32
      %mul3A_266 = arith.muli %scan3A_261, %mul3A_265 : i32
      %add3A_267 = vector.broadcast %mul3A_266 : i32 to vector<16xi32>
      %add3A_268 = arith.addi %add3A_264, %add3A_267 : vector<16xi32>
      %mul3A_269 = arith.constant 16 : i32
      %mul3A_270 = arith.muli %scan3A_261, %mul3A_269 : i32
      %swap3A = arith.index_cast %mul3A_270 : i32 to index
      %swap3A_271 = tpu.vector_load %arg10[%swap3A] {strides = array<i32>} : memref<128xi32, #tpu.memory_space<vmem>>, vector<16xi32>,
      %swap3A_272 = vector.shape_cast %swap3A_271 : vector<16xi32> to vector<16xi32>
      %swap3A_273 = vector.shape_cast %add3A_268 : vector<16xi32> to vector<16xi32>
      tpu.vector_store %arg10[%swap3A], %swap3A_273 {strides = array<i32>} : memref<128xi32, #tpu.memory_space<vmem>>, vector<16xi32>,
      %scan3A_274 = arith.constant 0 : i32
      scf.yield %scan3A_274 : i32
    }
    %scan3A_10 = arith.constant 8 : i32
    %dma_start3A = arith.constant 0 : i32
    %dma_start3A_11 = arith.constant 0 : i32
    %dma_start3A_12 = tpu.memref_slice %arg13[%dma_start3A, %dma_start3A_11] : memref<10240x128xf32, #tpu.memory_space<vmem_shared>> -> memref<10240x128xf32, #tpu.memory_space<vmem_shared>>
    tpu.enqueue_indirect_dma source(%dma_start3A_12 : memref<10240x128xf32, #tpu.memory_space<vmem_shared>>) target(%arg11 : memref<128x128xf32, #tpu.memory_space<vmem>>) offsets(%arg10 : memref<128xi32, #tpu.memory_space<vmem>>) semaphore(%arg14 : memref<!tpu.dma_semaphore, #tpu.memory_space<semaphore_mem>>)
    %dma_wait3A = arith.constant 0 : i32
    %dma_wait3A_13 = arith.constant 0 : i32
    %dma_wait3A_14 = tpu.memref_slice %arg13[%dma_wait3A, %dma_wait3A_13] : memref<10240x128xf32, #tpu.memory_space<vmem_shared>> -> memref<10240x128xf32, #tpu.memory_space<vmem_shared>>
    tpu.wait_indirect_dma semaphore(%arg14 : memref<!tpu.dma_semaphore, #tpu.memory_space<semaphore_mem>>) src(%dma_wait3A_14 : memref<10240x128xf32, #tpu.memory_space<vmem_shared>>) dst(%arg11 : memref<128x128xf32, #tpu.memory_space<vmem>>)
    %scan3A_15 = arith.constant 0 : i32
    %scan3A_16 = arith.constant 0 : i32
    %scan3A_17 = arith.constant 1024 : i32
    %scan3A_18 = arith.addi %scan3A_16, %scan3A_17 : i32
    %scan3A_19 = arith.constant 1 : i32
    %scan3A_20 = scf.for %scan3A_261 = %scan3A_16 to %scan3A_18 step %scan3A_19 iter_args(%scan3A_262 = %scan3A_15) -> (i32)  : i32 {
      %jit3A = arith.constant 8 : i32
      %div3A = arith.divsi %scan3A_261, %jit3A : i32
      %sign3A = arith.constant 0 : i32
      %sign3A_263 = arith.cmpi sgt, %scan3A_261, %sign3A : i32
      %sign3A_264 = arith.extui %sign3A_263 : i1 to i32
      %sign3A_265 = arith.constant 0 : i32
      %sign3A_266 = arith.cmpi slt, %scan3A_261, %sign3A_265 : i32
      %sign3A_267 = arith.extui %sign3A_266 : i1 to i32
      %sign3A_268 = arith.subi %sign3A_264, %sign3A_267 : i32
      %sign3A_269 = arith.constant 0 : i32
      %sign3A_270 = arith.cmpi sgt, %jit3A, %sign3A_269 : i32
      %sign3A_271 = arith.extui %sign3A_270 : i1 to i32
      %sign3A_272 = arith.constant 0 : i32
      %sign3A_273 = arith.cmpi slt, %jit3A, %sign3A_272 : i32
      %sign3A_274 = arith.extui %sign3A_273 : i1 to i32
      %sign3A_275 = arith.subi %sign3A_271, %sign3A_274 : i32
      %ne3A = arith.cmpi ne, %sign3A_268, %sign3A_275 : i32
      %rem3A = arith.remsi %scan3A_261, %jit3A : i32
      %ne3A_276 = arith.constant 0 : i32
      %ne3A_277 = arith.cmpi ne, %rem3A, %ne3A_276 : i32
      %and3A = arith.andi %ne3A, %ne3A_277 : i1
      %sub3A = arith.constant 1 : i32
      %sub3A_278 = arith.subi %div3A, %sub3A : i32
      %select_n3A = arith.select %and3A, %sub3A_278, %div3A : i32
      %jit3A_279 = arith.constant 8 : i32
      %eq3A = arith.constant 0 : i32
      %eq3A_280 = arith.cmpi eq, %jit3A_279, %eq3A : i32
      %jit3A_281 = arith.constant 1 : i32
      %select_n3A_282 = arith.select %eq3A_280, %jit3A_281, %jit3A_279 : i32
      %rem3A_283 = arith.remsi %scan3A_261, %select_n3A_282 : i32
      %ne3A_284 = arith.constant 0 : i32
      %ne3A_285 = arith.cmpi ne, %rem3A_283, %ne3A_284 : i32
      %lt3A = arith.constant 0 : i32
      %lt3A_286 = arith.cmpi slt, %rem3A_283, %lt3A : i32
      %lt3A_287 = arith.constant 0 : i32
      %lt3A_288 = arith.cmpi slt, %select_n3A_282, %lt3A_287 : i32
      %ne3A_289 = arith.xori %lt3A_286, %lt3A_288 : i1
      %and3A_290 = arith.andi %ne3A_289, %ne3A_285 : i1
      %add3A_291 = arith.addi %rem3A_283, %select_n3A_282 : i32
      %select_n3A_292 = arith.select %and3A_290, %add3A_291, %rem3A_283 : i32
      %mul3A_293 = arith.constant 16 : i32
      %mul3A_294 = arith.muli %select_n3A_292, %mul3A_293 : i32
      %get3A = arith.index_cast %select_n3A : i32 to index
      %get3A_295 = arith.index_cast %mul3A_294 : i32 to index
      %get3A_296 = tpu.vector_load %arg11[%get3A, %get3A_295] {strides = array<i32>} : memref<128x128xf32, #tpu.memory_space<vmem>>, vector<1x16xf32>,
      %get3A_297 = vector.shape_cast %get3A_296 : vector<1x16xf32> to vector<16xf32>
      %neg3A = arith.constant 0.000000e+00 : f32
      %neg3A_298 = vector.broadcast %neg3A : f32 to vector<16xf32>
      %neg3A_299 = arith.subf %neg3A_298, %get3A_297 : vector<16xf32>
      %mul3A_300 = arith.constant 16 : i32
      %mul3A_301 = arith.muli %select_n3A_292, %mul3A_300 : i32
      %swap3A = arith.index_cast %select_n3A : i32 to index
      %swap3A_302 = arith.index_cast %mul3A_301 : i32 to index
      %swap3A_303 = tpu.vector_load %arg11[%swap3A, %swap3A_302] {strides = array<i32>} : memref<128x128xf32, #tpu.memory_space<vmem>>, vector<1x16xf32>,
      %swap3A_304 = vector.shape_cast %swap3A_303 : vector<1x16xf32> to vector<16xf32>
      %swap3A_305 = vector.shape_cast %neg3A_299 : vector<16xf32> to vector<1x16xf32>
      tpu.vector_store %arg11[%swap3A, %swap3A_302], %swap3A_305 {strides = array<i32>} : memref<128x128xf32, #tpu.memory_space<vmem>>, vector<1x16xf32>,
      %scan3A_306 = arith.constant 0 : i32
      scf.yield %scan3A_306 : i32
    }
    %scan3A_21 = arith.constant 1024 : i32
    "tpu.region"() ({
      %run_scoped3A = tpu.sem_alloc : memref<!tpu.dma_semaphore, #tpu.memory_space<semaphore_mem>>
      %dma_start3A_261 = arith.constant 0 : i32
      %dma_start3A_262 = arith.constant 0 : i32
      %dma_start3A_263 = tpu.memref_slice %arg13[%dma_start3A_261, %dma_start3A_262] : memref<10240x128xf32, #tpu.memory_space<vmem_shared>> -> memref<10240x128xf32, #tpu.memory_space<vmem_shared>>
      tpu.enqueue_indirect_dma source(%arg11 : memref<128x128xf32, #tpu.memory_space<vmem>>) target(%dma_start3A_263 : memref<10240x128xf32, #tpu.memory_space<vmem_shared>>) offsets(%arg10 : memref<128xi32, #tpu.memory_space<vmem>>) semaphore(%run_scoped3A : memref<!tpu.dma_semaphore, #tpu.memory_space<semaphore_mem>>) {add = true}
      %dma_wait3A_264 = arith.constant 0 : i32
      %dma_wait3A_265 = arith.constant 0 : i32
      %dma_wait3A_266 = tpu.memref_slice %arg13[%dma_wait3A_264, %dma_wait3A_265] : memref<10240x128xf32, #tpu.memory_space<vmem_shared>> -> memref<10240x128xf32, #tpu.memory_space<vmem_shared>>
      tpu.wait_indirect_dma semaphore(%run_scoped3A : memref<!tpu.dma_semaphore, #tpu.memory_space<semaphore_mem>>) src(%arg11 : memref<128x128xf32, #tpu.memory_space<vmem>>) dst(%dma_wait3A_266 : memref<10240x128xf32, #tpu.memory_space<vmem_shared>>)
      tpu.yield
    }) : () -> ()
    %mul3A_22 = arith.constant 640 : i32
    %mul3A_23 = arith.muli %arg1, %mul3A_22 : i32
    %add3A_24 = arith.constant 128 : i32
    %add3A_25 = arith.addi %mul3A_23, %add3A_24 : i32
    %scan3A_26 = arith.constant 0 : i32
    %scan3A_27 = arith.constant 0 : i32
    %scan3A_28 = arith.constant 8 : i32
    %scan3A_29 = arith.addi %scan3A_27, %scan3A_28 : i32
    %scan3A_30 = arith.constant 1 : i32
    %scan3A_31 = scf.for %scan3A_261 = %scan3A_27 to %scan3A_29 step %scan3A_30 iter_args(%scan3A_262 = %scan3A_26) -> (i32)  : i32 {
      %iota3A = tpu.iota {dimensions = array<i32: 0>} : vector<16xi32>
      %add3A_263 = vector.broadcast %add3A_25 : i32 to vector<16xi32>
      %add3A_264 = arith.addi %iota3A, %add3A_263 : vector<16xi32>
      %mul3A_265 = arith.constant 16 : i32
      %mul3A_266 = arith.muli %scan3A_261, %mul3A_265 : i32
      %add3A_267 = vector.broadcast %mul3A_266 : i32 to vector<16xi32>
      %add3A_268 = arith.addi %add3A_264, %add3A_267 : vector<16xi32>
      %mul3A_269 = arith.constant 16 : i32
      %mul3A_270 = arith.muli %scan3A_261, %mul3A_269 : i32
      %swap3A = arith.index_cast %mul3A_270 : i32 to index
      %swap3A_271 = tpu.vector_load %arg10[%swap3A] {strides = array<i32>} : memref<128xi32, #tpu.memory_space<vmem>>, vector<16xi32>,
      %swap3A_272 = vector.shape_cast %swap3A_271 : vector<16xi32> to vector<16xi32>
      %swap3A_273 = vector.shape_cast %add3A_268 : vector<16xi32> to vector<16xi32>
      tpu.vector_store %arg10[%swap3A], %swap3A_273 {strides = array<i32>} : memref<128xi32, #tpu.memory_space<vmem>>, vector<16xi32>,
      %scan3A_274 = arith.constant 0 : i32
      scf.yield %scan3A_274 : i32
    }
    %scan3A_32 = arith.constant 8 : i32
    %dma_start3A_33 = arith.constant 0 : i32
    %dma_start3A_34 = arith.constant 0 : i32
    %dma_start3A_35 = tpu.memref_slice %arg13[%dma_start3A_33, %dma_start3A_34] : memref<10240x128xf32, #tpu.memory_space<vmem_shared>> -> memref<10240x128xf32, #tpu.memory_space<vmem_shared>>
    tpu.enqueue_indirect_dma source(%dma_start3A_35 : memref<10240x128xf32, #tpu.memory_space<vmem_shared>>) target(%arg11 : memref<128x128xf32, #tpu.memory_space<vmem>>) offsets(%arg10 : memref<128xi32, #tpu.memory_space<vmem>>) semaphore(%arg14 : memref<!tpu.dma_semaphore, #tpu.memory_space<semaphore_mem>>)
    %dma_wait3A_36 = arith.constant 0 : i32
    %dma_wait3A_37 = arith.constant 0 : i32
    %dma_wait3A_38 = tpu.memref_slice %arg13[%dma_wait3A_36, %dma_wait3A_37] : memref<10240x128xf32, #tpu.memory_space<vmem_shared>> -> memref<10240x128xf32, #tpu.memory_space<vmem_shared>>
    tpu.wait_indirect_dma semaphore(%arg14 : memref<!tpu.dma_semaphore, #tpu.memory_space<semaphore_mem>>) src(%dma_wait3A_38 : memref<10240x128xf32, #tpu.memory_space<vmem_shared>>) dst(%arg11 : memref<128x128xf32, #tpu.memory_space<vmem>>)
    %scan3A_39 = arith.constant 0 : i32
    %scan3A_40 = arith.constant 0 : i32
    %scan3A_41 = arith.constant 1024 : i32
    %scan3A_42 = arith.addi %scan3A_40, %scan3A_41 : i32
    %scan3A_43 = arith.constant 1 : i32
    %scan3A_44 = scf.for %scan3A_261 = %scan3A_40 to %scan3A_42 step %scan3A_43 iter_args(%scan3A_262 = %scan3A_39) -> (i32)  : i32 {
      %jit3A = arith.constant 8 : i32
      %div3A = arith.divsi %scan3A_261, %jit3A : i32
      %sign3A = arith.constant 0 : i32
      %sign3A_263 = arith.cmpi sgt, %scan3A_261, %sign3A : i32
      %sign3A_264 = arith.extui %sign3A_263 : i1 to i32
      %sign3A_265 = arith.constant 0 : i32
      %sign3A_266 = arith.cmpi slt, %scan3A_261, %sign3A_265 : i32
      %sign3A_267 = arith.extui %sign3A_266 : i1 to i32
      %sign3A_268 = arith.subi %sign3A_264, %sign3A_267 : i32
      %sign3A_269 = arith.constant 0 : i32
      %sign3A_270 = arith.cmpi sgt, %jit3A, %sign3A_269 : i32
      %sign3A_271 = arith.extui %sign3A_270 : i1 to i32
      %sign3A_272 = arith.constant 0 : i32
      %sign3A_273 = arith.cmpi slt, %jit3A, %sign3A_272 : i32
      %sign3A_274 = arith.extui %sign3A_273 : i1 to i32
      %sign3A_275 = arith.subi %sign3A_271, %sign3A_274 : i32
      %ne3A = arith.cmpi ne, %sign3A_268, %sign3A_275 : i32
      %rem3A = arith.remsi %scan3A_261, %jit3A : i32
      %ne3A_276 = arith.constant 0 : i32
      %ne3A_277 = arith.cmpi ne, %rem3A, %ne3A_276 : i32
      %and3A = arith.andi %ne3A, %ne3A_277 : i1
      %sub3A = arith.constant 1 : i32
      %sub3A_278 = arith.subi %div3A, %sub3A : i32
      %select_n3A = arith.select %and3A, %sub3A_278, %div3A : i32
      %jit3A_279 = arith.constant 8 : i32
      %eq3A = arith.constant 0 : i32
      %eq3A_280 = arith.cmpi eq, %jit3A_279, %eq3A : i32
      %jit3A_281 = arith.constant 1 : i32
      %select_n3A_282 = arith.select %eq3A_280, %jit3A_281, %jit3A_279 : i32
      %rem3A_283 = arith.remsi %scan3A_261, %select_n3A_282 : i32
      %ne3A_284 = arith.constant 0 : i32
      %ne3A_285 = arith.cmpi ne, %rem3A_283, %ne3A_284 : i32
      %lt3A = arith.constant 0 : i32
      %lt3A_286 = arith.cmpi slt, %rem3A_283, %lt3A : i32
      %lt3A_287 = arith.constant 0 : i32
      %lt3A_288 = arith.cmpi slt, %select_n3A_282, %lt3A_287 : i32
      %ne3A_289 = arith.xori %lt3A_286, %lt3A_288 : i1
      %and3A_290 = arith.andi %ne3A_289, %ne3A_285 : i1
      %add3A_291 = arith.addi %rem3A_283, %select_n3A_282 : i32
      %select_n3A_292 = arith.select %and3A_290, %add3A_291, %rem3A_283 : i32
      %mul3A_293 = arith.constant 16 : i32
      %mul3A_294 = arith.muli %select_n3A_292, %mul3A_293 : i32
      %get3A = arith.index_cast %select_n3A : i32 to index
      %get3A_295 = arith.index_cast %mul3A_294 : i32 to index
      %get3A_296 = tpu.vector_load %arg11[%get3A, %get3A_295] {strides = array<i32>} : memref<128x128xf32, #tpu.memory_space<vmem>>, vector<1x16xf32>,
      %get3A_297 = vector.shape_cast %get3A_296 : vector<1x16xf32> to vector<16xf32>
      %neg3A = arith.constant 0.000000e+00 : f32
      %neg3A_298 = vector.broadcast %neg3A : f32 to vector<16xf32>
      %neg3A_299 = arith.subf %neg3A_298, %get3A_297 : vector<16xf32>
      %mul3A_300 = arith.constant 16 : i32
      %mul3A_301 = arith.muli %select_n3A_292, %mul3A_300 : i32
      %swap3A = arith.index_cast %select_n3A : i32 to index
      %swap3A_302 = arith.index_cast %mul3A_301 : i32 to index
      %swap3A_303 = tpu.vector_load %arg11[%swap3A, %swap3A_302] {strides = array<i32>} : memref<128x128xf32, #tpu.memory_space<vmem>>, vector<1x16xf32>,
      %swap3A_304 = vector.shape_cast %swap3A_303 : vector<1x16xf32> to vector<16xf32>
      %swap3A_305 = vector.shape_cast %neg3A_299 : vector<16xf32> to vector<1x16xf32>
      tpu.vector_store %arg11[%swap3A, %swap3A_302], %swap3A_305 {strides = array<i32>} : memref<128x128xf32, #tpu.memory_space<vmem>>, vector<1x16xf32>,
      %scan3A_306 = arith.constant 0 : i32
      scf.yield %scan3A_306 : i32
    }
    %scan3A_45 = arith.constant 1024 : i32
    "tpu.region"() ({
      %run_scoped3A = tpu.sem_alloc : memref<!tpu.dma_semaphore, #tpu.memory_space<semaphore_mem>>
      %dma_start3A_261 = arith.constant 0 : i32
      %dma_start3A_262 = arith.constant 0 : i32
      %dma_start3A_263 = tpu.memref_slice %arg13[%dma_start3A_261, %dma_start3A_262] : memref<10240x128xf32, #tpu.memory_space<vmem_shared>> -> memref<10240x128xf32, #tpu.memory_space<vmem_shared>>
      tpu.enqueue_indirect_dma source(%arg11 : memref<128x128xf32, #tpu.memory_space<vmem>>) target(%dma_start3A_263 : memref<10240x128xf32, #tpu.memory_space<vmem_shared>>) offsets(%arg10 : memref<128xi32, #tpu.memory_space<vmem>>) semaphore(%run_scoped3A : memref<!tpu.dma_semaphore, #tpu.memory_space<semaphore_mem>>) {add = true}
      %dma_wait3A_264 = arith.constant 0 : i32
      %dma_wait3A_265 = arith.constant 0 : i32
      %dma_wait3A_266 = tpu.memref_slice %arg13[%dma_wait3A_264, %dma_wait3A_265] : memref<10240x128xf32, #tpu.memory_space<vmem_shared>> -> memref<10240x128xf32, #tpu.memory_space<vmem_shared>>
      tpu.wait_indirect_dma semaphore(%run_scoped3A : memref<!tpu.dma_semaphore, #tpu.memory_space<semaphore_mem>>) src(%arg11 : memref<128x128xf32, #tpu.memory_space<vmem>>) dst(%dma_wait3A_266 : memref<10240x128xf32, #tpu.memory_space<vmem_shared>>)
      tpu.yield
    }) : () -> ()
    %mul3A_46 = arith.constant 640 : i32
    %mul3A_47 = arith.muli %arg1, %mul3A_46 : i32
    %add3A_48 = arith.constant 256 : i32
    %add3A_49 = arith.addi %mul3A_47, %add3A_48 : i32
    %scan3A_50 = arith.constant 0 : i32
    %scan3A_51 = arith.constant 0 : i32
    %scan3A_52 = arith.constant 8 : i32
    %scan3A_53 = arith.addi %scan3A_51, %scan3A_52 : i32
    %scan3A_54 = arith.constant 1 : i32
    %scan3A_55 = scf.for %scan3A_261 = %scan3A_51 to %scan3A_53 step %scan3A_54 iter_args(%scan3A_262 = %scan3A_50) -> (i32)  : i32 {
      %iota3A = tpu.iota {dimensions = array<i32: 0>} : vector<16xi32>
      %add3A_263 = vector.broadcast %add3A_49 : i32 to vector<16xi32>
      %add3A_264 = arith.addi %iota3A, %add3A_263 : vector<16xi32>
      %mul3A_265 = arith.constant 16 : i32
      %mul3A_266 = arith.muli %scan3A_261, %mul3A_265 : i32
      %add3A_267 = vector.broadcast %mul3A_266 : i32 to vector<16xi32>
      %add3A_268 = arith.addi %add3A_264, %add3A_267 : vector<16xi32>
      %mul3A_269 = arith.constant 16 : i32
      %mul3A_270 = arith.muli %scan3A_261, %mul3A_269 : i32
      %swap3A = arith.index_cast %mul3A_270 : i32 to index
      %swap3A_271 = tpu.vector_load %arg10[%swap3A] {strides = array<i32>} : memref<128xi32, #tpu.memory_space<vmem>>, vector<16xi32>,
      %swap3A_272 = vector.shape_cast %swap3A_271 : vector<16xi32> to vector<16xi32>
      %swap3A_273 = vector.shape_cast %add3A_268 : vector<16xi32> to vector<16xi32>
      tpu.vector_store %arg10[%swap3A], %swap3A_273 {strides = array<i32>} : memref<128xi32, #tpu.memory_space<vmem>>, vector<16xi32>,
      %scan3A_274 = arith.constant 0 : i32
      scf.yield %scan3A_274 : i32
    }
    %scan3A_56 = arith.constant 8 : i32
    %dma_start3A_57 = arith.constant 0 : i32
    %dma_start3A_58 = arith.constant 0 : i32
    %dma_start3A_59 = tpu.memref_slice %arg13[%dma_start3A_57, %dma_start3A_58] : memref<10240x128xf32, #tpu.memory_space<vmem_shared>> -> memref<10240x128xf32, #tpu.memory_space<vmem_shared>>
    tpu.enqueue_indirect_dma source(%dma_start3A_59 : memref<10240x128xf32, #tpu.memory_space<vmem_shared>>) target(%arg11 : memref<128x128xf32, #tpu.memory_space<vmem>>) offsets(%arg10 : memref<128xi32, #tpu.memory_space<vmem>>) semaphore(%arg14 : memref<!tpu.dma_semaphore, #tpu.memory_space<semaphore_mem>>)
    %dma_wait3A_60 = arith.constant 0 : i32
    %dma_wait3A_61 = arith.constant 0 : i32
    %dma_wait3A_62 = tpu.memref_slice %arg13[%dma_wait3A_60, %dma_wait3A_61] : memref<10240x128xf32, #tpu.memory_space<vmem_shared>> -> memref<10240x128xf32, #tpu.memory_space<vmem_shared>>
    tpu.wait_indirect_dma semaphore(%arg14 : memref<!tpu.dma_semaphore, #tpu.memory_space<semaphore_mem>>) src(%dma_wait3A_62 : memref<10240x128xf32, #tpu.memory_space<vmem_shared>>) dst(%arg11 : memref<128x128xf32, #tpu.memory_space<vmem>>)
    %scan3A_63 = arith.constant 0 : i32
    %scan3A_64 = arith.constant 0 : i32
    %scan3A_65 = arith.constant 1024 : i32
    %scan3A_66 = arith.addi %scan3A_64, %scan3A_65 : i32
    %scan3A_67 = arith.constant 1 : i32
    %scan3A_68 = scf.for %scan3A_261 = %scan3A_64 to %scan3A_66 step %scan3A_67 iter_args(%scan3A_262 = %scan3A_63) -> (i32)  : i32 {
      %jit3A = arith.constant 8 : i32
      %div3A = arith.divsi %scan3A_261, %jit3A : i32
      %sign3A = arith.constant 0 : i32
      %sign3A_263 = arith.cmpi sgt, %scan3A_261, %sign3A : i32
      %sign3A_264 = arith.extui %sign3A_263 : i1 to i32
      %sign3A_265 = arith.constant 0 : i32
      %sign3A_266 = arith.cmpi slt, %scan3A_261, %sign3A_265 : i32
      %sign3A_267 = arith.extui %sign3A_266 : i1 to i32
      %sign3A_268 = arith.subi %sign3A_264, %sign3A_267 : i32
      %sign3A_269 = arith.constant 0 : i32
      %sign3A_270 = arith.cmpi sgt, %jit3A, %sign3A_269 : i32
      %sign3A_271 = arith.extui %sign3A_270 : i1 to i32
      %sign3A_272 = arith.constant 0 : i32
      %sign3A_273 = arith.cmpi slt, %jit3A, %sign3A_272 : i32
      %sign3A_274 = arith.extui %sign3A_273 : i1 to i32
      %sign3A_275 = arith.subi %sign3A_271, %sign3A_274 : i32
      %ne3A = arith.cmpi ne, %sign3A_268, %sign3A_275 : i32
      %rem3A = arith.remsi %scan3A_261, %jit3A : i32
      %ne3A_276 = arith.constant 0 : i32
      %ne3A_277 = arith.cmpi ne, %rem3A, %ne3A_276 : i32
      %and3A = arith.andi %ne3A, %ne3A_277 : i1
      %sub3A = arith.constant 1 : i32
      %sub3A_278 = arith.subi %div3A, %sub3A : i32
      %select_n3A = arith.select %and3A, %sub3A_278, %div3A : i32
      %jit3A_279 = arith.constant 8 : i32
      %eq3A = arith.constant 0 : i32
      %eq3A_280 = arith.cmpi eq, %jit3A_279, %eq3A : i32
      %jit3A_281 = arith.constant 1 : i32
      %select_n3A_282 = arith.select %eq3A_280, %jit3A_281, %jit3A_279 : i32
      %rem3A_283 = arith.remsi %scan3A_261, %select_n3A_282 : i32
      %ne3A_284 = arith.constant 0 : i32
      %ne3A_285 = arith.cmpi ne, %rem3A_283, %ne3A_284 : i32
      %lt3A = arith.constant 0 : i32
      %lt3A_286 = arith.cmpi slt, %rem3A_283, %lt3A : i32
      %lt3A_287 = arith.constant 0 : i32
      %lt3A_288 = arith.cmpi slt, %select_n3A_282, %lt3A_287 : i32
      %ne3A_289 = arith.xori %lt3A_286, %lt3A_288 : i1
      %and3A_290 = arith.andi %ne3A_289, %ne3A_285 : i1
      %add3A_291 = arith.addi %rem3A_283, %select_n3A_282 : i32
      %select_n3A_292 = arith.select %and3A_290, %add3A_291, %rem3A_283 : i32
      %mul3A_293 = arith.constant 16 : i32
      %mul3A_294 = arith.muli %select_n3A_292, %mul3A_293 : i32
      %get3A = arith.index_cast %select_n3A : i32 to index
      %get3A_295 = arith.index_cast %mul3A_294 : i32 to index
      %get3A_296 = tpu.vector_load %arg11[%get3A, %get3A_295] {strides = array<i32>} : memref<128x128xf32, #tpu.memory_space<vmem>>, vector<1x16xf32>,
      %get3A_297 = vector.shape_cast %get3A_296 : vector<1x16xf32> to vector<16xf32>
      %neg3A = arith.constant 0.000000e+00 : f32
      %neg3A_298 = vector.broadcast %neg3A : f32 to vector<16xf32>
      %neg3A_299 = arith.subf %neg3A_298, %get3A_297 : vector<16xf32>
      %mul3A_300 = arith.constant 16 : i32
      %mul3A_301 = arith.muli %select_n3A_292, %mul3A_300 : i32
      %swap3A = arith.index_cast %select_n3A : i32 to index
      %swap3A_302 = arith.index_cast %mul3A_301 : i32 to index
      %swap3A_303 = tpu.vector_load %arg11[%swap3A, %swap3A_302] {strides = array<i32>} : memref<128x128xf32, #tpu.memory_space<vmem>>, vector<1x16xf32>,
      %swap3A_304 = vector.shape_cast %swap3A_303 : vector<1x16xf32> to vector<16xf32>
      %swap3A_305 = vector.shape_cast %neg3A_299 : vector<16xf32> to vector<1x16xf32>
      tpu.vector_store %arg11[%swap3A, %swap3A_302], %swap3A_305 {strides = array<i32>} : memref<128x128xf32, #tpu.memory_space<vmem>>, vector<1x16xf32>,
      %scan3A_306 = arith.constant 0 : i32
      scf.yield %scan3A_306 : i32
    }
    %scan3A_69 = arith.constant 1024 : i32
    "tpu.region"() ({
      %run_scoped3A = tpu.sem_alloc : memref<!tpu.dma_semaphore, #tpu.memory_space<semaphore_mem>>
      %dma_start3A_261 = arith.constant 0 : i32
      %dma_start3A_262 = arith.constant 0 : i32
      %dma_start3A_263 = tpu.memref_slice %arg13[%dma_start3A_261, %dma_start3A_262] : memref<10240x128xf32, #tpu.memory_space<vmem_shared>> -> memref<10240x128xf32, #tpu.memory_space<vmem_shared>>
      tpu.enqueue_indirect_dma source(%arg11 : memref<128x128xf32, #tpu.memory_space<vmem>>) target(%dma_start3A_263 : memref<10240x128xf32, #tpu.memory_space<vmem_shared>>) offsets(%arg10 : memref<128xi32, #tpu.memory_space<vmem>>) semaphore(%run_scoped3A : memref<!tpu.dma_semaphore, #tpu.memory_space<semaphore_mem>>) {add = true}
      %dma_wait3A_264 = arith.constant 0 : i32
      %dma_wait3A_265 = arith.constant 0 : i32
      %dma_wait3A_266 = tpu.memref_slice %arg13[%dma_wait3A_264, %dma_wait3A_265] : memref<10240x128xf32, #tpu.memory_space<vmem_shared>> -> memref<10240x128xf32, #tpu.memory_space<vmem_shared>>
      tpu.wait_indirect_dma semaphore(%run_scoped3A : memref<!tpu.dma_semaphore, #tpu.memory_space<semaphore_mem>>) src(%arg11 : memref<128x128xf32, #tpu.memory_space<vmem>>) dst(%dma_wait3A_266 : memref<10240x128xf32, #tpu.memory_space<vmem_shared>>)
      tpu.yield
    }) : () -> ()
    %mul3A_70 = arith.constant 640 : i32
    %mul3A_71 = arith.muli %arg1, %mul3A_70 : i32
    %add3A_72 = arith.constant 384 : i32
    %add3A_73 = arith.addi %mul3A_71, %add3A_72 : i32
    %scan3A_74 = arith.constant 0 : i32
    %scan3A_75 = arith.constant 0 : i32
    %scan3A_76 = arith.constant 8 : i32
    %scan3A_77 = arith.addi %scan3A_75, %scan3A_76 : i32
    %scan3A_78 = arith.constant 1 : i32
    %scan3A_79 = scf.for %scan3A_261 = %scan3A_75 to %scan3A_77 step %scan3A_78 iter_args(%scan3A_262 = %scan3A_74) -> (i32)  : i32 {
      %iota3A = tpu.iota {dimensions = array<i32: 0>} : vector<16xi32>
      %add3A_263 = vector.broadcast %add3A_73 : i32 to vector<16xi32>
      %add3A_264 = arith.addi %iota3A, %add3A_263 : vector<16xi32>
      %mul3A_265 = arith.constant 16 : i32
      %mul3A_266 = arith.muli %scan3A_261, %mul3A_265 : i32
      %add3A_267 = vector.broadcast %mul3A_266 : i32 to vector<16xi32>
      %add3A_268 = arith.addi %add3A_264, %add3A_267 : vector<16xi32>
      %mul3A_269 = arith.constant 16 : i32
      %mul3A_270 = arith.muli %scan3A_261, %mul3A_269 : i32
      %swap3A = arith.index_cast %mul3A_270 : i32 to index
      %swap3A_271 = tpu.vector_load %arg10[%swap3A] {strides = array<i32>} : memref<128xi32, #tpu.memory_space<vmem>>, vector<16xi32>,
      %swap3A_272 = vector.shape_cast %swap3A_271 : vector<16xi32> to vector<16xi32>
      %swap3A_273 = vector.shape_cast %add3A_268 : vector<16xi32> to vector<16xi32>
      tpu.vector_store %arg10[%swap3A], %swap3A_273 {strides = array<i32>} : memref<128xi32, #tpu.memory_space<vmem>>, vector<16xi32>,
      %scan3A_274 = arith.constant 0 : i32
      scf.yield %scan3A_274 : i32
    }
    %scan3A_80 = arith.constant 8 : i32
    %dma_start3A_81 = arith.constant 0 : i32
    %dma_start3A_82 = arith.constant 0 : i32
    %dma_start3A_83 = tpu.memref_slice %arg13[%dma_start3A_81, %dma_start3A_82] : memref<10240x128xf32, #tpu.memory_space<vmem_shared>> -> memref<10240x128xf32, #tpu.memory_space<vmem_shared>>
    tpu.enqueue_indirect_dma source(%dma_start3A_83 : memref<10240x128xf32, #tpu.memory_space<vmem_shared>>) target(%arg11 : memref<128x128xf32, #tpu.memory_space<vmem>>) offsets(%arg10 : memref<128xi32, #tpu.memory_space<vmem>>) semaphore(%arg14 : memref<!tpu.dma_semaphore, #tpu.memory_space<semaphore_mem>>)
    %dma_wait3A_84 = arith.constant 0 : i32
    %dma_wait3A_85 = arith.constant 0 : i32
    %dma_wait3A_86 = tpu.memref_slice %arg13[%dma_wait3A_84, %dma_wait3A_85] : memref<10240x128xf32, #tpu.memory_space<vmem_shared>> -> memref<10240x128xf32, #tpu.memory_space<vmem_shared>>
    tpu.wait_indirect_dma semaphore(%arg14 : memref<!tpu.dma_semaphore, #tpu.memory_space<semaphore_mem>>) src(%dma_wait3A_86 : memref<10240x128xf32, #tpu.memory_space<vmem_shared>>) dst(%arg11 : memref<128x128xf32, #tpu.memory_space<vmem>>)
    %scan3A_87 = arith.constant 0 : i32
    %scan3A_88 = arith.constant 0 : i32
    %scan3A_89 = arith.constant 1024 : i32
    %scan3A_90 = arith.addi %scan3A_88, %scan3A_89 : i32
    %scan3A_91 = arith.constant 1 : i32
    %scan3A_92 = scf.for %scan3A_261 = %scan3A_88 to %scan3A_90 step %scan3A_91 iter_args(%scan3A_262 = %scan3A_87) -> (i32)  : i32 {
      %jit3A = arith.constant 8 : i32
      %div3A = arith.divsi %scan3A_261, %jit3A : i32
      %sign3A = arith.constant 0 : i32
      %sign3A_263 = arith.cmpi sgt, %scan3A_261, %sign3A : i32
      %sign3A_264 = arith.extui %sign3A_263 : i1 to i32
      %sign3A_265 = arith.constant 0 : i32
      %sign3A_266 = arith.cmpi slt, %scan3A_261, %sign3A_265 : i32
      %sign3A_267 = arith.extui %sign3A_266 : i1 to i32
      %sign3A_268 = arith.subi %sign3A_264, %sign3A_267 : i32
      %sign3A_269 = arith.constant 0 : i32
      %sign3A_270 = arith.cmpi sgt, %jit3A, %sign3A_269 : i32
      %sign3A_271 = arith.extui %sign3A_270 : i1 to i32
      %sign3A_272 = arith.constant 0 : i32
      %sign3A_273 = arith.cmpi slt, %jit3A, %sign3A_272 : i32
      %sign3A_274 = arith.extui %sign3A_273 : i1 to i32
      %sign3A_275 = arith.subi %sign3A_271, %sign3A_274 : i32
      %ne3A = arith.cmpi ne, %sign3A_268, %sign3A_275 : i32
      %rem3A = arith.remsi %scan3A_261, %jit3A : i32
      %ne3A_276 = arith.constant 0 : i32
      %ne3A_277 = arith.cmpi ne, %rem3A, %ne3A_276 : i32
      %and3A = arith.andi %ne3A, %ne3A_277 : i1
      %sub3A = arith.constant 1 : i32
      %sub3A_278 = arith.subi %div3A, %sub3A : i32
      %select_n3A = arith.select %and3A, %sub3A_278, %div3A : i32
      %jit3A_279 = arith.constant 8 : i32
      %eq3A = arith.constant 0 : i32
      %eq3A_280 = arith.cmpi eq, %jit3A_279, %eq3A : i32
      %jit3A_281 = arith.constant 1 : i32
      %select_n3A_282 = arith.select %eq3A_280, %jit3A_281, %jit3A_279 : i32
      %rem3A_283 = arith.remsi %scan3A_261, %select_n3A_282 : i32
      %ne3A_284 = arith.constant 0 : i32
      %ne3A_285 = arith.cmpi ne, %rem3A_283, %ne3A_284 : i32
      %lt3A = arith.constant 0 : i32
      %lt3A_286 = arith.cmpi slt, %rem3A_283, %lt3A : i32
      %lt3A_287 = arith.constant 0 : i32
      %lt3A_288 = arith.cmpi slt, %select_n3A_282, %lt3A_287 : i32
      %ne3A_289 = arith.xori %lt3A_286, %lt3A_288 : i1
      %and3A_290 = arith.andi %ne3A_289, %ne3A_285 : i1
      %add3A_291 = arith.addi %rem3A_283, %select_n3A_282 : i32
      %select_n3A_292 = arith.select %and3A_290, %add3A_291, %rem3A_283 : i32
      %mul3A_293 = arith.constant 16 : i32
      %mul3A_294 = arith.muli %select_n3A_292, %mul3A_293 : i32
      %get3A = arith.index_cast %select_n3A : i32 to index
      %get3A_295 = arith.index_cast %mul3A_294 : i32 to index
      %get3A_296 = tpu.vector_load %arg11[%get3A, %get3A_295] {strides = array<i32>} : memref<128x128xf32, #tpu.memory_space<vmem>>, vector<1x16xf32>,
      %get3A_297 = vector.shape_cast %get3A_296 : vector<1x16xf32> to vector<16xf32>
      %neg3A = arith.constant 0.000000e+00 : f32
      %neg3A_298 = vector.broadcast %neg3A : f32 to vector<16xf32>
      %neg3A_299 = arith.subf %neg3A_298, %get3A_297 : vector<16xf32>
      %mul3A_300 = arith.constant 16 : i32
      %mul3A_301 = arith.muli %select_n3A_292, %mul3A_300 : i32
      %swap3A = arith.index_cast %select_n3A : i32 to index
      %swap3A_302 = arith.index_cast %mul3A_301 : i32 to index
      %swap3A_303 = tpu.vector_load %arg11[%swap3A, %swap3A_302] {strides = array<i32>} : memref<128x128xf32, #tpu.memory_space<vmem>>, vector<1x16xf32>,
      %swap3A_304 = vector.shape_cast %swap3A_303 : vector<1x16xf32> to vector<16xf32>
      %swap3A_305 = vector.shape_cast %neg3A_299 : vector<16xf32> to vector<1x16xf32>
      tpu.vector_store %arg11[%swap3A, %swap3A_302], %swap3A_305 {strides = array<i32>} : memref<128x128xf32, #tpu.memory_space<vmem>>, vector<1x16xf32>,
      %scan3A_306 = arith.constant 0 : i32
      scf.yield %scan3A_306 : i32
    }
    %scan3A_93 = arith.constant 1024 : i32
    "tpu.region"() ({
      %run_scoped3A = tpu.sem_alloc : memref<!tpu.dma_semaphore, #tpu.memory_space<semaphore_mem>>
      %dma_start3A_261 = arith.constant 0 : i32
      %dma_start3A_262 = arith.constant 0 : i32
      %dma_start3A_263 = tpu.memref_slice %arg13[%dma_start3A_261, %dma_start3A_262] : memref<10240x128xf32, #tpu.memory_space<vmem_shared>> -> memref<10240x128xf32, #tpu.memory_space<vmem_shared>>
      tpu.enqueue_indirect_dma source(%arg11 : memref<128x128xf32, #tpu.memory_space<vmem>>) target(%dma_start3A_263 : memref<10240x128xf32, #tpu.memory_space<vmem_shared>>) offsets(%arg10 : memref<128xi32, #tpu.memory_space<vmem>>) semaphore(%run_scoped3A : memref<!tpu.dma_semaphore, #tpu.memory_space<semaphore_mem>>) {add = true}
      %dma_wait3A_264 = arith.constant 0 : i32
      %dma_wait3A_265 = arith.constant 0 : i32
      %dma_wait3A_266 = tpu.memref_slice %arg13[%dma_wait3A_264, %dma_wait3A_265] : memref<10240x128xf32, #tpu.memory_space<vmem_shared>> -> memref<10240x128xf32, #tpu.memory_space<vmem_shared>>
      tpu.wait_indirect_dma semaphore(%run_scoped3A : memref<!tpu.dma_semaphore, #tpu.memory_space<semaphore_mem>>) src(%arg11 : memref<128x128xf32, #tpu.memory_space<vmem>>) dst(%dma_wait3A_266 : memref<10240x128xf32, #tpu.memory_space<vmem_shared>>)
      tpu.yield
    }) : () -> ()
    %mul3A_94 = arith.constant 640 : i32
    %mul3A_95 = arith.muli %arg1, %mul3A_94 : i32
    %add3A_96 = arith.constant 512 : i32
    %add3A_97 = arith.addi %mul3A_95, %add3A_96 : i32
    %scan3A_98 = arith.constant 0 : i32
    %scan3A_99 = arith.constant 0 : i32
    %scan3A_100 = arith.constant 8 : i32
    %scan3A_101 = arith.addi %scan3A_99, %scan3A_100 : i32
    %scan3A_102 = arith.constant 1 : i32
    %scan3A_103 = scf.for %scan3A_261 = %scan3A_99 to %scan3A_101 step %scan3A_102 iter_args(%scan3A_262 = %scan3A_98) -> (i32)  : i32 {
      %iota3A = tpu.iota {dimensions = array<i32: 0>} : vector<16xi32>
      %add3A_263 = vector.broadcast %add3A_97 : i32 to vector<16xi32>
      %add3A_264 = arith.addi %iota3A, %add3A_263 : vector<16xi32>
      %mul3A_265 = arith.constant 16 : i32
      %mul3A_266 = arith.muli %scan3A_261, %mul3A_265 : i32
      %add3A_267 = vector.broadcast %mul3A_266 : i32 to vector<16xi32>
      %add3A_268 = arith.addi %add3A_264, %add3A_267 : vector<16xi32>
      %mul3A_269 = arith.constant 16 : i32
      %mul3A_270 = arith.muli %scan3A_261, %mul3A_269 : i32
      %swap3A = arith.index_cast %mul3A_270 : i32 to index
      %swap3A_271 = tpu.vector_load %arg10[%swap3A] {strides = array<i32>} : memref<128xi32, #tpu.memory_space<vmem>>, vector<16xi32>,
      %swap3A_272 = vector.shape_cast %swap3A_271 : vector<16xi32> to vector<16xi32>
      %swap3A_273 = vector.shape_cast %add3A_268 : vector<16xi32> to vector<16xi32>
      tpu.vector_store %arg10[%swap3A], %swap3A_273 {strides = array<i32>} : memref<128xi32, #tpu.memory_space<vmem>>, vector<16xi32>,
      %scan3A_274 = arith.constant 0 : i32
      scf.yield %scan3A_274 : i32
    }
    %scan3A_104 = arith.constant 8 : i32
    %dma_start3A_105 = arith.constant 0 : i32
    %dma_start3A_106 = arith.constant 0 : i32
    %dma_start3A_107 = tpu.memref_slice %arg13[%dma_start3A_105, %dma_start3A_106] : memref<10240x128xf32, #tpu.memory_space<vmem_shared>> -> memref<10240x128xf32, #tpu.memory_space<vmem_shared>>
    tpu.enqueue_indirect_dma source(%dma_start3A_107 : memref<10240x128xf32, #tpu.memory_space<vmem_shared>>) target(%arg11 : memref<128x128xf32, #tpu.memory_space<vmem>>) offsets(%arg10 : memref<128xi32, #tpu.memory_space<vmem>>) semaphore(%arg14 : memref<!tpu.dma_semaphore, #tpu.memory_space<semaphore_mem>>)
    %dma_wait3A_108 = arith.constant 0 : i32
    %dma_wait3A_109 = arith.constant 0 : i32
    %dma_wait3A_110 = tpu.memref_slice %arg13[%dma_wait3A_108, %dma_wait3A_109] : memref<10240x128xf32, #tpu.memory_space<vmem_shared>> -> memref<10240x128xf32, #tpu.memory_space<vmem_shared>>
    tpu.wait_indirect_dma semaphore(%arg14 : memref<!tpu.dma_semaphore, #tpu.memory_space<semaphore_mem>>) src(%dma_wait3A_110 : memref<10240x128xf32, #tpu.memory_space<vmem_shared>>) dst(%arg11 : memref<128x128xf32, #tpu.memory_space<vmem>>)
    %scan3A_111 = arith.constant 0 : i32
    %scan3A_112 = arith.constant 0 : i32
    %scan3A_113 = arith.constant 1024 : i32
    %scan3A_114 = arith.addi %scan3A_112, %scan3A_113 : i32
    %scan3A_115 = arith.constant 1 : i32
    %scan3A_116 = scf.for %scan3A_261 = %scan3A_112 to %scan3A_114 step %scan3A_115 iter_args(%scan3A_262 = %scan3A_111) -> (i32)  : i32 {
      %jit3A = arith.constant 8 : i32
      %div3A = arith.divsi %scan3A_261, %jit3A : i32
      %sign3A = arith.constant 0 : i32
      %sign3A_263 = arith.cmpi sgt, %scan3A_261, %sign3A : i32
      %sign3A_264 = arith.extui %sign3A_263 : i1 to i32
      %sign3A_265 = arith.constant 0 : i32
      %sign3A_266 = arith.cmpi slt, %scan3A_261, %sign3A_265 : i32
      %sign3A_267 = arith.extui %sign3A_266 : i1 to i32
      %sign3A_268 = arith.subi %sign3A_264, %sign3A_267 : i32
      %sign3A_269 = arith.constant 0 : i32
      %sign3A_270 = arith.cmpi sgt, %jit3A, %sign3A_269 : i32
      %sign3A_271 = arith.extui %sign3A_270 : i1 to i32
      %sign3A_272 = arith.constant 0 : i32
      %sign3A_273 = arith.cmpi slt, %jit3A, %sign3A_272 : i32
      %sign3A_274 = arith.extui %sign3A_273 : i1 to i32
      %sign3A_275 = arith.subi %sign3A_271, %sign3A_274 : i32
      %ne3A = arith.cmpi ne, %sign3A_268, %sign3A_275 : i32
      %rem3A = arith.remsi %scan3A_261, %jit3A : i32
      %ne3A_276 = arith.constant 0 : i32
      %ne3A_277 = arith.cmpi ne, %rem3A, %ne3A_276 : i32
      %and3A = arith.andi %ne3A, %ne3A_277 : i1
      %sub3A = arith.constant 1 : i32
      %sub3A_278 = arith.subi %div3A, %sub3A : i32
      %select_n3A = arith.select %and3A, %sub3A_278, %div3A : i32
      %jit3A_279 = arith.constant 8 : i32
      %eq3A = arith.constant 0 : i32
      %eq3A_280 = arith.cmpi eq, %jit3A_279, %eq3A : i32
      %jit3A_281 = arith.constant 1 : i32
      %select_n3A_282 = arith.select %eq3A_280, %jit3A_281, %jit3A_279 : i32
      %rem3A_283 = arith.remsi %scan3A_261, %select_n3A_282 : i32
      %ne3A_284 = arith.constant 0 : i32
      %ne3A_285 = arith.cmpi ne, %rem3A_283, %ne3A_284 : i32
      %lt3A = arith.constant 0 : i32
      %lt3A_286 = arith.cmpi slt, %rem3A_283, %lt3A : i32
      %lt3A_287 = arith.constant 0 : i32
      %lt3A_288 = arith.cmpi slt, %select_n3A_282, %lt3A_287 : i32
      %ne3A_289 = arith.xori %lt3A_286, %lt3A_288 : i1
      %and3A_290 = arith.andi %ne3A_289, %ne3A_285 : i1
      %add3A_291 = arith.addi %rem3A_283, %select_n3A_282 : i32
      %select_n3A_292 = arith.select %and3A_290, %add3A_291, %rem3A_283 : i32
      %mul3A_293 = arith.constant 16 : i32
      %mul3A_294 = arith.muli %select_n3A_292, %mul3A_293 : i32
      %get3A = arith.index_cast %select_n3A : i32 to index
      %get3A_295 = arith.index_cast %mul3A_294 : i32 to index
      %get3A_296 = tpu.vector_load %arg11[%get3A, %get3A_295] {strides = array<i32>} : memref<128x128xf32, #tpu.memory_space<vmem>>, vector<1x16xf32>,
      %get3A_297 = vector.shape_cast %get3A_296 : vector<1x16xf32> to vector<16xf32>
      %neg3A = arith.constant 0.000000e+00 : f32
      %neg3A_298 = vector.broadcast %neg3A : f32 to vector<16xf32>
      %neg3A_299 = arith.subf %neg3A_298, %get3A_297 : vector<16xf32>
      %mul3A_300 = arith.constant 16 : i32
      %mul3A_301 = arith.muli %select_n3A_292, %mul3A_300 : i32
      %swap3A = arith.index_cast %select_n3A : i32 to index
      %swap3A_302 = arith.index_cast %mul3A_301 : i32 to index
      %swap3A_303 = tpu.vector_load %arg11[%swap3A, %swap3A_302] {strides = array<i32>} : memref<128x128xf32, #tpu.memory_space<vmem>>, vector<1x16xf32>,
      %swap3A_304 = vector.shape_cast %swap3A_303 : vector<1x16xf32> to vector<16xf32>
      %swap3A_305 = vector.shape_cast %neg3A_299 : vector<16xf32> to vector<1x16xf32>
      tpu.vector_store %arg11[%swap3A, %swap3A_302], %swap3A_305 {strides = array<i32>} : memref<128x128xf32, #tpu.memory_space<vmem>>, vector<1x16xf32>,
      %scan3A_306 = arith.constant 0 : i32
      scf.yield %scan3A_306 : i32
    }
    %scan3A_117 = arith.constant 1024 : i32
    "tpu.region"() ({
      %run_scoped3A = tpu.sem_alloc : memref<!tpu.dma_semaphore, #tpu.memory_space<semaphore_mem>>
      %dma_start3A_261 = arith.constant 0 : i32
      %dma_start3A_262 = arith.constant 0 : i32
      %dma_start3A_263 = tpu.memref_slice %arg13[%dma_start3A_261, %dma_start3A_262] : memref<10240x128xf32, #tpu.memory_space<vmem_shared>> -> memref<10240x128xf32, #tpu.memory_space<vmem_shared>>
      tpu.enqueue_indirect_dma source(%arg11 : memref<128x128xf32, #tpu.memory_space<vmem>>) target(%dma_start3A_263 : memref<10240x128xf32, #tpu.memory_space<vmem_shared>>) offsets(%arg10 : memref<128xi32, #tpu.memory_space<vmem>>) semaphore(%run_scoped3A : memref<!tpu.dma_semaphore, #tpu.memory_space<semaphore_mem>>) {add = true}
      %dma_wait3A_264 = arith.constant 0 : i32
      %dma_wait3A_265 = arith.constant 0 : i32
      %dma_wait3A_266 = tpu.memref_slice %arg13[%dma_wait3A_264, %dma_wait3A_265] : memref<10240x128xf32, #tpu.memory_space<vmem_shared>> -> memref<10240x128xf32, #tpu.memory_space<vmem_shared>>
      tpu.wait_indirect_dma semaphore(%run_scoped3A : memref<!tpu.dma_semaphore, #tpu.memory_space<semaphore_mem>>) src(%arg11 : memref<128x128xf32, #tpu.memory_space<vmem>>) dst(%dma_wait3A_266 : memref<10240x128xf32, #tpu.memory_space<vmem_shared>>)
      tpu.yield
    }) : () -> ()
    %barrier3A = arith.constant 0 : index
    tpu.barrier barrier_id(%barrier3A)
    %add3A_118 = arith.constant 0 : i32
    %add3A_119 = arith.addi %add3A_118, %add3A : i32
    %mul3A_120 = arith.constant 128 : i32
    %mul3A_121 = arith.muli %add3A_119, %mul3A_120 : i32
    "tpu.region"() ({
      %run_scoped3A = tpu.sem_alloc : memref<!tpu.dma_semaphore, #tpu.memory_space<semaphore_mem>>
      %dma_start3A_261 = tpu.memref_slice %arg4[%mul3A_121] : memref<323584xi32, #tpu.memory_space<hbm>> -> memref<128xi32, #tpu.memory_space<hbm>>
      %dma_start3A_262 = tpu.memref_slice %arg4[%mul3A_121] : memref<323584xi32, #tpu.memory_space<hbm>> -> memref<128xi32, #tpu.memory_space<hbm>>
      tpu.enqueue_dma source(%dma_start3A_262 : memref<128xi32, #tpu.memory_space<hbm>>) target(%arg6 : memref<128xi32, #tpu.memory_space<vmem>>) target_semaphore(%run_scoped3A : memref<!tpu.dma_semaphore, #tpu.memory_space<semaphore_mem>>)
      %dma_wait3A_263 = tpu.memref_slice %arg4[%mul3A_121] : memref<323584xi32, #tpu.memory_space<hbm>> -> memref<128xi32, #tpu.memory_space<hbm>>
      %dma_wait3A_264 = tpu.memref_slice %arg4[%mul3A_121] : memref<323584xi32, #tpu.memory_space<hbm>> -> memref<128xi32, #tpu.memory_space<hbm>>
      tpu.wait_dma2 semaphore(%run_scoped3A : memref<!tpu.dma_semaphore, #tpu.memory_space<semaphore_mem>>) src(%dma_wait3A_264 : memref<128xi32, #tpu.memory_space<hbm>>) dst(%arg6 : memref<128xi32, #tpu.memory_space<vmem>>)
      tpu.yield
    }) : () -> ()
    %mul3A_122 = arith.constant 128 : i32
    %mul3A_123 = arith.muli %add3A_119, %mul3A_122 : i32
    "tpu.region"() ({
      %run_scoped3A = tpu.sem_alloc : memref<!tpu.dma_semaphore, #tpu.memory_space<semaphore_mem>>
      %dma_start3A_261 = tpu.memref_slice %arg3[%mul3A_123] : memref<323584xi32, #tpu.memory_space<hbm>> -> memref<128xi32, #tpu.memory_space<hbm>>
      %dma_start3A_262 = tpu.memref_slice %arg3[%mul3A_123] : memref<323584xi32, #tpu.memory_space<hbm>> -> memref<128xi32, #tpu.memory_space<hbm>>
      tpu.enqueue_dma source(%dma_start3A_262 : memref<128xi32, #tpu.memory_space<hbm>>) target(%arg8 : memref<128xi32, #tpu.memory_space<vmem>>) target_semaphore(%run_scoped3A : memref<!tpu.dma_semaphore, #tpu.memory_space<semaphore_mem>>)
      %dma_wait3A_263 = tpu.memref_slice %arg3[%mul3A_123] : memref<323584xi32, #tpu.memory_space<hbm>> -> memref<128xi32, #tpu.memory_space<hbm>>
      %dma_wait3A_264 = tpu.memref_slice %arg3[%mul3A_123] : memref<323584xi32, #tpu.memory_space<hbm>> -> memref<128xi32, #tpu.memory_space<hbm>>
      tpu.wait_dma2 semaphore(%run_scoped3A : memref<!tpu.dma_semaphore, #tpu.memory_space<semaphore_mem>>) src(%dma_wait3A_264 : memref<128xi32, #tpu.memory_space<hbm>>) dst(%arg8 : memref<128xi32, #tpu.memory_space<vmem>>)
      tpu.yield
    }) : () -> ()
    %dma_start3A_124 = arith.constant 0 : i32
    %dma_start3A_125 = arith.constant 0 : i32
    %dma_start3A_126 = tpu.memref_slice %arg2[%dma_start3A_124, %dma_start3A_125] : memref<10240x128xf32, #tpu.memory_space<hbm>> -> memref<10240x128xf32, #tpu.memory_space<hbm>>
    tpu.enqueue_indirect_dma source(%dma_start3A_126 : memref<10240x128xf32, #tpu.memory_space<hbm>>) target(%arg11 : memref<128x128xf32, #tpu.memory_space<vmem>>) offsets(%arg6 : memref<128xi32, #tpu.memory_space<vmem>>) semaphore(%arg14 : memref<!tpu.dma_semaphore, #tpu.memory_space<semaphore_mem>>)
    %scan3A_127 = arith.constant 0 : i32
    %scan3A_128 = arith.constant 0 : i32
    %scan3A_129 = arith.constant 39 : i32
    %scan3A_130 = arith.addi %scan3A_128, %scan3A_129 : i32
    %scan3A_131 = arith.constant 1 : i32
    %scan3A_132 = scf.for %scan3A_261 = %scan3A_128 to %scan3A_130 step %scan3A_131 iter_args(%scan3A_262 = %scan3A_127) -> (i32)  : i32 {
      %mul3A_263 = arith.constant 2 : i32
      %mul3A_264 = arith.muli %mul3A_263, %scan3A_261 : i32
      %add3A_265 = arith.constant 1 : i32
      %add3A_266 = arith.addi %mul3A_264, %add3A_265 : i32
      %mul3A_267 = arith.constant 32 : i32
      %mul3A_268 = arith.muli %add3A_266, %mul3A_267 : i32
      %add3A_269 = arith.addi %mul3A_268, %add3A : i32
      %mul3A_270 = arith.constant 128 : i32
      %mul3A_271 = arith.muli %add3A_269, %mul3A_270 : i32
      "tpu.region"() ({
        %run_scoped3A = tpu.sem_alloc : memref<!tpu.dma_semaphore, #tpu.memory_space<semaphore_mem>>
        %dma_start3A_301 = tpu.memref_slice %arg4[%mul3A_271] : memref<323584xi32, #tpu.memory_space<hbm>> -> memref<128xi32, #tpu.memory_space<hbm>>
        %dma_start3A_302 = tpu.memref_slice %arg4[%mul3A_271] : memref<323584xi32, #tpu.memory_space<hbm>> -> memref<128xi32, #tpu.memory_space<hbm>>
        tpu.enqueue_dma source(%dma_start3A_302 : memref<128xi32, #tpu.memory_space<hbm>>) target(%arg7 : memref<128xi32, #tpu.memory_space<vmem>>) target_semaphore(%run_scoped3A : memref<!tpu.dma_semaphore, #tpu.memory_space<semaphore_mem>>)
        %dma_wait3A_303 = tpu.memref_slice %arg4[%mul3A_271] : memref<323584xi32, #tpu.memory_space<hbm>> -> memref<128xi32, #tpu.memory_space<hbm>>
        %dma_wait3A_304 = tpu.memref_slice %arg4[%mul3A_271] : memref<323584xi32, #tpu.memory_space<hbm>> -> memref<128xi32, #tpu.memory_space<hbm>>
        tpu.wait_dma2 semaphore(%run_scoped3A : memref<!tpu.dma_semaphore, #tpu.memory_space<semaphore_mem>>) src(%dma_wait3A_304 : memref<128xi32, #tpu.memory_space<hbm>>) dst(%arg7 : memref<128xi32, #tpu.memory_space<vmem>>)
        tpu.yield
      }) : () -> ()
      %mul3A_272 = arith.constant 128 : i32
      %mul3A_273 = arith.muli %add3A_269, %mul3A_272 : i32
      "tpu.region"() ({
        %run_scoped3A = tpu.sem_alloc : memref<!tpu.dma_semaphore, #tpu.memory_space<semaphore_mem>>
        %dma_start3A_301 = tpu.memref_slice %arg3[%mul3A_273] : memref<323584xi32, #tpu.memory_space<hbm>> -> memref<128xi32, #tpu.memory_space<hbm>>
        %dma_start3A_302 = tpu.memref_slice %arg3[%mul3A_273] : memref<323584xi32, #tpu.memory_space<hbm>> -> memref<128xi32, #tpu.memory_space<hbm>>
        tpu.enqueue_dma source(%dma_start3A_302 : memref<128xi32, #tpu.memory_space<hbm>>) target(%arg9 : memref<128xi32, #tpu.memory_space<vmem>>) target_semaphore(%run_scoped3A : memref<!tpu.dma_semaphore, #tpu.memory_space<semaphore_mem>>)
        %dma_wait3A_303 = tpu.memref_slice %arg3[%mul3A_273] : memref<323584xi32, #tpu.memory_space<hbm>> -> memref<128xi32, #tpu.memory_space<hbm>>
        %dma_wait3A_304 = tpu.memref_slice %arg3[%mul3A_273] : memref<323584xi32, #tpu.memory_space<hbm>> -> memref<128xi32, #tpu.memory_space<hbm>>
        tpu.wait_dma2 semaphore(%run_scoped3A : memref<!tpu.dma_semaphore, #tpu.memory_space<semaphore_mem>>) src(%dma_wait3A_304 : memref<128xi32, #tpu.memory_space<hbm>>) dst(%arg9 : memref<128xi32, #tpu.memory_space<vmem>>)
        tpu.yield
      }) : () -> ()
      %dma_start3A_274 = arith.constant 0 : i32
      %dma_start3A_275 = arith.constant 0 : i32
      %dma_start3A_276 = tpu.memref_slice %arg2[%dma_start3A_274, %dma_start3A_275] : memref<10240x128xf32, #tpu.memory_space<hbm>> -> memref<10240x128xf32, #tpu.memory_space<hbm>>
      tpu.enqueue_indirect_dma source(%dma_start3A_276 : memref<10240x128xf32, #tpu.memory_space<hbm>>) target(%arg12 : memref<128x128xf32, #tpu.memory_space<vmem>>) offsets(%arg7 : memref<128xi32, #tpu.memory_space<vmem>>) semaphore(%arg15 : memref<!tpu.dma_semaphore, #tpu.memory_space<semaphore_mem>>)
      %dma_wait3A_277 = arith.constant 0 : i32
      %dma_wait3A_278 = arith.constant 0 : i32
      %dma_wait3A_279 = tpu.memref_slice %arg2[%dma_wait3A_277, %dma_wait3A_278] : memref<10240x128xf32, #tpu.memory_space<hbm>> -> memref<128x128xf32, #tpu.memory_space<hbm>>
      %dma_wait3A_280 = arith.constant 0 : i32
      %dma_wait3A_281 = arith.constant 0 : i32
      %dma_wait3A_282 = tpu.memref_slice %arg2[%dma_wait3A_280, %dma_wait3A_281] : memref<10240x128xf32, #tpu.memory_space<hbm>> -> memref<128x128xf32, #tpu.memory_space<hbm>>
      tpu.wait_dma2 semaphore(%arg14 : memref<!tpu.dma_semaphore, #tpu.memory_space<semaphore_mem>>) src(%dma_wait3A_282 : memref<128x128xf32, #tpu.memory_space<hbm>>) dst(%arg11 : memref<128x128xf32, #tpu.memory_space<vmem>>)
      "tpu.region"() ({
        %run_scoped3A = tpu.sem_alloc : memref<!tpu.dma_semaphore, #tpu.memory_space<semaphore_mem>>
        %dma_start3A_301 = arith.constant 0 : i32
        %dma_start3A_302 = arith.constant 0 : i32
        %dma_start3A_303 = tpu.memref_slice %arg13[%dma_start3A_301, %dma_start3A_302] : memref<10240x128xf32, #tpu.memory_space<vmem_shared>> -> memref<10240x128xf32, #tpu.memory_space<vmem_shared>>
        tpu.enqueue_indirect_dma source(%arg11 : memref<128x128xf32, #tpu.memory_space<vmem>>) target(%dma_start3A_303 : memref<10240x128xf32, #tpu.memory_space<vmem_shared>>) offsets(%arg8 : memref<128xi32, #tpu.memory_space<vmem>>) semaphore(%run_scoped3A : memref<!tpu.dma_semaphore, #tpu.memory_space<semaphore_mem>>) {add = true}
        %dma_wait3A_304 = arith.constant 0 : i32
        %dma_wait3A_305 = arith.constant 0 : i32
        %dma_wait3A_306 = tpu.memref_slice %arg13[%dma_wait3A_304, %dma_wait3A_305] : memref<10240x128xf32, #tpu.memory_space<vmem_shared>> -> memref<10240x128xf32, #tpu.memory_space<vmem_shared>>
        tpu.wait_indirect_dma semaphore(%run_scoped3A : memref<!tpu.dma_semaphore, #tpu.memory_space<semaphore_mem>>) src(%arg11 : memref<128x128xf32, #tpu.memory_space<vmem>>) dst(%dma_wait3A_306 : memref<10240x128xf32, #tpu.memory_space<vmem_shared>>)
        tpu.yield
      }) : () -> ()
      %mul3A_283 = arith.constant 2 : i32
      %mul3A_284 = arith.muli %mul3A_283, %scan3A_261 : i32
      %add3A_285 = arith.constant 2 : i32
      %add3A_286 = arith.addi %mul3A_284, %add3A_285 : i32
      %mul3A_287 = arith.constant 32 : i32
      %mul3A_288 = arith.muli %add3A_286, %mul3A_287 : i32
      %add3A_289 = arith.addi %mul3A_288, %add3A : i32
      %mul3A_290 = arith.constant 128 : i32
      %mul3A_291 = arith.muli %add3A_289, %mul3A_290 : i32
      "tpu.region"() ({
        %run_scoped3A = tpu.sem_alloc : memref<!tpu.dma_semaphore, #tpu.memory_space<semaphore_mem>>
        %dma_start3A_301 = tpu.memref_slice %arg4[%mul3A_291] : memref<323584xi32, #tpu.memory_space<hbm>> -> memref<128xi32, #tpu.memory_space<hbm>>
        %dma_start3A_302 = tpu.memref_slice %arg4[%mul3A_291] : memref<323584xi32, #tpu.memory_space<hbm>> -> memref<128xi32, #tpu.memory_space<hbm>>
        tpu.enqueue_dma source(%dma_start3A_302 : memref<128xi32, #tpu.memory_space<hbm>>) target(%arg6 : memref<128xi32, #tpu.memory_space<vmem>>) target_semaphore(%run_scoped3A : memref<!tpu.dma_semaphore, #tpu.memory_space<semaphore_mem>>)
        %dma_wait3A_303 = tpu.memref_slice %arg4[%mul3A_291] : memref<323584xi32, #tpu.memory_space<hbm>> -> memref<128xi32, #tpu.memory_space<hbm>>
        %dma_wait3A_304 = tpu.memref_slice %arg4[%mul3A_291] : memref<323584xi32, #tpu.memory_space<hbm>> -> memref<128xi32, #tpu.memory_space<hbm>>
        tpu.wait_dma2 semaphore(%run_scoped3A : memref<!tpu.dma_semaphore, #tpu.memory_space<semaphore_mem>>) src(%dma_wait3A_304 : memref<128xi32, #tpu.memory_space<hbm>>) dst(%arg6 : memref<128xi32, #tpu.memory_space<vmem>>)
        tpu.yield
      }) : () -> ()
      %mul3A_292 = arith.constant 128 : i32
      %mul3A_293 = arith.muli %add3A_289, %mul3A_292 : i32
      "tpu.region"() ({
        %run_scoped3A = tpu.sem_alloc : memref<!tpu.dma_semaphore, #tpu.memory_space<semaphore_mem>>
        %dma_start3A_301 = tpu.memref_slice %arg3[%mul3A_293] : memref<323584xi32, #tpu.memory_space<hbm>> -> memref<128xi32, #tpu.memory_space<hbm>>
        %dma_start3A_302 = tpu.memref_slice %arg3[%mul3A_293] : memref<323584xi32, #tpu.memory_space<hbm>> -> memref<128xi32, #tpu.memory_space<hbm>>
        tpu.enqueue_dma source(%dma_start3A_302 : memref<128xi32, #tpu.memory_space<hbm>>) target(%arg8 : memref<128xi32, #tpu.memory_space<vmem>>) target_semaphore(%run_scoped3A : memref<!tpu.dma_semaphore, #tpu.memory_space<semaphore_mem>>)
        %dma_wait3A_303 = tpu.memref_slice %arg3[%mul3A_293] : memref<323584xi32, #tpu.memory_space<hbm>> -> memref<128xi32, #tpu.memory_space<hbm>>
        %dma_wait3A_304 = tpu.memref_slice %arg3[%mul3A_293] : memref<323584xi32, #tpu.memory_space<hbm>> -> memref<128xi32, #tpu.memory_space<hbm>>
        tpu.wait_dma2 semaphore(%run_scoped3A : memref<!tpu.dma_semaphore, #tpu.memory_space<semaphore_mem>>) src(%dma_wait3A_304 : memref<128xi32, #tpu.memory_space<hbm>>) dst(%arg8 : memref<128xi32, #tpu.memory_space<vmem>>)
        tpu.yield
      }) : () -> ()
      %dma_start3A_294 = arith.constant 0 : i32
      %dma_start3A_295 = arith.constant 0 : i32
      %dma_start3A_296 = tpu.memref_slice %arg2[%dma_start3A_294, %dma_start3A_295] : memref<10240x128xf32, #tpu.memory_space<hbm>> -> memref<10240x128xf32, #tpu.memory_space<hbm>>
      tpu.enqueue_indirect_dma source(%dma_start3A_296 : memref<10240x128xf32, #tpu.memory_space<hbm>>) target(%arg11 : memref<128x128xf32, #tpu.memory_space<vmem>>) offsets(%arg6 : memref<128xi32, #tpu.memory_space<vmem>>) semaphore(%arg14 : memref<!tpu.dma_semaphore, #tpu.memory_space<semaphore_mem>>)
      %dma_wait3A_297 = arith.constant 0 : i32
      %dma_wait3A_298 = arith.constant 0 : i32
      %dma_wait3A_299 = tpu.memref_slice %arg2[%dma_wait3A_297, %dma_wait3A_298] : memref<10240x128xf32, #tpu.memory_space<hbm>> -> memref<10240x128xf32, #tpu.memory_space<hbm>>
      tpu.wait_indirect_dma semaphore(%arg15 : memref<!tpu.dma_semaphore, #tpu.memory_space<semaphore_mem>>) src(%dma_wait3A_299 : memref<10240x128xf32, #tpu.memory_space<hbm>>) dst(%arg12 : memref<128x128xf32, #tpu.memory_space<vmem>>)
      "tpu.region"() ({
        %run_scoped3A = tpu.sem_alloc : memref<!tpu.dma_semaphore, #tpu.memory_space<semaphore_mem>>
        %dma_start3A_301 = arith.constant 0 : i32
        %dma_start3A_302 = arith.constant 0 : i32
        %dma_start3A_303 = tpu.memref_slice %arg13[%dma_start3A_301, %dma_start3A_302] : memref<10240x128xf32, #tpu.memory_space<vmem_shared>> -> memref<10240x128xf32, #tpu.memory_space<vmem_shared>>
        tpu.enqueue_indirect_dma source(%arg12 : memref<128x128xf32, #tpu.memory_space<vmem>>) target(%dma_start3A_303 : memref<10240x128xf32, #tpu.memory_space<vmem_shared>>) offsets(%arg9 : memref<128xi32, #tpu.memory_space<vmem>>) semaphore(%run_scoped3A : memref<!tpu.dma_semaphore, #tpu.memory_space<semaphore_mem>>) {add = true}
        %dma_wait3A_304 = arith.constant 0 : i32
        %dma_wait3A_305 = arith.constant 0 : i32
        %dma_wait3A_306 = tpu.memref_slice %arg13[%dma_wait3A_304, %dma_wait3A_305] : memref<10240x128xf32, #tpu.memory_space<vmem_shared>> -> memref<10240x128xf32, #tpu.memory_space<vmem_shared>>
        tpu.wait_indirect_dma semaphore(%run_scoped3A : memref<!tpu.dma_semaphore, #tpu.memory_space<semaphore_mem>>) src(%arg12 : memref<128x128xf32, #tpu.memory_space<vmem>>) dst(%dma_wait3A_306 : memref<10240x128xf32, #tpu.memory_space<vmem_shared>>)
        tpu.yield
      }) : () -> ()
      %scan3A_300 = arith.constant 0 : i32
      scf.yield %scan3A_300 : i32
    }
    %scan3A_133 = arith.constant 39 : i32
    %dma_wait3A_134 = arith.constant 0 : i32
    %dma_wait3A_135 = arith.constant 0 : i32
    %dma_wait3A_136 = tpu.memref_slice %arg2[%dma_wait3A_134, %dma_wait3A_135] : memref<10240x128xf32, #tpu.memory_space<hbm>> -> memref<128x128xf32, #tpu.memory_space<hbm>>
    %dma_wait3A_137 = arith.constant 0 : i32
    %dma_wait3A_138 = arith.constant 0 : i32
    %dma_wait3A_139 = tpu.memref_slice %arg2[%dma_wait3A_137, %dma_wait3A_138] : memref<10240x128xf32, #tpu.memory_space<hbm>> -> memref<128x128xf32, #tpu.memory_space<hbm>>
    tpu.wait_dma2 semaphore(%arg14 : memref<!tpu.dma_semaphore, #tpu.memory_space<semaphore_mem>>) src(%dma_wait3A_139 : memref<128x128xf32, #tpu.memory_space<hbm>>) dst(%arg11 : memref<128x128xf32, #tpu.memory_space<vmem>>)
    "tpu.region"() ({
      %run_scoped3A = tpu.sem_alloc : memref<!tpu.dma_semaphore, #tpu.memory_space<semaphore_mem>>
      %dma_start3A_261 = arith.constant 0 : i32
      %dma_start3A_262 = arith.constant 0 : i32
      %dma_start3A_263 = tpu.memref_slice %arg13[%dma_start3A_261, %dma_start3A_262] : memref<10240x128xf32, #tpu.memory_space<vmem_shared>> -> memref<10240x128xf32, #tpu.memory_space<vmem_shared>>
      tpu.enqueue_indirect_dma source(%arg11 : memref<128x128xf32, #tpu.memory_space<vmem>>) target(%dma_start3A_263 : memref<10240x128xf32, #tpu.memory_space<vmem_shared>>) offsets(%arg8 : memref<128xi32, #tpu.memory_space<vmem>>) semaphore(%run_scoped3A : memref<!tpu.dma_semaphore, #tpu.memory_space<semaphore_mem>>) {add = true}
      %dma_wait3A_264 = arith.constant 0 : i32
      %dma_wait3A_265 = arith.constant 0 : i32
      %dma_wait3A_266 = tpu.memref_slice %arg13[%dma_wait3A_264, %dma_wait3A_265] : memref<10240x128xf32, #tpu.memory_space<vmem_shared>> -> memref<10240x128xf32, #tpu.memory_space<vmem_shared>>
      tpu.wait_indirect_dma semaphore(%run_scoped3A : memref<!tpu.dma_semaphore, #tpu.memory_space<semaphore_mem>>) src(%arg11 : memref<128x128xf32, #tpu.memory_space<vmem>>) dst(%dma_wait3A_266 : memref<10240x128xf32, #tpu.memory_space<vmem_shared>>)
      tpu.yield
    }) : () -> ()
    %barrier3A_140 = arith.constant 0 : index
    tpu.barrier barrier_id(%barrier3A_140)
    %mul3A_141 = arith.constant 640 : i32
    %mul3A_142 = arith.muli %arg1, %mul3A_141 : i32
    %add3A_143 = arith.constant 0 : i32
    %add3A_144 = arith.addi %mul3A_142, %add3A_143 : i32
    %scan3A_145 = arith.constant 0 : i32
    %scan3A_146 = arith.constant 0 : i32
    %scan3A_147 = arith.constant 8 : i32
    %scan3A_148 = arith.addi %scan3A_146, %scan3A_147 : i32
    %scan3A_149 = arith.constant 1 : i32
    %scan3A_150 = scf.for %scan3A_261 = %scan3A_146 to %scan3A_148 step %scan3A_149 iter_args(%scan3A_262 = %scan3A_145) -> (i32)  : i32 {
      %iota3A = tpu.iota {dimensions = array<i32: 0>} : vector<16xi32>
      %add3A_263 = vector.broadcast %add3A_144 : i32 to vector<16xi32>
      %add3A_264 = arith.addi %iota3A, %add3A_263 : vector<16xi32>
      %mul3A_265 = arith.constant 16 : i32
      %mul3A_266 = arith.muli %scan3A_261, %mul3A_265 : i32
      %add3A_267 = vector.broadcast %mul3A_266 : i32 to vector<16xi32>
      %add3A_268 = arith.addi %add3A_264, %add3A_267 : vector<16xi32>
      %mul3A_269 = arith.constant 16 : i32
      %mul3A_270 = arith.muli %scan3A_261, %mul3A_269 : i32
      %swap3A = arith.index_cast %mul3A_270 : i32 to index
      %swap3A_271 = tpu.vector_load %arg10[%swap3A] {strides = array<i32>} : memref<128xi32, #tpu.memory_space<vmem>>, vector<16xi32>,
      %swap3A_272 = vector.shape_cast %swap3A_271 : vector<16xi32> to vector<16xi32>
      %swap3A_273 = vector.shape_cast %add3A_268 : vector<16xi32> to vector<16xi32>
      tpu.vector_store %arg10[%swap3A], %swap3A_273 {strides = array<i32>} : memref<128xi32, #tpu.memory_space<vmem>>, vector<16xi32>,
      %scan3A_274 = arith.constant 0 : i32
      scf.yield %scan3A_274 : i32
    }
    %scan3A_151 = arith.constant 8 : i32
    %dma_start3A_152 = arith.constant 0 : i32
    %dma_start3A_153 = arith.constant 0 : i32
    %dma_start3A_154 = tpu.memref_slice %arg13[%dma_start3A_152, %dma_start3A_153] : memref<10240x128xf32, #tpu.memory_space<vmem_shared>> -> memref<10240x128xf32, #tpu.memory_space<vmem_shared>>
    tpu.enqueue_indirect_dma source(%dma_start3A_154 : memref<10240x128xf32, #tpu.memory_space<vmem_shared>>) target(%arg11 : memref<128x128xf32, #tpu.memory_space<vmem>>) offsets(%arg10 : memref<128xi32, #tpu.memory_space<vmem>>) semaphore(%arg14 : memref<!tpu.dma_semaphore, #tpu.memory_space<semaphore_mem>>)
    %dma_wait3A_155 = arith.constant 0 : i32
    %dma_wait3A_156 = arith.constant 0 : i32
    %dma_wait3A_157 = tpu.memref_slice %arg13[%dma_wait3A_155, %dma_wait3A_156] : memref<10240x128xf32, #tpu.memory_space<vmem_shared>> -> memref<10240x128xf32, #tpu.memory_space<vmem_shared>>
    tpu.wait_indirect_dma semaphore(%arg14 : memref<!tpu.dma_semaphore, #tpu.memory_space<semaphore_mem>>) src(%dma_wait3A_157 : memref<10240x128xf32, #tpu.memory_space<vmem_shared>>) dst(%arg11 : memref<128x128xf32, #tpu.memory_space<vmem>>)
    %mul3A_158 = arith.constant 10240 : i32
    %mul3A_159 = arith.muli %arg0, %mul3A_158 : i32
    %mul3A_160 = arith.constant 640 : i32
    %mul3A_161 = arith.muli %arg1, %mul3A_160 : i32
    %add3A_162 = arith.addi %mul3A_159, %mul3A_161 : i32
    %add3A_163 = arith.constant 0 : i32
    %add3A_164 = arith.addi %add3A_162, %add3A_163 : i32
    "tpu.region"() ({
      %run_scoped3A = tpu.sem_alloc : memref<!tpu.dma_semaphore, #tpu.memory_space<semaphore_mem>>
      %dma_start3A_261 = arith.constant 0 : i32
      %dma_start3A_262 = tpu.memref_slice %arg5[%add3A_164, %dma_start3A_261] : memref<20480x128xf32, #tpu.memory_space<hbm>> -> memref<128x128xf32, #tpu.memory_space<hbm>>
      %dma_start3A_263 = arith.constant 0 : i32
      %dma_start3A_264 = tpu.memref_slice %arg5[%add3A_164, %dma_start3A_263] : memref<20480x128xf32, #tpu.memory_space<hbm>> -> memref<128x128xf32, #tpu.memory_space<hbm>>
      tpu.enqueue_dma source(%arg11 : memref<128x128xf32, #tpu.memory_space<vmem>>) target(%dma_start3A_264 : memref<128x128xf32, #tpu.memory_space<hbm>>) target_semaphore(%run_scoped3A : memref<!tpu.dma_semaphore, #tpu.memory_space<semaphore_mem>>)
      %dma_wait3A_265 = arith.constant 0 : i32
      %dma_wait3A_266 = tpu.memref_slice %arg5[%add3A_164, %dma_wait3A_265] : memref<20480x128xf32, #tpu.memory_space<hbm>> -> memref<128x128xf32, #tpu.memory_space<hbm>>
      %dma_wait3A_267 = arith.constant 0 : i32
      %dma_wait3A_268 = tpu.memref_slice %arg5[%add3A_164, %dma_wait3A_267] : memref<20480x128xf32, #tpu.memory_space<hbm>> -> memref<128x128xf32, #tpu.memory_space<hbm>>
      tpu.wait_dma2 semaphore(%run_scoped3A : memref<!tpu.dma_semaphore, #tpu.memory_space<semaphore_mem>>) src(%arg11 : memref<128x128xf32, #tpu.memory_space<vmem>>) dst(%dma_wait3A_268 : memref<128x128xf32, #tpu.memory_space<hbm>>)
      tpu.yield
    }) : () -> ()
    %mul3A_165 = arith.constant 640 : i32
    %mul3A_166 = arith.muli %arg1, %mul3A_165 : i32
    %add3A_167 = arith.constant 128 : i32
    %add3A_168 = arith.addi %mul3A_166, %add3A_167 : i32
    %scan3A_169 = arith.constant 0 : i32
    %scan3A_170 = arith.constant 0 : i32
    %scan3A_171 = arith.constant 8 : i32
    %scan3A_172 = arith.addi %scan3A_170, %scan3A_171 : i32
    %scan3A_173 = arith.constant 1 : i32
    %scan3A_174 = scf.for %scan3A_261 = %scan3A_170 to %scan3A_172 step %scan3A_173 iter_args(%scan3A_262 = %scan3A_169) -> (i32)  : i32 {
      %iota3A = tpu.iota {dimensions = array<i32: 0>} : vector<16xi32>
      %add3A_263 = vector.broadcast %add3A_168 : i32 to vector<16xi32>
      %add3A_264 = arith.addi %iota3A, %add3A_263 : vector<16xi32>
      %mul3A_265 = arith.constant 16 : i32
      %mul3A_266 = arith.muli %scan3A_261, %mul3A_265 : i32
      %add3A_267 = vector.broadcast %mul3A_266 : i32 to vector<16xi32>
      %add3A_268 = arith.addi %add3A_264, %add3A_267 : vector<16xi32>
      %mul3A_269 = arith.constant 16 : i32
      %mul3A_270 = arith.muli %scan3A_261, %mul3A_269 : i32
      %swap3A = arith.index_cast %mul3A_270 : i32 to index
      %swap3A_271 = tpu.vector_load %arg10[%swap3A] {strides = array<i32>} : memref<128xi32, #tpu.memory_space<vmem>>, vector<16xi32>,
      %swap3A_272 = vector.shape_cast %swap3A_271 : vector<16xi32> to vector<16xi32>
      %swap3A_273 = vector.shape_cast %add3A_268 : vector<16xi32> to vector<16xi32>
      tpu.vector_store %arg10[%swap3A], %swap3A_273 {strides = array<i32>} : memref<128xi32, #tpu.memory_space<vmem>>, vector<16xi32>,
      %scan3A_274 = arith.constant 0 : i32
      scf.yield %scan3A_274 : i32
    }
    %scan3A_175 = arith.constant 8 : i32
    %dma_start3A_176 = arith.constant 0 : i32
    %dma_start3A_177 = arith.constant 0 : i32
    %dma_start3A_178 = tpu.memref_slice %arg13[%dma_start3A_176, %dma_start3A_177] : memref<10240x128xf32, #tpu.memory_space<vmem_shared>> -> memref<10240x128xf32, #tpu.memory_space<vmem_shared>>
    tpu.enqueue_indirect_dma source(%dma_start3A_178 : memref<10240x128xf32, #tpu.memory_space<vmem_shared>>) target(%arg11 : memref<128x128xf32, #tpu.memory_space<vmem>>) offsets(%arg10 : memref<128xi32, #tpu.memory_space<vmem>>) semaphore(%arg14 : memref<!tpu.dma_semaphore, #tpu.memory_space<semaphore_mem>>)
    %dma_wait3A_179 = arith.constant 0 : i32
    %dma_wait3A_180 = arith.constant 0 : i32
    %dma_wait3A_181 = tpu.memref_slice %arg13[%dma_wait3A_179, %dma_wait3A_180] : memref<10240x128xf32, #tpu.memory_space<vmem_shared>> -> memref<10240x128xf32, #tpu.memory_space<vmem_shared>>
    tpu.wait_indirect_dma semaphore(%arg14 : memref<!tpu.dma_semaphore, #tpu.memory_space<semaphore_mem>>) src(%dma_wait3A_181 : memref<10240x128xf32, #tpu.memory_space<vmem_shared>>) dst(%arg11 : memref<128x128xf32, #tpu.memory_space<vmem>>)
    %mul3A_182 = arith.constant 10240 : i32
    %mul3A_183 = arith.muli %arg0, %mul3A_182 : i32
    %mul3A_184 = arith.constant 640 : i32
    %mul3A_185 = arith.muli %arg1, %mul3A_184 : i32
    %add3A_186 = arith.addi %mul3A_183, %mul3A_185 : i32
    %add3A_187 = arith.constant 128 : i32
    %add3A_188 = arith.addi %add3A_186, %add3A_187 : i32
    "tpu.region"() ({
      %run_scoped3A = tpu.sem_alloc : memref<!tpu.dma_semaphore, #tpu.memory_space<semaphore_mem>>
      %dma_start3A_261 = arith.constant 0 : i32
      %dma_start3A_262 = tpu.memref_slice %arg5[%add3A_188, %dma_start3A_261] : memref<20480x128xf32, #tpu.memory_space<hbm>> -> memref<128x128xf32, #tpu.memory_space<hbm>>
      %dma_start3A_263 = arith.constant 0 : i32
      %dma_start3A_264 = tpu.memref_slice %arg5[%add3A_188, %dma_start3A_263] : memref<20480x128xf32, #tpu.memory_space<hbm>> -> memref<128x128xf32, #tpu.memory_space<hbm>>
      tpu.enqueue_dma source(%arg11 : memref<128x128xf32, #tpu.memory_space<vmem>>) target(%dma_start3A_264 : memref<128x128xf32, #tpu.memory_space<hbm>>) target_semaphore(%run_scoped3A : memref<!tpu.dma_semaphore, #tpu.memory_space<semaphore_mem>>)
      %dma_wait3A_265 = arith.constant 0 : i32
      %dma_wait3A_266 = tpu.memref_slice %arg5[%add3A_188, %dma_wait3A_265] : memref<20480x128xf32, #tpu.memory_space<hbm>> -> memref<128x128xf32, #tpu.memory_space<hbm>>
      %dma_wait3A_267 = arith.constant 0 : i32
      %dma_wait3A_268 = tpu.memref_slice %arg5[%add3A_188, %dma_wait3A_267] : memref<20480x128xf32, #tpu.memory_space<hbm>> -> memref<128x128xf32, #tpu.memory_space<hbm>>
      tpu.wait_dma2 semaphore(%run_scoped3A : memref<!tpu.dma_semaphore, #tpu.memory_space<semaphore_mem>>) src(%arg11 : memref<128x128xf32, #tpu.memory_space<vmem>>) dst(%dma_wait3A_268 : memref<128x128xf32, #tpu.memory_space<hbm>>)
      tpu.yield
    }) : () -> ()
    %mul3A_189 = arith.constant 640 : i32
    %mul3A_190 = arith.muli %arg1, %mul3A_189 : i32
    %add3A_191 = arith.constant 256 : i32
    %add3A_192 = arith.addi %mul3A_190, %add3A_191 : i32
    %scan3A_193 = arith.constant 0 : i32
    %scan3A_194 = arith.constant 0 : i32
    %scan3A_195 = arith.constant 8 : i32
    %scan3A_196 = arith.addi %scan3A_194, %scan3A_195 : i32
    %scan3A_197 = arith.constant 1 : i32
    %scan3A_198 = scf.for %scan3A_261 = %scan3A_194 to %scan3A_196 step %scan3A_197 iter_args(%scan3A_262 = %scan3A_193) -> (i32)  : i32 {
      %iota3A = tpu.iota {dimensions = array<i32: 0>} : vector<16xi32>
      %add3A_263 = vector.broadcast %add3A_192 : i32 to vector<16xi32>
      %add3A_264 = arith.addi %iota3A, %add3A_263 : vector<16xi32>
      %mul3A_265 = arith.constant 16 : i32
      %mul3A_266 = arith.muli %scan3A_261, %mul3A_265 : i32
      %add3A_267 = vector.broadcast %mul3A_266 : i32 to vector<16xi32>
      %add3A_268 = arith.addi %add3A_264, %add3A_267 : vector<16xi32>
      %mul3A_269 = arith.constant 16 : i32
      %mul3A_270 = arith.muli %scan3A_261, %mul3A_269 : i32
      %swap3A = arith.index_cast %mul3A_270 : i32 to index
      %swap3A_271 = tpu.vector_load %arg10[%swap3A] {strides = array<i32>} : memref<128xi32, #tpu.memory_space<vmem>>, vector<16xi32>,
      %swap3A_272 = vector.shape_cast %swap3A_271 : vector<16xi32> to vector<16xi32>
      %swap3A_273 = vector.shape_cast %add3A_268 : vector<16xi32> to vector<16xi32>
      tpu.vector_store %arg10[%swap3A], %swap3A_273 {strides = array<i32>} : memref<128xi32, #tpu.memory_space<vmem>>, vector<16xi32>,
      %scan3A_274 = arith.constant 0 : i32
      scf.yield %scan3A_274 : i32
    }
    %scan3A_199 = arith.constant 8 : i32
    %dma_start3A_200 = arith.constant 0 : i32
    %dma_start3A_201 = arith.constant 0 : i32
    %dma_start3A_202 = tpu.memref_slice %arg13[%dma_start3A_200, %dma_start3A_201] : memref<10240x128xf32, #tpu.memory_space<vmem_shared>> -> memref<10240x128xf32, #tpu.memory_space<vmem_shared>>
    tpu.enqueue_indirect_dma source(%dma_start3A_202 : memref<10240x128xf32, #tpu.memory_space<vmem_shared>>) target(%arg11 : memref<128x128xf32, #tpu.memory_space<vmem>>) offsets(%arg10 : memref<128xi32, #tpu.memory_space<vmem>>) semaphore(%arg14 : memref<!tpu.dma_semaphore, #tpu.memory_space<semaphore_mem>>)
    %dma_wait3A_203 = arith.constant 0 : i32
    %dma_wait3A_204 = arith.constant 0 : i32
    %dma_wait3A_205 = tpu.memref_slice %arg13[%dma_wait3A_203, %dma_wait3A_204] : memref<10240x128xf32, #tpu.memory_space<vmem_shared>> -> memref<10240x128xf32, #tpu.memory_space<vmem_shared>>
    tpu.wait_indirect_dma semaphore(%arg14 : memref<!tpu.dma_semaphore, #tpu.memory_space<semaphore_mem>>) src(%dma_wait3A_205 : memref<10240x128xf32, #tpu.memory_space<vmem_shared>>) dst(%arg11 : memref<128x128xf32, #tpu.memory_space<vmem>>)
    %mul3A_206 = arith.constant 10240 : i32
    %mul3A_207 = arith.muli %arg0, %mul3A_206 : i32
    %mul3A_208 = arith.constant 640 : i32
    %mul3A_209 = arith.muli %arg1, %mul3A_208 : i32
    %add3A_210 = arith.addi %mul3A_207, %mul3A_209 : i32
    %add3A_211 = arith.constant 256 : i32
    %add3A_212 = arith.addi %add3A_210, %add3A_211 : i32
    "tpu.region"() ({
      %run_scoped3A = tpu.sem_alloc : memref<!tpu.dma_semaphore, #tpu.memory_space<semaphore_mem>>
      %dma_start3A_261 = arith.constant 0 : i32
      %dma_start3A_262 = tpu.memref_slice %arg5[%add3A_212, %dma_start3A_261] : memref<20480x128xf32, #tpu.memory_space<hbm>> -> memref<128x128xf32, #tpu.memory_space<hbm>>
      %dma_start3A_263 = arith.constant 0 : i32
      %dma_start3A_264 = tpu.memref_slice %arg5[%add3A_212, %dma_start3A_263] : memref<20480x128xf32, #tpu.memory_space<hbm>> -> memref<128x128xf32, #tpu.memory_space<hbm>>
      tpu.enqueue_dma source(%arg11 : memref<128x128xf32, #tpu.memory_space<vmem>>) target(%dma_start3A_264 : memref<128x128xf32, #tpu.memory_space<hbm>>) target_semaphore(%run_scoped3A : memref<!tpu.dma_semaphore, #tpu.memory_space<semaphore_mem>>)
      %dma_wait3A_265 = arith.constant 0 : i32
      %dma_wait3A_266 = tpu.memref_slice %arg5[%add3A_212, %dma_wait3A_265] : memref<20480x128xf32, #tpu.memory_space<hbm>> -> memref<128x128xf32, #tpu.memory_space<hbm>>
      %dma_wait3A_267 = arith.constant 0 : i32
      %dma_wait3A_268 = tpu.memref_slice %arg5[%add3A_212, %dma_wait3A_267] : memref<20480x128xf32, #tpu.memory_space<hbm>> -> memref<128x128xf32, #tpu.memory_space<hbm>>
      tpu.wait_dma2 semaphore(%run_scoped3A : memref<!tpu.dma_semaphore, #tpu.memory_space<semaphore_mem>>) src(%arg11 : memref<128x128xf32, #tpu.memory_space<vmem>>) dst(%dma_wait3A_268 : memref<128x128xf32, #tpu.memory_space<hbm>>)
      tpu.yield
    }) : () -> ()
    %mul3A_213 = arith.constant 640 : i32
    %mul3A_214 = arith.muli %arg1, %mul3A_213 : i32
    %add3A_215 = arith.constant 384 : i32
    %add3A_216 = arith.addi %mul3A_214, %add3A_215 : i32
    %scan3A_217 = arith.constant 0 : i32
    %scan3A_218 = arith.constant 0 : i32
    %scan3A_219 = arith.constant 8 : i32
    %scan3A_220 = arith.addi %scan3A_218, %scan3A_219 : i32
    %scan3A_221 = arith.constant 1 : i32
    %scan3A_222 = scf.for %scan3A_261 = %scan3A_218 to %scan3A_220 step %scan3A_221 iter_args(%scan3A_262 = %scan3A_217) -> (i32)  : i32 {
      %iota3A = tpu.iota {dimensions = array<i32: 0>} : vector<16xi32>
      %add3A_263 = vector.broadcast %add3A_216 : i32 to vector<16xi32>
      %add3A_264 = arith.addi %iota3A, %add3A_263 : vector<16xi32>
      %mul3A_265 = arith.constant 16 : i32
      %mul3A_266 = arith.muli %scan3A_261, %mul3A_265 : i32
      %add3A_267 = vector.broadcast %mul3A_266 : i32 to vector<16xi32>
      %add3A_268 = arith.addi %add3A_264, %add3A_267 : vector<16xi32>
      %mul3A_269 = arith.constant 16 : i32
      %mul3A_270 = arith.muli %scan3A_261, %mul3A_269 : i32
      %swap3A = arith.index_cast %mul3A_270 : i32 to index
      %swap3A_271 = tpu.vector_load %arg10[%swap3A] {strides = array<i32>} : memref<128xi32, #tpu.memory_space<vmem>>, vector<16xi32>,
      %swap3A_272 = vector.shape_cast %swap3A_271 : vector<16xi32> to vector<16xi32>
      %swap3A_273 = vector.shape_cast %add3A_268 : vector<16xi32> to vector<16xi32>
      tpu.vector_store %arg10[%swap3A], %swap3A_273 {strides = array<i32>} : memref<128xi32, #tpu.memory_space<vmem>>, vector<16xi32>,
      %scan3A_274 = arith.constant 0 : i32
      scf.yield %scan3A_274 : i32
    }
    %scan3A_223 = arith.constant 8 : i32
    %dma_start3A_224 = arith.constant 0 : i32
    %dma_start3A_225 = arith.constant 0 : i32
    %dma_start3A_226 = tpu.memref_slice %arg13[%dma_start3A_224, %dma_start3A_225] : memref<10240x128xf32, #tpu.memory_space<vmem_shared>> -> memref<10240x128xf32, #tpu.memory_space<vmem_shared>>
    tpu.enqueue_indirect_dma source(%dma_start3A_226 : memref<10240x128xf32, #tpu.memory_space<vmem_shared>>) target(%arg11 : memref<128x128xf32, #tpu.memory_space<vmem>>) offsets(%arg10 : memref<128xi32, #tpu.memory_space<vmem>>) semaphore(%arg14 : memref<!tpu.dma_semaphore, #tpu.memory_space<semaphore_mem>>)
    %dma_wait3A_227 = arith.constant 0 : i32
    %dma_wait3A_228 = arith.constant 0 : i32
    %dma_wait3A_229 = tpu.memref_slice %arg13[%dma_wait3A_227, %dma_wait3A_228] : memref<10240x128xf32, #tpu.memory_space<vmem_shared>> -> memref<10240x128xf32, #tpu.memory_space<vmem_shared>>
    tpu.wait_indirect_dma semaphore(%arg14 : memref<!tpu.dma_semaphore, #tpu.memory_space<semaphore_mem>>) src(%dma_wait3A_229 : memref<10240x128xf32, #tpu.memory_space<vmem_shared>>) dst(%arg11 : memref<128x128xf32, #tpu.memory_space<vmem>>)
    %mul3A_230 = arith.constant 10240 : i32
    %mul3A_231 = arith.muli %arg0, %mul3A_230 : i32
    %mul3A_232 = arith.constant 640 : i32
    %mul3A_233 = arith.muli %arg1, %mul3A_232 : i32
    %add3A_234 = arith.addi %mul3A_231, %mul3A_233 : i32
    %add3A_235 = arith.constant 384 : i32
    %add3A_236 = arith.addi %add3A_234, %add3A_235 : i32
    "tpu.region"() ({
      %run_scoped3A = tpu.sem_alloc : memref<!tpu.dma_semaphore, #tpu.memory_space<semaphore_mem>>
      %dma_start3A_261 = arith.constant 0 : i32
      %dma_start3A_262 = tpu.memref_slice %arg5[%add3A_236, %dma_start3A_261] : memref<20480x128xf32, #tpu.memory_space<hbm>> -> memref<128x128xf32, #tpu.memory_space<hbm>>
      %dma_start3A_263 = arith.constant 0 : i32
      %dma_start3A_264 = tpu.memref_slice %arg5[%add3A_236, %dma_start3A_263] : memref<20480x128xf32, #tpu.memory_space<hbm>> -> memref<128x128xf32, #tpu.memory_space<hbm>>
      tpu.enqueue_dma source(%arg11 : memref<128x128xf32, #tpu.memory_space<vmem>>) target(%dma_start3A_264 : memref<128x128xf32, #tpu.memory_space<hbm>>) target_semaphore(%run_scoped3A : memref<!tpu.dma_semaphore, #tpu.memory_space<semaphore_mem>>)
      %dma_wait3A_265 = arith.constant 0 : i32
      %dma_wait3A_266 = tpu.memref_slice %arg5[%add3A_236, %dma_wait3A_265] : memref<20480x128xf32, #tpu.memory_space<hbm>> -> memref<128x128xf32, #tpu.memory_space<hbm>>
      %dma_wait3A_267 = arith.constant 0 : i32
      %dma_wait3A_268 = tpu.memref_slice %arg5[%add3A_236, %dma_wait3A_267] : memref<20480x128xf32, #tpu.memory_space<hbm>> -> memref<128x128xf32, #tpu.memory_space<hbm>>
      tpu.wait_dma2 semaphore(%run_scoped3A : memref<!tpu.dma_semaphore, #tpu.memory_space<semaphore_mem>>) src(%arg11 : memref<128x128xf32, #tpu.memory_space<vmem>>) dst(%dma_wait3A_268 : memref<128x128xf32, #tpu.memory_space<hbm>>)
      tpu.yield
    }) : () -> ()
    %mul3A_237 = arith.constant 640 : i32
    %mul3A_238 = arith.muli %arg1, %mul3A_237 : i32
    %add3A_239 = arith.constant 512 : i32
    %add3A_240 = arith.addi %mul3A_238, %add3A_239 : i32
    %scan3A_241 = arith.constant 0 : i32
    %scan3A_242 = arith.constant 0 : i32
    %scan3A_243 = arith.constant 8 : i32
    %scan3A_244 = arith.addi %scan3A_242, %scan3A_243 : i32
    %scan3A_245 = arith.constant 1 : i32
    %scan3A_246 = scf.for %scan3A_261 = %scan3A_242 to %scan3A_244 step %scan3A_245 iter_args(%scan3A_262 = %scan3A_241) -> (i32)  : i32 {
      %iota3A = tpu.iota {dimensions = array<i32: 0>} : vector<16xi32>
      %add3A_263 = vector.broadcast %add3A_240 : i32 to vector<16xi32>
      %add3A_264 = arith.addi %iota3A, %add3A_263 : vector<16xi32>
      %mul3A_265 = arith.constant 16 : i32
      %mul3A_266 = arith.muli %scan3A_261, %mul3A_265 : i32
      %add3A_267 = vector.broadcast %mul3A_266 : i32 to vector<16xi32>
      %add3A_268 = arith.addi %add3A_264, %add3A_267 : vector<16xi32>
      %mul3A_269 = arith.constant 16 : i32
      %mul3A_270 = arith.muli %scan3A_261, %mul3A_269 : i32
      %swap3A = arith.index_cast %mul3A_270 : i32 to index
      %swap3A_271 = tpu.vector_load %arg10[%swap3A] {strides = array<i32>} : memref<128xi32, #tpu.memory_space<vmem>>, vector<16xi32>,
      %swap3A_272 = vector.shape_cast %swap3A_271 : vector<16xi32> to vector<16xi32>
      %swap3A_273 = vector.shape_cast %add3A_268 : vector<16xi32> to vector<16xi32>
      tpu.vector_store %arg10[%swap3A], %swap3A_273 {strides = array<i32>} : memref<128xi32, #tpu.memory_space<vmem>>, vector<16xi32>,
      %scan3A_274 = arith.constant 0 : i32
      scf.yield %scan3A_274 : i32
    }
    %scan3A_247 = arith.constant 8 : i32
    %dma_start3A_248 = arith.constant 0 : i32
    %dma_start3A_249 = arith.constant 0 : i32
    %dma_start3A_250 = tpu.memref_slice %arg13[%dma_start3A_248, %dma_start3A_249] : memref<10240x128xf32, #tpu.memory_space<vmem_shared>> -> memref<10240x128xf32, #tpu.memory_space<vmem_shared>>
    tpu.enqueue_indirect_dma source(%dma_start3A_250 : memref<10240x128xf32, #tpu.memory_space<vmem_shared>>) target(%arg11 : memref<128x128xf32, #tpu.memory_space<vmem>>) offsets(%arg10 : memref<128xi32, #tpu.memory_space<vmem>>) semaphore(%arg14 : memref<!tpu.dma_semaphore, #tpu.memory_space<semaphore_mem>>)
    %dma_wait3A_251 = arith.constant 0 : i32
    %dma_wait3A_252 = arith.constant 0 : i32
    %dma_wait3A_253 = tpu.memref_slice %arg13[%dma_wait3A_251, %dma_wait3A_252] : memref<10240x128xf32, #tpu.memory_space<vmem_shared>> -> memref<10240x128xf32, #tpu.memory_space<vmem_shared>>
    tpu.wait_indirect_dma semaphore(%arg14 : memref<!tpu.dma_semaphore, #tpu.memory_space<semaphore_mem>>) src(%dma_wait3A_253 : memref<10240x128xf32, #tpu.memory_space<vmem_shared>>) dst(%arg11 : memref<128x128xf32, #tpu.memory_space<vmem>>)
    %mul3A_254 = arith.constant 10240 : i32
    %mul3A_255 = arith.muli %arg0, %mul3A_254 : i32
    %mul3A_256 = arith.constant 640 : i32
    %mul3A_257 = arith.muli %arg1, %mul3A_256 : i32
    %add3A_258 = arith.addi %mul3A_255, %mul3A_257 : i32
    %add3A_259 = arith.constant 512 : i32
    %add3A_260 = arith.addi %add3A_258, %add3A_259 : i32
    "tpu.region"() ({
      %run_scoped3A = tpu.sem_alloc : memref<!tpu.dma_semaphore, #tpu.memory_space<semaphore_mem>>
      %dma_start3A_261 = arith.constant 0 : i32
      %dma_start3A_262 = tpu.memref_slice %arg5[%add3A_260, %dma_start3A_261] : memref<20480x128xf32, #tpu.memory_space<hbm>> -> memref<128x128xf32, #tpu.memory_space<hbm>>
      %dma_start3A_263 = arith.constant 0 : i32
      %dma_start3A_264 = tpu.memref_slice %arg5[%add3A_260, %dma_start3A_263] : memref<20480x128xf32, #tpu.memory_space<hbm>> -> memref<128x128xf32, #tpu.memory_space<hbm>>
      tpu.enqueue_dma source(%arg11 : memref<128x128xf32, #tpu.memory_space<vmem>>) target(%dma_start3A_264 : memref<128x128xf32, #tpu.memory_space<hbm>>) target_semaphore(%run_scoped3A : memref<!tpu.dma_semaphore, #tpu.memory_space<semaphore_mem>>)
      %dma_wait3A_265 = arith.constant 0 : i32
      %dma_wait3A_266 = tpu.memref_slice %arg5[%add3A_260, %dma_wait3A_265] : memref<20480x128xf32, #tpu.memory_space<hbm>> -> memref<128x128xf32, #tpu.memory_space<hbm>>
      %dma_wait3A_267 = arith.constant 0 : i32
      %dma_wait3A_268 = tpu.memref_slice %arg5[%add3A_260, %dma_wait3A_267] : memref<20480x128xf32, #tpu.memory_space<hbm>> -> memref<128x128xf32, #tpu.memory_space<hbm>>
      tpu.wait_dma2 semaphore(%run_scoped3A : memref<!tpu.dma_semaphore, #tpu.memory_space<semaphore_mem>>) src(%arg11 : memref<128x128xf32, #tpu.memory_space<vmem>>) dst(%dma_wait3A_268 : memref<128x128xf32, #tpu.memory_space<hbm>>)
      tpu.yield
    }) : () -> ()
    return
  }
}

#map = affine_map<(d0, d1) -> (0)>
#map1 = affine_map<(d0, d1) -> (0, 0)>
module attributes {stable_mosaic.version = 14 : i64} {
  func.func @_deg_kernel(%arg0: i32, %arg1: i32, %arg2: memref<323584xi32, #tpu.memory_space<hbm>>, %arg3: memref<20480x128xf32, #tpu.memory_space<hbm>>, %arg4: memref<128xi32, #tpu.memory_space<vmem>>, %arg5: memref<128xi32, #tpu.memory_space<vmem>>, %arg6: memref<128x128xf32, #tpu.memory_space<vmem>>, %arg7: memref<128x128xf32, #tpu.memory_space<vmem>>, %arg8: memref<10240x128xf32, #tpu.memory_space<vmem_shared>>, %arg9: memref<!tpu.dma_semaphore, #tpu.memory_space<semaphore_mem>>) attributes {dimension_semantics = [#tpu.dimension_semantics<core_parallel>, #tpu.dimension_semantics<subcore_parallel>], iteration_bounds = array<i64: 2, 16>, scalar_prefetch = 0 : i64, scratch_operands = 6 : i64, tpu.core_type = #tpu.core_type<sc_vector_subcore>, window_params = [{transform_indices = #map}, {transform_indices = #map1}]} {
    %mul3A = arith.constant 2 : i32
    %mul3A_0 = arith.muli %arg1, %mul3A : i32
    %add3A = arith.addi %mul3A_0, %arg0 : i32
    %scan3A = arith.constant 0 : i32
    %scan3A_1 = arith.constant 0 : i32
    %scan3A_2 = arith.constant 1024 : i32
    %scan3A_3 = arith.addi %scan3A_1, %scan3A_2 : i32
    %scan3A_4 = arith.constant 1 : i32
    %scan3A_5 = scf.for %scan3A_253 = %scan3A_1 to %scan3A_3 step %scan3A_4 iter_args(%scan3A_254 = %scan3A) -> (i32)  : i32 {
      %jit3A = arith.constant 8 : i32
      %div3A = arith.divsi %scan3A_253, %jit3A : i32
      %sign3A = arith.constant 0 : i32
      %sign3A_255 = arith.cmpi sgt, %scan3A_253, %sign3A : i32
      %sign3A_256 = arith.extui %sign3A_255 : i1 to i32
      %sign3A_257 = arith.constant 0 : i32
      %sign3A_258 = arith.cmpi slt, %scan3A_253, %sign3A_257 : i32
      %sign3A_259 = arith.extui %sign3A_258 : i1 to i32
      %sign3A_260 = arith.subi %sign3A_256, %sign3A_259 : i32
      %sign3A_261 = arith.constant 0 : i32
      %sign3A_262 = arith.cmpi sgt, %jit3A, %sign3A_261 : i32
      %sign3A_263 = arith.extui %sign3A_262 : i1 to i32
      %sign3A_264 = arith.constant 0 : i32
      %sign3A_265 = arith.cmpi slt, %jit3A, %sign3A_264 : i32
      %sign3A_266 = arith.extui %sign3A_265 : i1 to i32
      %sign3A_267 = arith.subi %sign3A_263, %sign3A_266 : i32
      %ne3A = arith.cmpi ne, %sign3A_260, %sign3A_267 : i32
      %rem3A = arith.remsi %scan3A_253, %jit3A : i32
      %ne3A_268 = arith.constant 0 : i32
      %ne3A_269 = arith.cmpi ne, %rem3A, %ne3A_268 : i32
      %and3A = arith.andi %ne3A, %ne3A_269 : i1
      %sub3A = arith.constant 1 : i32
      %sub3A_270 = arith.subi %div3A, %sub3A : i32
      %select_n3A = arith.select %and3A, %sub3A_270, %div3A : i32
      %jit3A_271 = arith.constant 8 : i32
      %eq3A = arith.constant 0 : i32
      %eq3A_272 = arith.cmpi eq, %jit3A_271, %eq3A : i32
      %jit3A_273 = arith.constant 1 : i32
      %select_n3A_274 = arith.select %eq3A_272, %jit3A_273, %jit3A_271 : i32
      %rem3A_275 = arith.remsi %scan3A_253, %select_n3A_274 : i32
      %ne3A_276 = arith.constant 0 : i32
      %ne3A_277 = arith.cmpi ne, %rem3A_275, %ne3A_276 : i32
      %lt3A = arith.constant 0 : i32
      %lt3A_278 = arith.cmpi slt, %rem3A_275, %lt3A : i32
      %lt3A_279 = arith.constant 0 : i32
      %lt3A_280 = arith.cmpi slt, %select_n3A_274, %lt3A_279 : i32
      %ne3A_281 = arith.xori %lt3A_278, %lt3A_280 : i1
      %and3A_282 = arith.andi %ne3A_281, %ne3A_277 : i1
      %add3A_283 = arith.addi %rem3A_275, %select_n3A_274 : i32
      %select_n3A_284 = arith.select %and3A_282, %add3A_283, %rem3A_275 : i32
      %broadcast_in_dim3A = arith.constant 1.000000e+00 : f32
      %broadcast_in_dim3A_285 = vector.broadcast %broadcast_in_dim3A : f32 to vector<16xf32>
      %mul3A_286 = arith.constant 16 : i32
      %mul3A_287 = arith.muli %select_n3A_284, %mul3A_286 : i32
      %swap3A = arith.index_cast %select_n3A : i32 to index
      %swap3A_288 = arith.index_cast %mul3A_287 : i32 to index
      %swap3A_289 = tpu.vector_load %arg6[%swap3A, %swap3A_288] {strides = array<i32>} : memref<128x128xf32, #tpu.memory_space<vmem>>, vector<1x16xf32>,
      %swap3A_290 = vector.shape_cast %swap3A_289 : vector<1x16xf32> to vector<16xf32>
      %swap3A_291 = vector.shape_cast %broadcast_in_dim3A_285 : vector<16xf32> to vector<1x16xf32>
      tpu.vector_store %arg6[%swap3A, %swap3A_288], %swap3A_291 {strides = array<i32>} : memref<128x128xf32, #tpu.memory_space<vmem>>, vector<1x16xf32>,
      %scan3A_292 = arith.constant 0 : i32
      scf.yield %scan3A_292 : i32
    }
    %scan3A_6 = arith.constant 1024 : i32
    %mul3A_7 = arith.constant 640 : i32
    %mul3A_8 = arith.muli %arg1, %mul3A_7 : i32
    %add3A_9 = arith.constant 0 : i32
    %add3A_10 = arith.addi %mul3A_8, %add3A_9 : i32
    %scan3A_11 = arith.constant 0 : i32
    %scan3A_12 = arith.constant 0 : i32
    %scan3A_13 = arith.constant 8 : i32
    %scan3A_14 = arith.addi %scan3A_12, %scan3A_13 : i32
    %scan3A_15 = arith.constant 1 : i32
    %scan3A_16 = scf.for %scan3A_253 = %scan3A_12 to %scan3A_14 step %scan3A_15 iter_args(%scan3A_254 = %scan3A_11) -> (i32)  : i32 {
      %iota3A = tpu.iota {dimensions = array<i32: 0>} : vector<16xi32>
      %add3A_255 = vector.broadcast %add3A_10 : i32 to vector<16xi32>
      %add3A_256 = arith.addi %iota3A, %add3A_255 : vector<16xi32>
      %mul3A_257 = arith.constant 16 : i32
      %mul3A_258 = arith.muli %scan3A_253, %mul3A_257 : i32
      %add3A_259 = vector.broadcast %mul3A_258 : i32 to vector<16xi32>
      %add3A_260 = arith.addi %add3A_256, %add3A_259 : vector<16xi32>
      %mul3A_261 = arith.constant 16 : i32
      %mul3A_262 = arith.muli %scan3A_253, %mul3A_261 : i32
      %swap3A = arith.index_cast %mul3A_262 : i32 to index
      %swap3A_263 = tpu.vector_load %arg5[%swap3A] {strides = array<i32>} : memref<128xi32, #tpu.memory_space<vmem>>, vector<16xi32>,
      %swap3A_264 = vector.shape_cast %swap3A_263 : vector<16xi32> to vector<16xi32>
      %swap3A_265 = vector.shape_cast %add3A_260 : vector<16xi32> to vector<16xi32>
      tpu.vector_store %arg5[%swap3A], %swap3A_265 {strides = array<i32>} : memref<128xi32, #tpu.memory_space<vmem>>, vector<16xi32>,
      %scan3A_266 = arith.constant 0 : i32
      scf.yield %scan3A_266 : i32
    }
    %scan3A_17 = arith.constant 8 : i32
    %dma_start3A = arith.constant 0 : i32
    %dma_start3A_18 = arith.constant 0 : i32
    %dma_start3A_19 = tpu.memref_slice %arg8[%dma_start3A, %dma_start3A_18] : memref<10240x128xf32, #tpu.memory_space<vmem_shared>> -> memref<10240x128xf32, #tpu.memory_space<vmem_shared>>
    tpu.enqueue_indirect_dma source(%dma_start3A_19 : memref<10240x128xf32, #tpu.memory_space<vmem_shared>>) target(%arg7 : memref<128x128xf32, #tpu.memory_space<vmem>>) offsets(%arg5 : memref<128xi32, #tpu.memory_space<vmem>>) semaphore(%arg9 : memref<!tpu.dma_semaphore, #tpu.memory_space<semaphore_mem>>)
    %dma_wait3A = arith.constant 0 : i32
    %dma_wait3A_20 = arith.constant 0 : i32
    %dma_wait3A_21 = tpu.memref_slice %arg8[%dma_wait3A, %dma_wait3A_20] : memref<10240x128xf32, #tpu.memory_space<vmem_shared>> -> memref<10240x128xf32, #tpu.memory_space<vmem_shared>>
    tpu.wait_indirect_dma semaphore(%arg9 : memref<!tpu.dma_semaphore, #tpu.memory_space<semaphore_mem>>) src(%dma_wait3A_21 : memref<10240x128xf32, #tpu.memory_space<vmem_shared>>) dst(%arg7 : memref<128x128xf32, #tpu.memory_space<vmem>>)
    %scan3A_22 = arith.constant 0 : i32
    %scan3A_23 = arith.constant 0 : i32
    %scan3A_24 = arith.constant 1024 : i32
    %scan3A_25 = arith.addi %scan3A_23, %scan3A_24 : i32
    %scan3A_26 = arith.constant 1 : i32
    %scan3A_27 = scf.for %scan3A_253 = %scan3A_23 to %scan3A_25 step %scan3A_26 iter_args(%scan3A_254 = %scan3A_22) -> (i32)  : i32 {
      %jit3A = arith.constant 8 : i32
      %div3A = arith.divsi %scan3A_253, %jit3A : i32
      %sign3A = arith.constant 0 : i32
      %sign3A_255 = arith.cmpi sgt, %scan3A_253, %sign3A : i32
      %sign3A_256 = arith.extui %sign3A_255 : i1 to i32
      %sign3A_257 = arith.constant 0 : i32
      %sign3A_258 = arith.cmpi slt, %scan3A_253, %sign3A_257 : i32
      %sign3A_259 = arith.extui %sign3A_258 : i1 to i32
      %sign3A_260 = arith.subi %sign3A_256, %sign3A_259 : i32
      %sign3A_261 = arith.constant 0 : i32
      %sign3A_262 = arith.cmpi sgt, %jit3A, %sign3A_261 : i32
      %sign3A_263 = arith.extui %sign3A_262 : i1 to i32
      %sign3A_264 = arith.constant 0 : i32
      %sign3A_265 = arith.cmpi slt, %jit3A, %sign3A_264 : i32
      %sign3A_266 = arith.extui %sign3A_265 : i1 to i32
      %sign3A_267 = arith.subi %sign3A_263, %sign3A_266 : i32
      %ne3A = arith.cmpi ne, %sign3A_260, %sign3A_267 : i32
      %rem3A = arith.remsi %scan3A_253, %jit3A : i32
      %ne3A_268 = arith.constant 0 : i32
      %ne3A_269 = arith.cmpi ne, %rem3A, %ne3A_268 : i32
      %and3A = arith.andi %ne3A, %ne3A_269 : i1
      %sub3A = arith.constant 1 : i32
      %sub3A_270 = arith.subi %div3A, %sub3A : i32
      %select_n3A = arith.select %and3A, %sub3A_270, %div3A : i32
      %jit3A_271 = arith.constant 8 : i32
      %eq3A = arith.constant 0 : i32
      %eq3A_272 = arith.cmpi eq, %jit3A_271, %eq3A : i32
      %jit3A_273 = arith.constant 1 : i32
      %select_n3A_274 = arith.select %eq3A_272, %jit3A_273, %jit3A_271 : i32
      %rem3A_275 = arith.remsi %scan3A_253, %select_n3A_274 : i32
      %ne3A_276 = arith.constant 0 : i32
      %ne3A_277 = arith.cmpi ne, %rem3A_275, %ne3A_276 : i32
      %lt3A = arith.constant 0 : i32
      %lt3A_278 = arith.cmpi slt, %rem3A_275, %lt3A : i32
      %lt3A_279 = arith.constant 0 : i32
      %lt3A_280 = arith.cmpi slt, %select_n3A_274, %lt3A_279 : i32
      %ne3A_281 = arith.xori %lt3A_278, %lt3A_280 : i1
      %and3A_282 = arith.andi %ne3A_281, %ne3A_277 : i1
      %add3A_283 = arith.addi %rem3A_275, %select_n3A_274 : i32
      %select_n3A_284 = arith.select %and3A_282, %add3A_283, %rem3A_275 : i32
      %mul3A_285 = arith.constant 16 : i32
      %mul3A_286 = arith.muli %select_n3A_284, %mul3A_285 : i32
      %get3A = arith.index_cast %select_n3A : i32 to index
      %get3A_287 = arith.index_cast %mul3A_286 : i32 to index
      %get3A_288 = tpu.vector_load %arg7[%get3A, %get3A_287] {strides = array<i32>} : memref<128x128xf32, #tpu.memory_space<vmem>>, vector<1x16xf32>,
      %get3A_289 = vector.shape_cast %get3A_288 : vector<1x16xf32> to vector<16xf32>
      %neg3A = arith.constant 0.000000e+00 : f32
      %neg3A_290 = vector.broadcast %neg3A : f32 to vector<16xf32>
      %neg3A_291 = arith.subf %neg3A_290, %get3A_289 : vector<16xf32>
      %mul3A_292 = arith.constant 16 : i32
      %mul3A_293 = arith.muli %select_n3A_284, %mul3A_292 : i32
      %swap3A = arith.index_cast %select_n3A : i32 to index
      %swap3A_294 = arith.index_cast %mul3A_293 : i32 to index
      %swap3A_295 = tpu.vector_load %arg7[%swap3A, %swap3A_294] {strides = array<i32>} : memref<128x128xf32, #tpu.memory_space<vmem>>, vector<1x16xf32>,
      %swap3A_296 = vector.shape_cast %swap3A_295 : vector<1x16xf32> to vector<16xf32>
      %swap3A_297 = vector.shape_cast %neg3A_291 : vector<16xf32> to vector<1x16xf32>
      tpu.vector_store %arg7[%swap3A, %swap3A_294], %swap3A_297 {strides = array<i32>} : memref<128x128xf32, #tpu.memory_space<vmem>>, vector<1x16xf32>,
      %scan3A_298 = arith.constant 0 : i32
      scf.yield %scan3A_298 : i32
    }
    %scan3A_28 = arith.constant 1024 : i32
    "tpu.region"() ({
      %run_scoped3A = tpu.sem_alloc : memref<!tpu.dma_semaphore, #tpu.memory_space<semaphore_mem>>
      %dma_start3A_253 = arith.constant 0 : i32
      %dma_start3A_254 = arith.constant 0 : i32
      %dma_start3A_255 = tpu.memref_slice %arg8[%dma_start3A_253, %dma_start3A_254] : memref<10240x128xf32, #tpu.memory_space<vmem_shared>> -> memref<10240x128xf32, #tpu.memory_space<vmem_shared>>
      tpu.enqueue_indirect_dma source(%arg7 : memref<128x128xf32, #tpu.memory_space<vmem>>) target(%dma_start3A_255 : memref<10240x128xf32, #tpu.memory_space<vmem_shared>>) offsets(%arg5 : memref<128xi32, #tpu.memory_space<vmem>>) semaphore(%run_scoped3A : memref<!tpu.dma_semaphore, #tpu.memory_space<semaphore_mem>>) {add = true}
      %dma_wait3A_256 = arith.constant 0 : i32
      %dma_wait3A_257 = arith.constant 0 : i32
      %dma_wait3A_258 = tpu.memref_slice %arg8[%dma_wait3A_256, %dma_wait3A_257] : memref<10240x128xf32, #tpu.memory_space<vmem_shared>> -> memref<10240x128xf32, #tpu.memory_space<vmem_shared>>
      tpu.wait_indirect_dma semaphore(%run_scoped3A : memref<!tpu.dma_semaphore, #tpu.memory_space<semaphore_mem>>) src(%arg7 : memref<128x128xf32, #tpu.memory_space<vmem>>) dst(%dma_wait3A_258 : memref<10240x128xf32, #tpu.memory_space<vmem_shared>>)
      tpu.yield
    }) : () -> ()
    %mul3A_29 = arith.constant 640 : i32
    %mul3A_30 = arith.muli %arg1, %mul3A_29 : i32
    %add3A_31 = arith.constant 128 : i32
    %add3A_32 = arith.addi %mul3A_30, %add3A_31 : i32
    %scan3A_33 = arith.constant 0 : i32
    %scan3A_34 = arith.constant 0 : i32
    %scan3A_35 = arith.constant 8 : i32
    %scan3A_36 = arith.addi %scan3A_34, %scan3A_35 : i32
    %scan3A_37 = arith.constant 1 : i32
    %scan3A_38 = scf.for %scan3A_253 = %scan3A_34 to %scan3A_36 step %scan3A_37 iter_args(%scan3A_254 = %scan3A_33) -> (i32)  : i32 {
      %iota3A = tpu.iota {dimensions = array<i32: 0>} : vector<16xi32>
      %add3A_255 = vector.broadcast %add3A_32 : i32 to vector<16xi32>
      %add3A_256 = arith.addi %iota3A, %add3A_255 : vector<16xi32>
      %mul3A_257 = arith.constant 16 : i32
      %mul3A_258 = arith.muli %scan3A_253, %mul3A_257 : i32
      %add3A_259 = vector.broadcast %mul3A_258 : i32 to vector<16xi32>
      %add3A_260 = arith.addi %add3A_256, %add3A_259 : vector<16xi32>
      %mul3A_261 = arith.constant 16 : i32
      %mul3A_262 = arith.muli %scan3A_253, %mul3A_261 : i32
      %swap3A = arith.index_cast %mul3A_262 : i32 to index
      %swap3A_263 = tpu.vector_load %arg5[%swap3A] {strides = array<i32>} : memref<128xi32, #tpu.memory_space<vmem>>, vector<16xi32>,
      %swap3A_264 = vector.shape_cast %swap3A_263 : vector<16xi32> to vector<16xi32>
      %swap3A_265 = vector.shape_cast %add3A_260 : vector<16xi32> to vector<16xi32>
      tpu.vector_store %arg5[%swap3A], %swap3A_265 {strides = array<i32>} : memref<128xi32, #tpu.memory_space<vmem>>, vector<16xi32>,
      %scan3A_266 = arith.constant 0 : i32
      scf.yield %scan3A_266 : i32
    }
    %scan3A_39 = arith.constant 8 : i32
    %dma_start3A_40 = arith.constant 0 : i32
    %dma_start3A_41 = arith.constant 0 : i32
    %dma_start3A_42 = tpu.memref_slice %arg8[%dma_start3A_40, %dma_start3A_41] : memref<10240x128xf32, #tpu.memory_space<vmem_shared>> -> memref<10240x128xf32, #tpu.memory_space<vmem_shared>>
    tpu.enqueue_indirect_dma source(%dma_start3A_42 : memref<10240x128xf32, #tpu.memory_space<vmem_shared>>) target(%arg7 : memref<128x128xf32, #tpu.memory_space<vmem>>) offsets(%arg5 : memref<128xi32, #tpu.memory_space<vmem>>) semaphore(%arg9 : memref<!tpu.dma_semaphore, #tpu.memory_space<semaphore_mem>>)
    %dma_wait3A_43 = arith.constant 0 : i32
    %dma_wait3A_44 = arith.constant 0 : i32
    %dma_wait3A_45 = tpu.memref_slice %arg8[%dma_wait3A_43, %dma_wait3A_44] : memref<10240x128xf32, #tpu.memory_space<vmem_shared>> -> memref<10240x128xf32, #tpu.memory_space<vmem_shared>>
    tpu.wait_indirect_dma semaphore(%arg9 : memref<!tpu.dma_semaphore, #tpu.memory_space<semaphore_mem>>) src(%dma_wait3A_45 : memref<10240x128xf32, #tpu.memory_space<vmem_shared>>) dst(%arg7 : memref<128x128xf32, #tpu.memory_space<vmem>>)
    %scan3A_46 = arith.constant 0 : i32
    %scan3A_47 = arith.constant 0 : i32
    %scan3A_48 = arith.constant 1024 : i32
    %scan3A_49 = arith.addi %scan3A_47, %scan3A_48 : i32
    %scan3A_50 = arith.constant 1 : i32
    %scan3A_51 = scf.for %scan3A_253 = %scan3A_47 to %scan3A_49 step %scan3A_50 iter_args(%scan3A_254 = %scan3A_46) -> (i32)  : i32 {
      %jit3A = arith.constant 8 : i32
      %div3A = arith.divsi %scan3A_253, %jit3A : i32
      %sign3A = arith.constant 0 : i32
      %sign3A_255 = arith.cmpi sgt, %scan3A_253, %sign3A : i32
      %sign3A_256 = arith.extui %sign3A_255 : i1 to i32
      %sign3A_257 = arith.constant 0 : i32
      %sign3A_258 = arith.cmpi slt, %scan3A_253, %sign3A_257 : i32
      %sign3A_259 = arith.extui %sign3A_258 : i1 to i32
      %sign3A_260 = arith.subi %sign3A_256, %sign3A_259 : i32
      %sign3A_261 = arith.constant 0 : i32
      %sign3A_262 = arith.cmpi sgt, %jit3A, %sign3A_261 : i32
      %sign3A_263 = arith.extui %sign3A_262 : i1 to i32
      %sign3A_264 = arith.constant 0 : i32
      %sign3A_265 = arith.cmpi slt, %jit3A, %sign3A_264 : i32
      %sign3A_266 = arith.extui %sign3A_265 : i1 to i32
      %sign3A_267 = arith.subi %sign3A_263, %sign3A_266 : i32
      %ne3A = arith.cmpi ne, %sign3A_260, %sign3A_267 : i32
      %rem3A = arith.remsi %scan3A_253, %jit3A : i32
      %ne3A_268 = arith.constant 0 : i32
      %ne3A_269 = arith.cmpi ne, %rem3A, %ne3A_268 : i32
      %and3A = arith.andi %ne3A, %ne3A_269 : i1
      %sub3A = arith.constant 1 : i32
      %sub3A_270 = arith.subi %div3A, %sub3A : i32
      %select_n3A = arith.select %and3A, %sub3A_270, %div3A : i32
      %jit3A_271 = arith.constant 8 : i32
      %eq3A = arith.constant 0 : i32
      %eq3A_272 = arith.cmpi eq, %jit3A_271, %eq3A : i32
      %jit3A_273 = arith.constant 1 : i32
      %select_n3A_274 = arith.select %eq3A_272, %jit3A_273, %jit3A_271 : i32
      %rem3A_275 = arith.remsi %scan3A_253, %select_n3A_274 : i32
      %ne3A_276 = arith.constant 0 : i32
      %ne3A_277 = arith.cmpi ne, %rem3A_275, %ne3A_276 : i32
      %lt3A = arith.constant 0 : i32
      %lt3A_278 = arith.cmpi slt, %rem3A_275, %lt3A : i32
      %lt3A_279 = arith.constant 0 : i32
      %lt3A_280 = arith.cmpi slt, %select_n3A_274, %lt3A_279 : i32
      %ne3A_281 = arith.xori %lt3A_278, %lt3A_280 : i1
      %and3A_282 = arith.andi %ne3A_281, %ne3A_277 : i1
      %add3A_283 = arith.addi %rem3A_275, %select_n3A_274 : i32
      %select_n3A_284 = arith.select %and3A_282, %add3A_283, %rem3A_275 : i32
      %mul3A_285 = arith.constant 16 : i32
      %mul3A_286 = arith.muli %select_n3A_284, %mul3A_285 : i32
      %get3A = arith.index_cast %select_n3A : i32 to index
      %get3A_287 = arith.index_cast %mul3A_286 : i32 to index
      %get3A_288 = tpu.vector_load %arg7[%get3A, %get3A_287] {strides = array<i32>} : memref<128x128xf32, #tpu.memory_space<vmem>>, vector<1x16xf32>,
      %get3A_289 = vector.shape_cast %get3A_288 : vector<1x16xf32> to vector<16xf32>
      %neg3A = arith.constant 0.000000e+00 : f32
      %neg3A_290 = vector.broadcast %neg3A : f32 to vector<16xf32>
      %neg3A_291 = arith.subf %neg3A_290, %get3A_289 : vector<16xf32>
      %mul3A_292 = arith.constant 16 : i32
      %mul3A_293 = arith.muli %select_n3A_284, %mul3A_292 : i32
      %swap3A = arith.index_cast %select_n3A : i32 to index
      %swap3A_294 = arith.index_cast %mul3A_293 : i32 to index
      %swap3A_295 = tpu.vector_load %arg7[%swap3A, %swap3A_294] {strides = array<i32>} : memref<128x128xf32, #tpu.memory_space<vmem>>, vector<1x16xf32>,
      %swap3A_296 = vector.shape_cast %swap3A_295 : vector<1x16xf32> to vector<16xf32>
      %swap3A_297 = vector.shape_cast %neg3A_291 : vector<16xf32> to vector<1x16xf32>
      tpu.vector_store %arg7[%swap3A, %swap3A_294], %swap3A_297 {strides = array<i32>} : memref<128x128xf32, #tpu.memory_space<vmem>>, vector<1x16xf32>,
      %scan3A_298 = arith.constant 0 : i32
      scf.yield %scan3A_298 : i32
    }
    %scan3A_52 = arith.constant 1024 : i32
    "tpu.region"() ({
      %run_scoped3A = tpu.sem_alloc : memref<!tpu.dma_semaphore, #tpu.memory_space<semaphore_mem>>
      %dma_start3A_253 = arith.constant 0 : i32
      %dma_start3A_254 = arith.constant 0 : i32
      %dma_start3A_255 = tpu.memref_slice %arg8[%dma_start3A_253, %dma_start3A_254] : memref<10240x128xf32, #tpu.memory_space<vmem_shared>> -> memref<10240x128xf32, #tpu.memory_space<vmem_shared>>
      tpu.enqueue_indirect_dma source(%arg7 : memref<128x128xf32, #tpu.memory_space<vmem>>) target(%dma_start3A_255 : memref<10240x128xf32, #tpu.memory_space<vmem_shared>>) offsets(%arg5 : memref<128xi32, #tpu.memory_space<vmem>>) semaphore(%run_scoped3A : memref<!tpu.dma_semaphore, #tpu.memory_space<semaphore_mem>>) {add = true}
      %dma_wait3A_256 = arith.constant 0 : i32
      %dma_wait3A_257 = arith.constant 0 : i32
      %dma_wait3A_258 = tpu.memref_slice %arg8[%dma_wait3A_256, %dma_wait3A_257] : memref<10240x128xf32, #tpu.memory_space<vmem_shared>> -> memref<10240x128xf32, #tpu.memory_space<vmem_shared>>
      tpu.wait_indirect_dma semaphore(%run_scoped3A : memref<!tpu.dma_semaphore, #tpu.memory_space<semaphore_mem>>) src(%arg7 : memref<128x128xf32, #tpu.memory_space<vmem>>) dst(%dma_wait3A_258 : memref<10240x128xf32, #tpu.memory_space<vmem_shared>>)
      tpu.yield
    }) : () -> ()
    %mul3A_53 = arith.constant 640 : i32
    %mul3A_54 = arith.muli %arg1, %mul3A_53 : i32
    %add3A_55 = arith.constant 256 : i32
    %add3A_56 = arith.addi %mul3A_54, %add3A_55 : i32
    %scan3A_57 = arith.constant 0 : i32
    %scan3A_58 = arith.constant 0 : i32
    %scan3A_59 = arith.constant 8 : i32
    %scan3A_60 = arith.addi %scan3A_58, %scan3A_59 : i32
    %scan3A_61 = arith.constant 1 : i32
    %scan3A_62 = scf.for %scan3A_253 = %scan3A_58 to %scan3A_60 step %scan3A_61 iter_args(%scan3A_254 = %scan3A_57) -> (i32)  : i32 {
      %iota3A = tpu.iota {dimensions = array<i32: 0>} : vector<16xi32>
      %add3A_255 = vector.broadcast %add3A_56 : i32 to vector<16xi32>
      %add3A_256 = arith.addi %iota3A, %add3A_255 : vector<16xi32>
      %mul3A_257 = arith.constant 16 : i32
      %mul3A_258 = arith.muli %scan3A_253, %mul3A_257 : i32
      %add3A_259 = vector.broadcast %mul3A_258 : i32 to vector<16xi32>
      %add3A_260 = arith.addi %add3A_256, %add3A_259 : vector<16xi32>
      %mul3A_261 = arith.constant 16 : i32
      %mul3A_262 = arith.muli %scan3A_253, %mul3A_261 : i32
      %swap3A = arith.index_cast %mul3A_262 : i32 to index
      %swap3A_263 = tpu.vector_load %arg5[%swap3A] {strides = array<i32>} : memref<128xi32, #tpu.memory_space<vmem>>, vector<16xi32>,
      %swap3A_264 = vector.shape_cast %swap3A_263 : vector<16xi32> to vector<16xi32>
      %swap3A_265 = vector.shape_cast %add3A_260 : vector<16xi32> to vector<16xi32>
      tpu.vector_store %arg5[%swap3A], %swap3A_265 {strides = array<i32>} : memref<128xi32, #tpu.memory_space<vmem>>, vector<16xi32>,
      %scan3A_266 = arith.constant 0 : i32
      scf.yield %scan3A_266 : i32
    }
    %scan3A_63 = arith.constant 8 : i32
    %dma_start3A_64 = arith.constant 0 : i32
    %dma_start3A_65 = arith.constant 0 : i32
    %dma_start3A_66 = tpu.memref_slice %arg8[%dma_start3A_64, %dma_start3A_65] : memref<10240x128xf32, #tpu.memory_space<vmem_shared>> -> memref<10240x128xf32, #tpu.memory_space<vmem_shared>>
    tpu.enqueue_indirect_dma source(%dma_start3A_66 : memref<10240x128xf32, #tpu.memory_space<vmem_shared>>) target(%arg7 : memref<128x128xf32, #tpu.memory_space<vmem>>) offsets(%arg5 : memref<128xi32, #tpu.memory_space<vmem>>) semaphore(%arg9 : memref<!tpu.dma_semaphore, #tpu.memory_space<semaphore_mem>>)
    %dma_wait3A_67 = arith.constant 0 : i32
    %dma_wait3A_68 = arith.constant 0 : i32
    %dma_wait3A_69 = tpu.memref_slice %arg8[%dma_wait3A_67, %dma_wait3A_68] : memref<10240x128xf32, #tpu.memory_space<vmem_shared>> -> memref<10240x128xf32, #tpu.memory_space<vmem_shared>>
    tpu.wait_indirect_dma semaphore(%arg9 : memref<!tpu.dma_semaphore, #tpu.memory_space<semaphore_mem>>) src(%dma_wait3A_69 : memref<10240x128xf32, #tpu.memory_space<vmem_shared>>) dst(%arg7 : memref<128x128xf32, #tpu.memory_space<vmem>>)
    %scan3A_70 = arith.constant 0 : i32
    %scan3A_71 = arith.constant 0 : i32
    %scan3A_72 = arith.constant 1024 : i32
    %scan3A_73 = arith.addi %scan3A_71, %scan3A_72 : i32
    %scan3A_74 = arith.constant 1 : i32
    %scan3A_75 = scf.for %scan3A_253 = %scan3A_71 to %scan3A_73 step %scan3A_74 iter_args(%scan3A_254 = %scan3A_70) -> (i32)  : i32 {
      %jit3A = arith.constant 8 : i32
      %div3A = arith.divsi %scan3A_253, %jit3A : i32
      %sign3A = arith.constant 0 : i32
      %sign3A_255 = arith.cmpi sgt, %scan3A_253, %sign3A : i32
      %sign3A_256 = arith.extui %sign3A_255 : i1 to i32
      %sign3A_257 = arith.constant 0 : i32
      %sign3A_258 = arith.cmpi slt, %scan3A_253, %sign3A_257 : i32
      %sign3A_259 = arith.extui %sign3A_258 : i1 to i32
      %sign3A_260 = arith.subi %sign3A_256, %sign3A_259 : i32
      %sign3A_261 = arith.constant 0 : i32
      %sign3A_262 = arith.cmpi sgt, %jit3A, %sign3A_261 : i32
      %sign3A_263 = arith.extui %sign3A_262 : i1 to i32
      %sign3A_264 = arith.constant 0 : i32
      %sign3A_265 = arith.cmpi slt, %jit3A, %sign3A_264 : i32
      %sign3A_266 = arith.extui %sign3A_265 : i1 to i32
      %sign3A_267 = arith.subi %sign3A_263, %sign3A_266 : i32
      %ne3A = arith.cmpi ne, %sign3A_260, %sign3A_267 : i32
      %rem3A = arith.remsi %scan3A_253, %jit3A : i32
      %ne3A_268 = arith.constant 0 : i32
      %ne3A_269 = arith.cmpi ne, %rem3A, %ne3A_268 : i32
      %and3A = arith.andi %ne3A, %ne3A_269 : i1
      %sub3A = arith.constant 1 : i32
      %sub3A_270 = arith.subi %div3A, %sub3A : i32
      %select_n3A = arith.select %and3A, %sub3A_270, %div3A : i32
      %jit3A_271 = arith.constant 8 : i32
      %eq3A = arith.constant 0 : i32
      %eq3A_272 = arith.cmpi eq, %jit3A_271, %eq3A : i32
      %jit3A_273 = arith.constant 1 : i32
      %select_n3A_274 = arith.select %eq3A_272, %jit3A_273, %jit3A_271 : i32
      %rem3A_275 = arith.remsi %scan3A_253, %select_n3A_274 : i32
      %ne3A_276 = arith.constant 0 : i32
      %ne3A_277 = arith.cmpi ne, %rem3A_275, %ne3A_276 : i32
      %lt3A = arith.constant 0 : i32
      %lt3A_278 = arith.cmpi slt, %rem3A_275, %lt3A : i32
      %lt3A_279 = arith.constant 0 : i32
      %lt3A_280 = arith.cmpi slt, %select_n3A_274, %lt3A_279 : i32
      %ne3A_281 = arith.xori %lt3A_278, %lt3A_280 : i1
      %and3A_282 = arith.andi %ne3A_281, %ne3A_277 : i1
      %add3A_283 = arith.addi %rem3A_275, %select_n3A_274 : i32
      %select_n3A_284 = arith.select %and3A_282, %add3A_283, %rem3A_275 : i32
      %mul3A_285 = arith.constant 16 : i32
      %mul3A_286 = arith.muli %select_n3A_284, %mul3A_285 : i32
      %get3A = arith.index_cast %select_n3A : i32 to index
      %get3A_287 = arith.index_cast %mul3A_286 : i32 to index
      %get3A_288 = tpu.vector_load %arg7[%get3A, %get3A_287] {strides = array<i32>} : memref<128x128xf32, #tpu.memory_space<vmem>>, vector<1x16xf32>,
      %get3A_289 = vector.shape_cast %get3A_288 : vector<1x16xf32> to vector<16xf32>
      %neg3A = arith.constant 0.000000e+00 : f32
      %neg3A_290 = vector.broadcast %neg3A : f32 to vector<16xf32>
      %neg3A_291 = arith.subf %neg3A_290, %get3A_289 : vector<16xf32>
      %mul3A_292 = arith.constant 16 : i32
      %mul3A_293 = arith.muli %select_n3A_284, %mul3A_292 : i32
      %swap3A = arith.index_cast %select_n3A : i32 to index
      %swap3A_294 = arith.index_cast %mul3A_293 : i32 to index
      %swap3A_295 = tpu.vector_load %arg7[%swap3A, %swap3A_294] {strides = array<i32>} : memref<128x128xf32, #tpu.memory_space<vmem>>, vector<1x16xf32>,
      %swap3A_296 = vector.shape_cast %swap3A_295 : vector<1x16xf32> to vector<16xf32>
      %swap3A_297 = vector.shape_cast %neg3A_291 : vector<16xf32> to vector<1x16xf32>
      tpu.vector_store %arg7[%swap3A, %swap3A_294], %swap3A_297 {strides = array<i32>} : memref<128x128xf32, #tpu.memory_space<vmem>>, vector<1x16xf32>,
      %scan3A_298 = arith.constant 0 : i32
      scf.yield %scan3A_298 : i32
    }
    %scan3A_76 = arith.constant 1024 : i32
    "tpu.region"() ({
      %run_scoped3A = tpu.sem_alloc : memref<!tpu.dma_semaphore, #tpu.memory_space<semaphore_mem>>
      %dma_start3A_253 = arith.constant 0 : i32
      %dma_start3A_254 = arith.constant 0 : i32
      %dma_start3A_255 = tpu.memref_slice %arg8[%dma_start3A_253, %dma_start3A_254] : memref<10240x128xf32, #tpu.memory_space<vmem_shared>> -> memref<10240x128xf32, #tpu.memory_space<vmem_shared>>
      tpu.enqueue_indirect_dma source(%arg7 : memref<128x128xf32, #tpu.memory_space<vmem>>) target(%dma_start3A_255 : memref<10240x128xf32, #tpu.memory_space<vmem_shared>>) offsets(%arg5 : memref<128xi32, #tpu.memory_space<vmem>>) semaphore(%run_scoped3A : memref<!tpu.dma_semaphore, #tpu.memory_space<semaphore_mem>>) {add = true}
      %dma_wait3A_256 = arith.constant 0 : i32
      %dma_wait3A_257 = arith.constant 0 : i32
      %dma_wait3A_258 = tpu.memref_slice %arg8[%dma_wait3A_256, %dma_wait3A_257] : memref<10240x128xf32, #tpu.memory_space<vmem_shared>> -> memref<10240x128xf32, #tpu.memory_space<vmem_shared>>
      tpu.wait_indirect_dma semaphore(%run_scoped3A : memref<!tpu.dma_semaphore, #tpu.memory_space<semaphore_mem>>) src(%arg7 : memref<128x128xf32, #tpu.memory_space<vmem>>) dst(%dma_wait3A_258 : memref<10240x128xf32, #tpu.memory_space<vmem_shared>>)
      tpu.yield
    }) : () -> ()
    %mul3A_77 = arith.constant 640 : i32
    %mul3A_78 = arith.muli %arg1, %mul3A_77 : i32
    %add3A_79 = arith.constant 384 : i32
    %add3A_80 = arith.addi %mul3A_78, %add3A_79 : i32
    %scan3A_81 = arith.constant 0 : i32
    %scan3A_82 = arith.constant 0 : i32
    %scan3A_83 = arith.constant 8 : i32
    %scan3A_84 = arith.addi %scan3A_82, %scan3A_83 : i32
    %scan3A_85 = arith.constant 1 : i32
    %scan3A_86 = scf.for %scan3A_253 = %scan3A_82 to %scan3A_84 step %scan3A_85 iter_args(%scan3A_254 = %scan3A_81) -> (i32)  : i32 {
      %iota3A = tpu.iota {dimensions = array<i32: 0>} : vector<16xi32>
      %add3A_255 = vector.broadcast %add3A_80 : i32 to vector<16xi32>
      %add3A_256 = arith.addi %iota3A, %add3A_255 : vector<16xi32>
      %mul3A_257 = arith.constant 16 : i32
      %mul3A_258 = arith.muli %scan3A_253, %mul3A_257 : i32
      %add3A_259 = vector.broadcast %mul3A_258 : i32 to vector<16xi32>
      %add3A_260 = arith.addi %add3A_256, %add3A_259 : vector<16xi32>
      %mul3A_261 = arith.constant 16 : i32
      %mul3A_262 = arith.muli %scan3A_253, %mul3A_261 : i32
      %swap3A = arith.index_cast %mul3A_262 : i32 to index
      %swap3A_263 = tpu.vector_load %arg5[%swap3A] {strides = array<i32>} : memref<128xi32, #tpu.memory_space<vmem>>, vector<16xi32>,
      %swap3A_264 = vector.shape_cast %swap3A_263 : vector<16xi32> to vector<16xi32>
      %swap3A_265 = vector.shape_cast %add3A_260 : vector<16xi32> to vector<16xi32>
      tpu.vector_store %arg5[%swap3A], %swap3A_265 {strides = array<i32>} : memref<128xi32, #tpu.memory_space<vmem>>, vector<16xi32>,
      %scan3A_266 = arith.constant 0 : i32
      scf.yield %scan3A_266 : i32
    }
    %scan3A_87 = arith.constant 8 : i32
    %dma_start3A_88 = arith.constant 0 : i32
    %dma_start3A_89 = arith.constant 0 : i32
    %dma_start3A_90 = tpu.memref_slice %arg8[%dma_start3A_88, %dma_start3A_89] : memref<10240x128xf32, #tpu.memory_space<vmem_shared>> -> memref<10240x128xf32, #tpu.memory_space<vmem_shared>>
    tpu.enqueue_indirect_dma source(%dma_start3A_90 : memref<10240x128xf32, #tpu.memory_space<vmem_shared>>) target(%arg7 : memref<128x128xf32, #tpu.memory_space<vmem>>) offsets(%arg5 : memref<128xi32, #tpu.memory_space<vmem>>) semaphore(%arg9 : memref<!tpu.dma_semaphore, #tpu.memory_space<semaphore_mem>>)
    %dma_wait3A_91 = arith.constant 0 : i32
    %dma_wait3A_92 = arith.constant 0 : i32
    %dma_wait3A_93 = tpu.memref_slice %arg8[%dma_wait3A_91, %dma_wait3A_92] : memref<10240x128xf32, #tpu.memory_space<vmem_shared>> -> memref<10240x128xf32, #tpu.memory_space<vmem_shared>>
    tpu.wait_indirect_dma semaphore(%arg9 : memref<!tpu.dma_semaphore, #tpu.memory_space<semaphore_mem>>) src(%dma_wait3A_93 : memref<10240x128xf32, #tpu.memory_space<vmem_shared>>) dst(%arg7 : memref<128x128xf32, #tpu.memory_space<vmem>>)
    %scan3A_94 = arith.constant 0 : i32
    %scan3A_95 = arith.constant 0 : i32
    %scan3A_96 = arith.constant 1024 : i32
    %scan3A_97 = arith.addi %scan3A_95, %scan3A_96 : i32
    %scan3A_98 = arith.constant 1 : i32
    %scan3A_99 = scf.for %scan3A_253 = %scan3A_95 to %scan3A_97 step %scan3A_98 iter_args(%scan3A_254 = %scan3A_94) -> (i32)  : i32 {
      %jit3A = arith.constant 8 : i32
      %div3A = arith.divsi %scan3A_253, %jit3A : i32
      %sign3A = arith.constant 0 : i32
      %sign3A_255 = arith.cmpi sgt, %scan3A_253, %sign3A : i32
      %sign3A_256 = arith.extui %sign3A_255 : i1 to i32
      %sign3A_257 = arith.constant 0 : i32
      %sign3A_258 = arith.cmpi slt, %scan3A_253, %sign3A_257 : i32
      %sign3A_259 = arith.extui %sign3A_258 : i1 to i32
      %sign3A_260 = arith.subi %sign3A_256, %sign3A_259 : i32
      %sign3A_261 = arith.constant 0 : i32
      %sign3A_262 = arith.cmpi sgt, %jit3A, %sign3A_261 : i32
      %sign3A_263 = arith.extui %sign3A_262 : i1 to i32
      %sign3A_264 = arith.constant 0 : i32
      %sign3A_265 = arith.cmpi slt, %jit3A, %sign3A_264 : i32
      %sign3A_266 = arith.extui %sign3A_265 : i1 to i32
      %sign3A_267 = arith.subi %sign3A_263, %sign3A_266 : i32
      %ne3A = arith.cmpi ne, %sign3A_260, %sign3A_267 : i32
      %rem3A = arith.remsi %scan3A_253, %jit3A : i32
      %ne3A_268 = arith.constant 0 : i32
      %ne3A_269 = arith.cmpi ne, %rem3A, %ne3A_268 : i32
      %and3A = arith.andi %ne3A, %ne3A_269 : i1
      %sub3A = arith.constant 1 : i32
      %sub3A_270 = arith.subi %div3A, %sub3A : i32
      %select_n3A = arith.select %and3A, %sub3A_270, %div3A : i32
      %jit3A_271 = arith.constant 8 : i32
      %eq3A = arith.constant 0 : i32
      %eq3A_272 = arith.cmpi eq, %jit3A_271, %eq3A : i32
      %jit3A_273 = arith.constant 1 : i32
      %select_n3A_274 = arith.select %eq3A_272, %jit3A_273, %jit3A_271 : i32
      %rem3A_275 = arith.remsi %scan3A_253, %select_n3A_274 : i32
      %ne3A_276 = arith.constant 0 : i32
      %ne3A_277 = arith.cmpi ne, %rem3A_275, %ne3A_276 : i32
      %lt3A = arith.constant 0 : i32
      %lt3A_278 = arith.cmpi slt, %rem3A_275, %lt3A : i32
      %lt3A_279 = arith.constant 0 : i32
      %lt3A_280 = arith.cmpi slt, %select_n3A_274, %lt3A_279 : i32
      %ne3A_281 = arith.xori %lt3A_278, %lt3A_280 : i1
      %and3A_282 = arith.andi %ne3A_281, %ne3A_277 : i1
      %add3A_283 = arith.addi %rem3A_275, %select_n3A_274 : i32
      %select_n3A_284 = arith.select %and3A_282, %add3A_283, %rem3A_275 : i32
      %mul3A_285 = arith.constant 16 : i32
      %mul3A_286 = arith.muli %select_n3A_284, %mul3A_285 : i32
      %get3A = arith.index_cast %select_n3A : i32 to index
      %get3A_287 = arith.index_cast %mul3A_286 : i32 to index
      %get3A_288 = tpu.vector_load %arg7[%get3A, %get3A_287] {strides = array<i32>} : memref<128x128xf32, #tpu.memory_space<vmem>>, vector<1x16xf32>,
      %get3A_289 = vector.shape_cast %get3A_288 : vector<1x16xf32> to vector<16xf32>
      %neg3A = arith.constant 0.000000e+00 : f32
      %neg3A_290 = vector.broadcast %neg3A : f32 to vector<16xf32>
      %neg3A_291 = arith.subf %neg3A_290, %get3A_289 : vector<16xf32>
      %mul3A_292 = arith.constant 16 : i32
      %mul3A_293 = arith.muli %select_n3A_284, %mul3A_292 : i32
      %swap3A = arith.index_cast %select_n3A : i32 to index
      %swap3A_294 = arith.index_cast %mul3A_293 : i32 to index
      %swap3A_295 = tpu.vector_load %arg7[%swap3A, %swap3A_294] {strides = array<i32>} : memref<128x128xf32, #tpu.memory_space<vmem>>, vector<1x16xf32>,
      %swap3A_296 = vector.shape_cast %swap3A_295 : vector<1x16xf32> to vector<16xf32>
      %swap3A_297 = vector.shape_cast %neg3A_291 : vector<16xf32> to vector<1x16xf32>
      tpu.vector_store %arg7[%swap3A, %swap3A_294], %swap3A_297 {strides = array<i32>} : memref<128x128xf32, #tpu.memory_space<vmem>>, vector<1x16xf32>,
      %scan3A_298 = arith.constant 0 : i32
      scf.yield %scan3A_298 : i32
    }
    %scan3A_100 = arith.constant 1024 : i32
    "tpu.region"() ({
      %run_scoped3A = tpu.sem_alloc : memref<!tpu.dma_semaphore, #tpu.memory_space<semaphore_mem>>
      %dma_start3A_253 = arith.constant 0 : i32
      %dma_start3A_254 = arith.constant 0 : i32
      %dma_start3A_255 = tpu.memref_slice %arg8[%dma_start3A_253, %dma_start3A_254] : memref<10240x128xf32, #tpu.memory_space<vmem_shared>> -> memref<10240x128xf32, #tpu.memory_space<vmem_shared>>
      tpu.enqueue_indirect_dma source(%arg7 : memref<128x128xf32, #tpu.memory_space<vmem>>) target(%dma_start3A_255 : memref<10240x128xf32, #tpu.memory_space<vmem_shared>>) offsets(%arg5 : memref<128xi32, #tpu.memory_space<vmem>>) semaphore(%run_scoped3A : memref<!tpu.dma_semaphore, #tpu.memory_space<semaphore_mem>>) {add = true}
      %dma_wait3A_256 = arith.constant 0 : i32
      %dma_wait3A_257 = arith.constant 0 : i32
      %dma_wait3A_258 = tpu.memref_slice %arg8[%dma_wait3A_256, %dma_wait3A_257] : memref<10240x128xf32, #tpu.memory_space<vmem_shared>> -> memref<10240x128xf32, #tpu.memory_space<vmem_shared>>
      tpu.wait_indirect_dma semaphore(%run_scoped3A : memref<!tpu.dma_semaphore, #tpu.memory_space<semaphore_mem>>) src(%arg7 : memref<128x128xf32, #tpu.memory_space<vmem>>) dst(%dma_wait3A_258 : memref<10240x128xf32, #tpu.memory_space<vmem_shared>>)
      tpu.yield
    }) : () -> ()
    %mul3A_101 = arith.constant 640 : i32
    %mul3A_102 = arith.muli %arg1, %mul3A_101 : i32
    %add3A_103 = arith.constant 512 : i32
    %add3A_104 = arith.addi %mul3A_102, %add3A_103 : i32
    %scan3A_105 = arith.constant 0 : i32
    %scan3A_106 = arith.constant 0 : i32
    %scan3A_107 = arith.constant 8 : i32
    %scan3A_108 = arith.addi %scan3A_106, %scan3A_107 : i32
    %scan3A_109 = arith.constant 1 : i32
    %scan3A_110 = scf.for %scan3A_253 = %scan3A_106 to %scan3A_108 step %scan3A_109 iter_args(%scan3A_254 = %scan3A_105) -> (i32)  : i32 {
      %iota3A = tpu.iota {dimensions = array<i32: 0>} : vector<16xi32>
      %add3A_255 = vector.broadcast %add3A_104 : i32 to vector<16xi32>
      %add3A_256 = arith.addi %iota3A, %add3A_255 : vector<16xi32>
      %mul3A_257 = arith.constant 16 : i32
      %mul3A_258 = arith.muli %scan3A_253, %mul3A_257 : i32
      %add3A_259 = vector.broadcast %mul3A_258 : i32 to vector<16xi32>
      %add3A_260 = arith.addi %add3A_256, %add3A_259 : vector<16xi32>
      %mul3A_261 = arith.constant 16 : i32
      %mul3A_262 = arith.muli %scan3A_253, %mul3A_261 : i32
      %swap3A = arith.index_cast %mul3A_262 : i32 to index
      %swap3A_263 = tpu.vector_load %arg5[%swap3A] {strides = array<i32>} : memref<128xi32, #tpu.memory_space<vmem>>, vector<16xi32>,
      %swap3A_264 = vector.shape_cast %swap3A_263 : vector<16xi32> to vector<16xi32>
      %swap3A_265 = vector.shape_cast %add3A_260 : vector<16xi32> to vector<16xi32>
      tpu.vector_store %arg5[%swap3A], %swap3A_265 {strides = array<i32>} : memref<128xi32, #tpu.memory_space<vmem>>, vector<16xi32>,
      %scan3A_266 = arith.constant 0 : i32
      scf.yield %scan3A_266 : i32
    }
    %scan3A_111 = arith.constant 8 : i32
    %dma_start3A_112 = arith.constant 0 : i32
    %dma_start3A_113 = arith.constant 0 : i32
    %dma_start3A_114 = tpu.memref_slice %arg8[%dma_start3A_112, %dma_start3A_113] : memref<10240x128xf32, #tpu.memory_space<vmem_shared>> -> memref<10240x128xf32, #tpu.memory_space<vmem_shared>>
    tpu.enqueue_indirect_dma source(%dma_start3A_114 : memref<10240x128xf32, #tpu.memory_space<vmem_shared>>) target(%arg7 : memref<128x128xf32, #tpu.memory_space<vmem>>) offsets(%arg5 : memref<128xi32, #tpu.memory_space<vmem>>) semaphore(%arg9 : memref<!tpu.dma_semaphore, #tpu.memory_space<semaphore_mem>>)
    %dma_wait3A_115 = arith.constant 0 : i32
    %dma_wait3A_116 = arith.constant 0 : i32
    %dma_wait3A_117 = tpu.memref_slice %arg8[%dma_wait3A_115, %dma_wait3A_116] : memref<10240x128xf32, #tpu.memory_space<vmem_shared>> -> memref<10240x128xf32, #tpu.memory_space<vmem_shared>>
    tpu.wait_indirect_dma semaphore(%arg9 : memref<!tpu.dma_semaphore, #tpu.memory_space<semaphore_mem>>) src(%dma_wait3A_117 : memref<10240x128xf32, #tpu.memory_space<vmem_shared>>) dst(%arg7 : memref<128x128xf32, #tpu.memory_space<vmem>>)
    %scan3A_118 = arith.constant 0 : i32
    %scan3A_119 = arith.constant 0 : i32
    %scan3A_120 = arith.constant 1024 : i32
    %scan3A_121 = arith.addi %scan3A_119, %scan3A_120 : i32
    %scan3A_122 = arith.constant 1 : i32
    %scan3A_123 = scf.for %scan3A_253 = %scan3A_119 to %scan3A_121 step %scan3A_122 iter_args(%scan3A_254 = %scan3A_118) -> (i32)  : i32 {
      %jit3A = arith.constant 8 : i32
      %div3A = arith.divsi %scan3A_253, %jit3A : i32
      %sign3A = arith.constant 0 : i32
      %sign3A_255 = arith.cmpi sgt, %scan3A_253, %sign3A : i32
      %sign3A_256 = arith.extui %sign3A_255 : i1 to i32
      %sign3A_257 = arith.constant 0 : i32
      %sign3A_258 = arith.cmpi slt, %scan3A_253, %sign3A_257 : i32
      %sign3A_259 = arith.extui %sign3A_258 : i1 to i32
      %sign3A_260 = arith.subi %sign3A_256, %sign3A_259 : i32
      %sign3A_261 = arith.constant 0 : i32
      %sign3A_262 = arith.cmpi sgt, %jit3A, %sign3A_261 : i32
      %sign3A_263 = arith.extui %sign3A_262 : i1 to i32
      %sign3A_264 = arith.constant 0 : i32
      %sign3A_265 = arith.cmpi slt, %jit3A, %sign3A_264 : i32
      %sign3A_266 = arith.extui %sign3A_265 : i1 to i32
      %sign3A_267 = arith.subi %sign3A_263, %sign3A_266 : i32
      %ne3A = arith.cmpi ne, %sign3A_260, %sign3A_267 : i32
      %rem3A = arith.remsi %scan3A_253, %jit3A : i32
      %ne3A_268 = arith.constant 0 : i32
      %ne3A_269 = arith.cmpi ne, %rem3A, %ne3A_268 : i32
      %and3A = arith.andi %ne3A, %ne3A_269 : i1
      %sub3A = arith.constant 1 : i32
      %sub3A_270 = arith.subi %div3A, %sub3A : i32
      %select_n3A = arith.select %and3A, %sub3A_270, %div3A : i32
      %jit3A_271 = arith.constant 8 : i32
      %eq3A = arith.constant 0 : i32
      %eq3A_272 = arith.cmpi eq, %jit3A_271, %eq3A : i32
      %jit3A_273 = arith.constant 1 : i32
      %select_n3A_274 = arith.select %eq3A_272, %jit3A_273, %jit3A_271 : i32
      %rem3A_275 = arith.remsi %scan3A_253, %select_n3A_274 : i32
      %ne3A_276 = arith.constant 0 : i32
      %ne3A_277 = arith.cmpi ne, %rem3A_275, %ne3A_276 : i32
      %lt3A = arith.constant 0 : i32
      %lt3A_278 = arith.cmpi slt, %rem3A_275, %lt3A : i32
      %lt3A_279 = arith.constant 0 : i32
      %lt3A_280 = arith.cmpi slt, %select_n3A_274, %lt3A_279 : i32
      %ne3A_281 = arith.xori %lt3A_278, %lt3A_280 : i1
      %and3A_282 = arith.andi %ne3A_281, %ne3A_277 : i1
      %add3A_283 = arith.addi %rem3A_275, %select_n3A_274 : i32
      %select_n3A_284 = arith.select %and3A_282, %add3A_283, %rem3A_275 : i32
      %mul3A_285 = arith.constant 16 : i32
      %mul3A_286 = arith.muli %select_n3A_284, %mul3A_285 : i32
      %get3A = arith.index_cast %select_n3A : i32 to index
      %get3A_287 = arith.index_cast %mul3A_286 : i32 to index
      %get3A_288 = tpu.vector_load %arg7[%get3A, %get3A_287] {strides = array<i32>} : memref<128x128xf32, #tpu.memory_space<vmem>>, vector<1x16xf32>,
      %get3A_289 = vector.shape_cast %get3A_288 : vector<1x16xf32> to vector<16xf32>
      %neg3A = arith.constant 0.000000e+00 : f32
      %neg3A_290 = vector.broadcast %neg3A : f32 to vector<16xf32>
      %neg3A_291 = arith.subf %neg3A_290, %get3A_289 : vector<16xf32>
      %mul3A_292 = arith.constant 16 : i32
      %mul3A_293 = arith.muli %select_n3A_284, %mul3A_292 : i32
      %swap3A = arith.index_cast %select_n3A : i32 to index
      %swap3A_294 = arith.index_cast %mul3A_293 : i32 to index
      %swap3A_295 = tpu.vector_load %arg7[%swap3A, %swap3A_294] {strides = array<i32>} : memref<128x128xf32, #tpu.memory_space<vmem>>, vector<1x16xf32>,
      %swap3A_296 = vector.shape_cast %swap3A_295 : vector<1x16xf32> to vector<16xf32>
      %swap3A_297 = vector.shape_cast %neg3A_291 : vector<16xf32> to vector<1x16xf32>
      tpu.vector_store %arg7[%swap3A, %swap3A_294], %swap3A_297 {strides = array<i32>} : memref<128x128xf32, #tpu.memory_space<vmem>>, vector<1x16xf32>,
      %scan3A_298 = arith.constant 0 : i32
      scf.yield %scan3A_298 : i32
    }
    %scan3A_124 = arith.constant 1024 : i32
    "tpu.region"() ({
      %run_scoped3A = tpu.sem_alloc : memref<!tpu.dma_semaphore, #tpu.memory_space<semaphore_mem>>
      %dma_start3A_253 = arith.constant 0 : i32
      %dma_start3A_254 = arith.constant 0 : i32
      %dma_start3A_255 = tpu.memref_slice %arg8[%dma_start3A_253, %dma_start3A_254] : memref<10240x128xf32, #tpu.memory_space<vmem_shared>> -> memref<10240x128xf32, #tpu.memory_space<vmem_shared>>
      tpu.enqueue_indirect_dma source(%arg7 : memref<128x128xf32, #tpu.memory_space<vmem>>) target(%dma_start3A_255 : memref<10240x128xf32, #tpu.memory_space<vmem_shared>>) offsets(%arg5 : memref<128xi32, #tpu.memory_space<vmem>>) semaphore(%run_scoped3A : memref<!tpu.dma_semaphore, #tpu.memory_space<semaphore_mem>>) {add = true}
      %dma_wait3A_256 = arith.constant 0 : i32
      %dma_wait3A_257 = arith.constant 0 : i32
      %dma_wait3A_258 = tpu.memref_slice %arg8[%dma_wait3A_256, %dma_wait3A_257] : memref<10240x128xf32, #tpu.memory_space<vmem_shared>> -> memref<10240x128xf32, #tpu.memory_space<vmem_shared>>
      tpu.wait_indirect_dma semaphore(%run_scoped3A : memref<!tpu.dma_semaphore, #tpu.memory_space<semaphore_mem>>) src(%arg7 : memref<128x128xf32, #tpu.memory_space<vmem>>) dst(%dma_wait3A_258 : memref<10240x128xf32, #tpu.memory_space<vmem_shared>>)
      tpu.yield
    }) : () -> ()
    %barrier3A = arith.constant 0 : index
    tpu.barrier barrier_id(%barrier3A)
    %scan3A_125 = arith.constant 0 : i32
    %scan3A_126 = arith.constant 0 : i32
    %scan3A_127 = arith.constant 79 : i32
    %scan3A_128 = arith.addi %scan3A_126, %scan3A_127 : i32
    %scan3A_129 = arith.constant 1 : i32
    %scan3A_130 = scf.for %scan3A_253 = %scan3A_126 to %scan3A_128 step %scan3A_129 iter_args(%scan3A_254 = %scan3A_125) -> (i32)  : i32 {
      %mul3A_255 = arith.constant 32 : i32
      %mul3A_256 = arith.muli %scan3A_253, %mul3A_255 : i32
      %add3A_257 = arith.addi %mul3A_256, %add3A : i32
      %mul3A_258 = arith.constant 128 : i32
      %mul3A_259 = arith.muli %add3A_257, %mul3A_258 : i32
      "tpu.region"() ({
        %run_scoped3A = tpu.sem_alloc : memref<!tpu.dma_semaphore, #tpu.memory_space<semaphore_mem>>
        %dma_start3A_261 = tpu.memref_slice %arg2[%mul3A_259] : memref<323584xi32, #tpu.memory_space<hbm>> -> memref<128xi32, #tpu.memory_space<hbm>>
        %dma_start3A_262 = tpu.memref_slice %arg2[%mul3A_259] : memref<323584xi32, #tpu.memory_space<hbm>> -> memref<128xi32, #tpu.memory_space<hbm>>
        tpu.enqueue_dma source(%dma_start3A_262 : memref<128xi32, #tpu.memory_space<hbm>>) target(%arg4 : memref<128xi32, #tpu.memory_space<vmem>>) target_semaphore(%run_scoped3A : memref<!tpu.dma_semaphore, #tpu.memory_space<semaphore_mem>>)
        %dma_wait3A_263 = tpu.memref_slice %arg2[%mul3A_259] : memref<323584xi32, #tpu.memory_space<hbm>> -> memref<128xi32, #tpu.memory_space<hbm>>
        %dma_wait3A_264 = tpu.memref_slice %arg2[%mul3A_259] : memref<323584xi32, #tpu.memory_space<hbm>> -> memref<128xi32, #tpu.memory_space<hbm>>
        tpu.wait_dma2 semaphore(%run_scoped3A : memref<!tpu.dma_semaphore, #tpu.memory_space<semaphore_mem>>) src(%dma_wait3A_264 : memref<128xi32, #tpu.memory_space<hbm>>) dst(%arg4 : memref<128xi32, #tpu.memory_space<vmem>>)
        tpu.yield
      }) : () -> ()
      "tpu.region"() ({
        %run_scoped3A = tpu.sem_alloc : memref<!tpu.dma_semaphore, #tpu.memory_space<semaphore_mem>>
        %dma_start3A_261 = arith.constant 0 : i32
        %dma_start3A_262 = arith.constant 0 : i32
        %dma_start3A_263 = tpu.memref_slice %arg8[%dma_start3A_261, %dma_start3A_262] : memref<10240x128xf32, #tpu.memory_space<vmem_shared>> -> memref<10240x128xf32, #tpu.memory_space<vmem_shared>>
        tpu.enqueue_indirect_dma source(%arg6 : memref<128x128xf32, #tpu.memory_space<vmem>>) target(%dma_start3A_263 : memref<10240x128xf32, #tpu.memory_space<vmem_shared>>) offsets(%arg4 : memref<128xi32, #tpu.memory_space<vmem>>) semaphore(%run_scoped3A : memref<!tpu.dma_semaphore, #tpu.memory_space<semaphore_mem>>) {add = true}
        %dma_wait3A_264 = arith.constant 0 : i32
        %dma_wait3A_265 = arith.constant 0 : i32
        %dma_wait3A_266 = tpu.memref_slice %arg8[%dma_wait3A_264, %dma_wait3A_265] : memref<10240x128xf32, #tpu.memory_space<vmem_shared>> -> memref<10240x128xf32, #tpu.memory_space<vmem_shared>>
        tpu.wait_indirect_dma semaphore(%run_scoped3A : memref<!tpu.dma_semaphore, #tpu.memory_space<semaphore_mem>>) src(%arg6 : memref<128x128xf32, #tpu.memory_space<vmem>>) dst(%dma_wait3A_266 : memref<10240x128xf32, #tpu.memory_space<vmem_shared>>)
        tpu.yield
      }) : () -> ()
      %scan3A_260 = arith.constant 0 : i32
      scf.yield %scan3A_260 : i32
    }
    %scan3A_131 = arith.constant 79 : i32
    %barrier3A_132 = arith.constant 0 : index
    tpu.barrier barrier_id(%barrier3A_132)
    %mul3A_133 = arith.constant 640 : i32
    %mul3A_134 = arith.muli %arg1, %mul3A_133 : i32
    %add3A_135 = arith.constant 0 : i32
    %add3A_136 = arith.addi %mul3A_134, %add3A_135 : i32
    %scan3A_137 = arith.constant 0 : i32
    %scan3A_138 = arith.constant 0 : i32
    %scan3A_139 = arith.constant 8 : i32
    %scan3A_140 = arith.addi %scan3A_138, %scan3A_139 : i32
    %scan3A_141 = arith.constant 1 : i32
    %scan3A_142 = scf.for %scan3A_253 = %scan3A_138 to %scan3A_140 step %scan3A_141 iter_args(%scan3A_254 = %scan3A_137) -> (i32)  : i32 {
      %iota3A = tpu.iota {dimensions = array<i32: 0>} : vector<16xi32>
      %add3A_255 = vector.broadcast %add3A_136 : i32 to vector<16xi32>
      %add3A_256 = arith.addi %iota3A, %add3A_255 : vector<16xi32>
      %mul3A_257 = arith.constant 16 : i32
      %mul3A_258 = arith.muli %scan3A_253, %mul3A_257 : i32
      %add3A_259 = vector.broadcast %mul3A_258 : i32 to vector<16xi32>
      %add3A_260 = arith.addi %add3A_256, %add3A_259 : vector<16xi32>
      %mul3A_261 = arith.constant 16 : i32
      %mul3A_262 = arith.muli %scan3A_253, %mul3A_261 : i32
      %swap3A = arith.index_cast %mul3A_262 : i32 to index
      %swap3A_263 = tpu.vector_load %arg5[%swap3A] {strides = array<i32>} : memref<128xi32, #tpu.memory_space<vmem>>, vector<16xi32>,
      %swap3A_264 = vector.shape_cast %swap3A_263 : vector<16xi32> to vector<16xi32>
      %swap3A_265 = vector.shape_cast %add3A_260 : vector<16xi32> to vector<16xi32>
      tpu.vector_store %arg5[%swap3A], %swap3A_265 {strides = array<i32>} : memref<128xi32, #tpu.memory_space<vmem>>, vector<16xi32>,
      %scan3A_266 = arith.constant 0 : i32
      scf.yield %scan3A_266 : i32
    }
    %scan3A_143 = arith.constant 8 : i32
    %dma_start3A_144 = arith.constant 0 : i32
    %dma_start3A_145 = arith.constant 0 : i32
    %dma_start3A_146 = tpu.memref_slice %arg8[%dma_start3A_144, %dma_start3A_145] : memref<10240x128xf32, #tpu.memory_space<vmem_shared>> -> memref<10240x128xf32, #tpu.memory_space<vmem_shared>>
    tpu.enqueue_indirect_dma source(%dma_start3A_146 : memref<10240x128xf32, #tpu.memory_space<vmem_shared>>) target(%arg7 : memref<128x128xf32, #tpu.memory_space<vmem>>) offsets(%arg5 : memref<128xi32, #tpu.memory_space<vmem>>) semaphore(%arg9 : memref<!tpu.dma_semaphore, #tpu.memory_space<semaphore_mem>>)
    %dma_wait3A_147 = arith.constant 0 : i32
    %dma_wait3A_148 = arith.constant 0 : i32
    %dma_wait3A_149 = tpu.memref_slice %arg8[%dma_wait3A_147, %dma_wait3A_148] : memref<10240x128xf32, #tpu.memory_space<vmem_shared>> -> memref<10240x128xf32, #tpu.memory_space<vmem_shared>>
    tpu.wait_indirect_dma semaphore(%arg9 : memref<!tpu.dma_semaphore, #tpu.memory_space<semaphore_mem>>) src(%dma_wait3A_149 : memref<10240x128xf32, #tpu.memory_space<vmem_shared>>) dst(%arg7 : memref<128x128xf32, #tpu.memory_space<vmem>>)
    %mul3A_150 = arith.constant 10240 : i32
    %mul3A_151 = arith.muli %arg0, %mul3A_150 : i32
    %mul3A_152 = arith.constant 640 : i32
    %mul3A_153 = arith.muli %arg1, %mul3A_152 : i32
    %add3A_154 = arith.addi %mul3A_151, %mul3A_153 : i32
    %add3A_155 = arith.constant 0 : i32
    %add3A_156 = arith.addi %add3A_154, %add3A_155 : i32
    "tpu.region"() ({
      %run_scoped3A = tpu.sem_alloc : memref<!tpu.dma_semaphore, #tpu.memory_space<semaphore_mem>>
      %dma_start3A_253 = arith.constant 0 : i32
      %dma_start3A_254 = tpu.memref_slice %arg3[%add3A_156, %dma_start3A_253] : memref<20480x128xf32, #tpu.memory_space<hbm>> -> memref<128x128xf32, #tpu.memory_space<hbm>>
      %dma_start3A_255 = arith.constant 0 : i32
      %dma_start3A_256 = tpu.memref_slice %arg3[%add3A_156, %dma_start3A_255] : memref<20480x128xf32, #tpu.memory_space<hbm>> -> memref<128x128xf32, #tpu.memory_space<hbm>>
      tpu.enqueue_dma source(%arg7 : memref<128x128xf32, #tpu.memory_space<vmem>>) target(%dma_start3A_256 : memref<128x128xf32, #tpu.memory_space<hbm>>) target_semaphore(%run_scoped3A : memref<!tpu.dma_semaphore, #tpu.memory_space<semaphore_mem>>)
      %dma_wait3A_257 = arith.constant 0 : i32
      %dma_wait3A_258 = tpu.memref_slice %arg3[%add3A_156, %dma_wait3A_257] : memref<20480x128xf32, #tpu.memory_space<hbm>> -> memref<128x128xf32, #tpu.memory_space<hbm>>
      %dma_wait3A_259 = arith.constant 0 : i32
      %dma_wait3A_260 = tpu.memref_slice %arg3[%add3A_156, %dma_wait3A_259] : memref<20480x128xf32, #tpu.memory_space<hbm>> -> memref<128x128xf32, #tpu.memory_space<hbm>>
      tpu.wait_dma2 semaphore(%run_scoped3A : memref<!tpu.dma_semaphore, #tpu.memory_space<semaphore_mem>>) src(%arg7 : memref<128x128xf32, #tpu.memory_space<vmem>>) dst(%dma_wait3A_260 : memref<128x128xf32, #tpu.memory_space<hbm>>)
      tpu.yield
    }) : () -> ()
    %mul3A_157 = arith.constant 640 : i32
    %mul3A_158 = arith.muli %arg1, %mul3A_157 : i32
    %add3A_159 = arith.constant 128 : i32
    %add3A_160 = arith.addi %mul3A_158, %add3A_159 : i32
    %scan3A_161 = arith.constant 0 : i32
    %scan3A_162 = arith.constant 0 : i32
    %scan3A_163 = arith.constant 8 : i32
    %scan3A_164 = arith.addi %scan3A_162, %scan3A_163 : i32
    %scan3A_165 = arith.constant 1 : i32
    %scan3A_166 = scf.for %scan3A_253 = %scan3A_162 to %scan3A_164 step %scan3A_165 iter_args(%scan3A_254 = %scan3A_161) -> (i32)  : i32 {
      %iota3A = tpu.iota {dimensions = array<i32: 0>} : vector<16xi32>
      %add3A_255 = vector.broadcast %add3A_160 : i32 to vector<16xi32>
      %add3A_256 = arith.addi %iota3A, %add3A_255 : vector<16xi32>
      %mul3A_257 = arith.constant 16 : i32
      %mul3A_258 = arith.muli %scan3A_253, %mul3A_257 : i32
      %add3A_259 = vector.broadcast %mul3A_258 : i32 to vector<16xi32>
      %add3A_260 = arith.addi %add3A_256, %add3A_259 : vector<16xi32>
      %mul3A_261 = arith.constant 16 : i32
      %mul3A_262 = arith.muli %scan3A_253, %mul3A_261 : i32
      %swap3A = arith.index_cast %mul3A_262 : i32 to index
      %swap3A_263 = tpu.vector_load %arg5[%swap3A] {strides = array<i32>} : memref<128xi32, #tpu.memory_space<vmem>>, vector<16xi32>,
      %swap3A_264 = vector.shape_cast %swap3A_263 : vector<16xi32> to vector<16xi32>
      %swap3A_265 = vector.shape_cast %add3A_260 : vector<16xi32> to vector<16xi32>
      tpu.vector_store %arg5[%swap3A], %swap3A_265 {strides = array<i32>} : memref<128xi32, #tpu.memory_space<vmem>>, vector<16xi32>,
      %scan3A_266 = arith.constant 0 : i32
      scf.yield %scan3A_266 : i32
    }
    %scan3A_167 = arith.constant 8 : i32
    %dma_start3A_168 = arith.constant 0 : i32
    %dma_start3A_169 = arith.constant 0 : i32
    %dma_start3A_170 = tpu.memref_slice %arg8[%dma_start3A_168, %dma_start3A_169] : memref<10240x128xf32, #tpu.memory_space<vmem_shared>> -> memref<10240x128xf32, #tpu.memory_space<vmem_shared>>
    tpu.enqueue_indirect_dma source(%dma_start3A_170 : memref<10240x128xf32, #tpu.memory_space<vmem_shared>>) target(%arg7 : memref<128x128xf32, #tpu.memory_space<vmem>>) offsets(%arg5 : memref<128xi32, #tpu.memory_space<vmem>>) semaphore(%arg9 : memref<!tpu.dma_semaphore, #tpu.memory_space<semaphore_mem>>)
    %dma_wait3A_171 = arith.constant 0 : i32
    %dma_wait3A_172 = arith.constant 0 : i32
    %dma_wait3A_173 = tpu.memref_slice %arg8[%dma_wait3A_171, %dma_wait3A_172] : memref<10240x128xf32, #tpu.memory_space<vmem_shared>> -> memref<10240x128xf32, #tpu.memory_space<vmem_shared>>
    tpu.wait_indirect_dma semaphore(%arg9 : memref<!tpu.dma_semaphore, #tpu.memory_space<semaphore_mem>>) src(%dma_wait3A_173 : memref<10240x128xf32, #tpu.memory_space<vmem_shared>>) dst(%arg7 : memref<128x128xf32, #tpu.memory_space<vmem>>)
    %mul3A_174 = arith.constant 10240 : i32
    %mul3A_175 = arith.muli %arg0, %mul3A_174 : i32
    %mul3A_176 = arith.constant 640 : i32
    %mul3A_177 = arith.muli %arg1, %mul3A_176 : i32
    %add3A_178 = arith.addi %mul3A_175, %mul3A_177 : i32
    %add3A_179 = arith.constant 128 : i32
    %add3A_180 = arith.addi %add3A_178, %add3A_179 : i32
    "tpu.region"() ({
      %run_scoped3A = tpu.sem_alloc : memref<!tpu.dma_semaphore, #tpu.memory_space<semaphore_mem>>
      %dma_start3A_253 = arith.constant 0 : i32
      %dma_start3A_254 = tpu.memref_slice %arg3[%add3A_180, %dma_start3A_253] : memref<20480x128xf32, #tpu.memory_space<hbm>> -> memref<128x128xf32, #tpu.memory_space<hbm>>
      %dma_start3A_255 = arith.constant 0 : i32
      %dma_start3A_256 = tpu.memref_slice %arg3[%add3A_180, %dma_start3A_255] : memref<20480x128xf32, #tpu.memory_space<hbm>> -> memref<128x128xf32, #tpu.memory_space<hbm>>
      tpu.enqueue_dma source(%arg7 : memref<128x128xf32, #tpu.memory_space<vmem>>) target(%dma_start3A_256 : memref<128x128xf32, #tpu.memory_space<hbm>>) target_semaphore(%run_scoped3A : memref<!tpu.dma_semaphore, #tpu.memory_space<semaphore_mem>>)
      %dma_wait3A_257 = arith.constant 0 : i32
      %dma_wait3A_258 = tpu.memref_slice %arg3[%add3A_180, %dma_wait3A_257] : memref<20480x128xf32, #tpu.memory_space<hbm>> -> memref<128x128xf32, #tpu.memory_space<hbm>>
      %dma_wait3A_259 = arith.constant 0 : i32
      %dma_wait3A_260 = tpu.memref_slice %arg3[%add3A_180, %dma_wait3A_259] : memref<20480x128xf32, #tpu.memory_space<hbm>> -> memref<128x128xf32, #tpu.memory_space<hbm>>
      tpu.wait_dma2 semaphore(%run_scoped3A : memref<!tpu.dma_semaphore, #tpu.memory_space<semaphore_mem>>) src(%arg7 : memref<128x128xf32, #tpu.memory_space<vmem>>) dst(%dma_wait3A_260 : memref<128x128xf32, #tpu.memory_space<hbm>>)
      tpu.yield
    }) : () -> ()
    %mul3A_181 = arith.constant 640 : i32
    %mul3A_182 = arith.muli %arg1, %mul3A_181 : i32
    %add3A_183 = arith.constant 256 : i32
    %add3A_184 = arith.addi %mul3A_182, %add3A_183 : i32
    %scan3A_185 = arith.constant 0 : i32
    %scan3A_186 = arith.constant 0 : i32
    %scan3A_187 = arith.constant 8 : i32
    %scan3A_188 = arith.addi %scan3A_186, %scan3A_187 : i32
    %scan3A_189 = arith.constant 1 : i32
    %scan3A_190 = scf.for %scan3A_253 = %scan3A_186 to %scan3A_188 step %scan3A_189 iter_args(%scan3A_254 = %scan3A_185) -> (i32)  : i32 {
      %iota3A = tpu.iota {dimensions = array<i32: 0>} : vector<16xi32>
      %add3A_255 = vector.broadcast %add3A_184 : i32 to vector<16xi32>
      %add3A_256 = arith.addi %iota3A, %add3A_255 : vector<16xi32>
      %mul3A_257 = arith.constant 16 : i32
      %mul3A_258 = arith.muli %scan3A_253, %mul3A_257 : i32
      %add3A_259 = vector.broadcast %mul3A_258 : i32 to vector<16xi32>
      %add3A_260 = arith.addi %add3A_256, %add3A_259 : vector<16xi32>
      %mul3A_261 = arith.constant 16 : i32
      %mul3A_262 = arith.muli %scan3A_253, %mul3A_261 : i32
      %swap3A = arith.index_cast %mul3A_262 : i32 to index
      %swap3A_263 = tpu.vector_load %arg5[%swap3A] {strides = array<i32>} : memref<128xi32, #tpu.memory_space<vmem>>, vector<16xi32>,
      %swap3A_264 = vector.shape_cast %swap3A_263 : vector<16xi32> to vector<16xi32>
      %swap3A_265 = vector.shape_cast %add3A_260 : vector<16xi32> to vector<16xi32>
      tpu.vector_store %arg5[%swap3A], %swap3A_265 {strides = array<i32>} : memref<128xi32, #tpu.memory_space<vmem>>, vector<16xi32>,
      %scan3A_266 = arith.constant 0 : i32
      scf.yield %scan3A_266 : i32
    }
    %scan3A_191 = arith.constant 8 : i32
    %dma_start3A_192 = arith.constant 0 : i32
    %dma_start3A_193 = arith.constant 0 : i32
    %dma_start3A_194 = tpu.memref_slice %arg8[%dma_start3A_192, %dma_start3A_193] : memref<10240x128xf32, #tpu.memory_space<vmem_shared>> -> memref<10240x128xf32, #tpu.memory_space<vmem_shared>>
    tpu.enqueue_indirect_dma source(%dma_start3A_194 : memref<10240x128xf32, #tpu.memory_space<vmem_shared>>) target(%arg7 : memref<128x128xf32, #tpu.memory_space<vmem>>) offsets(%arg5 : memref<128xi32, #tpu.memory_space<vmem>>) semaphore(%arg9 : memref<!tpu.dma_semaphore, #tpu.memory_space<semaphore_mem>>)
    %dma_wait3A_195 = arith.constant 0 : i32
    %dma_wait3A_196 = arith.constant 0 : i32
    %dma_wait3A_197 = tpu.memref_slice %arg8[%dma_wait3A_195, %dma_wait3A_196] : memref<10240x128xf32, #tpu.memory_space<vmem_shared>> -> memref<10240x128xf32, #tpu.memory_space<vmem_shared>>
    tpu.wait_indirect_dma semaphore(%arg9 : memref<!tpu.dma_semaphore, #tpu.memory_space<semaphore_mem>>) src(%dma_wait3A_197 : memref<10240x128xf32, #tpu.memory_space<vmem_shared>>) dst(%arg7 : memref<128x128xf32, #tpu.memory_space<vmem>>)
    %mul3A_198 = arith.constant 10240 : i32
    %mul3A_199 = arith.muli %arg0, %mul3A_198 : i32
    %mul3A_200 = arith.constant 640 : i32
    %mul3A_201 = arith.muli %arg1, %mul3A_200 : i32
    %add3A_202 = arith.addi %mul3A_199, %mul3A_201 : i32
    %add3A_203 = arith.constant 256 : i32
    %add3A_204 = arith.addi %add3A_202, %add3A_203 : i32
    "tpu.region"() ({
      %run_scoped3A = tpu.sem_alloc : memref<!tpu.dma_semaphore, #tpu.memory_space<semaphore_mem>>
      %dma_start3A_253 = arith.constant 0 : i32
      %dma_start3A_254 = tpu.memref_slice %arg3[%add3A_204, %dma_start3A_253] : memref<20480x128xf32, #tpu.memory_space<hbm>> -> memref<128x128xf32, #tpu.memory_space<hbm>>
      %dma_start3A_255 = arith.constant 0 : i32
      %dma_start3A_256 = tpu.memref_slice %arg3[%add3A_204, %dma_start3A_255] : memref<20480x128xf32, #tpu.memory_space<hbm>> -> memref<128x128xf32, #tpu.memory_space<hbm>>
      tpu.enqueue_dma source(%arg7 : memref<128x128xf32, #tpu.memory_space<vmem>>) target(%dma_start3A_256 : memref<128x128xf32, #tpu.memory_space<hbm>>) target_semaphore(%run_scoped3A : memref<!tpu.dma_semaphore, #tpu.memory_space<semaphore_mem>>)
      %dma_wait3A_257 = arith.constant 0 : i32
      %dma_wait3A_258 = tpu.memref_slice %arg3[%add3A_204, %dma_wait3A_257] : memref<20480x128xf32, #tpu.memory_space<hbm>> -> memref<128x128xf32, #tpu.memory_space<hbm>>
      %dma_wait3A_259 = arith.constant 0 : i32
      %dma_wait3A_260 = tpu.memref_slice %arg3[%add3A_204, %dma_wait3A_259] : memref<20480x128xf32, #tpu.memory_space<hbm>> -> memref<128x128xf32, #tpu.memory_space<hbm>>
      tpu.wait_dma2 semaphore(%run_scoped3A : memref<!tpu.dma_semaphore, #tpu.memory_space<semaphore_mem>>) src(%arg7 : memref<128x128xf32, #tpu.memory_space<vmem>>) dst(%dma_wait3A_260 : memref<128x128xf32, #tpu.memory_space<hbm>>)
      tpu.yield
    }) : () -> ()
    %mul3A_205 = arith.constant 640 : i32
    %mul3A_206 = arith.muli %arg1, %mul3A_205 : i32
    %add3A_207 = arith.constant 384 : i32
    %add3A_208 = arith.addi %mul3A_206, %add3A_207 : i32
    %scan3A_209 = arith.constant 0 : i32
    %scan3A_210 = arith.constant 0 : i32
    %scan3A_211 = arith.constant 8 : i32
    %scan3A_212 = arith.addi %scan3A_210, %scan3A_211 : i32
    %scan3A_213 = arith.constant 1 : i32
    %scan3A_214 = scf.for %scan3A_253 = %scan3A_210 to %scan3A_212 step %scan3A_213 iter_args(%scan3A_254 = %scan3A_209) -> (i32)  : i32 {
      %iota3A = tpu.iota {dimensions = array<i32: 0>} : vector<16xi32>
      %add3A_255 = vector.broadcast %add3A_208 : i32 to vector<16xi32>
      %add3A_256 = arith.addi %iota3A, %add3A_255 : vector<16xi32>
      %mul3A_257 = arith.constant 16 : i32
      %mul3A_258 = arith.muli %scan3A_253, %mul3A_257 : i32
      %add3A_259 = vector.broadcast %mul3A_258 : i32 to vector<16xi32>
      %add3A_260 = arith.addi %add3A_256, %add3A_259 : vector<16xi32>
      %mul3A_261 = arith.constant 16 : i32
      %mul3A_262 = arith.muli %scan3A_253, %mul3A_261 : i32
      %swap3A = arith.index_cast %mul3A_262 : i32 to index
      %swap3A_263 = tpu.vector_load %arg5[%swap3A] {strides = array<i32>} : memref<128xi32, #tpu.memory_space<vmem>>, vector<16xi32>,
      %swap3A_264 = vector.shape_cast %swap3A_263 : vector<16xi32> to vector<16xi32>
      %swap3A_265 = vector.shape_cast %add3A_260 : vector<16xi32> to vector<16xi32>
      tpu.vector_store %arg5[%swap3A], %swap3A_265 {strides = array<i32>} : memref<128xi32, #tpu.memory_space<vmem>>, vector<16xi32>,
      %scan3A_266 = arith.constant 0 : i32
      scf.yield %scan3A_266 : i32
    }
    %scan3A_215 = arith.constant 8 : i32
    %dma_start3A_216 = arith.constant 0 : i32
    %dma_start3A_217 = arith.constant 0 : i32
    %dma_start3A_218 = tpu.memref_slice %arg8[%dma_start3A_216, %dma_start3A_217] : memref<10240x128xf32, #tpu.memory_space<vmem_shared>> -> memref<10240x128xf32, #tpu.memory_space<vmem_shared>>
    tpu.enqueue_indirect_dma source(%dma_start3A_218 : memref<10240x128xf32, #tpu.memory_space<vmem_shared>>) target(%arg7 : memref<128x128xf32, #tpu.memory_space<vmem>>) offsets(%arg5 : memref<128xi32, #tpu.memory_space<vmem>>) semaphore(%arg9 : memref<!tpu.dma_semaphore, #tpu.memory_space<semaphore_mem>>)
    %dma_wait3A_219 = arith.constant 0 : i32
    %dma_wait3A_220 = arith.constant 0 : i32
    %dma_wait3A_221 = tpu.memref_slice %arg8[%dma_wait3A_219, %dma_wait3A_220] : memref<10240x128xf32, #tpu.memory_space<vmem_shared>> -> memref<10240x128xf32, #tpu.memory_space<vmem_shared>>
    tpu.wait_indirect_dma semaphore(%arg9 : memref<!tpu.dma_semaphore, #tpu.memory_space<semaphore_mem>>) src(%dma_wait3A_221 : memref<10240x128xf32, #tpu.memory_space<vmem_shared>>) dst(%arg7 : memref<128x128xf32, #tpu.memory_space<vmem>>)
    %mul3A_222 = arith.constant 10240 : i32
    %mul3A_223 = arith.muli %arg0, %mul3A_222 : i32
    %mul3A_224 = arith.constant 640 : i32
    %mul3A_225 = arith.muli %arg1, %mul3A_224 : i32
    %add3A_226 = arith.addi %mul3A_223, %mul3A_225 : i32
    %add3A_227 = arith.constant 384 : i32
    %add3A_228 = arith.addi %add3A_226, %add3A_227 : i32
    "tpu.region"() ({
      %run_scoped3A = tpu.sem_alloc : memref<!tpu.dma_semaphore, #tpu.memory_space<semaphore_mem>>
      %dma_start3A_253 = arith.constant 0 : i32
      %dma_start3A_254 = tpu.memref_slice %arg3[%add3A_228, %dma_start3A_253] : memref<20480x128xf32, #tpu.memory_space<hbm>> -> memref<128x128xf32, #tpu.memory_space<hbm>>
      %dma_start3A_255 = arith.constant 0 : i32
      %dma_start3A_256 = tpu.memref_slice %arg3[%add3A_228, %dma_start3A_255] : memref<20480x128xf32, #tpu.memory_space<hbm>> -> memref<128x128xf32, #tpu.memory_space<hbm>>
      tpu.enqueue_dma source(%arg7 : memref<128x128xf32, #tpu.memory_space<vmem>>) target(%dma_start3A_256 : memref<128x128xf32, #tpu.memory_space<hbm>>) target_semaphore(%run_scoped3A : memref<!tpu.dma_semaphore, #tpu.memory_space<semaphore_mem>>)
      %dma_wait3A_257 = arith.constant 0 : i32
      %dma_wait3A_258 = tpu.memref_slice %arg3[%add3A_228, %dma_wait3A_257] : memref<20480x128xf32, #tpu.memory_space<hbm>> -> memref<128x128xf32, #tpu.memory_space<hbm>>
      %dma_wait3A_259 = arith.constant 0 : i32
      %dma_wait3A_260 = tpu.memref_slice %arg3[%add3A_228, %dma_wait3A_259] : memref<20480x128xf32, #tpu.memory_space<hbm>> -> memref<128x128xf32, #tpu.memory_space<hbm>>
      tpu.wait_dma2 semaphore(%run_scoped3A : memref<!tpu.dma_semaphore, #tpu.memory_space<semaphore_mem>>) src(%arg7 : memref<128x128xf32, #tpu.memory_space<vmem>>) dst(%dma_wait3A_260 : memref<128x128xf32, #tpu.memory_space<hbm>>)
      tpu.yield
    }) : () -> ()
    %mul3A_229 = arith.constant 640 : i32
    %mul3A_230 = arith.muli %arg1, %mul3A_229 : i32
    %add3A_231 = arith.constant 512 : i32
    %add3A_232 = arith.addi %mul3A_230, %add3A_231 : i32
    %scan3A_233 = arith.constant 0 : i32
    %scan3A_234 = arith.constant 0 : i32
    %scan3A_235 = arith.constant 8 : i32
    %scan3A_236 = arith.addi %scan3A_234, %scan3A_235 : i32
    %scan3A_237 = arith.constant 1 : i32
    %scan3A_238 = scf.for %scan3A_253 = %scan3A_234 to %scan3A_236 step %scan3A_237 iter_args(%scan3A_254 = %scan3A_233) -> (i32)  : i32 {
      %iota3A = tpu.iota {dimensions = array<i32: 0>} : vector<16xi32>
      %add3A_255 = vector.broadcast %add3A_232 : i32 to vector<16xi32>
      %add3A_256 = arith.addi %iota3A, %add3A_255 : vector<16xi32>
      %mul3A_257 = arith.constant 16 : i32
      %mul3A_258 = arith.muli %scan3A_253, %mul3A_257 : i32
      %add3A_259 = vector.broadcast %mul3A_258 : i32 to vector<16xi32>
      %add3A_260 = arith.addi %add3A_256, %add3A_259 : vector<16xi32>
      %mul3A_261 = arith.constant 16 : i32
      %mul3A_262 = arith.muli %scan3A_253, %mul3A_261 : i32
      %swap3A = arith.index_cast %mul3A_262 : i32 to index
      %swap3A_263 = tpu.vector_load %arg5[%swap3A] {strides = array<i32>} : memref<128xi32, #tpu.memory_space<vmem>>, vector<16xi32>,
      %swap3A_264 = vector.shape_cast %swap3A_263 : vector<16xi32> to vector<16xi32>
      %swap3A_265 = vector.shape_cast %add3A_260 : vector<16xi32> to vector<16xi32>
      tpu.vector_store %arg5[%swap3A], %swap3A_265 {strides = array<i32>} : memref<128xi32, #tpu.memory_space<vmem>>, vector<16xi32>,
      %scan3A_266 = arith.constant 0 : i32
      scf.yield %scan3A_266 : i32
    }
    %scan3A_239 = arith.constant 8 : i32
    %dma_start3A_240 = arith.constant 0 : i32
    %dma_start3A_241 = arith.constant 0 : i32
    %dma_start3A_242 = tpu.memref_slice %arg8[%dma_start3A_240, %dma_start3A_241] : memref<10240x128xf32, #tpu.memory_space<vmem_shared>> -> memref<10240x128xf32, #tpu.memory_space<vmem_shared>>
    tpu.enqueue_indirect_dma source(%dma_start3A_242 : memref<10240x128xf32, #tpu.memory_space<vmem_shared>>) target(%arg7 : memref<128x128xf32, #tpu.memory_space<vmem>>) offsets(%arg5 : memref<128xi32, #tpu.memory_space<vmem>>) semaphore(%arg9 : memref<!tpu.dma_semaphore, #tpu.memory_space<semaphore_mem>>)
    %dma_wait3A_243 = arith.constant 0 : i32
    %dma_wait3A_244 = arith.constant 0 : i32
    %dma_wait3A_245 = tpu.memref_slice %arg8[%dma_wait3A_243, %dma_wait3A_244] : memref<10240x128xf32, #tpu.memory_space<vmem_shared>> -> memref<10240x128xf32, #tpu.memory_space<vmem_shared>>
    tpu.wait_indirect_dma semaphore(%arg9 : memref<!tpu.dma_semaphore, #tpu.memory_space<semaphore_mem>>) src(%dma_wait3A_245 : memref<10240x128xf32, #tpu.memory_space<vmem_shared>>) dst(%arg7 : memref<128x128xf32, #tpu.memory_space<vmem>>)
    %mul3A_246 = arith.constant 10240 : i32
    %mul3A_247 = arith.muli %arg0, %mul3A_246 : i32
    %mul3A_248 = arith.constant 640 : i32
    %mul3A_249 = arith.muli %arg1, %mul3A_248 : i32
    %add3A_250 = arith.addi %mul3A_247, %mul3A_249 : i32
    %add3A_251 = arith.constant 512 : i32
    %add3A_252 = arith.addi %add3A_250, %add3A_251 : i32
    "tpu.region"() ({
      %run_scoped3A = tpu.sem_alloc : memref<!tpu.dma_semaphore, #tpu.memory_space<semaphore_mem>>
      %dma_start3A_253 = arith.constant 0 : i32
      %dma_start3A_254 = tpu.memref_slice %arg3[%add3A_252, %dma_start3A_253] : memref<20480x128xf32, #tpu.memory_space<hbm>> -> memref<128x128xf32, #tpu.memory_space<hbm>>
      %dma_start3A_255 = arith.constant 0 : i32
      %dma_start3A_256 = tpu.memref_slice %arg3[%add3A_252, %dma_start3A_255] : memref<20480x128xf32, #tpu.memory_space<hbm>> -> memref<128x128xf32, #tpu.memory_space<hbm>>
      tpu.enqueue_dma source(%arg7 : memref<128x128xf32, #tpu.memory_space<vmem>>) target(%dma_start3A_256 : memref<128x128xf32, #tpu.memory_space<hbm>>) target_semaphore(%run_scoped3A : memref<!tpu.dma_semaphore, #tpu.memory_space<semaphore_mem>>)
      %dma_wait3A_257 = arith.constant 0 : i32
      %dma_wait3A_258 = tpu.memref_slice %arg3[%add3A_252, %dma_wait3A_257] : memref<20480x128xf32, #tpu.memory_space<hbm>> -> memref<128x128xf32, #tpu.memory_space<hbm>>
      %dma_wait3A_259 = arith.constant 0 : i32
      %dma_wait3A_260 = tpu.memref_slice %arg3[%add3A_252, %dma_wait3A_259] : memref<20480x128xf32, #tpu.memory_space<hbm>> -> memref<128x128xf32, #tpu.memory_space<hbm>>
      tpu.wait_dma2 semaphore(%run_scoped3A : memref<!tpu.dma_semaphore, #tpu.memory_space<semaphore_mem>>) src(%arg7 : memref<128x128xf32, #tpu.memory_space<vmem>>) dst(%dma_wait3A_260 : memref<128x128xf32, #tpu.memory_space<hbm>>)
      tpu.yield
    }) : () -> ()
    return
  }
}

#map = affine_map<(d0, d1) -> (0)>
module attributes {stable_mosaic.version = 14 : i64} {
  func.func @_scrub_kernel(%arg0: i32, %arg1: i32, %arg2: memref<8xf32, #tpu.memory_space<hbm>>, %arg3: memref<128xi32, #tpu.memory_space<vmem>>, %arg4: memref<128x128xf32, #tpu.memory_space<vmem>>, %arg5: memref<12288x128xf32, #tpu.memory_space<vmem_shared>>) attributes {dimension_semantics = [#tpu.dimension_semantics<core_parallel>, #tpu.dimension_semantics<subcore_parallel>], iteration_bounds = array<i64: 2, 16>, scalar_prefetch = 0 : i64, scratch_operands = 3 : i64, tpu.core_type = #tpu.core_type<sc_vector_subcore>, window_params = [{transform_indices = #map}]} {
    %scan3A = arith.constant 0 : i32
    %scan3A_0 = arith.constant 0 : i32
    %scan3A_1 = arith.constant 1024 : i32
    %scan3A_2 = arith.addi %scan3A_0, %scan3A_1 : i32
    %scan3A_3 = arith.constant 1 : i32
    %scan3A_4 = scf.for %scan3A_64 = %scan3A_0 to %scan3A_2 step %scan3A_3 iter_args(%scan3A_65 = %scan3A) -> (i32)  : i32 {
      %jit3A = arith.constant 8 : i32
      %div3A = arith.divsi %scan3A_64, %jit3A : i32
      %sign3A = arith.constant 0 : i32
      %sign3A_66 = arith.cmpi sgt, %scan3A_64, %sign3A : i32
      %sign3A_67 = arith.extui %sign3A_66 : i1 to i32
      %sign3A_68 = arith.constant 0 : i32
      %sign3A_69 = arith.cmpi slt, %scan3A_64, %sign3A_68 : i32
      %sign3A_70 = arith.extui %sign3A_69 : i1 to i32
      %sign3A_71 = arith.subi %sign3A_67, %sign3A_70 : i32
      %sign3A_72 = arith.constant 0 : i32
      %sign3A_73 = arith.cmpi sgt, %jit3A, %sign3A_72 : i32
      %sign3A_74 = arith.extui %sign3A_73 : i1 to i32
      %sign3A_75 = arith.constant 0 : i32
      %sign3A_76 = arith.cmpi slt, %jit3A, %sign3A_75 : i32
      %sign3A_77 = arith.extui %sign3A_76 : i1 to i32
      %sign3A_78 = arith.subi %sign3A_74, %sign3A_77 : i32
      %ne3A = arith.cmpi ne, %sign3A_71, %sign3A_78 : i32
      %rem3A = arith.remsi %scan3A_64, %jit3A : i32
      %ne3A_79 = arith.constant 0 : i32
      %ne3A_80 = arith.cmpi ne, %rem3A, %ne3A_79 : i32
      %and3A_81 = arith.andi %ne3A, %ne3A_80 : i1
      %sub3A = arith.constant 1 : i32
      %sub3A_82 = arith.subi %div3A, %sub3A : i32
      %select_n3A = arith.select %and3A_81, %sub3A_82, %div3A : i32
      %jit3A_83 = arith.constant 8 : i32
      %eq3A_84 = arith.constant 0 : i32
      %eq3A_85 = arith.cmpi eq, %jit3A_83, %eq3A_84 : i32
      %jit3A_86 = arith.constant 1 : i32
      %select_n3A_87 = arith.select %eq3A_85, %jit3A_86, %jit3A_83 : i32
      %rem3A_88 = arith.remsi %scan3A_64, %select_n3A_87 : i32
      %ne3A_89 = arith.constant 0 : i32
      %ne3A_90 = arith.cmpi ne, %rem3A_88, %ne3A_89 : i32
      %lt3A = arith.constant 0 : i32
      %lt3A_91 = arith.cmpi slt, %rem3A_88, %lt3A : i32
      %lt3A_92 = arith.constant 0 : i32
      %lt3A_93 = arith.cmpi slt, %select_n3A_87, %lt3A_92 : i32
      %ne3A_94 = arith.xori %lt3A_91, %lt3A_93 : i1
      %and3A_95 = arith.andi %ne3A_94, %ne3A_90 : i1
      %add3A_96 = arith.addi %rem3A_88, %select_n3A_87 : i32
      %select_n3A_97 = arith.select %and3A_95, %add3A_96, %rem3A_88 : i32
      %broadcast_in_dim3A = arith.constant 0.000000e+00 : f32
      %broadcast_in_dim3A_98 = vector.broadcast %broadcast_in_dim3A : f32 to vector<16xf32>
      %mul3A_99 = arith.constant 16 : i32
      %mul3A_100 = arith.muli %select_n3A_97, %mul3A_99 : i32
      %swap3A = arith.index_cast %select_n3A : i32 to index
      %swap3A_101 = arith.index_cast %mul3A_100 : i32 to index
      %swap3A_102 = tpu.vector_load %arg4[%swap3A, %swap3A_101] {strides = array<i32>} : memref<128x128xf32, #tpu.memory_space<vmem>>, vector<1x16xf32>,
      %swap3A_103 = vector.shape_cast %swap3A_102 : vector<1x16xf32> to vector<16xf32>
      %swap3A_104 = vector.shape_cast %broadcast_in_dim3A_98 : vector<16xf32> to vector<1x16xf32>
      tpu.vector_store %arg4[%swap3A, %swap3A_101], %swap3A_104 {strides = array<i32>} : memref<128x128xf32, #tpu.memory_space<vmem>>, vector<1x16xf32>,
      %scan3A_105 = arith.constant 0 : i32
      scf.yield %scan3A_105 : i32
    }
    %scan3A_5 = arith.constant 1024 : i32
    %mul3A = arith.constant 768 : i32
    %mul3A_6 = arith.muli %arg1, %mul3A : i32
    %add3A = arith.constant 0 : i32
    %add3A_7 = arith.addi %mul3A_6, %add3A : i32
    %scan3A_8 = arith.constant 0 : i32
    %scan3A_9 = arith.constant 0 : i32
    %scan3A_10 = arith.constant 8 : i32
    %scan3A_11 = arith.addi %scan3A_9, %scan3A_10 : i32
    %scan3A_12 = arith.constant 1 : i32
    %scan3A_13 = scf.for %scan3A_64 = %scan3A_9 to %scan3A_11 step %scan3A_12 iter_args(%scan3A_65 = %scan3A_8) -> (i32)  : i32 {
      %iota3A = tpu.iota {dimensions = array<i32: 0>} : vector<16xi32>
      %add3A_66 = vector.broadcast %add3A_7 : i32 to vector<16xi32>
      %add3A_67 = arith.addi %iota3A, %add3A_66 : vector<16xi32>
      %mul3A_68 = arith.constant 16 : i32
      %mul3A_69 = arith.muli %scan3A_64, %mul3A_68 : i32
      %add3A_70 = vector.broadcast %mul3A_69 : i32 to vector<16xi32>
      %add3A_71 = arith.addi %add3A_67, %add3A_70 : vector<16xi32>
      %mul3A_72 = arith.constant 16 : i32
      %mul3A_73 = arith.muli %scan3A_64, %mul3A_72 : i32
      %swap3A = arith.index_cast %mul3A_73 : i32 to index
      %swap3A_74 = tpu.vector_load %arg3[%swap3A] {strides = array<i32>} : memref<128xi32, #tpu.memory_space<vmem>>, vector<16xi32>,
      %swap3A_75 = vector.shape_cast %swap3A_74 : vector<16xi32> to vector<16xi32>
      %swap3A_76 = vector.shape_cast %add3A_71 : vector<16xi32> to vector<16xi32>
      tpu.vector_store %arg3[%swap3A], %swap3A_76 {strides = array<i32>} : memref<128xi32, #tpu.memory_space<vmem>>, vector<16xi32>,
      %scan3A_77 = arith.constant 0 : i32
      scf.yield %scan3A_77 : i32
    }
    %scan3A_14 = arith.constant 8 : i32
    "tpu.region"() ({
      %run_scoped3A = tpu.sem_alloc : memref<!tpu.dma_semaphore, #tpu.memory_space<semaphore_mem>>
      %dma_start3A = arith.constant 0 : i32
      %dma_start3A_64 = arith.constant 0 : i32
      %dma_start3A_65 = tpu.memref_slice %arg5[%dma_start3A, %dma_start3A_64] : memref<12288x128xf32, #tpu.memory_space<vmem_shared>> -> memref<12288x128xf32, #tpu.memory_space<vmem_shared>>
      tpu.enqueue_indirect_dma source(%arg4 : memref<128x128xf32, #tpu.memory_space<vmem>>) target(%dma_start3A_65 : memref<12288x128xf32, #tpu.memory_space<vmem_shared>>) offsets(%arg3 : memref<128xi32, #tpu.memory_space<vmem>>) semaphore(%run_scoped3A : memref<!tpu.dma_semaphore, #tpu.memory_space<semaphore_mem>>)
      %dma_wait3A = arith.constant 0 : i32
      %dma_wait3A_66 = arith.constant 0 : i32
      %dma_wait3A_67 = tpu.memref_slice %arg5[%dma_wait3A, %dma_wait3A_66] : memref<12288x128xf32, #tpu.memory_space<vmem_shared>> -> memref<12288x128xf32, #tpu.memory_space<vmem_shared>>
      tpu.wait_indirect_dma semaphore(%run_scoped3A : memref<!tpu.dma_semaphore, #tpu.memory_space<semaphore_mem>>) src(%arg4 : memref<128x128xf32, #tpu.memory_space<vmem>>) dst(%dma_wait3A_67 : memref<12288x128xf32, #tpu.memory_space<vmem_shared>>)
      tpu.yield
    }) : () -> ()
    %add3A_15 = arith.constant 128 : i32
    %add3A_16 = arith.addi %mul3A_6, %add3A_15 : i32
    %scan3A_17 = arith.constant 0 : i32
    %scan3A_18 = arith.constant 0 : i32
    %scan3A_19 = arith.constant 8 : i32
    %scan3A_20 = arith.addi %scan3A_18, %scan3A_19 : i32
    %scan3A_21 = arith.constant 1 : i32
    %scan3A_22 = scf.for %scan3A_64 = %scan3A_18 to %scan3A_20 step %scan3A_21 iter_args(%scan3A_65 = %scan3A_17) -> (i32)  : i32 {
      %iota3A = tpu.iota {dimensions = array<i32: 0>} : vector<16xi32>
      %add3A_66 = vector.broadcast %add3A_16 : i32 to vector<16xi32>
      %add3A_67 = arith.addi %iota3A, %add3A_66 : vector<16xi32>
      %mul3A_68 = arith.constant 16 : i32
      %mul3A_69 = arith.muli %scan3A_64, %mul3A_68 : i32
      %add3A_70 = vector.broadcast %mul3A_69 : i32 to vector<16xi32>
      %add3A_71 = arith.addi %add3A_67, %add3A_70 : vector<16xi32>
      %mul3A_72 = arith.constant 16 : i32
      %mul3A_73 = arith.muli %scan3A_64, %mul3A_72 : i32
      %swap3A = arith.index_cast %mul3A_73 : i32 to index
      %swap3A_74 = tpu.vector_load %arg3[%swap3A] {strides = array<i32>} : memref<128xi32, #tpu.memory_space<vmem>>, vector<16xi32>,
      %swap3A_75 = vector.shape_cast %swap3A_74 : vector<16xi32> to vector<16xi32>
      %swap3A_76 = vector.shape_cast %add3A_71 : vector<16xi32> to vector<16xi32>
      tpu.vector_store %arg3[%swap3A], %swap3A_76 {strides = array<i32>} : memref<128xi32, #tpu.memory_space<vmem>>, vector<16xi32>,
      %scan3A_77 = arith.constant 0 : i32
      scf.yield %scan3A_77 : i32
    }
    %scan3A_23 = arith.constant 8 : i32
    "tpu.region"() ({
      %run_scoped3A = tpu.sem_alloc : memref<!tpu.dma_semaphore, #tpu.memory_space<semaphore_mem>>
      %dma_start3A = arith.constant 0 : i32
      %dma_start3A_64 = arith.constant 0 : i32
      %dma_start3A_65 = tpu.memref_slice %arg5[%dma_start3A, %dma_start3A_64] : memref<12288x128xf32, #tpu.memory_space<vmem_shared>> -> memref<12288x128xf32, #tpu.memory_space<vmem_shared>>
      tpu.enqueue_indirect_dma source(%arg4 : memref<128x128xf32, #tpu.memory_space<vmem>>) target(%dma_start3A_65 : memref<12288x128xf32, #tpu.memory_space<vmem_shared>>) offsets(%arg3 : memref<128xi32, #tpu.memory_space<vmem>>) semaphore(%run_scoped3A : memref<!tpu.dma_semaphore, #tpu.memory_space<semaphore_mem>>)
      %dma_wait3A = arith.constant 0 : i32
      %dma_wait3A_66 = arith.constant 0 : i32
      %dma_wait3A_67 = tpu.memref_slice %arg5[%dma_wait3A, %dma_wait3A_66] : memref<12288x128xf32, #tpu.memory_space<vmem_shared>> -> memref<12288x128xf32, #tpu.memory_space<vmem_shared>>
      tpu.wait_indirect_dma semaphore(%run_scoped3A : memref<!tpu.dma_semaphore, #tpu.memory_space<semaphore_mem>>) src(%arg4 : memref<128x128xf32, #tpu.memory_space<vmem>>) dst(%dma_wait3A_67 : memref<12288x128xf32, #tpu.memory_space<vmem_shared>>)
      tpu.yield
    }) : () -> ()
    %add3A_24 = arith.constant 256 : i32
    %add3A_25 = arith.addi %mul3A_6, %add3A_24 : i32
    %scan3A_26 = arith.constant 0 : i32
    %scan3A_27 = arith.constant 0 : i32
    %scan3A_28 = arith.constant 8 : i32
    %scan3A_29 = arith.addi %scan3A_27, %scan3A_28 : i32
    %scan3A_30 = arith.constant 1 : i32
    %scan3A_31 = scf.for %scan3A_64 = %scan3A_27 to %scan3A_29 step %scan3A_30 iter_args(%scan3A_65 = %scan3A_26) -> (i32)  : i32 {
      %iota3A = tpu.iota {dimensions = array<i32: 0>} : vector<16xi32>
      %add3A_66 = vector.broadcast %add3A_25 : i32 to vector<16xi32>
      %add3A_67 = arith.addi %iota3A, %add3A_66 : vector<16xi32>
      %mul3A_68 = arith.constant 16 : i32
      %mul3A_69 = arith.muli %scan3A_64, %mul3A_68 : i32
      %add3A_70 = vector.broadcast %mul3A_69 : i32 to vector<16xi32>
      %add3A_71 = arith.addi %add3A_67, %add3A_70 : vector<16xi32>
      %mul3A_72 = arith.constant 16 : i32
      %mul3A_73 = arith.muli %scan3A_64, %mul3A_72 : i32
      %swap3A = arith.index_cast %mul3A_73 : i32 to index
      %swap3A_74 = tpu.vector_load %arg3[%swap3A] {strides = array<i32>} : memref<128xi32, #tpu.memory_space<vmem>>, vector<16xi32>,
      %swap3A_75 = vector.shape_cast %swap3A_74 : vector<16xi32> to vector<16xi32>
      %swap3A_76 = vector.shape_cast %add3A_71 : vector<16xi32> to vector<16xi32>
      tpu.vector_store %arg3[%swap3A], %swap3A_76 {strides = array<i32>} : memref<128xi32, #tpu.memory_space<vmem>>, vector<16xi32>,
      %scan3A_77 = arith.constant 0 : i32
      scf.yield %scan3A_77 : i32
    }
    %scan3A_32 = arith.constant 8 : i32
    "tpu.region"() ({
      %run_scoped3A = tpu.sem_alloc : memref<!tpu.dma_semaphore, #tpu.memory_space<semaphore_mem>>
      %dma_start3A = arith.constant 0 : i32
      %dma_start3A_64 = arith.constant 0 : i32
      %dma_start3A_65 = tpu.memref_slice %arg5[%dma_start3A, %dma_start3A_64] : memref<12288x128xf32, #tpu.memory_space<vmem_shared>> -> memref<12288x128xf32, #tpu.memory_space<vmem_shared>>
      tpu.enqueue_indirect_dma source(%arg4 : memref<128x128xf32, #tpu.memory_space<vmem>>) target(%dma_start3A_65 : memref<12288x128xf32, #tpu.memory_space<vmem_shared>>) offsets(%arg3 : memref<128xi32, #tpu.memory_space<vmem>>) semaphore(%run_scoped3A : memref<!tpu.dma_semaphore, #tpu.memory_space<semaphore_mem>>)
      %dma_wait3A = arith.constant 0 : i32
      %dma_wait3A_66 = arith.constant 0 : i32
      %dma_wait3A_67 = tpu.memref_slice %arg5[%dma_wait3A, %dma_wait3A_66] : memref<12288x128xf32, #tpu.memory_space<vmem_shared>> -> memref<12288x128xf32, #tpu.memory_space<vmem_shared>>
      tpu.wait_indirect_dma semaphore(%run_scoped3A : memref<!tpu.dma_semaphore, #tpu.memory_space<semaphore_mem>>) src(%arg4 : memref<128x128xf32, #tpu.memory_space<vmem>>) dst(%dma_wait3A_67 : memref<12288x128xf32, #tpu.memory_space<vmem_shared>>)
      tpu.yield
    }) : () -> ()
    %add3A_33 = arith.constant 384 : i32
    %add3A_34 = arith.addi %mul3A_6, %add3A_33 : i32
    %scan3A_35 = arith.constant 0 : i32
    %scan3A_36 = arith.constant 0 : i32
    %scan3A_37 = arith.constant 8 : i32
    %scan3A_38 = arith.addi %scan3A_36, %scan3A_37 : i32
    %scan3A_39 = arith.constant 1 : i32
    %scan3A_40 = scf.for %scan3A_64 = %scan3A_36 to %scan3A_38 step %scan3A_39 iter_args(%scan3A_65 = %scan3A_35) -> (i32)  : i32 {
      %iota3A = tpu.iota {dimensions = array<i32: 0>} : vector<16xi32>
      %add3A_66 = vector.broadcast %add3A_34 : i32 to vector<16xi32>
      %add3A_67 = arith.addi %iota3A, %add3A_66 : vector<16xi32>
      %mul3A_68 = arith.constant 16 : i32
      %mul3A_69 = arith.muli %scan3A_64, %mul3A_68 : i32
      %add3A_70 = vector.broadcast %mul3A_69 : i32 to vector<16xi32>
      %add3A_71 = arith.addi %add3A_67, %add3A_70 : vector<16xi32>
      %mul3A_72 = arith.constant 16 : i32
      %mul3A_73 = arith.muli %scan3A_64, %mul3A_72 : i32
      %swap3A = arith.index_cast %mul3A_73 : i32 to index
      %swap3A_74 = tpu.vector_load %arg3[%swap3A] {strides = array<i32>} : memref<128xi32, #tpu.memory_space<vmem>>, vector<16xi32>,
      %swap3A_75 = vector.shape_cast %swap3A_74 : vector<16xi32> to vector<16xi32>
      %swap3A_76 = vector.shape_cast %add3A_71 : vector<16xi32> to vector<16xi32>
      tpu.vector_store %arg3[%swap3A], %swap3A_76 {strides = array<i32>} : memref<128xi32, #tpu.memory_space<vmem>>, vector<16xi32>,
      %scan3A_77 = arith.constant 0 : i32
      scf.yield %scan3A_77 : i32
    }
    %scan3A_41 = arith.constant 8 : i32
    "tpu.region"() ({
      %run_scoped3A = tpu.sem_alloc : memref<!tpu.dma_semaphore, #tpu.memory_space<semaphore_mem>>
      %dma_start3A = arith.constant 0 : i32
      %dma_start3A_64 = arith.constant 0 : i32
      %dma_start3A_65 = tpu.memref_slice %arg5[%dma_start3A, %dma_start3A_64] : memref<12288x128xf32, #tpu.memory_space<vmem_shared>> -> memref<12288x128xf32, #tpu.memory_space<vmem_shared>>
      tpu.enqueue_indirect_dma source(%arg4 : memref<128x128xf32, #tpu.memory_space<vmem>>) target(%dma_start3A_65 : memref<12288x128xf32, #tpu.memory_space<vmem_shared>>) offsets(%arg3 : memref<128xi32, #tpu.memory_space<vmem>>) semaphore(%run_scoped3A : memref<!tpu.dma_semaphore, #tpu.memory_space<semaphore_mem>>)
      %dma_wait3A = arith.constant 0 : i32
      %dma_wait3A_66 = arith.constant 0 : i32
      %dma_wait3A_67 = tpu.memref_slice %arg5[%dma_wait3A, %dma_wait3A_66] : memref<12288x128xf32, #tpu.memory_space<vmem_shared>> -> memref<12288x128xf32, #tpu.memory_space<vmem_shared>>
      tpu.wait_indirect_dma semaphore(%run_scoped3A : memref<!tpu.dma_semaphore, #tpu.memory_space<semaphore_mem>>) src(%arg4 : memref<128x128xf32, #tpu.memory_space<vmem>>) dst(%dma_wait3A_67 : memref<12288x128xf32, #tpu.memory_space<vmem_shared>>)
      tpu.yield
    }) : () -> ()
    %add3A_42 = arith.constant 512 : i32
    %add3A_43 = arith.addi %mul3A_6, %add3A_42 : i32
    %scan3A_44 = arith.constant 0 : i32
    %scan3A_45 = arith.constant 0 : i32
    %scan3A_46 = arith.constant 8 : i32
    %scan3A_47 = arith.addi %scan3A_45, %scan3A_46 : i32
    %scan3A_48 = arith.constant 1 : i32
    %scan3A_49 = scf.for %scan3A_64 = %scan3A_45 to %scan3A_47 step %scan3A_48 iter_args(%scan3A_65 = %scan3A_44) -> (i32)  : i32 {
      %iota3A = tpu.iota {dimensions = array<i32: 0>} : vector<16xi32>
      %add3A_66 = vector.broadcast %add3A_43 : i32 to vector<16xi32>
      %add3A_67 = arith.addi %iota3A, %add3A_66 : vector<16xi32>
      %mul3A_68 = arith.constant 16 : i32
      %mul3A_69 = arith.muli %scan3A_64, %mul3A_68 : i32
      %add3A_70 = vector.broadcast %mul3A_69 : i32 to vector<16xi32>
      %add3A_71 = arith.addi %add3A_67, %add3A_70 : vector<16xi32>
      %mul3A_72 = arith.constant 16 : i32
      %mul3A_73 = arith.muli %scan3A_64, %mul3A_72 : i32
      %swap3A = arith.index_cast %mul3A_73 : i32 to index
      %swap3A_74 = tpu.vector_load %arg3[%swap3A] {strides = array<i32>} : memref<128xi32, #tpu.memory_space<vmem>>, vector<16xi32>,
      %swap3A_75 = vector.shape_cast %swap3A_74 : vector<16xi32> to vector<16xi32>
      %swap3A_76 = vector.shape_cast %add3A_71 : vector<16xi32> to vector<16xi32>
      tpu.vector_store %arg3[%swap3A], %swap3A_76 {strides = array<i32>} : memref<128xi32, #tpu.memory_space<vmem>>, vector<16xi32>,
      %scan3A_77 = arith.constant 0 : i32
      scf.yield %scan3A_77 : i32
    }
    %scan3A_50 = arith.constant 8 : i32
    "tpu.region"() ({
      %run_scoped3A = tpu.sem_alloc : memref<!tpu.dma_semaphore, #tpu.memory_space<semaphore_mem>>
      %dma_start3A = arith.constant 0 : i32
      %dma_start3A_64 = arith.constant 0 : i32
      %dma_start3A_65 = tpu.memref_slice %arg5[%dma_start3A, %dma_start3A_64] : memref<12288x128xf32, #tpu.memory_space<vmem_shared>> -> memref<12288x128xf32, #tpu.memory_space<vmem_shared>>
      tpu.enqueue_indirect_dma source(%arg4 : memref<128x128xf32, #tpu.memory_space<vmem>>) target(%dma_start3A_65 : memref<12288x128xf32, #tpu.memory_space<vmem_shared>>) offsets(%arg3 : memref<128xi32, #tpu.memory_space<vmem>>) semaphore(%run_scoped3A : memref<!tpu.dma_semaphore, #tpu.memory_space<semaphore_mem>>)
      %dma_wait3A = arith.constant 0 : i32
      %dma_wait3A_66 = arith.constant 0 : i32
      %dma_wait3A_67 = tpu.memref_slice %arg5[%dma_wait3A, %dma_wait3A_66] : memref<12288x128xf32, #tpu.memory_space<vmem_shared>> -> memref<12288x128xf32, #tpu.memory_space<vmem_shared>>
      tpu.wait_indirect_dma semaphore(%run_scoped3A : memref<!tpu.dma_semaphore, #tpu.memory_space<semaphore_mem>>) src(%arg4 : memref<128x128xf32, #tpu.memory_space<vmem>>) dst(%dma_wait3A_67 : memref<12288x128xf32, #tpu.memory_space<vmem_shared>>)
      tpu.yield
    }) : () -> ()
    %add3A_51 = arith.constant 640 : i32
    %add3A_52 = arith.addi %mul3A_6, %add3A_51 : i32
    %scan3A_53 = arith.constant 0 : i32
    %scan3A_54 = arith.constant 0 : i32
    %scan3A_55 = arith.constant 8 : i32
    %scan3A_56 = arith.addi %scan3A_54, %scan3A_55 : i32
    %scan3A_57 = arith.constant 1 : i32
    %scan3A_58 = scf.for %scan3A_64 = %scan3A_54 to %scan3A_56 step %scan3A_57 iter_args(%scan3A_65 = %scan3A_53) -> (i32)  : i32 {
      %iota3A = tpu.iota {dimensions = array<i32: 0>} : vector<16xi32>
      %add3A_66 = vector.broadcast %add3A_52 : i32 to vector<16xi32>
      %add3A_67 = arith.addi %iota3A, %add3A_66 : vector<16xi32>
      %mul3A_68 = arith.constant 16 : i32
      %mul3A_69 = arith.muli %scan3A_64, %mul3A_68 : i32
      %add3A_70 = vector.broadcast %mul3A_69 : i32 to vector<16xi32>
      %add3A_71 = arith.addi %add3A_67, %add3A_70 : vector<16xi32>
      %mul3A_72 = arith.constant 16 : i32
      %mul3A_73 = arith.muli %scan3A_64, %mul3A_72 : i32
      %swap3A = arith.index_cast %mul3A_73 : i32 to index
      %swap3A_74 = tpu.vector_load %arg3[%swap3A] {strides = array<i32>} : memref<128xi32, #tpu.memory_space<vmem>>, vector<16xi32>,
      %swap3A_75 = vector.shape_cast %swap3A_74 : vector<16xi32> to vector<16xi32>
      %swap3A_76 = vector.shape_cast %add3A_71 : vector<16xi32> to vector<16xi32>
      tpu.vector_store %arg3[%swap3A], %swap3A_76 {strides = array<i32>} : memref<128xi32, #tpu.memory_space<vmem>>, vector<16xi32>,
      %scan3A_77 = arith.constant 0 : i32
      scf.yield %scan3A_77 : i32
    }
    %scan3A_59 = arith.constant 8 : i32
    "tpu.region"() ({
      %run_scoped3A = tpu.sem_alloc : memref<!tpu.dma_semaphore, #tpu.memory_space<semaphore_mem>>
      %dma_start3A = arith.constant 0 : i32
      %dma_start3A_64 = arith.constant 0 : i32
      %dma_start3A_65 = tpu.memref_slice %arg5[%dma_start3A, %dma_start3A_64] : memref<12288x128xf32, #tpu.memory_space<vmem_shared>> -> memref<12288x128xf32, #tpu.memory_space<vmem_shared>>
      tpu.enqueue_indirect_dma source(%arg4 : memref<128x128xf32, #tpu.memory_space<vmem>>) target(%dma_start3A_65 : memref<12288x128xf32, #tpu.memory_space<vmem_shared>>) offsets(%arg3 : memref<128xi32, #tpu.memory_space<vmem>>) semaphore(%run_scoped3A : memref<!tpu.dma_semaphore, #tpu.memory_space<semaphore_mem>>)
      %dma_wait3A = arith.constant 0 : i32
      %dma_wait3A_66 = arith.constant 0 : i32
      %dma_wait3A_67 = tpu.memref_slice %arg5[%dma_wait3A, %dma_wait3A_66] : memref<12288x128xf32, #tpu.memory_space<vmem_shared>> -> memref<12288x128xf32, #tpu.memory_space<vmem_shared>>
      tpu.wait_indirect_dma semaphore(%run_scoped3A : memref<!tpu.dma_semaphore, #tpu.memory_space<semaphore_mem>>) src(%arg4 : memref<128x128xf32, #tpu.memory_space<vmem>>) dst(%dma_wait3A_67 : memref<12288x128xf32, #tpu.memory_space<vmem_shared>>)
      tpu.yield
    }) : () -> ()
    %eq3A = arith.constant 0 : i32
    %eq3A_60 = arith.cmpi eq, %arg0, %eq3A : i32
    %eq3A_61 = arith.constant 0 : i32
    %eq3A_62 = arith.cmpi eq, %arg1, %eq3A_61 : i32
    %and3A = arith.andi %eq3A_60, %eq3A_62 : i1
    %convert_element_type3A = arith.extui %and3A : i1 to i32
    %cond3A = arith.constant 0 : i32
    %cond3A_63 = arith.cmpi ne, %convert_element_type3A, %cond3A : i32
    scf.if %cond3A_63 {
      %run_scoped3A = arith.constant 0 : i32
      "tpu.region"() ({
        %run_scoped3A_64 = tpu.sem_alloc : memref<!tpu.dma_semaphore, #tpu.memory_space<semaphore_mem>>
        %dma_start3A = arith.constant 0 : i32
        %dma_start3A_65 = tpu.memref_slice %arg4[%run_scoped3A, %dma_start3A] : memref<128x128xf32, #tpu.memory_space<vmem>> -> memref<1x8xf32, #tpu.memory_space<vmem>>
        %dma_start3A_66 = tpu.memref_squeeze %dma_start3A_65 : memref<1x8xf32, #tpu.memory_space<vmem>> -> memref<8xf32, #tpu.memory_space<vmem>>
        %dma_start3A_67 = arith.constant 0 : i32
        %dma_start3A_68 = tpu.memref_slice %arg4[%run_scoped3A, %dma_start3A_67] : memref<128x128xf32, #tpu.memory_space<vmem>> -> memref<1x8xf32, #tpu.memory_space<vmem>>
        %dma_start3A_69 = tpu.memref_squeeze %dma_start3A_68 : memref<1x8xf32, #tpu.memory_space<vmem>> -> memref<8xf32, #tpu.memory_space<vmem>>
        tpu.enqueue_dma source(%dma_start3A_69 : memref<8xf32, #tpu.memory_space<vmem>>) target(%arg2 : memref<8xf32, #tpu.memory_space<hbm>>) target_semaphore(%run_scoped3A_64 : memref<!tpu.dma_semaphore, #tpu.memory_space<semaphore_mem>>)
        %dma_wait3A = arith.constant 0 : i32
        %dma_wait3A_70 = tpu.memref_slice %arg4[%run_scoped3A, %dma_wait3A] : memref<128x128xf32, #tpu.memory_space<vmem>> -> memref<1x8xf32, #tpu.memory_space<vmem>>
        %dma_wait3A_71 = tpu.memref_squeeze %dma_wait3A_70 : memref<1x8xf32, #tpu.memory_space<vmem>> -> memref<8xf32, #tpu.memory_space<vmem>>
        %dma_wait3A_72 = arith.constant 0 : i32
        %dma_wait3A_73 = tpu.memref_slice %arg4[%run_scoped3A, %dma_wait3A_72] : memref<128x128xf32, #tpu.memory_space<vmem>> -> memref<1x8xf32, #tpu.memory_space<vmem>>
        %dma_wait3A_74 = tpu.memref_squeeze %dma_wait3A_73 : memref<1x8xf32, #tpu.memory_space<vmem>> -> memref<8xf32, #tpu.memory_space<vmem>>
        tpu.wait_dma2 semaphore(%run_scoped3A_64 : memref<!tpu.dma_semaphore, #tpu.memory_space<semaphore_mem>>) src(%dma_wait3A_74 : memref<8xf32, #tpu.memory_space<vmem>>) dst(%arg2 : memref<8xf32, #tpu.memory_space<hbm>>)
        tpu.yield
      }) : () -> ()
    } else {
    }
    return
  }
}

#map = affine_map<(d0, d1) -> (0, 0)>
#map1 = affine_map<(d0, d1) -> (0)>
module attributes {stable_mosaic.version = 14 : i64} {
  func.func @_spmm_kernel(%arg0: i32, %arg1: i32, %arg2: memref<10240x128xf32, #tpu.memory_space<hbm>>, %arg3: memref<323584xi32, #tpu.memory_space<hbm>>, %arg4: memref<323584xi32, #tpu.memory_space<hbm>>, %arg5: memref<20480x128xf32, #tpu.memory_space<hbm>>, %arg6: memref<128xi32, #tpu.memory_space<vmem>>, %arg7: memref<128xi32, #tpu.memory_space<vmem>>, %arg8: memref<128xi32, #tpu.memory_space<vmem>>, %arg9: memref<128xi32, #tpu.memory_space<vmem>>, %arg10: memref<128xi32, #tpu.memory_space<vmem>>, %arg11: memref<128x128xf32, #tpu.memory_space<vmem>>, %arg12: memref<128x128xf32, #tpu.memory_space<vmem>>, %arg13: memref<10240x128xf32, #tpu.memory_space<vmem_shared>>, %arg14: memref<!tpu.dma_semaphore, #tpu.memory_space<semaphore_mem>>, %arg15: memref<!tpu.dma_semaphore, #tpu.memory_space<semaphore_mem>>) attributes {dimension_semantics = [#tpu.dimension_semantics<core_parallel>, #tpu.dimension_semantics<subcore_parallel>], iteration_bounds = array<i64: 2, 16>, scalar_prefetch = 0 : i64, scratch_operands = 10 : i64, tpu.core_type = #tpu.core_type<sc_vector_subcore>, window_params = [{transform_indices = #map}, {transform_indices = #map1}, {transform_indices = #map1}, {transform_indices = #map}]} {
    %mul3A = arith.constant 2 : i32
    %mul3A_0 = arith.muli %arg1, %mul3A : i32
    %add3A = arith.addi %mul3A_0, %arg0 : i32
    %mul3A_1 = arith.constant 640 : i32
    %mul3A_2 = arith.muli %arg1, %mul3A_1 : i32
    %add3A_3 = arith.constant 0 : i32
    %add3A_4 = arith.addi %mul3A_2, %add3A_3 : i32
    %scan3A = arith.constant 0 : i32
    %scan3A_5 = arith.constant 0 : i32
    %scan3A_6 = arith.constant 8 : i32
    %scan3A_7 = arith.addi %scan3A_5, %scan3A_6 : i32
    %scan3A_8 = arith.constant 1 : i32
    %scan3A_9 = scf.for %scan3A_261 = %scan3A_5 to %scan3A_7 step %scan3A_8 iter_args(%scan3A_262 = %scan3A) -> (i32)  : i32 {
      %iota3A = tpu.iota {dimensions = array<i32: 0>} : vector<16xi32>
      %add3A_263 = vector.broadcast %add3A_4 : i32 to vector<16xi32>
      %add3A_264 = arith.addi %iota3A, %add3A_263 : vector<16xi32>
      %mul3A_265 = arith.constant 16 : i32
      %mul3A_266 = arith.muli %scan3A_261, %mul3A_265 : i32
      %add3A_267 = vector.broadcast %mul3A_266 : i32 to vector<16xi32>
      %add3A_268 = arith.addi %add3A_264, %add3A_267 : vector<16xi32>
      %mul3A_269 = arith.constant 16 : i32
      %mul3A_270 = arith.muli %scan3A_261, %mul3A_269 : i32
      %swap3A = arith.index_cast %mul3A_270 : i32 to index
      %swap3A_271 = tpu.vector_load %arg10[%swap3A] {strides = array<i32>} : memref<128xi32, #tpu.memory_space<vmem>>, vector<16xi32>,
      %swap3A_272 = vector.shape_cast %swap3A_271 : vector<16xi32> to vector<16xi32>
      %swap3A_273 = vector.shape_cast %add3A_268 : vector<16xi32> to vector<16xi32>
      tpu.vector_store %arg10[%swap3A], %swap3A_273 {strides = array<i32>} : memref<128xi32, #tpu.memory_space<vmem>>, vector<16xi32>,
      %scan3A_274 = arith.constant 0 : i32
      scf.yield %scan3A_274 : i32
    }
    %scan3A_10 = arith.constant 8 : i32
    %dma_start3A = arith.constant 0 : i32
    %dma_start3A_11 = arith.constant 0 : i32
    %dma_start3A_12 = tpu.memref_slice %arg13[%dma_start3A, %dma_start3A_11] : memref<10240x128xf32, #tpu.memory_space<vmem_shared>> -> memref<10240x128xf32, #tpu.memory_space<vmem_shared>>
    tpu.enqueue_indirect_dma source(%dma_start3A_12 : memref<10240x128xf32, #tpu.memory_space<vmem_shared>>) target(%arg11 : memref<128x128xf32, #tpu.memory_space<vmem>>) offsets(%arg10 : memref<128xi32, #tpu.memory_space<vmem>>) semaphore(%arg14 : memref<!tpu.dma_semaphore, #tpu.memory_space<semaphore_mem>>)
    %dma_wait3A = arith.constant 0 : i32
    %dma_wait3A_13 = arith.constant 0 : i32
    %dma_wait3A_14 = tpu.memref_slice %arg13[%dma_wait3A, %dma_wait3A_13] : memref<10240x128xf32, #tpu.memory_space<vmem_shared>> -> memref<10240x128xf32, #tpu.memory_space<vmem_shared>>
    tpu.wait_indirect_dma semaphore(%arg14 : memref<!tpu.dma_semaphore, #tpu.memory_space<semaphore_mem>>) src(%dma_wait3A_14 : memref<10240x128xf32, #tpu.memory_space<vmem_shared>>) dst(%arg11 : memref<128x128xf32, #tpu.memory_space<vmem>>)
    %scan3A_15 = arith.constant 0 : i32
    %scan3A_16 = arith.constant 0 : i32
    %scan3A_17 = arith.constant 1024 : i32
    %scan3A_18 = arith.addi %scan3A_16, %scan3A_17 : i32
    %scan3A_19 = arith.constant 1 : i32
    %scan3A_20 = scf.for %scan3A_261 = %scan3A_16 to %scan3A_18 step %scan3A_19 iter_args(%scan3A_262 = %scan3A_15) -> (i32)  : i32 {
      %jit3A = arith.constant 8 : i32
      %div3A = arith.divsi %scan3A_261, %jit3A : i32
      %sign3A = arith.constant 0 : i32
      %sign3A_263 = arith.cmpi sgt, %scan3A_261, %sign3A : i32
      %sign3A_264 = arith.extui %sign3A_263 : i1 to i32
      %sign3A_265 = arith.constant 0 : i32
      %sign3A_266 = arith.cmpi slt, %scan3A_261, %sign3A_265 : i32
      %sign3A_267 = arith.extui %sign3A_266 : i1 to i32
      %sign3A_268 = arith.subi %sign3A_264, %sign3A_267 : i32
      %sign3A_269 = arith.constant 0 : i32
      %sign3A_270 = arith.cmpi sgt, %jit3A, %sign3A_269 : i32
      %sign3A_271 = arith.extui %sign3A_270 : i1 to i32
      %sign3A_272 = arith.constant 0 : i32
      %sign3A_273 = arith.cmpi slt, %jit3A, %sign3A_272 : i32
      %sign3A_274 = arith.extui %sign3A_273 : i1 to i32
      %sign3A_275 = arith.subi %sign3A_271, %sign3A_274 : i32
      %ne3A = arith.cmpi ne, %sign3A_268, %sign3A_275 : i32
      %rem3A = arith.remsi %scan3A_261, %jit3A : i32
      %ne3A_276 = arith.constant 0 : i32
      %ne3A_277 = arith.cmpi ne, %rem3A, %ne3A_276 : i32
      %and3A = arith.andi %ne3A, %ne3A_277 : i1
      %sub3A = arith.constant 1 : i32
      %sub3A_278 = arith.subi %div3A, %sub3A : i32
      %select_n3A = arith.select %and3A, %sub3A_278, %div3A : i32
      %jit3A_279 = arith.constant 8 : i32
      %eq3A = arith.constant 0 : i32
      %eq3A_280 = arith.cmpi eq, %jit3A_279, %eq3A : i32
      %jit3A_281 = arith.constant 1 : i32
      %select_n3A_282 = arith.select %eq3A_280, %jit3A_281, %jit3A_279 : i32
      %rem3A_283 = arith.remsi %scan3A_261, %select_n3A_282 : i32
      %ne3A_284 = arith.constant 0 : i32
      %ne3A_285 = arith.cmpi ne, %rem3A_283, %ne3A_284 : i32
      %lt3A = arith.constant 0 : i32
      %lt3A_286 = arith.cmpi slt, %rem3A_283, %lt3A : i32
      %lt3A_287 = arith.constant 0 : i32
      %lt3A_288 = arith.cmpi slt, %select_n3A_282, %lt3A_287 : i32
      %ne3A_289 = arith.xori %lt3A_286, %lt3A_288 : i1
      %and3A_290 = arith.andi %ne3A_289, %ne3A_285 : i1
      %add3A_291 = arith.addi %rem3A_283, %select_n3A_282 : i32
      %select_n3A_292 = arith.select %and3A_290, %add3A_291, %rem3A_283 : i32
      %mul3A_293 = arith.constant 16 : i32
      %mul3A_294 = arith.muli %select_n3A_292, %mul3A_293 : i32
      %get3A = arith.index_cast %select_n3A : i32 to index
      %get3A_295 = arith.index_cast %mul3A_294 : i32 to index
      %get3A_296 = tpu.vector_load %arg11[%get3A, %get3A_295] {strides = array<i32>} : memref<128x128xf32, #tpu.memory_space<vmem>>, vector<1x16xf32>,
      %get3A_297 = vector.shape_cast %get3A_296 : vector<1x16xf32> to vector<16xf32>
      %neg3A = arith.constant 0.000000e+00 : f32
      %neg3A_298 = vector.broadcast %neg3A : f32 to vector<16xf32>
      %neg3A_299 = arith.subf %neg3A_298, %get3A_297 : vector<16xf32>
      %mul3A_300 = arith.constant 16 : i32
      %mul3A_301 = arith.muli %select_n3A_292, %mul3A_300 : i32
      %swap3A = arith.index_cast %select_n3A : i32 to index
      %swap3A_302 = arith.index_cast %mul3A_301 : i32 to index
      %swap3A_303 = tpu.vector_load %arg11[%swap3A, %swap3A_302] {strides = array<i32>} : memref<128x128xf32, #tpu.memory_space<vmem>>, vector<1x16xf32>,
      %swap3A_304 = vector.shape_cast %swap3A_303 : vector<1x16xf32> to vector<16xf32>
      %swap3A_305 = vector.shape_cast %neg3A_299 : vector<16xf32> to vector<1x16xf32>
      tpu.vector_store %arg11[%swap3A, %swap3A_302], %swap3A_305 {strides = array<i32>} : memref<128x128xf32, #tpu.memory_space<vmem>>, vector<1x16xf32>,
      %scan3A_306 = arith.constant 0 : i32
      scf.yield %scan3A_306 : i32
    }
    %scan3A_21 = arith.constant 1024 : i32
    "tpu.region"() ({
      %run_scoped3A = tpu.sem_alloc : memref<!tpu.dma_semaphore, #tpu.memory_space<semaphore_mem>>
      %dma_start3A_261 = arith.constant 0 : i32
      %dma_start3A_262 = arith.constant 0 : i32
      %dma_start3A_263 = tpu.memref_slice %arg13[%dma_start3A_261, %dma_start3A_262] : memref<10240x128xf32, #tpu.memory_space<vmem_shared>> -> memref<10240x128xf32, #tpu.memory_space<vmem_shared>>
      tpu.enqueue_indirect_dma source(%arg11 : memref<128x128xf32, #tpu.memory_space<vmem>>) target(%dma_start3A_263 : memref<10240x128xf32, #tpu.memory_space<vmem_shared>>) offsets(%arg10 : memref<128xi32, #tpu.memory_space<vmem>>) semaphore(%run_scoped3A : memref<!tpu.dma_semaphore, #tpu.memory_space<semaphore_mem>>) {add = true}
      %dma_wait3A_264 = arith.constant 0 : i32
      %dma_wait3A_265 = arith.constant 0 : i32
      %dma_wait3A_266 = tpu.memref_slice %arg13[%dma_wait3A_264, %dma_wait3A_265] : memref<10240x128xf32, #tpu.memory_space<vmem_shared>> -> memref<10240x128xf32, #tpu.memory_space<vmem_shared>>
      tpu.wait_indirect_dma semaphore(%run_scoped3A : memref<!tpu.dma_semaphore, #tpu.memory_space<semaphore_mem>>) src(%arg11 : memref<128x128xf32, #tpu.memory_space<vmem>>) dst(%dma_wait3A_266 : memref<10240x128xf32, #tpu.memory_space<vmem_shared>>)
      tpu.yield
    }) : () -> ()
    %mul3A_22 = arith.constant 640 : i32
    %mul3A_23 = arith.muli %arg1, %mul3A_22 : i32
    %add3A_24 = arith.constant 128 : i32
    %add3A_25 = arith.addi %mul3A_23, %add3A_24 : i32
    %scan3A_26 = arith.constant 0 : i32
    %scan3A_27 = arith.constant 0 : i32
    %scan3A_28 = arith.constant 8 : i32
    %scan3A_29 = arith.addi %scan3A_27, %scan3A_28 : i32
    %scan3A_30 = arith.constant 1 : i32
    %scan3A_31 = scf.for %scan3A_261 = %scan3A_27 to %scan3A_29 step %scan3A_30 iter_args(%scan3A_262 = %scan3A_26) -> (i32)  : i32 {
      %iota3A = tpu.iota {dimensions = array<i32: 0>} : vector<16xi32>
      %add3A_263 = vector.broadcast %add3A_25 : i32 to vector<16xi32>
      %add3A_264 = arith.addi %iota3A, %add3A_263 : vector<16xi32>
      %mul3A_265 = arith.constant 16 : i32
      %mul3A_266 = arith.muli %scan3A_261, %mul3A_265 : i32
      %add3A_267 = vector.broadcast %mul3A_266 : i32 to vector<16xi32>
      %add3A_268 = arith.addi %add3A_264, %add3A_267 : vector<16xi32>
      %mul3A_269 = arith.constant 16 : i32
      %mul3A_270 = arith.muli %scan3A_261, %mul3A_269 : i32
      %swap3A = arith.index_cast %mul3A_270 : i32 to index
      %swap3A_271 = tpu.vector_load %arg10[%swap3A] {strides = array<i32>} : memref<128xi32, #tpu.memory_space<vmem>>, vector<16xi32>,
      %swap3A_272 = vector.shape_cast %swap3A_271 : vector<16xi32> to vector<16xi32>
      %swap3A_273 = vector.shape_cast %add3A_268 : vector<16xi32> to vector<16xi32>
      tpu.vector_store %arg10[%swap3A], %swap3A_273 {strides = array<i32>} : memref<128xi32, #tpu.memory_space<vmem>>, vector<16xi32>,
      %scan3A_274 = arith.constant 0 : i32
      scf.yield %scan3A_274 : i32
    }
    %scan3A_32 = arith.constant 8 : i32
    %dma_start3A_33 = arith.constant 0 : i32
    %dma_start3A_34 = arith.constant 0 : i32
    %dma_start3A_35 = tpu.memref_slice %arg13[%dma_start3A_33, %dma_start3A_34] : memref<10240x128xf32, #tpu.memory_space<vmem_shared>> -> memref<10240x128xf32, #tpu.memory_space<vmem_shared>>
    tpu.enqueue_indirect_dma source(%dma_start3A_35 : memref<10240x128xf32, #tpu.memory_space<vmem_shared>>) target(%arg11 : memref<128x128xf32, #tpu.memory_space<vmem>>) offsets(%arg10 : memref<128xi32, #tpu.memory_space<vmem>>) semaphore(%arg14 : memref<!tpu.dma_semaphore, #tpu.memory_space<semaphore_mem>>)
    %dma_wait3A_36 = arith.constant 0 : i32
    %dma_wait3A_37 = arith.constant 0 : i32
    %dma_wait3A_38 = tpu.memref_slice %arg13[%dma_wait3A_36, %dma_wait3A_37] : memref<10240x128xf32, #tpu.memory_space<vmem_shared>> -> memref<10240x128xf32, #tpu.memory_space<vmem_shared>>
    tpu.wait_indirect_dma semaphore(%arg14 : memref<!tpu.dma_semaphore, #tpu.memory_space<semaphore_mem>>) src(%dma_wait3A_38 : memref<10240x128xf32, #tpu.memory_space<vmem_shared>>) dst(%arg11 : memref<128x128xf32, #tpu.memory_space<vmem>>)
    %scan3A_39 = arith.constant 0 : i32
    %scan3A_40 = arith.constant 0 : i32
    %scan3A_41 = arith.constant 1024 : i32
    %scan3A_42 = arith.addi %scan3A_40, %scan3A_41 : i32
    %scan3A_43 = arith.constant 1 : i32
    %scan3A_44 = scf.for %scan3A_261 = %scan3A_40 to %scan3A_42 step %scan3A_43 iter_args(%scan3A_262 = %scan3A_39) -> (i32)  : i32 {
      %jit3A = arith.constant 8 : i32
      %div3A = arith.divsi %scan3A_261, %jit3A : i32
      %sign3A = arith.constant 0 : i32
      %sign3A_263 = arith.cmpi sgt, %scan3A_261, %sign3A : i32
      %sign3A_264 = arith.extui %sign3A_263 : i1 to i32
      %sign3A_265 = arith.constant 0 : i32
      %sign3A_266 = arith.cmpi slt, %scan3A_261, %sign3A_265 : i32
      %sign3A_267 = arith.extui %sign3A_266 : i1 to i32
      %sign3A_268 = arith.subi %sign3A_264, %sign3A_267 : i32
      %sign3A_269 = arith.constant 0 : i32
      %sign3A_270 = arith.cmpi sgt, %jit3A, %sign3A_269 : i32
      %sign3A_271 = arith.extui %sign3A_270 : i1 to i32
      %sign3A_272 = arith.constant 0 : i32
      %sign3A_273 = arith.cmpi slt, %jit3A, %sign3A_272 : i32
      %sign3A_274 = arith.extui %sign3A_273 : i1 to i32
      %sign3A_275 = arith.subi %sign3A_271, %sign3A_274 : i32
      %ne3A = arith.cmpi ne, %sign3A_268, %sign3A_275 : i32
      %rem3A = arith.remsi %scan3A_261, %jit3A : i32
      %ne3A_276 = arith.constant 0 : i32
      %ne3A_277 = arith.cmpi ne, %rem3A, %ne3A_276 : i32
      %and3A = arith.andi %ne3A, %ne3A_277 : i1
      %sub3A = arith.constant 1 : i32
      %sub3A_278 = arith.subi %div3A, %sub3A : i32
      %select_n3A = arith.select %and3A, %sub3A_278, %div3A : i32
      %jit3A_279 = arith.constant 8 : i32
      %eq3A = arith.constant 0 : i32
      %eq3A_280 = arith.cmpi eq, %jit3A_279, %eq3A : i32
      %jit3A_281 = arith.constant 1 : i32
      %select_n3A_282 = arith.select %eq3A_280, %jit3A_281, %jit3A_279 : i32
      %rem3A_283 = arith.remsi %scan3A_261, %select_n3A_282 : i32
      %ne3A_284 = arith.constant 0 : i32
      %ne3A_285 = arith.cmpi ne, %rem3A_283, %ne3A_284 : i32
      %lt3A = arith.constant 0 : i32
      %lt3A_286 = arith.cmpi slt, %rem3A_283, %lt3A : i32
      %lt3A_287 = arith.constant 0 : i32
      %lt3A_288 = arith.cmpi slt, %select_n3A_282, %lt3A_287 : i32
      %ne3A_289 = arith.xori %lt3A_286, %lt3A_288 : i1
      %and3A_290 = arith.andi %ne3A_289, %ne3A_285 : i1
      %add3A_291 = arith.addi %rem3A_283, %select_n3A_282 : i32
      %select_n3A_292 = arith.select %and3A_290, %add3A_291, %rem3A_283 : i32
      %mul3A_293 = arith.constant 16 : i32
      %mul3A_294 = arith.muli %select_n3A_292, %mul3A_293 : i32
      %get3A = arith.index_cast %select_n3A : i32 to index
      %get3A_295 = arith.index_cast %mul3A_294 : i32 to index
      %get3A_296 = tpu.vector_load %arg11[%get3A, %get3A_295] {strides = array<i32>} : memref<128x128xf32, #tpu.memory_space<vmem>>, vector<1x16xf32>,
      %get3A_297 = vector.shape_cast %get3A_296 : vector<1x16xf32> to vector<16xf32>
      %neg3A = arith.constant 0.000000e+00 : f32
      %neg3A_298 = vector.broadcast %neg3A : f32 to vector<16xf32>
      %neg3A_299 = arith.subf %neg3A_298, %get3A_297 : vector<16xf32>
      %mul3A_300 = arith.constant 16 : i32
      %mul3A_301 = arith.muli %select_n3A_292, %mul3A_300 : i32
      %swap3A = arith.index_cast %select_n3A : i32 to index
      %swap3A_302 = arith.index_cast %mul3A_301 : i32 to index
      %swap3A_303 = tpu.vector_load %arg11[%swap3A, %swap3A_302] {strides = array<i32>} : memref<128x128xf32, #tpu.memory_space<vmem>>, vector<1x16xf32>,
      %swap3A_304 = vector.shape_cast %swap3A_303 : vector<1x16xf32> to vector<16xf32>
      %swap3A_305 = vector.shape_cast %neg3A_299 : vector<16xf32> to vector<1x16xf32>
      tpu.vector_store %arg11[%swap3A, %swap3A_302], %swap3A_305 {strides = array<i32>} : memref<128x128xf32, #tpu.memory_space<vmem>>, vector<1x16xf32>,
      %scan3A_306 = arith.constant 0 : i32
      scf.yield %scan3A_306 : i32
    }
    %scan3A_45 = arith.constant 1024 : i32
    "tpu.region"() ({
      %run_scoped3A = tpu.sem_alloc : memref<!tpu.dma_semaphore, #tpu.memory_space<semaphore_mem>>
      %dma_start3A_261 = arith.constant 0 : i32
      %dma_start3A_262 = arith.constant 0 : i32
      %dma_start3A_263 = tpu.memref_slice %arg13[%dma_start3A_261, %dma_start3A_262] : memref<10240x128xf32, #tpu.memory_space<vmem_shared>> -> memref<10240x128xf32, #tpu.memory_space<vmem_shared>>
      tpu.enqueue_indirect_dma source(%arg11 : memref<128x128xf32, #tpu.memory_space<vmem>>) target(%dma_start3A_263 : memref<10240x128xf32, #tpu.memory_space<vmem_shared>>) offsets(%arg10 : memref<128xi32, #tpu.memory_space<vmem>>) semaphore(%run_scoped3A : memref<!tpu.dma_semaphore, #tpu.memory_space<semaphore_mem>>) {add = true}
      %dma_wait3A_264 = arith.constant 0 : i32
      %dma_wait3A_265 = arith.constant 0 : i32
      %dma_wait3A_266 = tpu.memref_slice %arg13[%dma_wait3A_264, %dma_wait3A_265] : memref<10240x128xf32, #tpu.memory_space<vmem_shared>> -> memref<10240x128xf32, #tpu.memory_space<vmem_shared>>
      tpu.wait_indirect_dma semaphore(%run_scoped3A : memref<!tpu.dma_semaphore, #tpu.memory_space<semaphore_mem>>) src(%arg11 : memref<128x128xf32, #tpu.memory_space<vmem>>) dst(%dma_wait3A_266 : memref<10240x128xf32, #tpu.memory_space<vmem_shared>>)
      tpu.yield
    }) : () -> ()
    %mul3A_46 = arith.constant 640 : i32
    %mul3A_47 = arith.muli %arg1, %mul3A_46 : i32
    %add3A_48 = arith.constant 256 : i32
    %add3A_49 = arith.addi %mul3A_47, %add3A_48 : i32
    %scan3A_50 = arith.constant 0 : i32
    %scan3A_51 = arith.constant 0 : i32
    %scan3A_52 = arith.constant 8 : i32
    %scan3A_53 = arith.addi %scan3A_51, %scan3A_52 : i32
    %scan3A_54 = arith.constant 1 : i32
    %scan3A_55 = scf.for %scan3A_261 = %scan3A_51 to %scan3A_53 step %scan3A_54 iter_args(%scan3A_262 = %scan3A_50) -> (i32)  : i32 {
      %iota3A = tpu.iota {dimensions = array<i32: 0>} : vector<16xi32>
      %add3A_263 = vector.broadcast %add3A_49 : i32 to vector<16xi32>
      %add3A_264 = arith.addi %iota3A, %add3A_263 : vector<16xi32>
      %mul3A_265 = arith.constant 16 : i32
      %mul3A_266 = arith.muli %scan3A_261, %mul3A_265 : i32
      %add3A_267 = vector.broadcast %mul3A_266 : i32 to vector<16xi32>
      %add3A_268 = arith.addi %add3A_264, %add3A_267 : vector<16xi32>
      %mul3A_269 = arith.constant 16 : i32
      %mul3A_270 = arith.muli %scan3A_261, %mul3A_269 : i32
      %swap3A = arith.index_cast %mul3A_270 : i32 to index
      %swap3A_271 = tpu.vector_load %arg10[%swap3A] {strides = array<i32>} : memref<128xi32, #tpu.memory_space<vmem>>, vector<16xi32>,
      %swap3A_272 = vector.shape_cast %swap3A_271 : vector<16xi32> to vector<16xi32>
      %swap3A_273 = vector.shape_cast %add3A_268 : vector<16xi32> to vector<16xi32>
      tpu.vector_store %arg10[%swap3A], %swap3A_273 {strides = array<i32>} : memref<128xi32, #tpu.memory_space<vmem>>, vector<16xi32>,
      %scan3A_274 = arith.constant 0 : i32
      scf.yield %scan3A_274 : i32
    }
    %scan3A_56 = arith.constant 8 : i32
    %dma_start3A_57 = arith.constant 0 : i32
    %dma_start3A_58 = arith.constant 0 : i32
    %dma_start3A_59 = tpu.memref_slice %arg13[%dma_start3A_57, %dma_start3A_58] : memref<10240x128xf32, #tpu.memory_space<vmem_shared>> -> memref<10240x128xf32, #tpu.memory_space<vmem_shared>>
    tpu.enqueue_indirect_dma source(%dma_start3A_59 : memref<10240x128xf32, #tpu.memory_space<vmem_shared>>) target(%arg11 : memref<128x128xf32, #tpu.memory_space<vmem>>) offsets(%arg10 : memref<128xi32, #tpu.memory_space<vmem>>) semaphore(%arg14 : memref<!tpu.dma_semaphore, #tpu.memory_space<semaphore_mem>>)
    %dma_wait3A_60 = arith.constant 0 : i32
    %dma_wait3A_61 = arith.constant 0 : i32
    %dma_wait3A_62 = tpu.memref_slice %arg13[%dma_wait3A_60, %dma_wait3A_61] : memref<10240x128xf32, #tpu.memory_space<vmem_shared>> -> memref<10240x128xf32, #tpu.memory_space<vmem_shared>>
    tpu.wait_indirect_dma semaphore(%arg14 : memref<!tpu.dma_semaphore, #tpu.memory_space<semaphore_mem>>) src(%dma_wait3A_62 : memref<10240x128xf32, #tpu.memory_space<vmem_shared>>) dst(%arg11 : memref<128x128xf32, #tpu.memory_space<vmem>>)
    %scan3A_63 = arith.constant 0 : i32
    %scan3A_64 = arith.constant 0 : i32
    %scan3A_65 = arith.constant 1024 : i32
    %scan3A_66 = arith.addi %scan3A_64, %scan3A_65 : i32
    %scan3A_67 = arith.constant 1 : i32
    %scan3A_68 = scf.for %scan3A_261 = %scan3A_64 to %scan3A_66 step %scan3A_67 iter_args(%scan3A_262 = %scan3A_63) -> (i32)  : i32 {
      %jit3A = arith.constant 8 : i32
      %div3A = arith.divsi %scan3A_261, %jit3A : i32
      %sign3A = arith.constant 0 : i32
      %sign3A_263 = arith.cmpi sgt, %scan3A_261, %sign3A : i32
      %sign3A_264 = arith.extui %sign3A_263 : i1 to i32
      %sign3A_265 = arith.constant 0 : i32
      %sign3A_266 = arith.cmpi slt, %scan3A_261, %sign3A_265 : i32
      %sign3A_267 = arith.extui %sign3A_266 : i1 to i32
      %sign3A_268 = arith.subi %sign3A_264, %sign3A_267 : i32
      %sign3A_269 = arith.constant 0 : i32
      %sign3A_270 = arith.cmpi sgt, %jit3A, %sign3A_269 : i32
      %sign3A_271 = arith.extui %sign3A_270 : i1 to i32
      %sign3A_272 = arith.constant 0 : i32
      %sign3A_273 = arith.cmpi slt, %jit3A, %sign3A_272 : i32
      %sign3A_274 = arith.extui %sign3A_273 : i1 to i32
      %sign3A_275 = arith.subi %sign3A_271, %sign3A_274 : i32
      %ne3A = arith.cmpi ne, %sign3A_268, %sign3A_275 : i32
      %rem3A = arith.remsi %scan3A_261, %jit3A : i32
      %ne3A_276 = arith.constant 0 : i32
      %ne3A_277 = arith.cmpi ne, %rem3A, %ne3A_276 : i32
      %and3A = arith.andi %ne3A, %ne3A_277 : i1
      %sub3A = arith.constant 1 : i32
      %sub3A_278 = arith.subi %div3A, %sub3A : i32
      %select_n3A = arith.select %and3A, %sub3A_278, %div3A : i32
      %jit3A_279 = arith.constant 8 : i32
      %eq3A = arith.constant 0 : i32
      %eq3A_280 = arith.cmpi eq, %jit3A_279, %eq3A : i32
      %jit3A_281 = arith.constant 1 : i32
      %select_n3A_282 = arith.select %eq3A_280, %jit3A_281, %jit3A_279 : i32
      %rem3A_283 = arith.remsi %scan3A_261, %select_n3A_282 : i32
      %ne3A_284 = arith.constant 0 : i32
      %ne3A_285 = arith.cmpi ne, %rem3A_283, %ne3A_284 : i32
      %lt3A = arith.constant 0 : i32
      %lt3A_286 = arith.cmpi slt, %rem3A_283, %lt3A : i32
      %lt3A_287 = arith.constant 0 : i32
      %lt3A_288 = arith.cmpi slt, %select_n3A_282, %lt3A_287 : i32
      %ne3A_289 = arith.xori %lt3A_286, %lt3A_288 : i1
      %and3A_290 = arith.andi %ne3A_289, %ne3A_285 : i1
      %add3A_291 = arith.addi %rem3A_283, %select_n3A_282 : i32
      %select_n3A_292 = arith.select %and3A_290, %add3A_291, %rem3A_283 : i32
      %mul3A_293 = arith.constant 16 : i32
      %mul3A_294 = arith.muli %select_n3A_292, %mul3A_293 : i32
      %get3A = arith.index_cast %select_n3A : i32 to index
      %get3A_295 = arith.index_cast %mul3A_294 : i32 to index
      %get3A_296 = tpu.vector_load %arg11[%get3A, %get3A_295] {strides = array<i32>} : memref<128x128xf32, #tpu.memory_space<vmem>>, vector<1x16xf32>,
      %get3A_297 = vector.shape_cast %get3A_296 : vector<1x16xf32> to vector<16xf32>
      %neg3A = arith.constant 0.000000e+00 : f32
      %neg3A_298 = vector.broadcast %neg3A : f32 to vector<16xf32>
      %neg3A_299 = arith.subf %neg3A_298, %get3A_297 : vector<16xf32>
      %mul3A_300 = arith.constant 16 : i32
      %mul3A_301 = arith.muli %select_n3A_292, %mul3A_300 : i32
      %swap3A = arith.index_cast %select_n3A : i32 to index
      %swap3A_302 = arith.index_cast %mul3A_301 : i32 to index
      %swap3A_303 = tpu.vector_load %arg11[%swap3A, %swap3A_302] {strides = array<i32>} : memref<128x128xf32, #tpu.memory_space<vmem>>, vector<1x16xf32>,
      %swap3A_304 = vector.shape_cast %swap3A_303 : vector<1x16xf32> to vector<16xf32>
      %swap3A_305 = vector.shape_cast %neg3A_299 : vector<16xf32> to vector<1x16xf32>
      tpu.vector_store %arg11[%swap3A, %swap3A_302], %swap3A_305 {strides = array<i32>} : memref<128x128xf32, #tpu.memory_space<vmem>>, vector<1x16xf32>,
      %scan3A_306 = arith.constant 0 : i32
      scf.yield %scan3A_306 : i32
    }
    %scan3A_69 = arith.constant 1024 : i32
    "tpu.region"() ({
      %run_scoped3A = tpu.sem_alloc : memref<!tpu.dma_semaphore, #tpu.memory_space<semaphore_mem>>
      %dma_start3A_261 = arith.constant 0 : i32
      %dma_start3A_262 = arith.constant 0 : i32
      %dma_start3A_263 = tpu.memref_slice %arg13[%dma_start3A_261, %dma_start3A_262] : memref<10240x128xf32, #tpu.memory_space<vmem_shared>> -> memref<10240x128xf32, #tpu.memory_space<vmem_shared>>
      tpu.enqueue_indirect_dma source(%arg11 : memref<128x128xf32, #tpu.memory_space<vmem>>) target(%dma_start3A_263 : memref<10240x128xf32, #tpu.memory_space<vmem_shared>>) offsets(%arg10 : memref<128xi32, #tpu.memory_space<vmem>>) semaphore(%run_scoped3A : memref<!tpu.dma_semaphore, #tpu.memory_space<semaphore_mem>>) {add = true}
      %dma_wait3A_264 = arith.constant 0 : i32
      %dma_wait3A_265 = arith.constant 0 : i32
      %dma_wait3A_266 = tpu.memref_slice %arg13[%dma_wait3A_264, %dma_wait3A_265] : memref<10240x128xf32, #tpu.memory_space<vmem_shared>> -> memref<10240x128xf32, #tpu.memory_space<vmem_shared>>
      tpu.wait_indirect_dma semaphore(%run_scoped3A : memref<!tpu.dma_semaphore, #tpu.memory_space<semaphore_mem>>) src(%arg11 : memref<128x128xf32, #tpu.memory_space<vmem>>) dst(%dma_wait3A_266 : memref<10240x128xf32, #tpu.memory_space<vmem_shared>>)
      tpu.yield
    }) : () -> ()
    %mul3A_70 = arith.constant 640 : i32
    %mul3A_71 = arith.muli %arg1, %mul3A_70 : i32
    %add3A_72 = arith.constant 384 : i32
    %add3A_73 = arith.addi %mul3A_71, %add3A_72 : i32
    %scan3A_74 = arith.constant 0 : i32
    %scan3A_75 = arith.constant 0 : i32
    %scan3A_76 = arith.constant 8 : i32
    %scan3A_77 = arith.addi %scan3A_75, %scan3A_76 : i32
    %scan3A_78 = arith.constant 1 : i32
    %scan3A_79 = scf.for %scan3A_261 = %scan3A_75 to %scan3A_77 step %scan3A_78 iter_args(%scan3A_262 = %scan3A_74) -> (i32)  : i32 {
      %iota3A = tpu.iota {dimensions = array<i32: 0>} : vector<16xi32>
      %add3A_263 = vector.broadcast %add3A_73 : i32 to vector<16xi32>
      %add3A_264 = arith.addi %iota3A, %add3A_263 : vector<16xi32>
      %mul3A_265 = arith.constant 16 : i32
      %mul3A_266 = arith.muli %scan3A_261, %mul3A_265 : i32
      %add3A_267 = vector.broadcast %mul3A_266 : i32 to vector<16xi32>
      %add3A_268 = arith.addi %add3A_264, %add3A_267 : vector<16xi32>
      %mul3A_269 = arith.constant 16 : i32
      %mul3A_270 = arith.muli %scan3A_261, %mul3A_269 : i32
      %swap3A = arith.index_cast %mul3A_270 : i32 to index
      %swap3A_271 = tpu.vector_load %arg10[%swap3A] {strides = array<i32>} : memref<128xi32, #tpu.memory_space<vmem>>, vector<16xi32>,
      %swap3A_272 = vector.shape_cast %swap3A_271 : vector<16xi32> to vector<16xi32>
      %swap3A_273 = vector.shape_cast %add3A_268 : vector<16xi32> to vector<16xi32>
      tpu.vector_store %arg10[%swap3A], %swap3A_273 {strides = array<i32>} : memref<128xi32, #tpu.memory_space<vmem>>, vector<16xi32>,
      %scan3A_274 = arith.constant 0 : i32
      scf.yield %scan3A_274 : i32
    }
    %scan3A_80 = arith.constant 8 : i32
    %dma_start3A_81 = arith.constant 0 : i32
    %dma_start3A_82 = arith.constant 0 : i32
    %dma_start3A_83 = tpu.memref_slice %arg13[%dma_start3A_81, %dma_start3A_82] : memref<10240x128xf32, #tpu.memory_space<vmem_shared>> -> memref<10240x128xf32, #tpu.memory_space<vmem_shared>>
    tpu.enqueue_indirect_dma source(%dma_start3A_83 : memref<10240x128xf32, #tpu.memory_space<vmem_shared>>) target(%arg11 : memref<128x128xf32, #tpu.memory_space<vmem>>) offsets(%arg10 : memref<128xi32, #tpu.memory_space<vmem>>) semaphore(%arg14 : memref<!tpu.dma_semaphore, #tpu.memory_space<semaphore_mem>>)
    %dma_wait3A_84 = arith.constant 0 : i32
    %dma_wait3A_85 = arith.constant 0 : i32
    %dma_wait3A_86 = tpu.memref_slice %arg13[%dma_wait3A_84, %dma_wait3A_85] : memref<10240x128xf32, #tpu.memory_space<vmem_shared>> -> memref<10240x128xf32, #tpu.memory_space<vmem_shared>>
    tpu.wait_indirect_dma semaphore(%arg14 : memref<!tpu.dma_semaphore, #tpu.memory_space<semaphore_mem>>) src(%dma_wait3A_86 : memref<10240x128xf32, #tpu.memory_space<vmem_shared>>) dst(%arg11 : memref<128x128xf32, #tpu.memory_space<vmem>>)
    %scan3A_87 = arith.constant 0 : i32
    %scan3A_88 = arith.constant 0 : i32
    %scan3A_89 = arith.constant 1024 : i32
    %scan3A_90 = arith.addi %scan3A_88, %scan3A_89 : i32
    %scan3A_91 = arith.constant 1 : i32
    %scan3A_92 = scf.for %scan3A_261 = %scan3A_88 to %scan3A_90 step %scan3A_91 iter_args(%scan3A_262 = %scan3A_87) -> (i32)  : i32 {
      %jit3A = arith.constant 8 : i32
      %div3A = arith.divsi %scan3A_261, %jit3A : i32
      %sign3A = arith.constant 0 : i32
      %sign3A_263 = arith.cmpi sgt, %scan3A_261, %sign3A : i32
      %sign3A_264 = arith.extui %sign3A_263 : i1 to i32
      %sign3A_265 = arith.constant 0 : i32
      %sign3A_266 = arith.cmpi slt, %scan3A_261, %sign3A_265 : i32
      %sign3A_267 = arith.extui %sign3A_266 : i1 to i32
      %sign3A_268 = arith.subi %sign3A_264, %sign3A_267 : i32
      %sign3A_269 = arith.constant 0 : i32
      %sign3A_270 = arith.cmpi sgt, %jit3A, %sign3A_269 : i32
      %sign3A_271 = arith.extui %sign3A_270 : i1 to i32
      %sign3A_272 = arith.constant 0 : i32
      %sign3A_273 = arith.cmpi slt, %jit3A, %sign3A_272 : i32
      %sign3A_274 = arith.extui %sign3A_273 : i1 to i32
      %sign3A_275 = arith.subi %sign3A_271, %sign3A_274 : i32
      %ne3A = arith.cmpi ne, %sign3A_268, %sign3A_275 : i32
      %rem3A = arith.remsi %scan3A_261, %jit3A : i32
      %ne3A_276 = arith.constant 0 : i32
      %ne3A_277 = arith.cmpi ne, %rem3A, %ne3A_276 : i32
      %and3A = arith.andi %ne3A, %ne3A_277 : i1
      %sub3A = arith.constant 1 : i32
      %sub3A_278 = arith.subi %div3A, %sub3A : i32
      %select_n3A = arith.select %and3A, %sub3A_278, %div3A : i32
      %jit3A_279 = arith.constant 8 : i32
      %eq3A = arith.constant 0 : i32
      %eq3A_280 = arith.cmpi eq, %jit3A_279, %eq3A : i32
      %jit3A_281 = arith.constant 1 : i32
      %select_n3A_282 = arith.select %eq3A_280, %jit3A_281, %jit3A_279 : i32
      %rem3A_283 = arith.remsi %scan3A_261, %select_n3A_282 : i32
      %ne3A_284 = arith.constant 0 : i32
      %ne3A_285 = arith.cmpi ne, %rem3A_283, %ne3A_284 : i32
      %lt3A = arith.constant 0 : i32
      %lt3A_286 = arith.cmpi slt, %rem3A_283, %lt3A : i32
      %lt3A_287 = arith.constant 0 : i32
      %lt3A_288 = arith.cmpi slt, %select_n3A_282, %lt3A_287 : i32
      %ne3A_289 = arith.xori %lt3A_286, %lt3A_288 : i1
      %and3A_290 = arith.andi %ne3A_289, %ne3A_285 : i1
      %add3A_291 = arith.addi %rem3A_283, %select_n3A_282 : i32
      %select_n3A_292 = arith.select %and3A_290, %add3A_291, %rem3A_283 : i32
      %mul3A_293 = arith.constant 16 : i32
      %mul3A_294 = arith.muli %select_n3A_292, %mul3A_293 : i32
      %get3A = arith.index_cast %select_n3A : i32 to index
      %get3A_295 = arith.index_cast %mul3A_294 : i32 to index
      %get3A_296 = tpu.vector_load %arg11[%get3A, %get3A_295] {strides = array<i32>} : memref<128x128xf32, #tpu.memory_space<vmem>>, vector<1x16xf32>,
      %get3A_297 = vector.shape_cast %get3A_296 : vector<1x16xf32> to vector<16xf32>
      %neg3A = arith.constant 0.000000e+00 : f32
      %neg3A_298 = vector.broadcast %neg3A : f32 to vector<16xf32>
      %neg3A_299 = arith.subf %neg3A_298, %get3A_297 : vector<16xf32>
      %mul3A_300 = arith.constant 16 : i32
      %mul3A_301 = arith.muli %select_n3A_292, %mul3A_300 : i32
      %swap3A = arith.index_cast %select_n3A : i32 to index
      %swap3A_302 = arith.index_cast %mul3A_301 : i32 to index
      %swap3A_303 = tpu.vector_load %arg11[%swap3A, %swap3A_302] {strides = array<i32>} : memref<128x128xf32, #tpu.memory_space<vmem>>, vector<1x16xf32>,
      %swap3A_304 = vector.shape_cast %swap3A_303 : vector<1x16xf32> to vector<16xf32>
      %swap3A_305 = vector.shape_cast %neg3A_299 : vector<16xf32> to vector<1x16xf32>
      tpu.vector_store %arg11[%swap3A, %swap3A_302], %swap3A_305 {strides = array<i32>} : memref<128x128xf32, #tpu.memory_space<vmem>>, vector<1x16xf32>,
      %scan3A_306 = arith.constant 0 : i32
      scf.yield %scan3A_306 : i32
    }
    %scan3A_93 = arith.constant 1024 : i32
    "tpu.region"() ({
      %run_scoped3A = tpu.sem_alloc : memref<!tpu.dma_semaphore, #tpu.memory_space<semaphore_mem>>
      %dma_start3A_261 = arith.constant 0 : i32
      %dma_start3A_262 = arith.constant 0 : i32
      %dma_start3A_263 = tpu.memref_slice %arg13[%dma_start3A_261, %dma_start3A_262] : memref<10240x128xf32, #tpu.memory_space<vmem_shared>> -> memref<10240x128xf32, #tpu.memory_space<vmem_shared>>
      tpu.enqueue_indirect_dma source(%arg11 : memref<128x128xf32, #tpu.memory_space<vmem>>) target(%dma_start3A_263 : memref<10240x128xf32, #tpu.memory_space<vmem_shared>>) offsets(%arg10 : memref<128xi32, #tpu.memory_space<vmem>>) semaphore(%run_scoped3A : memref<!tpu.dma_semaphore, #tpu.memory_space<semaphore_mem>>) {add = true}
      %dma_wait3A_264 = arith.constant 0 : i32
      %dma_wait3A_265 = arith.constant 0 : i32
      %dma_wait3A_266 = tpu.memref_slice %arg13[%dma_wait3A_264, %dma_wait3A_265] : memref<10240x128xf32, #tpu.memory_space<vmem_shared>> -> memref<10240x128xf32, #tpu.memory_space<vmem_shared>>
      tpu.wait_indirect_dma semaphore(%run_scoped3A : memref<!tpu.dma_semaphore, #tpu.memory_space<semaphore_mem>>) src(%arg11 : memref<128x128xf32, #tpu.memory_space<vmem>>) dst(%dma_wait3A_266 : memref<10240x128xf32, #tpu.memory_space<vmem_shared>>)
      tpu.yield
    }) : () -> ()
    %mul3A_94 = arith.constant 640 : i32
    %mul3A_95 = arith.muli %arg1, %mul3A_94 : i32
    %add3A_96 = arith.constant 512 : i32
    %add3A_97 = arith.addi %mul3A_95, %add3A_96 : i32
    %scan3A_98 = arith.constant 0 : i32
    %scan3A_99 = arith.constant 0 : i32
    %scan3A_100 = arith.constant 8 : i32
    %scan3A_101 = arith.addi %scan3A_99, %scan3A_100 : i32
    %scan3A_102 = arith.constant 1 : i32
    %scan3A_103 = scf.for %scan3A_261 = %scan3A_99 to %scan3A_101 step %scan3A_102 iter_args(%scan3A_262 = %scan3A_98) -> (i32)  : i32 {
      %iota3A = tpu.iota {dimensions = array<i32: 0>} : vector<16xi32>
      %add3A_263 = vector.broadcast %add3A_97 : i32 to vector<16xi32>
      %add3A_264 = arith.addi %iota3A, %add3A_263 : vector<16xi32>
      %mul3A_265 = arith.constant 16 : i32
      %mul3A_266 = arith.muli %scan3A_261, %mul3A_265 : i32
      %add3A_267 = vector.broadcast %mul3A_266 : i32 to vector<16xi32>
      %add3A_268 = arith.addi %add3A_264, %add3A_267 : vector<16xi32>
      %mul3A_269 = arith.constant 16 : i32
      %mul3A_270 = arith.muli %scan3A_261, %mul3A_269 : i32
      %swap3A = arith.index_cast %mul3A_270 : i32 to index
      %swap3A_271 = tpu.vector_load %arg10[%swap3A] {strides = array<i32>} : memref<128xi32, #tpu.memory_space<vmem>>, vector<16xi32>,
      %swap3A_272 = vector.shape_cast %swap3A_271 : vector<16xi32> to vector<16xi32>
      %swap3A_273 = vector.shape_cast %add3A_268 : vector<16xi32> to vector<16xi32>
      tpu.vector_store %arg10[%swap3A], %swap3A_273 {strides = array<i32>} : memref<128xi32, #tpu.memory_space<vmem>>, vector<16xi32>,
      %scan3A_274 = arith.constant 0 : i32
      scf.yield %scan3A_274 : i32
    }
    %scan3A_104 = arith.constant 8 : i32
    %dma_start3A_105 = arith.constant 0 : i32
    %dma_start3A_106 = arith.constant 0 : i32
    %dma_start3A_107 = tpu.memref_slice %arg13[%dma_start3A_105, %dma_start3A_106] : memref<10240x128xf32, #tpu.memory_space<vmem_shared>> -> memref<10240x128xf32, #tpu.memory_space<vmem_shared>>
    tpu.enqueue_indirect_dma source(%dma_start3A_107 : memref<10240x128xf32, #tpu.memory_space<vmem_shared>>) target(%arg11 : memref<128x128xf32, #tpu.memory_space<vmem>>) offsets(%arg10 : memref<128xi32, #tpu.memory_space<vmem>>) semaphore(%arg14 : memref<!tpu.dma_semaphore, #tpu.memory_space<semaphore_mem>>)
    %dma_wait3A_108 = arith.constant 0 : i32
    %dma_wait3A_109 = arith.constant 0 : i32
    %dma_wait3A_110 = tpu.memref_slice %arg13[%dma_wait3A_108, %dma_wait3A_109] : memref<10240x128xf32, #tpu.memory_space<vmem_shared>> -> memref<10240x128xf32, #tpu.memory_space<vmem_shared>>
    tpu.wait_indirect_dma semaphore(%arg14 : memref<!tpu.dma_semaphore, #tpu.memory_space<semaphore_mem>>) src(%dma_wait3A_110 : memref<10240x128xf32, #tpu.memory_space<vmem_shared>>) dst(%arg11 : memref<128x128xf32, #tpu.memory_space<vmem>>)
    %scan3A_111 = arith.constant 0 : i32
    %scan3A_112 = arith.constant 0 : i32
    %scan3A_113 = arith.constant 1024 : i32
    %scan3A_114 = arith.addi %scan3A_112, %scan3A_113 : i32
    %scan3A_115 = arith.constant 1 : i32
    %scan3A_116 = scf.for %scan3A_261 = %scan3A_112 to %scan3A_114 step %scan3A_115 iter_args(%scan3A_262 = %scan3A_111) -> (i32)  : i32 {
      %jit3A = arith.constant 8 : i32
      %div3A = arith.divsi %scan3A_261, %jit3A : i32
      %sign3A = arith.constant 0 : i32
      %sign3A_263 = arith.cmpi sgt, %scan3A_261, %sign3A : i32
      %sign3A_264 = arith.extui %sign3A_263 : i1 to i32
      %sign3A_265 = arith.constant 0 : i32
      %sign3A_266 = arith.cmpi slt, %scan3A_261, %sign3A_265 : i32
      %sign3A_267 = arith.extui %sign3A_266 : i1 to i32
      %sign3A_268 = arith.subi %sign3A_264, %sign3A_267 : i32
      %sign3A_269 = arith.constant 0 : i32
      %sign3A_270 = arith.cmpi sgt, %jit3A, %sign3A_269 : i32
      %sign3A_271 = arith.extui %sign3A_270 : i1 to i32
      %sign3A_272 = arith.constant 0 : i32
      %sign3A_273 = arith.cmpi slt, %jit3A, %sign3A_272 : i32
      %sign3A_274 = arith.extui %sign3A_273 : i1 to i32
      %sign3A_275 = arith.subi %sign3A_271, %sign3A_274 : i32
      %ne3A = arith.cmpi ne, %sign3A_268, %sign3A_275 : i32
      %rem3A = arith.remsi %scan3A_261, %jit3A : i32
      %ne3A_276 = arith.constant 0 : i32
      %ne3A_277 = arith.cmpi ne, %rem3A, %ne3A_276 : i32
      %and3A = arith.andi %ne3A, %ne3A_277 : i1
      %sub3A = arith.constant 1 : i32
      %sub3A_278 = arith.subi %div3A, %sub3A : i32
      %select_n3A = arith.select %and3A, %sub3A_278, %div3A : i32
      %jit3A_279 = arith.constant 8 : i32
      %eq3A = arith.constant 0 : i32
      %eq3A_280 = arith.cmpi eq, %jit3A_279, %eq3A : i32
      %jit3A_281 = arith.constant 1 : i32
      %select_n3A_282 = arith.select %eq3A_280, %jit3A_281, %jit3A_279 : i32
      %rem3A_283 = arith.remsi %scan3A_261, %select_n3A_282 : i32
      %ne3A_284 = arith.constant 0 : i32
      %ne3A_285 = arith.cmpi ne, %rem3A_283, %ne3A_284 : i32
      %lt3A = arith.constant 0 : i32
      %lt3A_286 = arith.cmpi slt, %rem3A_283, %lt3A : i32
      %lt3A_287 = arith.constant 0 : i32
      %lt3A_288 = arith.cmpi slt, %select_n3A_282, %lt3A_287 : i32
      %ne3A_289 = arith.xori %lt3A_286, %lt3A_288 : i1
      %and3A_290 = arith.andi %ne3A_289, %ne3A_285 : i1
      %add3A_291 = arith.addi %rem3A_283, %select_n3A_282 : i32
      %select_n3A_292 = arith.select %and3A_290, %add3A_291, %rem3A_283 : i32
      %mul3A_293 = arith.constant 16 : i32
      %mul3A_294 = arith.muli %select_n3A_292, %mul3A_293 : i32
      %get3A = arith.index_cast %select_n3A : i32 to index
      %get3A_295 = arith.index_cast %mul3A_294 : i32 to index
      %get3A_296 = tpu.vector_load %arg11[%get3A, %get3A_295] {strides = array<i32>} : memref<128x128xf32, #tpu.memory_space<vmem>>, vector<1x16xf32>,
      %get3A_297 = vector.shape_cast %get3A_296 : vector<1x16xf32> to vector<16xf32>
      %neg3A = arith.constant 0.000000e+00 : f32
      %neg3A_298 = vector.broadcast %neg3A : f32 to vector<16xf32>
      %neg3A_299 = arith.subf %neg3A_298, %get3A_297 : vector<16xf32>
      %mul3A_300 = arith.constant 16 : i32
      %mul3A_301 = arith.muli %select_n3A_292, %mul3A_300 : i32
      %swap3A = arith.index_cast %select_n3A : i32 to index
      %swap3A_302 = arith.index_cast %mul3A_301 : i32 to index
      %swap3A_303 = tpu.vector_load %arg11[%swap3A, %swap3A_302] {strides = array<i32>} : memref<128x128xf32, #tpu.memory_space<vmem>>, vector<1x16xf32>,
      %swap3A_304 = vector.shape_cast %swap3A_303 : vector<1x16xf32> to vector<16xf32>
      %swap3A_305 = vector.shape_cast %neg3A_299 : vector<16xf32> to vector<1x16xf32>
      tpu.vector_store %arg11[%swap3A, %swap3A_302], %swap3A_305 {strides = array<i32>} : memref<128x128xf32, #tpu.memory_space<vmem>>, vector<1x16xf32>,
      %scan3A_306 = arith.constant 0 : i32
      scf.yield %scan3A_306 : i32
    }
    %scan3A_117 = arith.constant 1024 : i32
    "tpu.region"() ({
      %run_scoped3A = tpu.sem_alloc : memref<!tpu.dma_semaphore, #tpu.memory_space<semaphore_mem>>
      %dma_start3A_261 = arith.constant 0 : i32
      %dma_start3A_262 = arith.constant 0 : i32
      %dma_start3A_263 = tpu.memref_slice %arg13[%dma_start3A_261, %dma_start3A_262] : memref<10240x128xf32, #tpu.memory_space<vmem_shared>> -> memref<10240x128xf32, #tpu.memory_space<vmem_shared>>
      tpu.enqueue_indirect_dma source(%arg11 : memref<128x128xf32, #tpu.memory_space<vmem>>) target(%dma_start3A_263 : memref<10240x128xf32, #tpu.memory_space<vmem_shared>>) offsets(%arg10 : memref<128xi32, #tpu.memory_space<vmem>>) semaphore(%run_scoped3A : memref<!tpu.dma_semaphore, #tpu.memory_space<semaphore_mem>>) {add = true}
      %dma_wait3A_264 = arith.constant 0 : i32
      %dma_wait3A_265 = arith.constant 0 : i32
      %dma_wait3A_266 = tpu.memref_slice %arg13[%dma_wait3A_264, %dma_wait3A_265] : memref<10240x128xf32, #tpu.memory_space<vmem_shared>> -> memref<10240x128xf32, #tpu.memory_space<vmem_shared>>
      tpu.wait_indirect_dma semaphore(%run_scoped3A : memref<!tpu.dma_semaphore, #tpu.memory_space<semaphore_mem>>) src(%arg11 : memref<128x128xf32, #tpu.memory_space<vmem>>) dst(%dma_wait3A_266 : memref<10240x128xf32, #tpu.memory_space<vmem_shared>>)
      tpu.yield
    }) : () -> ()
    %barrier3A = arith.constant 0 : index
    tpu.barrier barrier_id(%barrier3A)
    %add3A_118 = arith.constant 0 : i32
    %add3A_119 = arith.addi %add3A_118, %add3A : i32
    %mul3A_120 = arith.constant 128 : i32
    %mul3A_121 = arith.muli %add3A_119, %mul3A_120 : i32
    "tpu.region"() ({
      %run_scoped3A = tpu.sem_alloc : memref<!tpu.dma_semaphore, #tpu.memory_space<semaphore_mem>>
      %dma_start3A_261 = tpu.memref_slice %arg4[%mul3A_121] : memref<323584xi32, #tpu.memory_space<hbm>> -> memref<128xi32, #tpu.memory_space<hbm>>
      %dma_start3A_262 = tpu.memref_slice %arg4[%mul3A_121] : memref<323584xi32, #tpu.memory_space<hbm>> -> memref<128xi32, #tpu.memory_space<hbm>>
      tpu.enqueue_dma source(%dma_start3A_262 : memref<128xi32, #tpu.memory_space<hbm>>) target(%arg6 : memref<128xi32, #tpu.memory_space<vmem>>) target_semaphore(%run_scoped3A : memref<!tpu.dma_semaphore, #tpu.memory_space<semaphore_mem>>)
      %dma_wait3A_263 = tpu.memref_slice %arg4[%mul3A_121] : memref<323584xi32, #tpu.memory_space<hbm>> -> memref<128xi32, #tpu.memory_space<hbm>>
      %dma_wait3A_264 = tpu.memref_slice %arg4[%mul3A_121] : memref<323584xi32, #tpu.memory_space<hbm>> -> memref<128xi32, #tpu.memory_space<hbm>>
      tpu.wait_dma2 semaphore(%run_scoped3A : memref<!tpu.dma_semaphore, #tpu.memory_space<semaphore_mem>>) src(%dma_wait3A_264 : memref<128xi32, #tpu.memory_space<hbm>>) dst(%arg6 : memref<128xi32, #tpu.memory_space<vmem>>)
      tpu.yield
    }) : () -> ()
    %mul3A_122 = arith.constant 128 : i32
    %mul3A_123 = arith.muli %add3A_119, %mul3A_122 : i32
    "tpu.region"() ({
      %run_scoped3A = tpu.sem_alloc : memref<!tpu.dma_semaphore, #tpu.memory_space<semaphore_mem>>
      %dma_start3A_261 = tpu.memref_slice %arg3[%mul3A_123] : memref<323584xi32, #tpu.memory_space<hbm>> -> memref<128xi32, #tpu.memory_space<hbm>>
      %dma_start3A_262 = tpu.memref_slice %arg3[%mul3A_123] : memref<323584xi32, #tpu.memory_space<hbm>> -> memref<128xi32, #tpu.memory_space<hbm>>
      tpu.enqueue_dma source(%dma_start3A_262 : memref<128xi32, #tpu.memory_space<hbm>>) target(%arg8 : memref<128xi32, #tpu.memory_space<vmem>>) target_semaphore(%run_scoped3A : memref<!tpu.dma_semaphore, #tpu.memory_space<semaphore_mem>>)
      %dma_wait3A_263 = tpu.memref_slice %arg3[%mul3A_123] : memref<323584xi32, #tpu.memory_space<hbm>> -> memref<128xi32, #tpu.memory_space<hbm>>
      %dma_wait3A_264 = tpu.memref_slice %arg3[%mul3A_123] : memref<323584xi32, #tpu.memory_space<hbm>> -> memref<128xi32, #tpu.memory_space<hbm>>
      tpu.wait_dma2 semaphore(%run_scoped3A : memref<!tpu.dma_semaphore, #tpu.memory_space<semaphore_mem>>) src(%dma_wait3A_264 : memref<128xi32, #tpu.memory_space<hbm>>) dst(%arg8 : memref<128xi32, #tpu.memory_space<vmem>>)
      tpu.yield
    }) : () -> ()
    %dma_start3A_124 = arith.constant 0 : i32
    %dma_start3A_125 = arith.constant 0 : i32
    %dma_start3A_126 = tpu.memref_slice %arg2[%dma_start3A_124, %dma_start3A_125] : memref<10240x128xf32, #tpu.memory_space<hbm>> -> memref<10240x128xf32, #tpu.memory_space<hbm>>
    tpu.enqueue_indirect_dma source(%dma_start3A_126 : memref<10240x128xf32, #tpu.memory_space<hbm>>) target(%arg11 : memref<128x128xf32, #tpu.memory_space<vmem>>) offsets(%arg6 : memref<128xi32, #tpu.memory_space<vmem>>) semaphore(%arg14 : memref<!tpu.dma_semaphore, #tpu.memory_space<semaphore_mem>>)
    %scan3A_127 = arith.constant 0 : i32
    %scan3A_128 = arith.constant 0 : i32
    %scan3A_129 = arith.constant 39 : i32
    %scan3A_130 = arith.addi %scan3A_128, %scan3A_129 : i32
    %scan3A_131 = arith.constant 1 : i32
    %scan3A_132 = scf.for %scan3A_261 = %scan3A_128 to %scan3A_130 step %scan3A_131 iter_args(%scan3A_262 = %scan3A_127) -> (i32)  : i32 {
      %mul3A_263 = arith.constant 2 : i32
      %mul3A_264 = arith.muli %mul3A_263, %scan3A_261 : i32
      %add3A_265 = arith.constant 1 : i32
      %add3A_266 = arith.addi %mul3A_264, %add3A_265 : i32
      %mul3A_267 = arith.constant 32 : i32
      %mul3A_268 = arith.muli %add3A_266, %mul3A_267 : i32
      %add3A_269 = arith.addi %mul3A_268, %add3A : i32
      %mul3A_270 = arith.constant 128 : i32
      %mul3A_271 = arith.muli %add3A_269, %mul3A_270 : i32
      "tpu.region"() ({
        %run_scoped3A = tpu.sem_alloc : memref<!tpu.dma_semaphore, #tpu.memory_space<semaphore_mem>>
        %dma_start3A_301 = tpu.memref_slice %arg4[%mul3A_271] : memref<323584xi32, #tpu.memory_space<hbm>> -> memref<128xi32, #tpu.memory_space<hbm>>
        %dma_start3A_302 = tpu.memref_slice %arg4[%mul3A_271] : memref<323584xi32, #tpu.memory_space<hbm>> -> memref<128xi32, #tpu.memory_space<hbm>>
        tpu.enqueue_dma source(%dma_start3A_302 : memref<128xi32, #tpu.memory_space<hbm>>) target(%arg7 : memref<128xi32, #tpu.memory_space<vmem>>) target_semaphore(%run_scoped3A : memref<!tpu.dma_semaphore, #tpu.memory_space<semaphore_mem>>)
        %dma_wait3A_303 = tpu.memref_slice %arg4[%mul3A_271] : memref<323584xi32, #tpu.memory_space<hbm>> -> memref<128xi32, #tpu.memory_space<hbm>>
        %dma_wait3A_304 = tpu.memref_slice %arg4[%mul3A_271] : memref<323584xi32, #tpu.memory_space<hbm>> -> memref<128xi32, #tpu.memory_space<hbm>>
        tpu.wait_dma2 semaphore(%run_scoped3A : memref<!tpu.dma_semaphore, #tpu.memory_space<semaphore_mem>>) src(%dma_wait3A_304 : memref<128xi32, #tpu.memory_space<hbm>>) dst(%arg7 : memref<128xi32, #tpu.memory_space<vmem>>)
        tpu.yield
      }) : () -> ()
      %mul3A_272 = arith.constant 128 : i32
      %mul3A_273 = arith.muli %add3A_269, %mul3A_272 : i32
      "tpu.region"() ({
        %run_scoped3A = tpu.sem_alloc : memref<!tpu.dma_semaphore, #tpu.memory_space<semaphore_mem>>
        %dma_start3A_301 = tpu.memref_slice %arg3[%mul3A_273] : memref<323584xi32, #tpu.memory_space<hbm>> -> memref<128xi32, #tpu.memory_space<hbm>>
        %dma_start3A_302 = tpu.memref_slice %arg3[%mul3A_273] : memref<323584xi32, #tpu.memory_space<hbm>> -> memref<128xi32, #tpu.memory_space<hbm>>
        tpu.enqueue_dma source(%dma_start3A_302 : memref<128xi32, #tpu.memory_space<hbm>>) target(%arg9 : memref<128xi32, #tpu.memory_space<vmem>>) target_semaphore(%run_scoped3A : memref<!tpu.dma_semaphore, #tpu.memory_space<semaphore_mem>>)
        %dma_wait3A_303 = tpu.memref_slice %arg3[%mul3A_273] : memref<323584xi32, #tpu.memory_space<hbm>> -> memref<128xi32, #tpu.memory_space<hbm>>
        %dma_wait3A_304 = tpu.memref_slice %arg3[%mul3A_273] : memref<323584xi32, #tpu.memory_space<hbm>> -> memref<128xi32, #tpu.memory_space<hbm>>
        tpu.wait_dma2 semaphore(%run_scoped3A : memref<!tpu.dma_semaphore, #tpu.memory_space<semaphore_mem>>) src(%dma_wait3A_304 : memref<128xi32, #tpu.memory_space<hbm>>) dst(%arg9 : memref<128xi32, #tpu.memory_space<vmem>>)
        tpu.yield
      }) : () -> ()
      %dma_start3A_274 = arith.constant 0 : i32
      %dma_start3A_275 = arith.constant 0 : i32
      %dma_start3A_276 = tpu.memref_slice %arg2[%dma_start3A_274, %dma_start3A_275] : memref<10240x128xf32, #tpu.memory_space<hbm>> -> memref<10240x128xf32, #tpu.memory_space<hbm>>
      tpu.enqueue_indirect_dma source(%dma_start3A_276 : memref<10240x128xf32, #tpu.memory_space<hbm>>) target(%arg12 : memref<128x128xf32, #tpu.memory_space<vmem>>) offsets(%arg7 : memref<128xi32, #tpu.memory_space<vmem>>) semaphore(%arg15 : memref<!tpu.dma_semaphore, #tpu.memory_space<semaphore_mem>>)
      %dma_wait3A_277 = arith.constant 0 : i32
      %dma_wait3A_278 = arith.constant 0 : i32
      %dma_wait3A_279 = tpu.memref_slice %arg2[%dma_wait3A_277, %dma_wait3A_278] : memref<10240x128xf32, #tpu.memory_space<hbm>> -> memref<128x128xf32, #tpu.memory_space<hbm>>
      %dma_wait3A_280 = arith.constant 0 : i32
      %dma_wait3A_281 = arith.constant 0 : i32
      %dma_wait3A_282 = tpu.memref_slice %arg2[%dma_wait3A_280, %dma_wait3A_281] : memref<10240x128xf32, #tpu.memory_space<hbm>> -> memref<128x128xf32, #tpu.memory_space<hbm>>
      tpu.wait_dma2 semaphore(%arg14 : memref<!tpu.dma_semaphore, #tpu.memory_space<semaphore_mem>>) src(%dma_wait3A_282 : memref<128x128xf32, #tpu.memory_space<hbm>>) dst(%arg11 : memref<128x128xf32, #tpu.memory_space<vmem>>)
      "tpu.region"() ({
        %run_scoped3A = tpu.sem_alloc : memref<!tpu.dma_semaphore, #tpu.memory_space<semaphore_mem>>
        %dma_start3A_301 = arith.constant 0 : i32
        %dma_start3A_302 = arith.constant 0 : i32
        %dma_start3A_303 = tpu.memref_slice %arg13[%dma_start3A_301, %dma_start3A_302] : memref<10240x128xf32, #tpu.memory_space<vmem_shared>> -> memref<10240x128xf32, #tpu.memory_space<vmem_shared>>
        tpu.enqueue_indirect_dma source(%arg11 : memref<128x128xf32, #tpu.memory_space<vmem>>) target(%dma_start3A_303 : memref<10240x128xf32, #tpu.memory_space<vmem_shared>>) offsets(%arg8 : memref<128xi32, #tpu.memory_space<vmem>>) semaphore(%run_scoped3A : memref<!tpu.dma_semaphore, #tpu.memory_space<semaphore_mem>>) {add = true}
        %dma_wait3A_304 = arith.constant 0 : i32
        %dma_wait3A_305 = arith.constant 0 : i32
        %dma_wait3A_306 = tpu.memref_slice %arg13[%dma_wait3A_304, %dma_wait3A_305] : memref<10240x128xf32, #tpu.memory_space<vmem_shared>> -> memref<10240x128xf32, #tpu.memory_space<vmem_shared>>
        tpu.wait_indirect_dma semaphore(%run_scoped3A : memref<!tpu.dma_semaphore, #tpu.memory_space<semaphore_mem>>) src(%arg11 : memref<128x128xf32, #tpu.memory_space<vmem>>) dst(%dma_wait3A_306 : memref<10240x128xf32, #tpu.memory_space<vmem_shared>>)
        tpu.yield
      }) : () -> ()
      %mul3A_283 = arith.constant 2 : i32
      %mul3A_284 = arith.muli %mul3A_283, %scan3A_261 : i32
      %add3A_285 = arith.constant 2 : i32
      %add3A_286 = arith.addi %mul3A_284, %add3A_285 : i32
      %mul3A_287 = arith.constant 32 : i32
      %mul3A_288 = arith.muli %add3A_286, %mul3A_287 : i32
      %add3A_289 = arith.addi %mul3A_288, %add3A : i32
      %mul3A_290 = arith.constant 128 : i32
      %mul3A_291 = arith.muli %add3A_289, %mul3A_290 : i32
      "tpu.region"() ({
        %run_scoped3A = tpu.sem_alloc : memref<!tpu.dma_semaphore, #tpu.memory_space<semaphore_mem>>
        %dma_start3A_301 = tpu.memref_slice %arg4[%mul3A_291] : memref<323584xi32, #tpu.memory_space<hbm>> -> memref<128xi32, #tpu.memory_space<hbm>>
        %dma_start3A_302 = tpu.memref_slice %arg4[%mul3A_291] : memref<323584xi32, #tpu.memory_space<hbm>> -> memref<128xi32, #tpu.memory_space<hbm>>
        tpu.enqueue_dma source(%dma_start3A_302 : memref<128xi32, #tpu.memory_space<hbm>>) target(%arg6 : memref<128xi32, #tpu.memory_space<vmem>>) target_semaphore(%run_scoped3A : memref<!tpu.dma_semaphore, #tpu.memory_space<semaphore_mem>>)
        %dma_wait3A_303 = tpu.memref_slice %arg4[%mul3A_291] : memref<323584xi32, #tpu.memory_space<hbm>> -> memref<128xi32, #tpu.memory_space<hbm>>
        %dma_wait3A_304 = tpu.memref_slice %arg4[%mul3A_291] : memref<323584xi32, #tpu.memory_space<hbm>> -> memref<128xi32, #tpu.memory_space<hbm>>
        tpu.wait_dma2 semaphore(%run_scoped3A : memref<!tpu.dma_semaphore, #tpu.memory_space<semaphore_mem>>) src(%dma_wait3A_304 : memref<128xi32, #tpu.memory_space<hbm>>) dst(%arg6 : memref<128xi32, #tpu.memory_space<vmem>>)
        tpu.yield
      }) : () -> ()
      %mul3A_292 = arith.constant 128 : i32
      %mul3A_293 = arith.muli %add3A_289, %mul3A_292 : i32
      "tpu.region"() ({
        %run_scoped3A = tpu.sem_alloc : memref<!tpu.dma_semaphore, #tpu.memory_space<semaphore_mem>>
        %dma_start3A_301 = tpu.memref_slice %arg3[%mul3A_293] : memref<323584xi32, #tpu.memory_space<hbm>> -> memref<128xi32, #tpu.memory_space<hbm>>
        %dma_start3A_302 = tpu.memref_slice %arg3[%mul3A_293] : memref<323584xi32, #tpu.memory_space<hbm>> -> memref<128xi32, #tpu.memory_space<hbm>>
        tpu.enqueue_dma source(%dma_start3A_302 : memref<128xi32, #tpu.memory_space<hbm>>) target(%arg8 : memref<128xi32, #tpu.memory_space<vmem>>) target_semaphore(%run_scoped3A : memref<!tpu.dma_semaphore, #tpu.memory_space<semaphore_mem>>)
        %dma_wait3A_303 = tpu.memref_slice %arg3[%mul3A_293] : memref<323584xi32, #tpu.memory_space<hbm>> -> memref<128xi32, #tpu.memory_space<hbm>>
        %dma_wait3A_304 = tpu.memref_slice %arg3[%mul3A_293] : memref<323584xi32, #tpu.memory_space<hbm>> -> memref<128xi32, #tpu.memory_space<hbm>>
        tpu.wait_dma2 semaphore(%run_scoped3A : memref<!tpu.dma_semaphore, #tpu.memory_space<semaphore_mem>>) src(%dma_wait3A_304 : memref<128xi32, #tpu.memory_space<hbm>>) dst(%arg8 : memref<128xi32, #tpu.memory_space<vmem>>)
        tpu.yield
      }) : () -> ()
      %dma_start3A_294 = arith.constant 0 : i32
      %dma_start3A_295 = arith.constant 0 : i32
      %dma_start3A_296 = tpu.memref_slice %arg2[%dma_start3A_294, %dma_start3A_295] : memref<10240x128xf32, #tpu.memory_space<hbm>> -> memref<10240x128xf32, #tpu.memory_space<hbm>>
      tpu.enqueue_indirect_dma source(%dma_start3A_296 : memref<10240x128xf32, #tpu.memory_space<hbm>>) target(%arg11 : memref<128x128xf32, #tpu.memory_space<vmem>>) offsets(%arg6 : memref<128xi32, #tpu.memory_space<vmem>>) semaphore(%arg14 : memref<!tpu.dma_semaphore, #tpu.memory_space<semaphore_mem>>)
      %dma_wait3A_297 = arith.constant 0 : i32
      %dma_wait3A_298 = arith.constant 0 : i32
      %dma_wait3A_299 = tpu.memref_slice %arg2[%dma_wait3A_297, %dma_wait3A_298] : memref<10240x128xf32, #tpu.memory_space<hbm>> -> memref<10240x128xf32, #tpu.memory_space<hbm>>
      tpu.wait_indirect_dma semaphore(%arg15 : memref<!tpu.dma_semaphore, #tpu.memory_space<semaphore_mem>>) src(%dma_wait3A_299 : memref<10240x128xf32, #tpu.memory_space<hbm>>) dst(%arg12 : memref<128x128xf32, #tpu.memory_space<vmem>>)
      "tpu.region"() ({
        %run_scoped3A = tpu.sem_alloc : memref<!tpu.dma_semaphore, #tpu.memory_space<semaphore_mem>>
        %dma_start3A_301 = arith.constant 0 : i32
        %dma_start3A_302 = arith.constant 0 : i32
        %dma_start3A_303 = tpu.memref_slice %arg13[%dma_start3A_301, %dma_start3A_302] : memref<10240x128xf32, #tpu.memory_space<vmem_shared>> -> memref<10240x128xf32, #tpu.memory_space<vmem_shared>>
        tpu.enqueue_indirect_dma source(%arg12 : memref<128x128xf32, #tpu.memory_space<vmem>>) target(%dma_start3A_303 : memref<10240x128xf32, #tpu.memory_space<vmem_shared>>) offsets(%arg9 : memref<128xi32, #tpu.memory_space<vmem>>) semaphore(%run_scoped3A : memref<!tpu.dma_semaphore, #tpu.memory_space<semaphore_mem>>) {add = true}
        %dma_wait3A_304 = arith.constant 0 : i32
        %dma_wait3A_305 = arith.constant 0 : i32
        %dma_wait3A_306 = tpu.memref_slice %arg13[%dma_wait3A_304, %dma_wait3A_305] : memref<10240x128xf32, #tpu.memory_space<vmem_shared>> -> memref<10240x128xf32, #tpu.memory_space<vmem_shared>>
        tpu.wait_indirect_dma semaphore(%run_scoped3A : memref<!tpu.dma_semaphore, #tpu.memory_space<semaphore_mem>>) src(%arg12 : memref<128x128xf32, #tpu.memory_space<vmem>>) dst(%dma_wait3A_306 : memref<10240x128xf32, #tpu.memory_space<vmem_shared>>)
        tpu.yield
      }) : () -> ()
      %scan3A_300 = arith.constant 0 : i32
      scf.yield %scan3A_300 : i32
    }
    %scan3A_133 = arith.constant 39 : i32
    %dma_wait3A_134 = arith.constant 0 : i32
    %dma_wait3A_135 = arith.constant 0 : i32
    %dma_wait3A_136 = tpu.memref_slice %arg2[%dma_wait3A_134, %dma_wait3A_135] : memref<10240x128xf32, #tpu.memory_space<hbm>> -> memref<128x128xf32, #tpu.memory_space<hbm>>
    %dma_wait3A_137 = arith.constant 0 : i32
    %dma_wait3A_138 = arith.constant 0 : i32
    %dma_wait3A_139 = tpu.memref_slice %arg2[%dma_wait3A_137, %dma_wait3A_138] : memref<10240x128xf32, #tpu.memory_space<hbm>> -> memref<128x128xf32, #tpu.memory_space<hbm>>
    tpu.wait_dma2 semaphore(%arg14 : memref<!tpu.dma_semaphore, #tpu.memory_space<semaphore_mem>>) src(%dma_wait3A_139 : memref<128x128xf32, #tpu.memory_space<hbm>>) dst(%arg11 : memref<128x128xf32, #tpu.memory_space<vmem>>)
    "tpu.region"() ({
      %run_scoped3A = tpu.sem_alloc : memref<!tpu.dma_semaphore, #tpu.memory_space<semaphore_mem>>
      %dma_start3A_261 = arith.constant 0 : i32
      %dma_start3A_262 = arith.constant 0 : i32
      %dma_start3A_263 = tpu.memref_slice %arg13[%dma_start3A_261, %dma_start3A_262] : memref<10240x128xf32, #tpu.memory_space<vmem_shared>> -> memref<10240x128xf32, #tpu.memory_space<vmem_shared>>
      tpu.enqueue_indirect_dma source(%arg11 : memref<128x128xf32, #tpu.memory_space<vmem>>) target(%dma_start3A_263 : memref<10240x128xf32, #tpu.memory_space<vmem_shared>>) offsets(%arg8 : memref<128xi32, #tpu.memory_space<vmem>>) semaphore(%run_scoped3A : memref<!tpu.dma_semaphore, #tpu.memory_space<semaphore_mem>>) {add = true}
      %dma_wait3A_264 = arith.constant 0 : i32
      %dma_wait3A_265 = arith.constant 0 : i32
      %dma_wait3A_266 = tpu.memref_slice %arg13[%dma_wait3A_264, %dma_wait3A_265] : memref<10240x128xf32, #tpu.memory_space<vmem_shared>> -> memref<10240x128xf32, #tpu.memory_space<vmem_shared>>
      tpu.wait_indirect_dma semaphore(%run_scoped3A : memref<!tpu.dma_semaphore, #tpu.memory_space<semaphore_mem>>) src(%arg11 : memref<128x128xf32, #tpu.memory_space<vmem>>) dst(%dma_wait3A_266 : memref<10240x128xf32, #tpu.memory_space<vmem_shared>>)
      tpu.yield
    }) : () -> ()
    %barrier3A_140 = arith.constant 0 : index
    tpu.barrier barrier_id(%barrier3A_140)
    %mul3A_141 = arith.constant 640 : i32
    %mul3A_142 = arith.muli %arg1, %mul3A_141 : i32
    %add3A_143 = arith.constant 0 : i32
    %add3A_144 = arith.addi %mul3A_142, %add3A_143 : i32
    %scan3A_145 = arith.constant 0 : i32
    %scan3A_146 = arith.constant 0 : i32
    %scan3A_147 = arith.constant 8 : i32
    %scan3A_148 = arith.addi %scan3A_146, %scan3A_147 : i32
    %scan3A_149 = arith.constant 1 : i32
    %scan3A_150 = scf.for %scan3A_261 = %scan3A_146 to %scan3A_148 step %scan3A_149 iter_args(%scan3A_262 = %scan3A_145) -> (i32)  : i32 {
      %iota3A = tpu.iota {dimensions = array<i32: 0>} : vector<16xi32>
      %add3A_263 = vector.broadcast %add3A_144 : i32 to vector<16xi32>
      %add3A_264 = arith.addi %iota3A, %add3A_263 : vector<16xi32>
      %mul3A_265 = arith.constant 16 : i32
      %mul3A_266 = arith.muli %scan3A_261, %mul3A_265 : i32
      %add3A_267 = vector.broadcast %mul3A_266 : i32 to vector<16xi32>
      %add3A_268 = arith.addi %add3A_264, %add3A_267 : vector<16xi32>
      %mul3A_269 = arith.constant 16 : i32
      %mul3A_270 = arith.muli %scan3A_261, %mul3A_269 : i32
      %swap3A = arith.index_cast %mul3A_270 : i32 to index
      %swap3A_271 = tpu.vector_load %arg10[%swap3A] {strides = array<i32>} : memref<128xi32, #tpu.memory_space<vmem>>, vector<16xi32>,
      %swap3A_272 = vector.shape_cast %swap3A_271 : vector<16xi32> to vector<16xi32>
      %swap3A_273 = vector.shape_cast %add3A_268 : vector<16xi32> to vector<16xi32>
      tpu.vector_store %arg10[%swap3A], %swap3A_273 {strides = array<i32>} : memref<128xi32, #tpu.memory_space<vmem>>, vector<16xi32>,
      %scan3A_274 = arith.constant 0 : i32
      scf.yield %scan3A_274 : i32
    }
    %scan3A_151 = arith.constant 8 : i32
    %dma_start3A_152 = arith.constant 0 : i32
    %dma_start3A_153 = arith.constant 0 : i32
    %dma_start3A_154 = tpu.memref_slice %arg13[%dma_start3A_152, %dma_start3A_153] : memref<10240x128xf32, #tpu.memory_space<vmem_shared>> -> memref<10240x128xf32, #tpu.memory_space<vmem_shared>>
    tpu.enqueue_indirect_dma source(%dma_start3A_154 : memref<10240x128xf32, #tpu.memory_space<vmem_shared>>) target(%arg11 : memref<128x128xf32, #tpu.memory_space<vmem>>) offsets(%arg10 : memref<128xi32, #tpu.memory_space<vmem>>) semaphore(%arg14 : memref<!tpu.dma_semaphore, #tpu.memory_space<semaphore_mem>>)
    %dma_wait3A_155 = arith.constant 0 : i32
    %dma_wait3A_156 = arith.constant 0 : i32
    %dma_wait3A_157 = tpu.memref_slice %arg13[%dma_wait3A_155, %dma_wait3A_156] : memref<10240x128xf32, #tpu.memory_space<vmem_shared>> -> memref<10240x128xf32, #tpu.memory_space<vmem_shared>>
    tpu.wait_indirect_dma semaphore(%arg14 : memref<!tpu.dma_semaphore, #tpu.memory_space<semaphore_mem>>) src(%dma_wait3A_157 : memref<10240x128xf32, #tpu.memory_space<vmem_shared>>) dst(%arg11 : memref<128x128xf32, #tpu.memory_space<vmem>>)
    %mul3A_158 = arith.constant 10240 : i32
    %mul3A_159 = arith.muli %arg0, %mul3A_158 : i32
    %mul3A_160 = arith.constant 640 : i32
    %mul3A_161 = arith.muli %arg1, %mul3A_160 : i32
    %add3A_162 = arith.addi %mul3A_159, %mul3A_161 : i32
    %add3A_163 = arith.constant 0 : i32
    %add3A_164 = arith.addi %add3A_162, %add3A_163 : i32
    "tpu.region"() ({
      %run_scoped3A = tpu.sem_alloc : memref<!tpu.dma_semaphore, #tpu.memory_space<semaphore_mem>>
      %dma_start3A_261 = arith.constant 0 : i32
      %dma_start3A_262 = tpu.memref_slice %arg5[%add3A_164, %dma_start3A_261] : memref<20480x128xf32, #tpu.memory_space<hbm>> -> memref<128x128xf32, #tpu.memory_space<hbm>>
      %dma_start3A_263 = arith.constant 0 : i32
      %dma_start3A_264 = tpu.memref_slice %arg5[%add3A_164, %dma_start3A_263] : memref<20480x128xf32, #tpu.memory_space<hbm>> -> memref<128x128xf32, #tpu.memory_space<hbm>>
      tpu.enqueue_dma source(%arg11 : memref<128x128xf32, #tpu.memory_space<vmem>>) target(%dma_start3A_264 : memref<128x128xf32, #tpu.memory_space<hbm>>) target_semaphore(%run_scoped3A : memref<!tpu.dma_semaphore, #tpu.memory_space<semaphore_mem>>)
      %dma_wait3A_265 = arith.constant 0 : i32
      %dma_wait3A_266 = tpu.memref_slice %arg5[%add3A_164, %dma_wait3A_265] : memref<20480x128xf32, #tpu.memory_space<hbm>> -> memref<128x128xf32, #tpu.memory_space<hbm>>
      %dma_wait3A_267 = arith.constant 0 : i32
      %dma_wait3A_268 = tpu.memref_slice %arg5[%add3A_164, %dma_wait3A_267] : memref<20480x128xf32, #tpu.memory_space<hbm>> -> memref<128x128xf32, #tpu.memory_space<hbm>>
      tpu.wait_dma2 semaphore(%run_scoped3A : memref<!tpu.dma_semaphore, #tpu.memory_space<semaphore_mem>>) src(%arg11 : memref<128x128xf32, #tpu.memory_space<vmem>>) dst(%dma_wait3A_268 : memref<128x128xf32, #tpu.memory_space<hbm>>)
      tpu.yield
    }) : () -> ()
    %mul3A_165 = arith.constant 640 : i32
    %mul3A_166 = arith.muli %arg1, %mul3A_165 : i32
    %add3A_167 = arith.constant 128 : i32
    %add3A_168 = arith.addi %mul3A_166, %add3A_167 : i32
    %scan3A_169 = arith.constant 0 : i32
    %scan3A_170 = arith.constant 0 : i32
    %scan3A_171 = arith.constant 8 : i32
    %scan3A_172 = arith.addi %scan3A_170, %scan3A_171 : i32
    %scan3A_173 = arith.constant 1 : i32
    %scan3A_174 = scf.for %scan3A_261 = %scan3A_170 to %scan3A_172 step %scan3A_173 iter_args(%scan3A_262 = %scan3A_169) -> (i32)  : i32 {
      %iota3A = tpu.iota {dimensions = array<i32: 0>} : vector<16xi32>
      %add3A_263 = vector.broadcast %add3A_168 : i32 to vector<16xi32>
      %add3A_264 = arith.addi %iota3A, %add3A_263 : vector<16xi32>
      %mul3A_265 = arith.constant 16 : i32
      %mul3A_266 = arith.muli %scan3A_261, %mul3A_265 : i32
      %add3A_267 = vector.broadcast %mul3A_266 : i32 to vector<16xi32>
      %add3A_268 = arith.addi %add3A_264, %add3A_267 : vector<16xi32>
      %mul3A_269 = arith.constant 16 : i32
      %mul3A_270 = arith.muli %scan3A_261, %mul3A_269 : i32
      %swap3A = arith.index_cast %mul3A_270 : i32 to index
      %swap3A_271 = tpu.vector_load %arg10[%swap3A] {strides = array<i32>} : memref<128xi32, #tpu.memory_space<vmem>>, vector<16xi32>,
      %swap3A_272 = vector.shape_cast %swap3A_271 : vector<16xi32> to vector<16xi32>
      %swap3A_273 = vector.shape_cast %add3A_268 : vector<16xi32> to vector<16xi32>
      tpu.vector_store %arg10[%swap3A], %swap3A_273 {strides = array<i32>} : memref<128xi32, #tpu.memory_space<vmem>>, vector<16xi32>,
      %scan3A_274 = arith.constant 0 : i32
      scf.yield %scan3A_274 : i32
    }
    %scan3A_175 = arith.constant 8 : i32
    %dma_start3A_176 = arith.constant 0 : i32
    %dma_start3A_177 = arith.constant 0 : i32
    %dma_start3A_178 = tpu.memref_slice %arg13[%dma_start3A_176, %dma_start3A_177] : memref<10240x128xf32, #tpu.memory_space<vmem_shared>> -> memref<10240x128xf32, #tpu.memory_space<vmem_shared>>
    tpu.enqueue_indirect_dma source(%dma_start3A_178 : memref<10240x128xf32, #tpu.memory_space<vmem_shared>>) target(%arg11 : memref<128x128xf32, #tpu.memory_space<vmem>>) offsets(%arg10 : memref<128xi32, #tpu.memory_space<vmem>>) semaphore(%arg14 : memref<!tpu.dma_semaphore, #tpu.memory_space<semaphore_mem>>)
    %dma_wait3A_179 = arith.constant 0 : i32
    %dma_wait3A_180 = arith.constant 0 : i32
    %dma_wait3A_181 = tpu.memref_slice %arg13[%dma_wait3A_179, %dma_wait3A_180] : memref<10240x128xf32, #tpu.memory_space<vmem_shared>> -> memref<10240x128xf32, #tpu.memory_space<vmem_shared>>
    tpu.wait_indirect_dma semaphore(%arg14 : memref<!tpu.dma_semaphore, #tpu.memory_space<semaphore_mem>>) src(%dma_wait3A_181 : memref<10240x128xf32, #tpu.memory_space<vmem_shared>>) dst(%arg11 : memref<128x128xf32, #tpu.memory_space<vmem>>)
    %mul3A_182 = arith.constant 10240 : i32
    %mul3A_183 = arith.muli %arg0, %mul3A_182 : i32
    %mul3A_184 = arith.constant 640 : i32
    %mul3A_185 = arith.muli %arg1, %mul3A_184 : i32
    %add3A_186 = arith.addi %mul3A_183, %mul3A_185 : i32
    %add3A_187 = arith.constant 128 : i32
    %add3A_188 = arith.addi %add3A_186, %add3A_187 : i32
    "tpu.region"() ({
      %run_scoped3A = tpu.sem_alloc : memref<!tpu.dma_semaphore, #tpu.memory_space<semaphore_mem>>
      %dma_start3A_261 = arith.constant 0 : i32
      %dma_start3A_262 = tpu.memref_slice %arg5[%add3A_188, %dma_start3A_261] : memref<20480x128xf32, #tpu.memory_space<hbm>> -> memref<128x128xf32, #tpu.memory_space<hbm>>
      %dma_start3A_263 = arith.constant 0 : i32
      %dma_start3A_264 = tpu.memref_slice %arg5[%add3A_188, %dma_start3A_263] : memref<20480x128xf32, #tpu.memory_space<hbm>> -> memref<128x128xf32, #tpu.memory_space<hbm>>
      tpu.enqueue_dma source(%arg11 : memref<128x128xf32, #tpu.memory_space<vmem>>) target(%dma_start3A_264 : memref<128x128xf32, #tpu.memory_space<hbm>>) target_semaphore(%run_scoped3A : memref<!tpu.dma_semaphore, #tpu.memory_space<semaphore_mem>>)
      %dma_wait3A_265 = arith.constant 0 : i32
      %dma_wait3A_266 = tpu.memref_slice %arg5[%add3A_188, %dma_wait3A_265] : memref<20480x128xf32, #tpu.memory_space<hbm>> -> memref<128x128xf32, #tpu.memory_space<hbm>>
      %dma_wait3A_267 = arith.constant 0 : i32
      %dma_wait3A_268 = tpu.memref_slice %arg5[%add3A_188, %dma_wait3A_267] : memref<20480x128xf32, #tpu.memory_space<hbm>> -> memref<128x128xf32, #tpu.memory_space<hbm>>
      tpu.wait_dma2 semaphore(%run_scoped3A : memref<!tpu.dma_semaphore, #tpu.memory_space<semaphore_mem>>) src(%arg11 : memref<128x128xf32, #tpu.memory_space<vmem>>) dst(%dma_wait3A_268 : memref<128x128xf32, #tpu.memory_space<hbm>>)
      tpu.yield
    }) : () -> ()
    %mul3A_189 = arith.constant 640 : i32
    %mul3A_190 = arith.muli %arg1, %mul3A_189 : i32
    %add3A_191 = arith.constant 256 : i32
    %add3A_192 = arith.addi %mul3A_190, %add3A_191 : i32
    %scan3A_193 = arith.constant 0 : i32
    %scan3A_194 = arith.constant 0 : i32
    %scan3A_195 = arith.constant 8 : i32
    %scan3A_196 = arith.addi %scan3A_194, %scan3A_195 : i32
    %scan3A_197 = arith.constant 1 : i32
    %scan3A_198 = scf.for %scan3A_261 = %scan3A_194 to %scan3A_196 step %scan3A_197 iter_args(%scan3A_262 = %scan3A_193) -> (i32)  : i32 {
      %iota3A = tpu.iota {dimensions = array<i32: 0>} : vector<16xi32>
      %add3A_263 = vector.broadcast %add3A_192 : i32 to vector<16xi32>
      %add3A_264 = arith.addi %iota3A, %add3A_263 : vector<16xi32>
      %mul3A_265 = arith.constant 16 : i32
      %mul3A_266 = arith.muli %scan3A_261, %mul3A_265 : i32
      %add3A_267 = vector.broadcast %mul3A_266 : i32 to vector<16xi32>
      %add3A_268 = arith.addi %add3A_264, %add3A_267 : vector<16xi32>
      %mul3A_269 = arith.constant 16 : i32
      %mul3A_270 = arith.muli %scan3A_261, %mul3A_269 : i32
      %swap3A = arith.index_cast %mul3A_270 : i32 to index
      %swap3A_271 = tpu.vector_load %arg10[%swap3A] {strides = array<i32>} : memref<128xi32, #tpu.memory_space<vmem>>, vector<16xi32>,
      %swap3A_272 = vector.shape_cast %swap3A_271 : vector<16xi32> to vector<16xi32>
      %swap3A_273 = vector.shape_cast %add3A_268 : vector<16xi32> to vector<16xi32>
      tpu.vector_store %arg10[%swap3A], %swap3A_273 {strides = array<i32>} : memref<128xi32, #tpu.memory_space<vmem>>, vector<16xi32>,
      %scan3A_274 = arith.constant 0 : i32
      scf.yield %scan3A_274 : i32
    }
    %scan3A_199 = arith.constant 8 : i32
    %dma_start3A_200 = arith.constant 0 : i32
    %dma_start3A_201 = arith.constant 0 : i32
    %dma_start3A_202 = tpu.memref_slice %arg13[%dma_start3A_200, %dma_start3A_201] : memref<10240x128xf32, #tpu.memory_space<vmem_shared>> -> memref<10240x128xf32, #tpu.memory_space<vmem_shared>>
    tpu.enqueue_indirect_dma source(%dma_start3A_202 : memref<10240x128xf32, #tpu.memory_space<vmem_shared>>) target(%arg11 : memref<128x128xf32, #tpu.memory_space<vmem>>) offsets(%arg10 : memref<128xi32, #tpu.memory_space<vmem>>) semaphore(%arg14 : memref<!tpu.dma_semaphore, #tpu.memory_space<semaphore_mem>>)
    %dma_wait3A_203 = arith.constant 0 : i32
    %dma_wait3A_204 = arith.constant 0 : i32
    %dma_wait3A_205 = tpu.memref_slice %arg13[%dma_wait3A_203, %dma_wait3A_204] : memref<10240x128xf32, #tpu.memory_space<vmem_shared>> -> memref<10240x128xf32, #tpu.memory_space<vmem_shared>>
    tpu.wait_indirect_dma semaphore(%arg14 : memref<!tpu.dma_semaphore, #tpu.memory_space<semaphore_mem>>) src(%dma_wait3A_205 : memref<10240x128xf32, #tpu.memory_space<vmem_shared>>) dst(%arg11 : memref<128x128xf32, #tpu.memory_space<vmem>>)
    %mul3A_206 = arith.constant 10240 : i32
    %mul3A_207 = arith.muli %arg0, %mul3A_206 : i32
    %mul3A_208 = arith.constant 640 : i32
    %mul3A_209 = arith.muli %arg1, %mul3A_208 : i32
    %add3A_210 = arith.addi %mul3A_207, %mul3A_209 : i32
    %add3A_211 = arith.constant 256 : i32
    %add3A_212 = arith.addi %add3A_210, %add3A_211 : i32
    "tpu.region"() ({
      %run_scoped3A = tpu.sem_alloc : memref<!tpu.dma_semaphore, #tpu.memory_space<semaphore_mem>>
      %dma_start3A_261 = arith.constant 0 : i32
      %dma_start3A_262 = tpu.memref_slice %arg5[%add3A_212, %dma_start3A_261] : memref<20480x128xf32, #tpu.memory_space<hbm>> -> memref<128x128xf32, #tpu.memory_space<hbm>>
      %dma_start3A_263 = arith.constant 0 : i32
      %dma_start3A_264 = tpu.memref_slice %arg5[%add3A_212, %dma_start3A_263] : memref<20480x128xf32, #tpu.memory_space<hbm>> -> memref<128x128xf32, #tpu.memory_space<hbm>>
      tpu.enqueue_dma source(%arg11 : memref<128x128xf32, #tpu.memory_space<vmem>>) target(%dma_start3A_264 : memref<128x128xf32, #tpu.memory_space<hbm>>) target_semaphore(%run_scoped3A : memref<!tpu.dma_semaphore, #tpu.memory_space<semaphore_mem>>)
      %dma_wait3A_265 = arith.constant 0 : i32
      %dma_wait3A_266 = tpu.memref_slice %arg5[%add3A_212, %dma_wait3A_265] : memref<20480x128xf32, #tpu.memory_space<hbm>> -> memref<128x128xf32, #tpu.memory_space<hbm>>
      %dma_wait3A_267 = arith.constant 0 : i32
      %dma_wait3A_268 = tpu.memref_slice %arg5[%add3A_212, %dma_wait3A_267] : memref<20480x128xf32, #tpu.memory_space<hbm>> -> memref<128x128xf32, #tpu.memory_space<hbm>>
      tpu.wait_dma2 semaphore(%run_scoped3A : memref<!tpu.dma_semaphore, #tpu.memory_space<semaphore_mem>>) src(%arg11 : memref<128x128xf32, #tpu.memory_space<vmem>>) dst(%dma_wait3A_268 : memref<128x128xf32, #tpu.memory_space<hbm>>)
      tpu.yield
    }) : () -> ()
    %mul3A_213 = arith.constant 640 : i32
    %mul3A_214 = arith.muli %arg1, %mul3A_213 : i32
    %add3A_215 = arith.constant 384 : i32
    %add3A_216 = arith.addi %mul3A_214, %add3A_215 : i32
    %scan3A_217 = arith.constant 0 : i32
    %scan3A_218 = arith.constant 0 : i32
    %scan3A_219 = arith.constant 8 : i32
    %scan3A_220 = arith.addi %scan3A_218, %scan3A_219 : i32
    %scan3A_221 = arith.constant 1 : i32
    %scan3A_222 = scf.for %scan3A_261 = %scan3A_218 to %scan3A_220 step %scan3A_221 iter_args(%scan3A_262 = %scan3A_217) -> (i32)  : i32 {
      %iota3A = tpu.iota {dimensions = array<i32: 0>} : vector<16xi32>
      %add3A_263 = vector.broadcast %add3A_216 : i32 to vector<16xi32>
      %add3A_264 = arith.addi %iota3A, %add3A_263 : vector<16xi32>
      %mul3A_265 = arith.constant 16 : i32
      %mul3A_266 = arith.muli %scan3A_261, %mul3A_265 : i32
      %add3A_267 = vector.broadcast %mul3A_266 : i32 to vector<16xi32>
      %add3A_268 = arith.addi %add3A_264, %add3A_267 : vector<16xi32>
      %mul3A_269 = arith.constant 16 : i32
      %mul3A_270 = arith.muli %scan3A_261, %mul3A_269 : i32
      %swap3A = arith.index_cast %mul3A_270 : i32 to index
      %swap3A_271 = tpu.vector_load %arg10[%swap3A] {strides = array<i32>} : memref<128xi32, #tpu.memory_space<vmem>>, vector<16xi32>,
      %swap3A_272 = vector.shape_cast %swap3A_271 : vector<16xi32> to vector<16xi32>
      %swap3A_273 = vector.shape_cast %add3A_268 : vector<16xi32> to vector<16xi32>
      tpu.vector_store %arg10[%swap3A], %swap3A_273 {strides = array<i32>} : memref<128xi32, #tpu.memory_space<vmem>>, vector<16xi32>,
      %scan3A_274 = arith.constant 0 : i32
      scf.yield %scan3A_274 : i32
    }
    %scan3A_223 = arith.constant 8 : i32
    %dma_start3A_224 = arith.constant 0 : i32
    %dma_start3A_225 = arith.constant 0 : i32
    %dma_start3A_226 = tpu.memref_slice %arg13[%dma_start3A_224, %dma_start3A_225] : memref<10240x128xf32, #tpu.memory_space<vmem_shared>> -> memref<10240x128xf32, #tpu.memory_space<vmem_shared>>
    tpu.enqueue_indirect_dma source(%dma_start3A_226 : memref<10240x128xf32, #tpu.memory_space<vmem_shared>>) target(%arg11 : memref<128x128xf32, #tpu.memory_space<vmem>>) offsets(%arg10 : memref<128xi32, #tpu.memory_space<vmem>>) semaphore(%arg14 : memref<!tpu.dma_semaphore, #tpu.memory_space<semaphore_mem>>)
    %dma_wait3A_227 = arith.constant 0 : i32
    %dma_wait3A_228 = arith.constant 0 : i32
    %dma_wait3A_229 = tpu.memref_slice %arg13[%dma_wait3A_227, %dma_wait3A_228] : memref<10240x128xf32, #tpu.memory_space<vmem_shared>> -> memref<10240x128xf32, #tpu.memory_space<vmem_shared>>
    tpu.wait_indirect_dma semaphore(%arg14 : memref<!tpu.dma_semaphore, #tpu.memory_space<semaphore_mem>>) src(%dma_wait3A_229 : memref<10240x128xf32, #tpu.memory_space<vmem_shared>>) dst(%arg11 : memref<128x128xf32, #tpu.memory_space<vmem>>)
    %mul3A_230 = arith.constant 10240 : i32
    %mul3A_231 = arith.muli %arg0, %mul3A_230 : i32
    %mul3A_232 = arith.constant 640 : i32
    %mul3A_233 = arith.muli %arg1, %mul3A_232 : i32
    %add3A_234 = arith.addi %mul3A_231, %mul3A_233 : i32
    %add3A_235 = arith.constant 384 : i32
    %add3A_236 = arith.addi %add3A_234, %add3A_235 : i32
    "tpu.region"() ({
      %run_scoped3A = tpu.sem_alloc : memref<!tpu.dma_semaphore, #tpu.memory_space<semaphore_mem>>
      %dma_start3A_261 = arith.constant 0 : i32
      %dma_start3A_262 = tpu.memref_slice %arg5[%add3A_236, %dma_start3A_261] : memref<20480x128xf32, #tpu.memory_space<hbm>> -> memref<128x128xf32, #tpu.memory_space<hbm>>
      %dma_start3A_263 = arith.constant 0 : i32
      %dma_start3A_264 = tpu.memref_slice %arg5[%add3A_236, %dma_start3A_263] : memref<20480x128xf32, #tpu.memory_space<hbm>> -> memref<128x128xf32, #tpu.memory_space<hbm>>
      tpu.enqueue_dma source(%arg11 : memref<128x128xf32, #tpu.memory_space<vmem>>) target(%dma_start3A_264 : memref<128x128xf32, #tpu.memory_space<hbm>>) target_semaphore(%run_scoped3A : memref<!tpu.dma_semaphore, #tpu.memory_space<semaphore_mem>>)
      %dma_wait3A_265 = arith.constant 0 : i32
      %dma_wait3A_266 = tpu.memref_slice %arg5[%add3A_236, %dma_wait3A_265] : memref<20480x128xf32, #tpu.memory_space<hbm>> -> memref<128x128xf32, #tpu.memory_space<hbm>>
      %dma_wait3A_267 = arith.constant 0 : i32
      %dma_wait3A_268 = tpu.memref_slice %arg5[%add3A_236, %dma_wait3A_267] : memref<20480x128xf32, #tpu.memory_space<hbm>> -> memref<128x128xf32, #tpu.memory_space<hbm>>
      tpu.wait_dma2 semaphore(%run_scoped3A : memref<!tpu.dma_semaphore, #tpu.memory_space<semaphore_mem>>) src(%arg11 : memref<128x128xf32, #tpu.memory_space<vmem>>) dst(%dma_wait3A_268 : memref<128x128xf32, #tpu.memory_space<hbm>>)
      tpu.yield
    }) : () -> ()
    %mul3A_237 = arith.constant 640 : i32
    %mul3A_238 = arith.muli %arg1, %mul3A_237 : i32
    %add3A_239 = arith.constant 512 : i32
    %add3A_240 = arith.addi %mul3A_238, %add3A_239 : i32
    %scan3A_241 = arith.constant 0 : i32
    %scan3A_242 = arith.constant 0 : i32
    %scan3A_243 = arith.constant 8 : i32
    %scan3A_244 = arith.addi %scan3A_242, %scan3A_243 : i32
    %scan3A_245 = arith.constant 1 : i32
    %scan3A_246 = scf.for %scan3A_261 = %scan3A_242 to %scan3A_244 step %scan3A_245 iter_args(%scan3A_262 = %scan3A_241) -> (i32)  : i32 {
      %iota3A = tpu.iota {dimensions = array<i32: 0>} : vector<16xi32>
      %add3A_263 = vector.broadcast %add3A_240 : i32 to vector<16xi32>
      %add3A_264 = arith.addi %iota3A, %add3A_263 : vector<16xi32>
      %mul3A_265 = arith.constant 16 : i32
      %mul3A_266 = arith.muli %scan3A_261, %mul3A_265 : i32
      %add3A_267 = vector.broadcast %mul3A_266 : i32 to vector<16xi32>
      %add3A_268 = arith.addi %add3A_264, %add3A_267 : vector<16xi32>
      %mul3A_269 = arith.constant 16 : i32
      %mul3A_270 = arith.muli %scan3A_261, %mul3A_269 : i32
      %swap3A = arith.index_cast %mul3A_270 : i32 to index
      %swap3A_271 = tpu.vector_load %arg10[%swap3A] {strides = array<i32>} : memref<128xi32, #tpu.memory_space<vmem>>, vector<16xi32>,
      %swap3A_272 = vector.shape_cast %swap3A_271 : vector<16xi32> to vector<16xi32>
      %swap3A_273 = vector.shape_cast %add3A_268 : vector<16xi32> to vector<16xi32>
      tpu.vector_store %arg10[%swap3A], %swap3A_273 {strides = array<i32>} : memref<128xi32, #tpu.memory_space<vmem>>, vector<16xi32>,
      %scan3A_274 = arith.constant 0 : i32
      scf.yield %scan3A_274 : i32
    }
    %scan3A_247 = arith.constant 8 : i32
    %dma_start3A_248 = arith.constant 0 : i32
    %dma_start3A_249 = arith.constant 0 : i32
    %dma_start3A_250 = tpu.memref_slice %arg13[%dma_start3A_248, %dma_start3A_249] : memref<10240x128xf32, #tpu.memory_space<vmem_shared>> -> memref<10240x128xf32, #tpu.memory_space<vmem_shared>>
    tpu.enqueue_indirect_dma source(%dma_start3A_250 : memref<10240x128xf32, #tpu.memory_space<vmem_shared>>) target(%arg11 : memref<128x128xf32, #tpu.memory_space<vmem>>) offsets(%arg10 : memref<128xi32, #tpu.memory_space<vmem>>) semaphore(%arg14 : memref<!tpu.dma_semaphore, #tpu.memory_space<semaphore_mem>>)
    %dma_wait3A_251 = arith.constant 0 : i32
    %dma_wait3A_252 = arith.constant 0 : i32
    %dma_wait3A_253 = tpu.memref_slice %arg13[%dma_wait3A_251, %dma_wait3A_252] : memref<10240x128xf32, #tpu.memory_space<vmem_shared>> -> memref<10240x128xf32, #tpu.memory_space<vmem_shared>>
    tpu.wait_indirect_dma semaphore(%arg14 : memref<!tpu.dma_semaphore, #tpu.memory_space<semaphore_mem>>) src(%dma_wait3A_253 : memref<10240x128xf32, #tpu.memory_space<vmem_shared>>) dst(%arg11 : memref<128x128xf32, #tpu.memory_space<vmem>>)
    %mul3A_254 = arith.constant 10240 : i32
    %mul3A_255 = arith.muli %arg0, %mul3A_254 : i32
    %mul3A_256 = arith.constant 640 : i32
    %mul3A_257 = arith.muli %arg1, %mul3A_256 : i32
    %add3A_258 = arith.addi %mul3A_255, %mul3A_257 : i32
    %add3A_259 = arith.constant 512 : i32
    %add3A_260 = arith.addi %add3A_258, %add3A_259 : i32
    "tpu.region"() ({
      %run_scoped3A = tpu.sem_alloc : memref<!tpu.dma_semaphore, #tpu.memory_space<semaphore_mem>>
      %dma_start3A_261 = arith.constant 0 : i32
      %dma_start3A_262 = tpu.memref_slice %arg5[%add3A_260, %dma_start3A_261] : memref<20480x128xf32, #tpu.memory_space<hbm>> -> memref<128x128xf32, #tpu.memory_space<hbm>>
      %dma_start3A_263 = arith.constant 0 : i32
      %dma_start3A_264 = tpu.memref_slice %arg5[%add3A_260, %dma_start3A_263] : memref<20480x128xf32, #tpu.memory_space<hbm>> -> memref<128x128xf32, #tpu.memory_space<hbm>>
      tpu.enqueue_dma source(%arg11 : memref<128x128xf32, #tpu.memory_space<vmem>>) target(%dma_start3A_264 : memref<128x128xf32, #tpu.memory_space<hbm>>) target_semaphore(%run_scoped3A : memref<!tpu.dma_semaphore, #tpu.memory_space<semaphore_mem>>)
      %dma_wait3A_265 = arith.constant 0 : i32
      %dma_wait3A_266 = tpu.memref_slice %arg5[%add3A_260, %dma_wait3A_265] : memref<20480x128xf32, #tpu.memory_space<hbm>> -> memref<128x128xf32, #tpu.memory_space<hbm>>
      %dma_wait3A_267 = arith.constant 0 : i32
      %dma_wait3A_268 = tpu.memref_slice %arg5[%add3A_260, %dma_wait3A_267] : memref<20480x128xf32, #tpu.memory_space<hbm>> -> memref<128x128xf32, #tpu.memory_space<hbm>>
      tpu.wait_dma2 semaphore(%run_scoped3A : memref<!tpu.dma_semaphore, #tpu.memory_space<semaphore_mem>>) src(%arg11 : memref<128x128xf32, #tpu.memory_space<vmem>>) dst(%dma_wait3A_268 : memref<128x128xf32, #tpu.memory_space<hbm>>)
      tpu.yield
    }) : () -> ()
    return
  }
}

module attributes {stable_mosaic.version = 14 : i64} {
  func.func @_tc1_body(%arg0: i32, %arg1: memref<2x256x128xf32, #tpu.memory_space<vmem>>, %arg2: memref<256x128xf32, #tpu.memory_space<vmem>>, %arg3: memref<128x128xf32, #tpu.memory_space<vmem>>, %arg4: memref<256x128xf32, #tpu.memory_space<vmem>>) attributes {dimension_semantics = [#tpu.dimension_semantics<arbitrary>], iteration_bounds = array<i64: 40>, scalar_prefetch = 0 : i64, scratch_operands = 0 : i64, tpu.core_type = #tpu.core_type<tc>, window_params = [{transform_indices = @transform_0, window_bounds = array<i64: 2, 256, 128>}, {transform_indices = @transform_1, window_bounds = array<i64: 256, 128>}, {pipeline_mode = #tpu.pipeline_mode<synchronous>, transform_indices = @transform_2, window_bounds = array<i64: 128, 128>}, {transform_indices = @transform_3, window_bounds = array<i64: 256, 128>}]} {
    %get3A = arith.constant 0 : index
    %get3A_0 = arith.constant 0 : index
    %get3A_1 = arith.constant 0 : index
    %get3A_2 = vector.load %arg1[%get3A, %get3A_0, %get3A_1] : memref<2x256x128xf32, #tpu.memory_space<vmem>>, vector<1x256x1xf32>
    %get3A_3 = vector.shape_cast %get3A_2 : vector<1x256x1xf32> to vector<256x1xf32>
    %get3A_4 = arith.constant 1 : index
    %get3A_5 = arith.constant 0 : index
    %get3A_6 = arith.constant 0 : index
    %get3A_7 = vector.load %arg1[%get3A_4, %get3A_5, %get3A_6] : memref<2x256x128xf32, #tpu.memory_space<vmem>>, vector<1x256x1xf32>
    %get3A_8 = vector.shape_cast %get3A_7 : vector<1x256x1xf32> to vector<256x1xf32>
    %add3A = arith.addf %get3A_3, %get3A_8 : vector<256x1xf32>
    %add3A_9 = arith.constant 1.000000e+00 : f32
    %add3A_10 = vector.broadcast %add3A_9 : f32 to vector<256x1xf32>
    %add3A_11 = arith.addf %add3A, %add3A_10 : vector<256x1xf32>
    %rsqrt3A = math.rsqrt %add3A_11 : vector<256x1xf32>
    %get3A_12 = arith.constant 0 : index
    %get3A_13 = arith.constant 0 : index
    %get3A_14 = vector.load %arg2[%get3A_12, %get3A_13] : memref<256x128xf32, #tpu.memory_space<vmem>>, vector<256x128xf32>
    %get3A_15 = arith.constant 0 : index
    %get3A_16 = arith.constant 0 : index
    %get3A_17 = vector.load %arg3[%get3A_15, %get3A_16] : memref<128x128xf32, #tpu.memory_space<vmem>>, vector<128x128xf32>
    %dot_general3A = arith.constant dense<0.000000e+00> : vector<256x128xf32>
    %dot_general3A_18 = tpu.matmul %get3A_14, %get3A_17, %dot_general3A {dimension_numbers = #tpu.dot_dimension_numbers<[1], [0], [0], [1], [0, 0, 1, 1], [], []>, precision = #tpu.contract_precision<fp32>, transpose_lhs_hint = false} : vector<256x128xf32>, vector<128x128xf32>, vector<256x128xf32> -> vector<256x128xf32>
    %mul3A = vector.broadcast %rsqrt3A : vector<256x1xf32> to vector<256x128xf32>
    %mul3A_19 = arith.mulf %dot_general3A_18, %mul3A : vector<256x128xf32>
    %swap3A = arith.constant 0 : index
    %swap3A_20 = arith.constant 0 : index
    %swap3A_21 = vector.load %arg4[%swap3A, %swap3A_20] : memref<256x128xf32, #tpu.memory_space<vmem>>, vector<256x128xf32>
    tpu.vector_store %arg4[%swap3A, %swap3A_20], %mul3A_19 {strides = array<i32>} : memref<256x128xf32, #tpu.memory_space<vmem>>, vector<256x128xf32>,
    return
  }
  func.func @transform_0(%arg0: i32) -> (i32, i32, i32) {
    %c0_i32 = arith.constant 0 : i32
    %c0_i32_0 = arith.constant 0 : i32
    %c0_i32_1 = arith.constant 0 : i32
    return %c0_i32, %arg0, %c0_i32_0 : i32, i32, i32
  }
  func.func @transform_1(%arg0: i32) -> (i32, i32) {
    %c0_i32 = arith.constant 0 : i32
    %c0_i32_0 = arith.constant 0 : i32
    return %arg0, %c0_i32 : i32, i32
  }
  func.func @transform_2(%arg0: i32) -> (i32, i32) {
    %c0_i32 = arith.constant 0 : i32
    %c0_i32_0 = arith.constant 0 : i32
    %c0_i32_1 = arith.constant 0 : i32
    return %c0_i32, %c0_i32_0 : i32, i32
  }
  func.func @transform_3(%arg0: i32) -> (i32, i32) {
    %c0_i32 = arith.constant 0 : i32
    %c0_i32_0 = arith.constant 0 : i32
    return %arg0, %c0_i32 : i32, i32
  }
}

module attributes {stable_mosaic.version = 14 : i64} {
  func.func @_tc2_body(%arg0: i32, %arg1: memref<2x256x128xf32, #tpu.memory_space<vmem>>, %arg2: memref<256x128xf32, #tpu.memory_space<vmem>>, %arg3: memref<2x256x128xf32, #tpu.memory_space<vmem>>, %arg4: memref<1x128xf32, #tpu.memory_space<vmem>>, %arg5: memref<1x128xf32, #tpu.memory_space<vmem>>, %arg6: memref<1x128xf32, #tpu.memory_space<vmem>>, %arg7: memref<128x128xf32, #tpu.memory_space<vmem>>, %arg8: memref<256x128xf32, #tpu.memory_space<vmem>>) attributes {dimension_semantics = [#tpu.dimension_semantics<arbitrary>], iteration_bounds = array<i64: 40>, scalar_prefetch = 0 : i64, scratch_operands = 0 : i64, tpu.core_type = #tpu.core_type<tc>, window_params = [{transform_indices = @transform_0, window_bounds = array<i64: 2, 256, 128>}, {transform_indices = @transform_1, window_bounds = array<i64: 256, 128>}, {transform_indices = @transform_2, window_bounds = array<i64: 2, 256, 128>}, {pipeline_mode = #tpu.pipeline_mode<synchronous>, transform_indices = @transform_3, window_bounds = array<i64: 1, 128>}, {pipeline_mode = #tpu.pipeline_mode<synchronous>, transform_indices = @transform_4, window_bounds = array<i64: 1, 128>}, {pipeline_mode = #tpu.pipeline_mode<synchronous>, transform_indices = @transform_5, window_bounds = array<i64: 1, 128>}, {pipeline_mode = #tpu.pipeline_mode<synchronous>, transform_indices = @transform_6, window_bounds = array<i64: 128, 128>}, {transform_indices = @transform_7, window_bounds = array<i64: 256, 128>}]} {
    %get3A = arith.constant 0 : index
    %get3A_0 = arith.constant 0 : index
    %get3A_1 = arith.constant 0 : index
    %get3A_2 = vector.load %arg1[%get3A, %get3A_0, %get3A_1] : memref<2x256x128xf32, #tpu.memory_space<vmem>>, vector<1x256x1xf32>
    %get3A_3 = vector.shape_cast %get3A_2 : vector<1x256x1xf32> to vector<256x1xf32>
    %get3A_4 = arith.constant 1 : index
    %get3A_5 = arith.constant 0 : index
    %get3A_6 = arith.constant 0 : index
    %get3A_7 = vector.load %arg1[%get3A_4, %get3A_5, %get3A_6] : memref<2x256x128xf32, #tpu.memory_space<vmem>>, vector<1x256x1xf32>
    %get3A_8 = vector.shape_cast %get3A_7 : vector<1x256x1xf32> to vector<256x1xf32>
    %add3A = arith.addf %get3A_3, %get3A_8 : vector<256x1xf32>
    %add3A_9 = arith.constant 1.000000e+00 : f32
    %add3A_10 = vector.broadcast %add3A_9 : f32 to vector<256x1xf32>
    %add3A_11 = arith.addf %add3A, %add3A_10 : vector<256x1xf32>
    %rsqrt3A = math.rsqrt %add3A_11 : vector<256x1xf32>
    %get3A_12 = arith.constant 0 : index
    %get3A_13 = arith.constant 0 : index
    %get3A_14 = vector.load %arg2[%get3A_12, %get3A_13] : memref<256x128xf32, #tpu.memory_space<vmem>>, vector<256x128xf32>
    %get3A_15 = arith.constant 0 : index
    %get3A_16 = arith.constant 0 : index
    %get3A_17 = arith.constant 0 : index
    %get3A_18 = vector.load %arg3[%get3A_15, %get3A_16, %get3A_17] : memref<2x256x128xf32, #tpu.memory_space<vmem>>, vector<1x256x128xf32>
    %get3A_19 = vector.shape_cast %get3A_18 : vector<1x256x128xf32> to vector<256x128xf32>
    %add3A_20 = arith.addf %get3A_14, %get3A_19 : vector<256x128xf32>
    %get3A_21 = arith.constant 1 : index
    %get3A_22 = arith.constant 0 : index
    %get3A_23 = arith.constant 0 : index
    %get3A_24 = vector.load %arg3[%get3A_21, %get3A_22, %get3A_23] : memref<2x256x128xf32, #tpu.memory_space<vmem>>, vector<1x256x128xf32>
    %get3A_25 = vector.shape_cast %get3A_24 : vector<1x256x128xf32> to vector<256x128xf32>
    %add3A_26 = arith.addf %add3A_20, %get3A_25 : vector<256x128xf32>
    %mul3A = vector.broadcast %rsqrt3A : vector<256x1xf32> to vector<256x128xf32>
    %mul3A_27 = arith.mulf %add3A_26, %mul3A : vector<256x128xf32>
    %get3A_28 = arith.constant 0 : index
    %get3A_29 = arith.constant 0 : index
    %get3A_30 = vector.load %arg4[%get3A_28, %get3A_29] : memref<1x128xf32, #tpu.memory_space<vmem>>, vector<1x128xf32>
    %add3A_31 = vector.broadcast %get3A_30 : vector<1x128xf32> to vector<256x128xf32>
    %add3A_32 = arith.addf %mul3A_27, %add3A_31 : vector<256x128xf32>
    %reduce_sum3A = arith.constant dense<0.000000e+00> : vector<256xf32>
    %reduce_sum3A_33 = vector.multi_reduction <add>, %add3A_32, %reduce_sum3A [1] : vector<256x128xf32> to vector<256xf32>
    %broadcast_in_dim3A = vector.shape_cast %reduce_sum3A_33 : vector<256xf32> to vector<256x1xf32>
    %div3A = arith.constant 1.280000e+02 : f32
    %div3A_34 = vector.broadcast %div3A : f32 to vector<256x1xf32>
    %div3A_35 = arith.divf %broadcast_in_dim3A, %div3A_34 : vector<256x1xf32>
    %sub3A = vector.broadcast %div3A_35 : vector<256x1xf32> to vector<256x128xf32>
    %sub3A_36 = arith.subf %add3A_32, %sub3A : vector<256x128xf32>
    %mul3A_37 = arith.mulf %sub3A_36, %sub3A_36 : vector<256x128xf32>
    %reduce_sum3A_38 = arith.constant dense<0.000000e+00> : vector<256xf32>
    %reduce_sum3A_39 = vector.multi_reduction <add>, %mul3A_37, %reduce_sum3A_38 [1] : vector<256x128xf32> to vector<256xf32>
    %broadcast_in_dim3A_40 = vector.shape_cast %reduce_sum3A_39 : vector<256xf32> to vector<256x1xf32>
    %div3A_41 = arith.constant 1.280000e+02 : f32
    %div3A_42 = vector.broadcast %div3A_41 : f32 to vector<256x1xf32>
    %div3A_43 = arith.divf %broadcast_in_dim3A_40, %div3A_42 : vector<256x1xf32>
    %add3A_44 = arith.constant 9.99999974E-6 : f32
    %add3A_45 = vector.broadcast %add3A_44 : f32 to vector<256x1xf32>
    %add3A_46 = arith.addf %div3A_43, %add3A_45 : vector<256x1xf32>
    %rsqrt3A_47 = math.rsqrt %add3A_46 : vector<256x1xf32>
    %mul3A_48 = vector.broadcast %rsqrt3A_47 : vector<256x1xf32> to vector<256x128xf32>
    %mul3A_49 = arith.mulf %sub3A_36, %mul3A_48 : vector<256x128xf32>
    %get3A_50 = arith.constant 0 : index
    %get3A_51 = arith.constant 0 : index
    %get3A_52 = vector.load %arg5[%get3A_50, %get3A_51] : memref<1x128xf32, #tpu.memory_space<vmem>>, vector<1x128xf32>
    %mul3A_53 = vector.broadcast %get3A_52 : vector<1x128xf32> to vector<256x128xf32>
    %mul3A_54 = arith.mulf %mul3A_49, %mul3A_53 : vector<256x128xf32>
    %get3A_55 = arith.constant 0 : index
    %get3A_56 = arith.constant 0 : index
    %get3A_57 = vector.load %arg6[%get3A_55, %get3A_56] : memref<1x128xf32, #tpu.memory_space<vmem>>, vector<1x128xf32>
    %add3A_58 = vector.broadcast %get3A_57 : vector<1x128xf32> to vector<256x128xf32>
    %add3A_59 = arith.addf %mul3A_54, %add3A_58 : vector<256x128xf32>
    %max3A = arith.constant 0.000000e+00 : f32
    %max3A_60 = vector.broadcast %max3A : f32 to vector<256x128xf32>
    %max3A_61 = arith.maximumf %add3A_59, %max3A_60 : vector<256x128xf32>
    %get3A_62 = arith.constant 0 : index
    %get3A_63 = arith.constant 0 : index
    %get3A_64 = vector.load %arg7[%get3A_62, %get3A_63] : memref<128x128xf32, #tpu.memory_space<vmem>>, vector<128x128xf32>
    %dot_general3A = arith.constant dense<0.000000e+00> : vector<256x128xf32>
    %dot_general3A_65 = tpu.matmul %max3A_61, %get3A_64, %dot_general3A {dimension_numbers = #tpu.dot_dimension_numbers<[1], [0], [0], [1], [0, 0, 1, 1], [], []>, precision = #tpu.contract_precision<fp32>, transpose_lhs_hint = false} : vector<256x128xf32>, vector<128x128xf32>, vector<256x128xf32> -> vector<256x128xf32>
    %mul3A_66 = vector.broadcast %rsqrt3A : vector<256x1xf32> to vector<256x128xf32>
    %mul3A_67 = arith.mulf %dot_general3A_65, %mul3A_66 : vector<256x128xf32>
    %swap3A = arith.constant 0 : index
    %swap3A_68 = arith.constant 0 : index
    %swap3A_69 = vector.load %arg8[%swap3A, %swap3A_68] : memref<256x128xf32, #tpu.memory_space<vmem>>, vector<256x128xf32>
    tpu.vector_store %arg8[%swap3A, %swap3A_68], %mul3A_67 {strides = array<i32>} : memref<256x128xf32, #tpu.memory_space<vmem>>, vector<256x128xf32>,
    return
  }
  func.func @transform_0(%arg0: i32) -> (i32, i32, i32) {
    %c0_i32 = arith.constant 0 : i32
    %c0_i32_0 = arith.constant 0 : i32
    %c0_i32_1 = arith.constant 0 : i32
    return %c0_i32, %arg0, %c0_i32_0 : i32, i32, i32
  }
  func.func @transform_1(%arg0: i32) -> (i32, i32) {
    %c0_i32 = arith.constant 0 : i32
    %c0_i32_0 = arith.constant 0 : i32
    return %arg0, %c0_i32 : i32, i32
  }
  func.func @transform_2(%arg0: i32) -> (i32, i32, i32) {
    %c0_i32 = arith.constant 0 : i32
    %c0_i32_0 = arith.constant 0 : i32
    %c0_i32_1 = arith.constant 0 : i32
    return %c0_i32, %arg0, %c0_i32_0 : i32, i32, i32
  }
  func.func @transform_3(%arg0: i32) -> (i32, i32) {
    %c0_i32 = arith.constant 0 : i32
    %c0_i32_0 = arith.constant 0 : i32
    %c0_i32_1 = arith.constant 0 : i32
    return %c0_i32, %c0_i32_0 : i32, i32
  }
  func.func @transform_4(%arg0: i32) -> (i32, i32) {
    %c0_i32 = arith.constant 0 : i32
    %c0_i32_0 = arith.constant 0 : i32
    %c0_i32_1 = arith.constant 0 : i32
    return %c0_i32, %c0_i32_0 : i32, i32
  }
  func.func @transform_5(%arg0: i32) -> (i32, i32) {
    %c0_i32 = arith.constant 0 : i32
    %c0_i32_0 = arith.constant 0 : i32
    %c0_i32_1 = arith.constant 0 : i32
    return %c0_i32, %c0_i32_0 : i32, i32
  }
  func.func @transform_6(%arg0: i32) -> (i32, i32) {
    %c0_i32 = arith.constant 0 : i32
    %c0_i32_0 = arith.constant 0 : i32
    %c0_i32_1 = arith.constant 0 : i32
    return %c0_i32, %c0_i32_0 : i32, i32
  }
  func.func @transform_7(%arg0: i32) -> (i32, i32) {
    %c0_i32 = arith.constant 0 : i32
    %c0_i32_0 = arith.constant 0 : i32
    return %arg0, %c0_i32 : i32, i32
  }
}

module attributes {stable_mosaic.version = 14 : i64} {
  func.func @_tc3_body(%arg0: i32, %arg1: memref<2x256x128xf32, #tpu.memory_space<vmem>>, %arg2: memref<256x128xf32, #tpu.memory_space<vmem>>, %arg3: memref<2x256x128xf32, #tpu.memory_space<vmem>>, %arg4: memref<1x128xf32, #tpu.memory_space<vmem>>, %arg5: memref<256x128xf32, #tpu.memory_space<vmem>>) attributes {dimension_semantics = [#tpu.dimension_semantics<arbitrary>], iteration_bounds = array<i64: 40>, scalar_prefetch = 0 : i64, scratch_operands = 0 : i64, tpu.core_type = #tpu.core_type<tc>, window_params = [{transform_indices = @transform_0, window_bounds = array<i64: 2, 256, 128>}, {transform_indices = @transform_1, window_bounds = array<i64: 256, 128>}, {transform_indices = @transform_2, window_bounds = array<i64: 2, 256, 128>}, {pipeline_mode = #tpu.pipeline_mode<synchronous>, transform_indices = @transform_3, window_bounds = array<i64: 1, 128>}, {transform_indices = @transform_4, window_bounds = array<i64: 256, 128>}]} {
    %get3A = arith.constant 0 : index
    %get3A_0 = arith.constant 0 : index
    %get3A_1 = arith.constant 0 : index
    %get3A_2 = vector.load %arg1[%get3A, %get3A_0, %get3A_1] : memref<2x256x128xf32, #tpu.memory_space<vmem>>, vector<1x256x1xf32>
    %get3A_3 = vector.shape_cast %get3A_2 : vector<1x256x1xf32> to vector<256x1xf32>
    %get3A_4 = arith.constant 1 : index
    %get3A_5 = arith.constant 0 : index
    %get3A_6 = arith.constant 0 : index
    %get3A_7 = vector.load %arg1[%get3A_4, %get3A_5, %get3A_6] : memref<2x256x128xf32, #tpu.memory_space<vmem>>, vector<1x256x1xf32>
    %get3A_8 = vector.shape_cast %get3A_7 : vector<1x256x1xf32> to vector<256x1xf32>
    %add3A = arith.addf %get3A_3, %get3A_8 : vector<256x1xf32>
    %add3A_9 = arith.constant 1.000000e+00 : f32
    %add3A_10 = vector.broadcast %add3A_9 : f32 to vector<256x1xf32>
    %add3A_11 = arith.addf %add3A, %add3A_10 : vector<256x1xf32>
    %rsqrt3A = math.rsqrt %add3A_11 : vector<256x1xf32>
    %get3A_12 = arith.constant 0 : index
    %get3A_13 = arith.constant 0 : index
    %get3A_14 = vector.load %arg2[%get3A_12, %get3A_13] : memref<256x128xf32, #tpu.memory_space<vmem>>, vector<256x128xf32>
    %get3A_15 = arith.constant 0 : index
    %get3A_16 = arith.constant 0 : index
    %get3A_17 = arith.constant 0 : index
    %get3A_18 = vector.load %arg3[%get3A_15, %get3A_16, %get3A_17] : memref<2x256x128xf32, #tpu.memory_space<vmem>>, vector<1x256x128xf32>
    %get3A_19 = vector.shape_cast %get3A_18 : vector<1x256x128xf32> to vector<256x128xf32>
    %add3A_20 = arith.addf %get3A_14, %get3A_19 : vector<256x128xf32>
    %get3A_21 = arith.constant 1 : index
    %get3A_22 = arith.constant 0 : index
    %get3A_23 = arith.constant 0 : index
    %get3A_24 = vector.load %arg3[%get3A_21, %get3A_22, %get3A_23] : memref<2x256x128xf32, #tpu.memory_space<vmem>>, vector<1x256x128xf32>
    %get3A_25 = vector.shape_cast %get3A_24 : vector<1x256x128xf32> to vector<256x128xf32>
    %add3A_26 = arith.addf %add3A_20, %get3A_25 : vector<256x128xf32>
    %mul3A = vector.broadcast %rsqrt3A : vector<256x1xf32> to vector<256x128xf32>
    %mul3A_27 = arith.mulf %add3A_26, %mul3A : vector<256x128xf32>
    %get3A_28 = arith.constant 0 : index
    %get3A_29 = arith.constant 0 : index
    %get3A_30 = vector.load %arg4[%get3A_28, %get3A_29] : memref<1x128xf32, #tpu.memory_space<vmem>>, vector<1x128xf32>
    %add3A_31 = vector.broadcast %get3A_30 : vector<1x128xf32> to vector<256x128xf32>
    %add3A_32 = arith.addf %mul3A_27, %add3A_31 : vector<256x128xf32>
    %swap3A = arith.constant 0 : index
    %swap3A_33 = arith.constant 0 : index
    %swap3A_34 = vector.load %arg5[%swap3A, %swap3A_33] : memref<256x128xf32, #tpu.memory_space<vmem>>, vector<256x128xf32>
    tpu.vector_store %arg5[%swap3A, %swap3A_33], %add3A_32 {strides = array<i32>} : memref<256x128xf32, #tpu.memory_space<vmem>>, vector<256x128xf32>,
    return
  }
  func.func @transform_0(%arg0: i32) -> (i32, i32, i32) {
    %c0_i32 = arith.constant 0 : i32
    %c0_i32_0 = arith.constant 0 : i32
    %c0_i32_1 = arith.constant 0 : i32
    return %c0_i32, %arg0, %c0_i32_0 : i32, i32, i32
  }
  func.func @transform_1(%arg0: i32) -> (i32, i32) {
    %c0_i32 = arith.constant 0 : i32
    %c0_i32_0 = arith.constant 0 : i32
    return %arg0, %c0_i32 : i32, i32
  }
  func.func @transform_2(%arg0: i32) -> (i32, i32, i32) {
    %c0_i32 = arith.constant 0 : i32
    %c0_i32_0 = arith.constant 0 : i32
    %c0_i32_1 = arith.constant 0 : i32
    return %c0_i32, %arg0, %c0_i32_0 : i32, i32, i32
  }
  func.func @transform_3(%arg0: i32) -> (i32, i32) {
    %c0_i32 = arith.constant 0 : i32
    %c0_i32_0 = arith.constant 0 : i32
    %c0_i32_1 = arith.constant 0 : i32
    return %c0_i32, %c0_i32_0 : i32, i32
  }
  func.func @transform_4(%arg0: i32) -> (i32, i32) {
    %c0_i32 = arith.constant 0 : i32
    %c0_i32_0 = arith.constant 0 : i32
    return %arg0, %c0_i32 : i32, i32
  }
}

</mosaic_0001>

<sc_bundles>
// kernel: kernel.12.cloned.1.call-start
scs
__scs_entry_jumppad:
0x0: {  	(pc) =	sbr.rel $0x88, $3  }
0x1: {  	(tag) =	ssettag $0x0;
	lr =	simm.s32 $0x1  }
0x2: {  	[smem:$0x3F99] =	sst lr;
	_ =	strace $0xD0000000  }
0x3: {  	_ = 	snop  }
0x4: {  	_ = 	snop  }
0x5: {  	_ = 	snop  }
0x6: {  	_ = 	snop  }
0x7: {  	_ = 	snop  }
__scs_overlays_trampoline_lowered:
0x8: {  	[smem:$0x3FA8] =	sst s0  }
0x9: {  	[smem:$0x3FA9] =	sst s1  }
0xa: {  	[smem:$0x3FAA] =	sst s2  }
0xb: {  	[smem:$0x3FAB] =	sst s3  }
0xc: {  	[smem:$0x3FAC] =	sst s4  }
0xd: {  	[smem:$0x3FAD] =	sst s5  }
0xe: {  	[smem:$0x3FAE] =	sst s6  }
0xf: {  	[smem:$0x3FAF] =	sst s7  }
0x10: {  	[smem:$0x3FB0] =	sst s8  }
0x11: {  	[smem:$0x3FB1] =	sst s9;
	s0 =	simm.s32 @!p0 $0x0  }
0x12: {  	s1 =	sld [smem:$0x3F97];
	s0 =	simm.s32 @p0 $0x1  }
0x13: {  	[smem:$0x3FB2] =	sst s0;
	s0 =	simm.s32 @!p1 $0x0  }
0x14: {  	s2 =	sld [smem:$0x3F96];
	s0 =	simm.s32 @p1 $0x1  }
0x15: {  	[smem:$0x3FB3] =	sst s0;
	s0 =	simm.s32 @!p2 $0x0  }
0x16: {  	s3 =	sld [smem:$0x3FDB];
	s0 =	simm.s32 @p2 $0x1  }
0x17: {  	s4 =	simm.s32 $0x1BF5;
	[smem:$0x3FB5] =	sst s0  }
0x18: {  	s0 =	sld [smem:$0x3F98];
	_ =	swait.ge [sflag:s4], $0x0  }
0x19: {  	s7 =	sld [smem:$0x3F99]  }
0x1a: {  	s8 =	sadd.s32 $0xFFFFE003, lr  }
0x1b: {  	s9 =	sadd.s32 $0xFFFFFEF7, lr;
	s5 =	simm.s32 $0xFFFFFFFF;
	p2 =	slt.u32 s8, $0xFFFFF086  }
0x1c: {  	p1 =	slt.u32 s9, $0xF7A;
	s5 =	simm.s32 @!p2 $0x0  }
0x1d: {  	s5 =	simm.s32 @p1 $0x1;
	p0 =	seq.s32 s7, s2  }
0x1e: {  	s7 =	smul.u32 @!p0 $0xF7A, s2;
	p2 =	seq.s32 @!p0 s5, $0x0  }
0x1f: {  	s9 =	smul.u32 $0xF7A, s1;
	s8 =	simm.s32 @!p0 $0x1BF5;
	p2 =	por !p2, p0  }
0x20: {  	[sflag:s8] =	ssyncset.s32 @!p0 $0xFFFFF086;
	s6 =	sadd.s32 @!p0 s3, s7;
	s7 =	simm.s32 @!p0 $0x108  }
0x21: {  	s3 =	sadd.s32 s3, s9;
	s6 =	sadd.s32 @!p0 $0x88, s6;
	s7 =	simm.s32 @p2 $0x1082  }
0x22: {  	[simem:s7], [sflag:s8] =	dma.local @!p0 [hbm:s6], $0xF7A  }
0x23: {  	s9 =	sor.u32 $0xD0000000, s2;
	s6 =	simm.s32 $0x108;
	_ =	swait.ge @!p0 [sflag:s8], $0x0  }
0x24: {  	s3 =	sadd.s32 $0x88, s3;
	s6 =	simm.s32 @!p1 $0x1082;
	[sflag:s4] =	ssyncset.s32 $0xFFFFF086  }
0x25: {  	[simem:s6], [sflag:s4] =	dma.local [hbm:s3], $0xF7A  }
0x26: {  	[smem:$0x3F99] =	sst s1;
	(tag) =	ssettag s2;
	_ =	strace s9  }
0x27: {  	s1 =	sld [smem:$0x3FA9]  }
0x28: {  	s2 =	sld [smem:$0x3FAA]  }
0x29: {  	s4 =	sld [smem:$0x3FAC]  }
0x2a: {  	p0 =	seq.s32 s5, $0x0;
	s5 =	sld [smem:$0x3FAD]  }
0x2b: {  	s6 =	sld [smem:$0x3FAE]  }
0x2c: {  	s7 =	sld [smem:$0x3FAF]  }
0x2d: {  	s3 =	simm.s32 $0x108;
	s8 =	sld [smem:$0x3FB0]  }
0x2e: {  	s3 =	simm.s32 @!p0 $0x1082;
	s9 =	sld [smem:$0x3FB1]  }
0x2f: {  	lr =	sadd.s32 s0, s3;
	s0 =	sld [smem:$0x3FA8]  }
0x30: {  	s3 =	sld [smem:$0x3FAB]  }
0x31: {  	[smem:$0x3FB4] =	sst s10  }
0x32: {  	s10 =	sld [smem:$0x3FB2];
	_ =	sdelay $0x3  }
0x33: {  	p0 =	seq.s32 s10, $0x1;
	s10 =	sld [smem:$0x3FB4];
	_ =	sdelay $0x3  }
0x34: {  	[smem:$0x3FB4] =	sst s10  }
0x35: {  	s10 =	sld [smem:$0x3FB3];
	_ =	sdelay $0x3  }
0x36: {  	p1 =	seq.s32 s10, $0x1;
	s10 =	sld [smem:$0x3FB4];
	_ =	sdelay $0x3  }
0x37: {  	[smem:$0x3FB4] =	sst s10  }
0x38: {  	s10 =	sld [smem:$0x3FB5]  }
0x39: {  	_ = 	snop;
	(pc) =	sbr.ind lr, $3  }
0x3a: {  	_ = 	snop  }
0x3b: {  	_ = 	snop  }
0x3c: {  	p2 =	seq.s32 s10, $0x1;
	s10 =	sld [smem:$0x3FB4]  }
0x3d: {  	_ =	shalt  }
0x3e: {  	_ =	shalt  }
0x3f: {  	_ =	shalt  }
0x40: {  	_ =	shalt  }
0x41: {  	_ =	shalt  }
0x42: {  	_ =	shalt  }
0x43: {  	_ =	shalt  }
0x44: {  	_ =	shalt  }
0x45: {  	_ =	shalt  }
0x46: {  	_ =	shalt  }
0x47: {  	_ =	shalt  }
0x48: {  	_ =	shalt  }
0x49: {  	_ =	shalt  }
0x4a: {  	_ =	shalt  }
0x4b: {  	_ =	shalt  }
0x4c: {  	_ =	shalt  }
0x4d: {  	_ =	shalt  }
0x4e: {  	_ =	shalt  }
0x4f: {  	_ =	shalt  }
0x50: {  	_ =	shalt  }
0x51: {  	_ =	shalt  }
0x52: {  	_ =	shalt  }
0x53: {  	_ =	shalt  }
0x54: {  	_ =	shalt  }
0x55: {  	_ =	shalt  }
0x56: {  	_ =	shalt  }
0x57: {  	_ =	shalt  }
0x58: {  	_ =	shalt  }
0x59: {  	_ =	shalt  }
0x5a: {  	_ =	shalt  }
0x5b: {  	_ =	shalt  }
0x5c: {  	_ =	shalt  }
0x5d: {  	_ =	shalt  }
0x5e: {  	_ =	shalt  }
0x5f: {  	_ =	shalt  }
0x60: {  	_ =	shalt  }
0x61: {  	_ =	shalt  }
0x62: {  	_ =	shalt  }
0x63: {  	_ =	shalt  }
0x64: {  	_ =	shalt  }
0x65: {  	_ =	shalt  }
0x66: {  	_ =	shalt  }
0x67: {  	_ =	shalt  }
0x68: {  	_ =	shalt  }
0x69: {  	_ =	shalt  }
0x6a: {  	_ =	shalt  }
0x6b: {  	_ =	shalt  }
0x6c: {  	_ =	shalt  }
0x6d: {  	_ =	shalt  }
0x6e: {  	_ =	shalt  }
0x6f: {  	_ =	shalt  }
0x70: {  	_ =	shalt  }
0x71: {  	_ =	shalt  }
0x72: {  	_ =	shalt  }
0x73: {  	_ =	shalt  }
0x74: {  	_ =	shalt  }
0x75: {  	_ =	shalt  }
0x76: {  	_ =	shalt  }
0x77: {  	_ =	shalt  }
0x78: {  	_ =	shalt  }
0x79: {  	_ =	shalt  }
0x7a: {  	_ =	shalt  }
0x7b: {  	_ =	shalt  }
0x7c: {  	_ =	shalt  }
0x7d: {  	_ =	shalt  }
0x7e: {  	_ =	shalt  }
0x7f: {  	_ =	shalt  }
0x80: {  	_ =	shalt  }
0x81: {  	_ =	shalt  }
0x82: {  	_ =	shalt  }
0x83: {  	_ =	shalt  }
0x84: {  	_ =	shalt  }
0x85: {  	_ =	shalt  }
0x86: {  	_ =	shalt  }
0x87: {  	_ =	shalt  }
.Lfunc_end0:
.L_simem_size_0:
called_computation.1_lowered:
.L_overlay_start_0:
0x88: {  	s2 =	sld [smem:$0x3FD9]  }
0x89: {  	s3 =	sld [smem:$0x3FFE];
	_ =	sdelay $0x1  }
0x8a: {  	s1 =	srdreg.scid  }
0x8b: {  	s0 =	sand.u32 $0x1, s1  }
0x8c: {  	s17 =	sshll.u32 s0, $0xA;
	s2 =	sadd.s32 s3, s2  }
0x8d: {  	s2 =	sadd.s32 s2, s17  }
0x8e: {  	[smem:$0x3FC0] =	sst s2  }
0x8f: {  	_ = 	snop  }
0x90: {  	s2 =	sld [smem:$0x3FD0];
	(tm) =	ssettm $0x1  }
0x91: {  	s18 =	sld [smem:$0x3FFB];
	_ =	sdelay $0x3  }
0x92: {  	_ =	strace s18  }
0x93: {  	s3 =	sld [smem:$0x3FFC];
	_ =	sdelay $0x3  }
0x94: {  	_ =	strace s3  }
0x95: {  	s3 =	sld [smem:$0x3FFD];
	_ =	sdelay $0x3  }
0x96: {  	_ =	strace s3  }
0x97: {  	_ =	strace $0x8FFFFFFF  }
0x98: {  	s19 =	sld [smem:$0x3FDB];
	_ =	sdelay $0x1  }
0x99: {  	s4 =	simm.s32 $_scs_section_size  }
0x9a: {  	s5 =	simm.s32 $_size__tile_overlayer_lowered;
	s6 =	simm.s32 $_tile_overlayer_lowered  }
0x9b: {  	s22 =	simm.s32 $0x1BFF;
	s21 =	sshll.u32 s6, $0x1;
	s3 =	sadd.s32 s4, s19  }
0x9c: {  	s7 =	simm.s32 $0x0;
	s20 =	sshll.u32 s5, $0x1;
	s5 =	sadd.s32 s21, s3  }
0x9d: {  	[timem:s7], [sflag:s22] =	dma.local [hbm:s5], s20  }
0x9e: {  	_ =	swait.ge [sflag:s22], s20  }
0x9f: {  	s4 =	ssub.s32 $0x0, s20;
	[sflag:s22] =	ssyncset.done $0x0  }
0xa0: {  	[sflag:s22] =	ssyncadd.s32 s4;
	_ =	sdelay $0x1  }
0xa1: {  	s23 =	simm.s32 $0x1B8B  }
0xa2: {  	_ =	swait.ge [sflag:s23], $0x1  }
0xa3: {  	[sflag:s23] =	ssyncset.done $0x0  }
0xa4: {  	s25 =	simm.s32 $0x1B8E;
	s24 =	sld [smem:$0x3FFE];
	[sflag:s23] =	ssyncadd.s32 $0xFFFFFFFF  }
0xa5: {  	s26 =	simm.s32 $execute0_lowered;
	[smem:$0x3FD2] =	sst s25  }
0xa6: {  	s5 =	sshll.u32 s26, $0x1;
	_ =	strace $0x80000049;
	[dreg:$0x1] =	wrdreg $0xFFFFFFFF  }
0xa7: {  	s28 =	simm.s32 $_size_execute0_lowered;
	s3 =	sadd.s32 s3, s5;
	[dreg:$0x0] =	wrdreg $0x0  }
0xa8: {  	s5 =	sshll.u32 s28, $0x1;
	[dreg:$0x2] =	wrdreg s3  }
0xa9: {  	[dreg:$0x3] =	wrdreg s5  }
0xaa: {  	[dreg:$0x4] =	wrdreg $0xC0  }
0xab: {  	_ =	task [dreg:s7], $0x5FFFF  }
0xac: {  	[dreg:$0x1] =	wrdreg $0xFFFFFFFF  }
0xad: {  	[dreg:$0x0] =	wrdreg $0x60  }
0xae: {  	[dreg:$0x2] =	wrdreg s2  }
0xaf: {  	[dreg:$0x3] =	wrdreg s24  }
0xb0: {  	[dreg:$0x4] =	wrdreg $0x81000  }
0xb1: {  	[dreg:$0x5] =	wrdreg $0x9  }
0xb2: {  	_ =	task.clear_ibuf [dreg:s7], $0x6FFFF;
	_ =	strace $0x90000049  }
0xb3: {  	s29 =	simm.s32 $0x9;
	_ =	strace $0x8000004B  }
0xb4: {  	_ =	swait.ge [sflag:s29], $0x1  }
0xb5: {  	[sflag:s29] =	ssyncadd.s32 $0xFFFFFFFF  }
0xb6: {  	_ =	strace $0x9000004B  }
0xb7: {  	_ =	sfence  }
0xb8: {  	s30 =	sld [smem:$0x0];
	_ =	sdelay $0x2  }
0xb9: {  	s31 =	sshll.u32 s1, $0xD;
	s1 =	sshrl.u32 s1, $0x2  }
0xba: {  	s3 =	sand.u32 $0x4000, s31;
	s1 =	sadd.s32 s1, s30  }
0xbb: {  	s0 =	sor.u32 s3, s0;
	s1 =	sshll.u32 s1, $0x11  }
0xbc: {  	s0 =	sor.u32 s1, s0  }
0xbd: {  	s0 =	sadd.s32 $0x8F2B, s0  }
0xbe: {  	[sflag:s0] =	ssyncadd.remote.s32 $0x1  }
0xbf: {  	_ =	sfence.sel $0xFFFF  }
0xc0: {  	[dreg:$0x0] =	wrdreg $0xFFFFFFFF;
	(pc) =	sbr.abs _section_cstart, $3  }
0xc1: {  	[dreg:$0x1] =	wrdreg $0xFFFFFFFF  }
0xc2: {  	_ =	task.clear_ibuf [dreg:s7], $0x2FFFF;
	_ =	strace $0x9FFFFFFF  }
0xc3: {  	(tm) =	ssettm $0x7FFFFFFF  }
tec
execute0_lowered:
.L_overlay_start_1:
0x0: {  	(tag) =	ssettag $0x1  }
0x1: {  	s0 =	stileid.u32  }
0x2: {  	s4 =	smul.u32 $0x280, s0;
	_ =	sdelay $0x1  }
0x3: {  	s1 =	sadd.s32 $0x200, s4  }
0x4: {  	v39 =	vlaneseq.u32;
	v6 =	vmov s4;
	v34 =	vmov s1  }
0x5: {  	s26 =	sadd.s32 $0x80, s4;
	s28 =	sadd.s32 $0x100, s4;
	v0 =	vor.u32 $0x10, v6;
	v1 =	vor.u32 $0x30, v6;
	v4 =	vor.u32 $0x40, v6  }
0x6: {  	s29 =	sadd.s32 $0x180, s4;
	v8 =	vor.u32 $0x60, v6;
	v12 =	vmov s26;
	v22 =	vmov s28  }
0x7: {  	v28 =	vmov s29;
	v2 =	vbroadcast v0, $0x0;
	v0 =	vor.u32 $0x20, v6  }
0x8: {  	v5 =	vbroadcast v1, $0x0;
	v7 =	vbroadcast v4, $0x0;
	v1 =	vor.u32 s4, v39  }
0x9: {  	v8 =	vbroadcast v8, $0x0;
	v9 =	vor.u32 $0x10, v12;
	v14 =	vor.u32 $0x40, v12  }
0xa: {  	v15 =	vor.u32 $0x50, v12;
	v16 =	vor.u32 $0x60, v12;
	v17 =	vor.u32 $0x70, v12  }
0xb: {  	v19 =	vor.u32 $0x30, v22;
	v24 =	vor.u32 $0x50, v22;
	v26 =	vor.u32 $0x10, v28  }
0xc: {  	v27 =	vor.u32 $0x20, v28;
	v29 =	vor.u32 $0x30, v28;
	v30 =	vor.u32 $0x40, v28  }
0xd: {  	v31 =	vor.u32 $0x50, v28;
	v32 =	vor.u32 $0x60, v28;
	v33 =	vor.u32 $0x70, v28  }
0xe: {  	v35 =	vor.u32 $0x10, v34;
	v3 =	vbroadcast v0, $0x0;
	v11 =	vbroadcast v9, $0x0  }
0xf: {  	v63 =	vor.u32 $0x20, v34;
	v14 =	vbroadcast v14, $0x0;
	v15 =	vbroadcast v15, $0x0  }
0x10: {  	v36 =	vor.u32 $0x30, v34;
	v16 =	vbroadcast v16, $0x0;
	v17 =	vbroadcast v17, $0x0  }
0x11: {  	v37 =	vor.u32 $0x40, v34;
	v21 =	vbroadcast v19, $0x0;
	v26 =	vbroadcast v26, $0x0  }
0x12: {  	v38 =	vor.u32 $0x50, v34;
	v27 =	vbroadcast v27, $0x0;
	v29 =	vbroadcast v29, $0x0  }
0x13: {  	v40 =	vor.u32 $0x60, v34;
	v30 =	vbroadcast v30, $0x0;
	v31 =	vbroadcast v31, $0x0  }
0x14: {  	v41 =	vor.u32 $0x70, v34;
	v32 =	vbroadcast v32, $0x0;
	v33 =	vbroadcast v33, $0x0  }
0x15: {  	v0 =	vor.u32 s1, v39;
	v35 =	vbroadcast v35, $0x0;
	v36 =	vbroadcast v36, $0x0  }
0x16: {  	v9 =	vor.u32 $0x20, v12;
	v37 =	vbroadcast v37, $0x0;
	v38 =	vbroadcast v38, $0x0  }
0x17: {  	v19 =	vor.u32 $0x40, v22;
	v40 =	vbroadcast v40, $0x0;
	v41 =	vbroadcast v41, $0x0  }
0x18: {  	v2 =	vor.u32 v39, v2;
	v4 =	vor.u32 v39, v5;
	v5 =	vor.u32 v39, v7  }
0x19: {  	v7 =	vor.u32 $0x50, v6;
	v6 =	vor.u32 $0x70, v6;
	v13 =	vbroadcast v9, $0x0  }
0x1a: {  	v9 =	vor.u32 s26, v39;
	v7 =	vbroadcast v7, $0x0;
	v10 =	vbroadcast v6, $0x0  }
0x1b: {  	v23 =	vbroadcast v19, $0x0;
	v3 =	vor.u32 v39, v3;
	v28 =	vor.u32 v39, v29  }
0x1c: {  	v6 =	vor.u32 v39, v7;
	v7 =	vor.u32 v39, v8;
	v8 =	vor.u32 v39, v10  }
0x1d: {  	v10 =	vor.u32 v39, v11;
	v11 =	vor.u32 v39, v13;
	v13 =	vor.u32 $0x30, v12  }
0x1e: {  	v29 =	vor.u32 v39, v30;
	v30 =	vor.u32 v39, v31;
	v13 =	vbroadcast v13, $0x0  }
0x1f: {  	s8 =	rddreg [dreg:$0x0];
	v31 =	vor.u32 v39, v32;
	v32 =	vor.u32 v39, v33;
	v33 =	vor.u32 v39, v35  }
0x20: {  	s5 =	rddreg [dreg:$0x1];
	v12 =	vor.u32 v39, v13;
	v13 =	vor.u32 v39, v14;
	v14 =	vor.u32 v39, v15  }
0x21: {  	s30 =	srdreg.scid;
	s2 =	rddreg [dreg:$0x2];
	s3 =	simm.s32 $0x0;
	v15 =	vor.u32 v39, v16;
	v16 =	vor.u32 v39, v17;
	v17 =	vor.u32 $0x10, v22  }
0x22: {  	s13 =	simm.s32 $0x1;
	s14 =	simm.s32 $0x2;
	s6 =	sand.u32 $0x1, s30;
	v35 =	vbroadcast v63, $0x0;
	v18 =	vbroadcast v17, $0x0;
	v17 =	vor.u32 $0x20, v22  }
0x23: {  	s15 =	simm.s32 $0x100;
	s16 =	simm.s32 $0x0;
	s7 =	smul.u32 $0x2800, s6;
	v26 =	vor.u32 v39, v26;
	v27 =	vor.u32 v39, v27;
	v20 =	vbroadcast v17, $0x0  }
0x24: {  	[smem:$0x7FF] =	sst s3;
	s11 =	sshll.u32 s0, $0x5;
	s31 =	ssub.s32 $0x2, s6;
	v34 =	vor.u32 v39, v35;
	v35 =	vor.u32 v39, v36;
	v36 =	vor.u32 v39, v37  }
0x25: {  	s12 =	sshll.u32 s6, $0x4;
	s9 =	sshrl.u32 s31, $0x1;
	s4 =	sadd.s32 s4, s7;
	v37 =	vor.u32 v39, v38;
	v19 =	vor.u32 v39, v20;
	v20 =	vor.u32 v39, v21  }
0x26: {  	s11 =	sadd.s32 s11, s8;
	s9 =	ssub.s32 s31, s9;
	s4 =	sshll.u32 s4, $0x4;
	v21 =	vor.u32 v39, v23;
	v23 =	vbroadcast v24, $0x0;
	v24 =	vor.u32 $0x60, v22  }
0x27: {  	s9 =	smax.u32 s9, $0x1;
	s1 =	rddreg [dreg:$0x3];
	s10 =	sadd.s32 s4, s5;
	v38 =	vor.u32 v39, v40;
	v22 =	vor.u32 $0x70, v22;
	v24 =	vbroadcast v24, $0x0  }
0x28: {  	_ =	strace $0x8000004A;
	s4 =	sadd.s32 $0x2600, s10;
	s5 =	sadd.s32 $0x2E00, s10;
	v40 =	vimm.f32 $1.000000000e+00;
	v17 =	vor.u32 s28, v39;
	v25 =	vbroadcast v22, $0x0  }
0x29: {  	s6 =	sadd.s32 $0x3600, s10;
	s7 =	sadd.s32 $0x3E00, s10;
	s8 =	sadd.s32 $0x4600, s10;
	v18 =	vor.u32 v39, v18;
	v22 =	vor.u32 v39, v23;
	v23 =	vor.u32 v39, v24  }
0x2a: {  	s10 =	sadd.s32 s12, s11;
	s11 =	simm.s32 $0x80;
	s12 =	simm.s32 $0x4100;
	v24 =	vor.u32 v39, v25;
	v25 =	vor.u32 s29, v39;
	v39 =	vor.u32 v39, v41  }
.LBB2_1:
0x2b: {  	s17 =	sand.u32 $0xFE00, s3  }
0x2c: {  	s18 =	sand.u32 $0x70, s3;
	s19 =	sshrl.u32 s17, $0x2  }
0x2d: {  	s17 =	simm.s32 $0x40;
	s19 =	sor.u32 s18, s19;
	s18 =	simm.s32 $0x0  }
.LBB2_2:
0x2e: {  	p0 =	sne.s32 s17, $0xFFC0  }
0x2f: {  	[tilespmem:s19+$0x100] =	vst v40;
	s18 =	sadd.s32 $0x10, s18;
	s19 =	smov.u32 s17;
	s17 =	sadd.s32 $0x40, s17  }
.Ltmp0:
0x30: {  	(pc) =	sbr.rel @p0 .LBB2_2-.Ltmp0, $4  }
0x31: {  	_ = 	snop  }
0x32: {  	s19 =	sand.u32 $0xFE00, s19  }
0x33: {  	s20 =	sand.u32 $0x70, s18;
	s19 =	sshrl.u32 s19, $0x2  }
0x34: {  	s19 =	sor.u32 s20, s19  }
0x35: {  	[tilespmem:s19+$0x100] =	vst v40  }
0x36: {  	[tilespmem:$0x80] =	vst v1  }
0x37: {  	[tilespmem:$0x90] =	vst v2  }
0x38: {  	[tilespmem:$0xA0] =	vst v3  }
0x39: {  	[tilespmem:$0xB0] =	vst v4  }
0x3a: {  	[tilespmem:$0xC0] =	vst v5  }
0x3b: {  	[tilespmem:$0xD0] =	vst v6  }
0x3c: {  	[tilespmem:$0xE0] =	vst v7  }
0x3d: {  	s17 =	simm.s32 $0x0;
	[tilespmem:$0xF0] =	vst v8  }
0x3e: {  	[tilespmem:s12], [sflag:$0x1] =	stream.indirect.gather [spmem:s2], $0x80, s11, s11, $0xb8;
	[tilespmem:$0x1C100] =	vst v63  }
0x3f: {  	s18 =	sand.u32 $0xFE00, s17;
	_ =	swait.ge [sflag:s13], $0x4000  }
0x40: {  	s17 =	sand.u32 $0x70, s17;
	s18 =	sshrl.u32 s18, $0x2;
	[sflag:s13] =	ssyncset.done $0x0  }
0x41: {  	s17 =	sor.u32 s17, s18;
	[sflag:s13] =	ssyncadd.s32 $0xFFFFC000  }
0x42: {  	v41 =	vld [tilespmem:s17+$0x4100];
	_ =	sdelay $0x3  }
0x43: {  	s31 =	simm.s32 $0x40  }
0x44: {  	s19 =	simm.s32 $0x10;
	s20 =	sand.u32 $0xFE00, s31;
	s18 =	simm.s32 $0x80;
	v41 =	vsub.f32 $0.0e+00, v41  }
.LBB2_4:
0x45: {  	p0 =	sne.s32 s18, $0xFFC0;
	s21 =	sand.u32 $0x70, s19;
	s20 =	sshrl.u32 s20, $0x2  }
0x46: {  	[tilespmem:s17+$0x4100] =	vst v41;
	s17 =	sor.u32 s21, s20  }
0x47: {  	v41 =	vld [tilespmem:s17+$0x4100]  }
.Ltmp1:
0x48: {  	(pc) =	sbr.rel @p0 .LBB2_4-.Ltmp1, $2  }
0x49: {  	_ =	sdelay $0x2  }
0x4a: {  	s19 =	sadd.s32 $0x10, s19;
	s20 =	sand.u32 $0xFE00, s18;
	s18 =	sadd.s32 $0x40, s18;
	v41 =	vsub.f32 $0.0e+00, v41  }
0x4b: {  	s18 =	sand.u32 $0x70, s19;
	s28 =	sshrl.u32 s20, $0x2  }
0x4c: {  	s18 =	sor.u32 s18, s28;
	[tilespmem:s17+$0x4100] =	vst v41  }
0x4d: {  	v41 =	vld [tilespmem:s18+$0x4100];
	_ =	sdelay $0x4  }
0x4e: {  	v41 =	vsub.f32 $0.0e+00, v41;
	_ =	sdelay $0x1  }
0x4f: {  	[tilespmem:s18+$0x4100] =	vst v41  }
0x50: {  	[spmem:s2] =	stream.indirect.scatter.add.f32 [tilespmem:s12], [sflag:$0x2], $0x80, s11, s11, $0xb8;
	[tilespmem:$0x1C100] =	vst v63  }
0x51: {  	_ =	swait.ge [sflag:s14], $0x4000  }
0x52: {  	[sflag:s14] =	ssyncset.done $0x0  }
0x53: {  	[sflag:s14] =	ssyncadd.s32 $0xFFFFC000  }
0x54: {  	[tilespmem:$0x80] =	vst v9  }
0x55: {  	[tilespmem:$0x90] =	vst v10  }
0x56: {  	[tilespmem:$0xA0] =	vst v11  }
0x57: {  	[tilespmem:$0xB0] =	vst v12  }
0x58: {  	[tilespmem:$0xC0] =	vst v13  }
0x59: {  	[tilespmem:$0xD0] =	vst v14  }
0x5a: {  	[tilespmem:$0xE0] =	vst v15  }
0x5b: {  	s29 =	simm.s32 $0x0;
	[tilespmem:$0xF0] =	vst v16  }
0x5c: {  	[tilespmem:s12], [sflag:$0x1] =	stream.indirect.gather [spmem:s2], $0x80, s11, s11, $0xb8;
	[tilespmem:$0x1C100] =	vst v63  }
0x5d: {  	s30 =	sand.u32 $0xFE00, s29;
	_ =	swait.ge [sflag:s13], $0x4000  }
0x5e: {  	s17 =	sand.u32 $0x70, s29;
	s18 =	sshrl.u32 s30, $0x2;
	[sflag:s13] =	ssyncset.done $0x0  }
0x5f: {  	s17 =	sor.u32 s17, s18;
	[sflag:s13] =	ssyncadd.s32 $0xFFFFC000  }
0x60: {  	v63 =	vld [tilespmem:s17+$0x4100];
	_ =	sdelay $0x3  }
0x61: {  	s31 =	simm.s32 $0x40  }
0x62: {  	s19 =	simm.s32 $0x10;
	s20 =	sand.u32 $0xFE00, s31;
	s18 =	simm.s32 $0x80;
	v41 =	vsub.f32 $0.0e+00, v63  }
.LBB2_6:
0x63: {  	p0 =	sne.s32 s18, $0xFFC0;
	s21 =	sand.u32 $0x70, s19;
	s20 =	sshrl.u32 s20, $0x2  }
0x64: {  	[tilespmem:s17+$0x4100] =	vst v41;
	s17 =	sor.u32 s21, s20  }
0x65: {  	v41 =	vld [tilespmem:s17+$0x4100]  }
.Ltmp2:
0x66: {  	(pc) =	sbr.rel @p0 .LBB2_6-.Ltmp2, $2  }
0x67: {  	_ =	sdelay $0x2  }
0x68: {  	s19 =	sadd.s32 $0x10, s19;
	s20 =	sand.u32 $0xFE00, s18;
	s18 =	sadd.s32 $0x40, s18;
	v41 =	vsub.f32 $0.0e+00, v41  }
0x69: {  	s18 =	sand.u32 $0x70, s19;
	s28 =	sshrl.u32 s20, $0x2  }
0x6a: {  	s18 =	sor.u32 s18, s28;
	[tilespmem:s17+$0x4100] =	vst v41  }
0x6b: {  	v41 =	vld [tilespmem:s18+$0x4100];
	_ =	sdelay $0x4  }
0x6c: {  	v41 =	vsub.f32 $0.0e+00, v41;
	_ =	sdelay $0x1  }
0x6d: {  	[tilespmem:s18+$0x4100] =	vst v41  }
0x6e: {  	[spmem:s2] =	stream.indirect.scatter.add.f32 [tilespmem:s12], [sflag:$0x2], $0x80, s11, s11, $0xb8;
	[tilespmem:$0x1C100] =	vst v63  }
0x6f: {  	_ =	swait.ge [sflag:s14], $0x4000  }
0x70: {  	[sflag:s14] =	ssyncset.done $0x0  }
0x71: {  	[sflag:s14] =	ssyncadd.s32 $0xFFFFC000  }
0x72: {  	[tilespmem:$0x80] =	vst v17  }
0x73: {  	[tilespmem:$0x90] =	vst v18  }
0x74: {  	[tilespmem:$0xA0] =	vst v19  }
0x75: {  	[tilespmem:$0xB0] =	vst v20  }
0x76: {  	[tilespmem:$0xC0] =	vst v21  }
0x77: {  	[tilespmem:$0xD0] =	vst v22  }
0x78: {  	[tilespmem:$0xE0] =	vst v23  }
0x79: {  	s29 =	simm.s32 $0x0;
	[tilespmem:$0xF0] =	vst v24  }
0x7a: {  	[tilespmem:s12], [sflag:$0x1] =	stream.indirect.gather [spmem:s2], $0x80, s11, s11, $0xb8;
	[tilespmem:$0x1C100] =	vst v63  }
0x7b: {  	s30 =	sand.u32 $0xFE00, s29;
	_ =	swait.ge [sflag:s13], $0x4000  }
0x7c: {  	s17 =	sand.u32 $0x70, s29;
	s18 =	sshrl.u32 s30, $0x2;
	[sflag:s13] =	ssyncset.done $0x0  }
0x7d: {  	s17 =	sor.u32 s17, s18;
	[sflag:s13] =	ssyncadd.s32 $0xFFFFC000  }
0x7e: {  	v63 =	vld [tilespmem:s17+$0x4100];
	_ =	sdelay $0x3  }
0x7f: {  	s31 =	simm.s32 $0x40  }
0x80: {  	s19 =	simm.s32 $0x10;
	s20 =	sand.u32 $0xFE00, s31;
	s18 =	simm.s32 $0x80;
	v41 =	vsub.f32 $0.0e+00, v63  }
.LBB2_8:
0x81: {  	p0 =	sne.s32 s18, $0xFFC0;
	s21 =	sand.u32 $0x70, s19;
	s20 =	sshrl.u32 s20, $0x2  }
0x82: {  	[tilespmem:s17+$0x4100] =	vst v41;
	s17 =	sor.u32 s21, s20  }
0x83: {  	v41 =	vld [tilespmem:s17+$0x4100]  }
.Ltmp3:
0x84: {  	(pc) =	sbr.rel @p0 .LBB2_8-.Ltmp3, $2  }
0x85: {  	_ =	sdelay $0x2  }
0x86: {  	s19 =	sadd.s32 $0x10, s19;
	s20 =	sand.u32 $0xFE00, s18;
	s18 =	sadd.s32 $0x40, s18;
	v41 =	vsub.f32 $0.0e+00, v41  }
0x87: {  	s18 =	sand.u32 $0x70, s19;
	s28 =	sshrl.u32 s20, $0x2  }
0x88: {  	s18 =	sor.u32 s18, s28;
	[tilespmem:s17+$0x4100] =	vst v41  }
0x89: {  	v41 =	vld [tilespmem:s18+$0x4100];
	_ =	sdelay $0x4  }
0x8a: {  	v41 =	vsub.f32 $0.0e+00, v41;
	_ =	sdelay $0x1  }
0x8b: {  	[tilespmem:s18+$0x4100] =	vst v41  }
0x8c: {  	[spmem:s2] =	stream.indirect.scatter.add.f32 [tilespmem:s12], [sflag:$0x2], $0x80, s11, s11, $0xb8;
	[tilespmem:$0x1C100] =	vst v63  }
0x8d: {  	_ =	swait.ge [sflag:s14], $0x4000  }
0x8e: {  	[sflag:s14] =	ssyncset.done $0x0  }
0x8f: {  	[sflag:s14] =	ssyncadd.s32 $0xFFFFC000  }
0x90: {  	[tilespmem:$0x80] =	vst v25  }
0x91: {  	[tilespmem:$0x90] =	vst v26  }
0x92: {  	[tilespmem:$0xA0] =	vst v27  }
0x93: {  	[tilespmem:$0xB0] =	vst v28  }
0x94: {  	[tilespmem:$0xC0] =	vst v29  }
0x95: {  	[tilespmem:$0xD0] =	vst v30  }
0x96: {  	[tilespmem:$0xE0] =	vst v31  }
0x97: {  	s29 =	simm.s32 $0x0;
	[tilespmem:$0xF0] =	vst v32  }
0x98: {  	[tilespmem:s12], [sflag:$0x1] =	stream.indirect.gather [spmem:s2], $0x80, s11, s11, $0xb8;
	[tilespmem:$0x1C100] =	vst v63  }
0x99: {  	s30 =	sand.u32 $0xFE00, s29;
	_ =	swait.ge [sflag:s13], $0x4000  }
0x9a: {  	s17 =	sand.u32 $0x70, s29;
	s18 =	sshrl.u32 s30, $0x2;
	[sflag:s13] =	ssyncset.done $0x0  }
0x9b: {  	s17 =	sor.u32 s17, s18;
	[sflag:s13] =	ssyncadd.s32 $0xFFFFC000  }
0x9c: {  	v63 =	vld [tilespmem:s17+$0x4100];
	_ =	sdelay $0x3  }
0x9d: {  	s31 =	simm.s32 $0x40  }
0x9e: {  	s19 =	simm.s32 $0x10;
	s20 =	sand.u32 $0xFE00, s31;
	s18 =	simm.s32 $0x80;
	v41 =	vsub.f32 $0.0e+00, v63  }
.LBB2_10:
0x9f: {  	p0 =	sne.s32 s18, $0xFFC0;
	s21 =	sand.u32 $0x70, s19;
	s20 =	sshrl.u32 s20, $0x2  }
0xa0: {  	[tilespmem:s17+$0x4100] =	vst v41;
	s17 =	sor.u32 s21, s20  }
0xa1: {  	v41 =	vld [tilespmem:s17+$0x4100]  }
.Ltmp4:
0xa2: {  	(pc) =	sbr.rel @p0 .LBB2_10-.Ltmp4, $2  }
0xa3: {  	_ =	sdelay $0x2  }
0xa4: {  	s19 =	sadd.s32 $0x10, s19;
	s20 =	sand.u32 $0xFE00, s18;
	s18 =	sadd.s32 $0x40, s18;
	v41 =	vsub.f32 $0.0e+00, v41  }
0xa5: {  	s18 =	sand.u32 $0x70, s19;
	s28 =	sshrl.u32 s20, $0x2  }
0xa6: {  	s18 =	sor.u32 s18, s28;
	[tilespmem:s17+$0x4100] =	vst v41  }
0xa7: {  	v41 =	vld [tilespmem:s18+$0x4100];
	_ =	sdelay $0x4  }
0xa8: {  	v41 =	vsub.f32 $0.0e+00, v41;
	_ =	sdelay $0x1  }
0xa9: {  	[tilespmem:s18+$0x4100] =	vst v41  }
0xaa: {  	[spmem:s2] =	stream.indirect.scatter.add.f32 [tilespmem:s12], [sflag:$0x2], $0x80, s11, s11, $0xb8;
	[tilespmem:$0x1C100] =	vst v63  }
0xab: {  	_ =	swait.ge [sflag:s14], $0x4000  }
0xac: {  	[sflag:s14] =	ssyncset.done $0x0  }
0xad: {  	[sflag:s14] =	ssyncadd.s32 $0xFFFFC000  }
0xae: {  	[tilespmem:$0x80] =	vst v0  }
0xaf: {  	[tilespmem:$0x90] =	vst v33  }
0xb0: {  	[tilespmem:$0xA0] =	vst v34  }
0xb1: {  	[tilespmem:$0xB0] =	vst v35  }
0xb2: {  	[tilespmem:$0xC0] =	vst v36  }
0xb3: {  	[tilespmem:$0xD0] =	vst v37  }
0xb4: {  	[tilespmem:$0xE0] =	vst v38  }
0xb5: {  	s29 =	simm.s32 $0x0;
	[tilespmem:$0xF0] =	vst v39  }
0xb6: {  	[tilespmem:s12], [sflag:$0x1] =	stream.indirect.gather [spmem:s2], $0x80, s11, s11, $0xb8;
	[tilespmem:$0x1C100] =	vst v63  }
0xb7: {  	s30 =	sand.u32 $0xFE00, s29;
	_ =	swait.ge [sflag:s13], $0x4000  }
0xb8: {  	s17 =	sand.u32 $0x70, s29;
	s18 =	sshrl.u32 s30, $0x2;
	[sflag:s13] =	ssyncset.done $0x0  }
0xb9: {  	s17 =	sor.u32 s17, s18;
	[sflag:s13] =	ssyncadd.s32 $0xFFFFC000  }
0xba: {  	v63 =	vld [tilespmem:s17+$0x4100];
	_ =	sdelay $0x3  }
0xbb: {  	s31 =	simm.s32 $0x40  }
0xbc: {  	s19 =	simm.s32 $0x10;
	s20 =	sand.u32 $0xFE00, s31;
	s18 =	simm.s32 $0x80;
	v41 =	vsub.f32 $0.0e+00, v63  }
.LBB2_12:
0xbd: {  	p0 =	sne.s32 s18, $0xFFC0;
	s21 =	sand.u32 $0x70, s19;
	s20 =	sshrl.u32 s20, $0x2  }
0xbe: {  	[tilespmem:s17+$0x4100] =	vst v41;
	s17 =	sor.u32 s21, s20  }
0xbf: {  	v41 =	vld [tilespmem:s17+$0x4100]  }
.Ltmp5:
0xc0: {  	(pc) =	sbr.rel @p0 .LBB2_12-.Ltmp5, $2  }
0xc1: {  	_ =	sdelay $0x2  }
0xc2: {  	s19 =	sadd.s32 $0x10, s19;
	s20 =	sand.u32 $0xFE00, s18;
	s18 =	sadd.s32 $0x40, s18;
	v41 =	vsub.f32 $0.0e+00, v41  }
0xc3: {  	s18 =	sand.u32 $0x70, s19;
	s30 =	sshrl.u32 s20, $0x2  }
0xc4: {  	s18 =	sor.u32 s18, s30;
	[tilespmem:s17+$0x4100] =	vst v41  }
0xc5: {  	v41 =	vld [tilespmem:s18+$0x4100];
	_ =	sdelay $0x4  }
0xc6: {  	v41 =	vsub.f32 $0.0e+00, v41;
	_ =	sdelay $0x1  }
0xc7: {  	[tilespmem:s18+$0x4100] =	vst v41  }
0xc8: {  	[spmem:s2] =	stream.indirect.scatter.add.f32 [tilespmem:s12], [sflag:$0x2], $0x80, s11, s11, $0xb8;
	[tilespmem:$0x1C100] =	vst v63  }
0xc9: {  	_ =	swait.ge [sflag:s14], $0x4000  }
0xca: {  	[sflag:s14] =	ssyncset.done $0x0  }
0xcb: {  	[sflag:s14] =	ssyncadd.s32 $0xFFFFC000  }
0xcc: {  	s31 =	sadd.s32 $0x0, s10;
	[bflag:$0x0] =	sbarrier.arrive $0xFFFF  }
0xcd: {  	[tilespmem:s3], [sflag:$0x2] =	stream.linear.gather [hbm4b:s31+s3], $0x80, $0x38;
	[tilespmem:$0x1C100] =	vst v63  }
0xce: {  	_ =	swait.ge [sflag:s14], $0x80  }
0xcf: {  	[sflag:s14] =	ssyncset.done $0x0  }
0xd0: {  	[sflag:s14] =	ssyncadd.s32 $0xFFFFFF80  }
0xd1: {  	[spmem:s2] =	stream.indirect.scatter.add.f32 [tilespmem:s15], [sflag:$0x2], $0x80, s3, s11, $0xb8;
	[tilespmem:$0x1C100] =	vst v63  }
0xd2: {  	_ =	swait.ge [sflag:s14], $0x4000  }
0xd3: {  	s17 =	simm.s32 $0x200;
	s18 =	simm.s32 $0x400;
	[sflag:s14] =	ssyncset.done $0x0  }
.LBB2_14:
0xd4: {  	s19 =	sadd.s32 s17, s10  }
0xd5: {  	[sflag:s14] =	ssyncadd.s32 $0xFFFFC000;
	s17 =	smov.u32 s18;
	s20 =	sadd.s32 $0x200, s18  }
0xd6: {  	[tilespmem:s3], [sflag:$0x2] =	stream.linear.gather [hbm4b:s19+s3], $0x80, $0x38;
	[tilespmem:$0x1C100] =	vst v63  }
0xd7: {  	p0 =	sne.s32 s18, $0x9C00;
	_ =	swait.ge [sflag:s14], $0x80  }
.Ltmp6:
0xd8: {  	[sflag:s14] =	ssyncset.done $0x0;
	(pc) =	sbr.rel @p0 .LBB2_14-.Ltmp6, $4  }
0xd9: {  	[sflag:s14] =	ssyncadd.s32 $0xFFFFFF80  }
0xda: {  	[spmem:s2] =	stream.indirect.scatter.add.f32 [tilespmem:s15], [sflag:$0x2], $0x80, s3, s11, $0xb8;
	[tilespmem:$0x1C100] =	vst v63  }
0xdb: {  	_ =	swait.ge [sflag:s14], $0x4000  }
0xdc: {  	s18 =	smov.u32 s20;
	[sflag:s14] =	ssyncset.done $0x0  }
0xdd: {  	s17 =	sadd.s32 s17, s10;
	[sflag:s14] =	ssyncadd.s32 $0xFFFFC000  }
0xde: {  	[tilespmem:s3], [sflag:$0x2] =	stream.linear.gather [hbm4b:s17+s3], $0x80, $0x38;
	[tilespmem:$0x1C100] =	vst v63  }
0xdf: {  	_ =	swait.ge [sflag:s14], $0x80  }
0xe0: {  	[sflag:s14] =	ssyncset.done $0x0  }
0xe1: {  	[sflag:s14] =	ssyncadd.s32 $0xFFFFFF80  }
0xe2: {  	[spmem:s2] =	stream.indirect.scatter.add.f32 [tilespmem:s15], [sflag:$0x2], $0x80, s3, s11, $0xb8;
	[tilespmem:$0x1C100] =	vst v63  }
0xe3: {  	_ =	swait.ge [sflag:s14], $0x4000  }
0xe4: {  	[sflag:s14] =	ssyncset.done $0x0  }
0xe5: {  	[sflag:s14] =	ssyncadd.s32 $0xFFFFC000  }
0xe6: {  	[bflag:$0x0] =	sbarrier.arrive $0xFFFF  }
0xe7: {  	[tilespmem:$0x80] =	vst v1  }
0xe8: {  	[tilespmem:$0x90] =	vst v2  }
0xe9: {  	[tilespmem:$0xA0] =	vst v3  }
0xea: {  	[tilespmem:$0xB0] =	vst v4  }
0xeb: {  	[tilespmem:$0xC0] =	vst v5  }
0xec: {  	[tilespmem:$0xD0] =	vst v6  }
0xed: {  	[tilespmem:$0xE0] =	vst v7  }
0xee: {  	[tilespmem:$0xF0] =	vst v8  }
0xef: {  	[tilespmem:s12], [sflag:$0x1] =	stream.indirect.gather [spmem:s2], $0x80, s11, s11, $0xb8;
	[tilespmem:$0x1C100] =	vst v63  }
0xf0: {  	_ =	swait.ge [sflag:s13], $0x4000  }
0xf1: {  	[sflag:s13] =	ssyncset.done $0x0  }
0xf2: {  	[sflag:s13] =	ssyncadd.s32 $0xFFFFC000  }
0xf3: {  	[hbm4b:s4+s3] =	stream.linear.scatter [tilespmem:s12], [sflag:$0x2], $0x4000, $0x38;
	[tilespmem:$0x1C100] =	vst v63  }
0xf4: {  	_ =	swait.ge [sflag:s14], $0x4000  }
0xf5: {  	[sflag:s14] =	ssyncset.done $0x0  }
0xf6: {  	[sflag:s14] =	ssyncadd.s32 $0xFFFFC000  }
0xf7: {  	[tilespmem:$0x80] =	vst v9  }
0xf8: {  	[tilespmem:$0x90] =	vst v10  }
0xf9: {  	[tilespmem:$0xA0] =	vst v11  }
0xfa: {  	[tilespmem:$0xB0] =	vst v12  }
0xfb: {  	[tilespmem:$0xC0] =	vst v13  }
0xfc: {  	[tilespmem:$0xD0] =	vst v14  }
0xfd: {  	[tilespmem:$0xE0] =	vst v15  }
0xfe: {  	[tilespmem:$0xF0] =	vst v16  }
0xff: {  	[tilespmem:s12], [sflag:$0x1] =	stream.indirect.gather [spmem:s2], $0x80, s11, s11, $0xb8;
	[tilespmem:$0x1C100] =	vst v63  }
0x100: {  	_ =	swait.ge [sflag:s13], $0x4000  }
0x101: {  	[sflag:s13] =	ssyncset.done $0x0  }
0x102: {  	[sflag:s13] =	ssyncadd.s32 $0xFFFFC000  }
0x103: {  	[hbm4b:s5+s3] =	stream.linear.scatter [tilespmem:s12], [sflag:$0x2], $0x4000, $0x38;
	[tilespmem:$0x1C100] =	vst v63  }
0x104: {  	_ =	swait.ge [sflag:s14], $0x4000  }
0x105: {  	[sflag:s14] =	ssyncset.done $0x0  }
0x106: {  	[sflag:s14] =	ssyncadd.s32 $0xFFFFC000  }
0x107: {  	[tilespmem:$0x80] =	vst v17  }
0x108: {  	[tilespmem:$0x90] =	vst v18  }
0x109: {  	[tilespmem:$0xA0] =	vst v19  }
0x10a: {  	[tilespmem:$0xB0] =	vst v20  }
0x10b: {  	[tilespmem:$0xC0] =	vst v21  }
0x10c: {  	[tilespmem:$0xD0] =	vst v22  }
0x10d: {  	[tilespmem:$0xE0] =	vst v23  }
0x10e: {  	[tilespmem:$0xF0] =	vst v24  }
0x10f: {  	[tilespmem:s12], [sflag:$0x1] =	stream.indirect.gather [spmem:s2], $0x80, s11, s11, $0xb8;
	[tilespmem:$0x1C100] =	vst v63  }
0x110: {  	_ =	swait.ge [sflag:s13], $0x4000  }
0x111: {  	[sflag:s13] =	ssyncset.done $0x0  }
0x112: {  	[sflag:s13] =	ssyncadd.s32 $0xFFFFC000  }
0x113: {  	[hbm4b:s6+s3] =	stream.linear.scatter [tilespmem:s12], [sflag:$0x2], $0x4000, $0x38;
	[tilespmem:$0x1C100] =	vst v63  }
0x114: {  	_ =	swait.ge [sflag:s14], $0x4000  }
0x115: {  	[sflag:s14] =	ssyncset.done $0x0  }
0x116: {  	[sflag:s14] =	ssyncadd.s32 $0xFFFFC000  }
0x117: {  	[tilespmem:$0x80] =	vst v25  }
0x118: {  	[tilespmem:$0x90] =	vst v26  }
0x119: {  	[tilespmem:$0xA0] =	vst v27  }
0x11a: {  	[tilespmem:$0xB0] =	vst v28  }
0x11b: {  	[tilespmem:$0xC0] =	vst v29  }
0x11c: {  	[tilespmem:$0xD0] =	vst v30  }
0x11d: {  	[tilespmem:$0xE0] =	vst v31  }
0x11e: {  	[tilespmem:$0xF0] =	vst v32  }
0x11f: {  	[tilespmem:s12], [sflag:$0x1] =	stream.indirect.gather [spmem:s2], $0x80, s11, s11, $0xb8;
	[tilespmem:$0x1C100] =	vst v63  }
0x120: {  	_ =	swait.ge [sflag:s13], $0x4000  }
0x121: {  	[sflag:s13] =	ssyncset.done $0x0  }
0x122: {  	[sflag:s13] =	ssyncadd.s32 $0xFFFFC000  }
0x123: {  	[hbm4b:s7+s3] =	stream.linear.scatter [tilespmem:s12], [sflag:$0x2], $0x4000, $0x38;
	[tilespmem:$0x1C100] =	vst v63  }
0x124: {  	_ =	swait.ge [sflag:s14], $0x4000  }
0x125: {  	[sflag:s14] =	ssyncset.done $0x0  }
0x126: {  	[sflag:s14] =	ssyncadd.s32 $0xFFFFC000  }
0x127: {  	[tilespmem:$0x80] =	vst v0  }
0x128: {  	[tilespmem:$0x90] =	vst v33  }
0x129: {  	[tilespmem:$0xA0] =	vst v34  }
0x12a: {  	[tilespmem:$0xB0] =	vst v35  }
0x12b: {  	[tilespmem:$0xC0] =	vst v36  }
0x12c: {  	[tilespmem:$0xD0] =	vst v37  }
0x12d: {  	[tilespmem:$0xE0] =	vst v38  }
0x12e: {  	[tilespmem:$0xF0] =	vst v39  }
0x12f: {  	[tilespmem:s12], [sflag:$0x1] =	stream.indirect.gather [spmem:s2], $0x80, s11, s11, $0xb8;
	[tilespmem:$0x1C100] =	vst v63  }
0x130: {  	s16 =	sadd.s32 $0x1, s16;
	_ =	swait.ge [sflag:s13], $0x4000  }
0x131: {  	p0 =	sne.s32 s16, s9;
	[sflag:s13] =	ssyncset.done $0x0  }
.Ltmp7:
0x132: {  	[sflag:s13] =	ssyncadd.s32 $0xFFFFC000;
	(pc) =	sbr.rel @p0 .LBB2_1-.Ltmp7, $4  }
0x133: {  	[hbm4b:s8+s3] =	stream.linear.scatter [tilespmem:s12], [sflag:$0x2], $0x4000, $0x38;
	[tilespmem:$0x1C100] =	vst v63  }
0x134: {  	_ =	swait.ge [sflag:s14], $0x4000  }
0x135: {  	[sflag:s14] =	ssyncset.done $0x0  }
0x136: {  	[sflag:s14] =	ssyncadd.s32 $0xFFFFC000  }
0x137: {  	_ =	sfence.sel $0x180000  }
0x138: {  	[bflag:$0x0] =	sbarrier.arrive $0xFFFF  }
0x139: {  	p0 =	sne.s32 s0, $0x0;
	_ =	strace $0x9000004A  }
0x13a: {  	s0 =	sadd.s32 @!p0 $0x100000, s1;
	[bflag:$0x2] =	sbarrier.arrive $0xFFFF  }
0x13b: {  	[sflag:s0] =	ssyncadd.tile.s32 @!p0 $0x1;
	_ =	shalt  }
.Lfunc_end2:
_tile_overlayer_lowered:
.L_overlay_start_2:
0x13c: {  	(tag) =	ssettag $0x2  }
0x13d: {  	s0 =	rddreg [dreg:$0x0];
	s2 =	stileid.u32  }
0x13e: {  	s1 =	rddreg [dreg:$0x1];
	p0 =	sne.s32 s2, $0x0  }
0x13f: {  	s3 =	rddreg [dreg:$0x2];
	[bflag:$0x3] =	sbarrier.arrive $0xFFFF;
	s2 =	simm.s32 @!p0 $0x1C02  }
0x140: {  	[timem:s3], [sflag:s2] =	dma.local @!p0 [hbm:s0], s1  }
0x141: {  	s0 =	simm.s32 @!p0 $0x2  }
0x142: {  	_ =	swait.ge @!p0 [sflag:s0], s1  }
0x143: {  	s1 =	ssub.s32 @!p0 $0x0, s1;
	[sflag:s0] =	ssyncset.done @!p0 $0x0  }
0x144: {  	[sflag:s0] =	ssyncadd.s32 @!p0 s1  }
0x145: {  	[bflag:$0x3] =	sbarrier.arrive $0xFFFF  }
0x146: {  	_ =	shalt  }

// kernel: kernel.15.cloned.1.call-start
scs
__scs_entry_jumppad:
0x0: {  	(pc) =	sbr.rel $0x88, $3  }
0x1: {  	(tag) =	ssettag $0x0;
	lr =	simm.s32 $0x1  }
0x2: {  	[smem:$0x3F99] =	sst lr;
	_ =	strace $0xD0000000  }
0x3: {  	_ = 	snop  }
0x4: {  	_ = 	snop  }
0x5: {  	_ = 	snop  }
0x6: {  	_ = 	snop  }
0x7: {  	_ = 	snop  }
__scs_overlays_trampoline_lowered:
0x8: {  	[smem:$0x3FA8] =	sst s0  }
0x9: {  	[smem:$0x3FA9] =	sst s1  }
0xa: {  	[smem:$0x3FAA] =	sst s2  }
0xb: {  	[smem:$0x3FAB] =	sst s3  }
0xc: {  	[smem:$0x3FAC] =	sst s4  }
0xd: {  	[smem:$0x3FAD] =	sst s5  }
0xe: {  	[smem:$0x3FAE] =	sst s6  }
0xf: {  	[smem:$0x3FAF] =	sst s7  }
0x10: {  	[smem:$0x3FB0] =	sst s8  }
0x11: {  	[smem:$0x3FB1] =	sst s9;
	s0 =	simm.s32 @!p0 $0x0  }
0x12: {  	s1 =	sld [smem:$0x3F97];
	s0 =	simm.s32 @p0 $0x1  }
0x13: {  	[smem:$0x3FB2] =	sst s0;
	s0 =	simm.s32 @!p1 $0x0  }
0x14: {  	s2 =	sld [smem:$0x3F96];
	s0 =	simm.s32 @p1 $0x1  }
0x15: {  	[smem:$0x3FB3] =	sst s0;
	s0 =	simm.s32 @!p2 $0x0  }
0x16: {  	s3 =	sld [smem:$0x3FDB];
	s0 =	simm.s32 @p2 $0x1  }
0x17: {  	s4 =	simm.s32 $0x1BF5;
	[smem:$0x3FB5] =	sst s0  }
0x18: {  	s0 =	sld [smem:$0x3F98];
	_ =	swait.ge [sflag:s4], $0x0  }
0x19: {  	s7 =	sld [smem:$0x3F99]  }
0x1a: {  	s8 =	sadd.s32 $0xFFFFE003, lr  }
0x1b: {  	s9 =	sadd.s32 $0xFFFFFEF7, lr;
	s5 =	simm.s32 $0xFFFFFFFF;
	p2 =	slt.u32 s8, $0xFFFFF086  }
0x1c: {  	p1 =	slt.u32 s9, $0xF7A;
	s5 =	simm.s32 @!p2 $0x0  }
0x1d: {  	s5 =	simm.s32 @p1 $0x1;
	p0 =	seq.s32 s7, s2  }
0x1e: {  	s7 =	smul.u32 @!p0 $0xF7A, s2;
	p2 =	seq.s32 @!p0 s5, $0x0  }
0x1f: {  	s9 =	smul.u32 $0xF7A, s1;
	s8 =	simm.s32 @!p0 $0x1BF5;
	p2 =	por !p2, p0  }
0x20: {  	[sflag:s8] =	ssyncset.s32 @!p0 $0xFFFFF086;
	s6 =	sadd.s32 @!p0 s3, s7;
	s7 =	simm.s32 @!p0 $0x108  }
0x21: {  	s3 =	sadd.s32 s3, s9;
	s6 =	sadd.s32 @!p0 $0x88, s6;
	s7 =	simm.s32 @p2 $0x1082  }
0x22: {  	[simem:s7], [sflag:s8] =	dma.local @!p0 [hbm:s6], $0xF7A  }
0x23: {  	s9 =	sor.u32 $0xD0000000, s2;
	s6 =	simm.s32 $0x108;
	_ =	swait.ge @!p0 [sflag:s8], $0x0  }
0x24: {  	s3 =	sadd.s32 $0x88, s3;
	s6 =	simm.s32 @!p1 $0x1082;
	[sflag:s4] =	ssyncset.s32 $0xFFFFF086  }
0x25: {  	[simem:s6], [sflag:s4] =	dma.local [hbm:s3], $0xF7A  }
0x26: {  	[smem:$0x3F99] =	sst s1;
	(tag) =	ssettag s2;
	_ =	strace s9  }
0x27: {  	s1 =	sld [smem:$0x3FA9]  }
0x28: {  	s2 =	sld [smem:$0x3FAA]  }
0x29: {  	s4 =	sld [smem:$0x3FAC]  }
0x2a: {  	p0 =	seq.s32 s5, $0x0;
	s5 =	sld [smem:$0x3FAD]  }
0x2b: {  	s6 =	sld [smem:$0x3FAE]  }
0x2c: {  	s7 =	sld [smem:$0x3FAF]  }
0x2d: {  	s3 =	simm.s32 $0x108;
	s8 =	sld [smem:$0x3FB0]  }
0x2e: {  	s3 =	simm.s32 @!p0 $0x1082;
	s9 =	sld [smem:$0x3FB1]  }
0x2f: {  	lr =	sadd.s32 s0, s3;
	s0 =	sld [smem:$0x3FA8]  }
0x30: {  	s3 =	sld [smem:$0x3FAB]  }
0x31: {  	[smem:$0x3FB4] =	sst s10  }
0x32: {  	s10 =	sld [smem:$0x3FB2];
	_ =	sdelay $0x3  }
0x33: {  	p0 =	seq.s32 s10, $0x1;
	s10 =	sld [smem:$0x3FB4];
	_ =	sdelay $0x3  }
0x34: {  	[smem:$0x3FB4] =	sst s10  }
0x35: {  	s10 =	sld [smem:$0x3FB3];
	_ =	sdelay $0x3  }
0x36: {  	p1 =	seq.s32 s10, $0x1;
	s10 =	sld [smem:$0x3FB4];
	_ =	sdelay $0x3  }
0x37: {  	[smem:$0x3FB4] =	sst s10  }
0x38: {  	s10 =	sld [smem:$0x3FB5]  }
0x39: {  	_ = 	snop;
	(pc) =	sbr.ind lr, $3  }
0x3a: {  	_ = 	snop  }
0x3b: {  	_ = 	snop  }
0x3c: {  	p2 =	seq.s32 s10, $0x1;
	s10 =	sld [smem:$0x3FB4]  }
0x3d: {  	_ =	shalt  }
0x3e: {  	_ =	shalt  }
0x3f: {  	_ =	shalt  }
0x40: {  	_ =	shalt  }
0x41: {  	_ =	shalt  }
0x42: {  	_ =	shalt  }
0x43: {  	_ =	shalt  }
0x44: {  	_ =	shalt  }
0x45: {  	_ =	shalt  }
0x46: {  	_ =	shalt  }
0x47: {  	_ =	shalt  }
0x48: {  	_ =	shalt  }
0x49: {  	_ =	shalt  }
0x4a: {  	_ =	shalt  }
0x4b: {  	_ =	shalt  }
0x4c: {  	_ =	shalt  }
0x4d: {  	_ =	shalt  }
0x4e: {  	_ =	shalt  }
0x4f: {  	_ =	shalt  }
0x50: {  	_ =	shalt  }
0x51: {  	_ =	shalt  }
0x52: {  	_ =	shalt  }
0x53: {  	_ =	shalt  }
0x54: {  	_ =	shalt  }
0x55: {  	_ =	shalt  }
0x56: {  	_ =	shalt  }
0x57: {  	_ =	shalt  }
0x58: {  	_ =	shalt  }
0x59: {  	_ =	shalt  }
0x5a: {  	_ =	shalt  }
0x5b: {  	_ =	shalt  }
0x5c: {  	_ =	shalt  }
0x5d: {  	_ =	shalt  }
0x5e: {  	_ =	shalt  }
0x5f: {  	_ =	shalt  }
0x60: {  	_ =	shalt  }
0x61: {  	_ =	shalt  }
0x62: {  	_ =	shalt  }
0x63: {  	_ =	shalt  }
0x64: {  	_ =	shalt  }
0x65: {  	_ =	shalt  }
0x66: {  	_ =	shalt  }
0x67: {  	_ =	shalt  }
0x68: {  	_ =	shalt  }
0x69: {  	_ =	shalt  }
0x6a: {  	_ =	shalt  }
0x6b: {  	_ =	shalt  }
0x6c: {  	_ =	shalt  }
0x6d: {  	_ =	shalt  }
0x6e: {  	_ =	shalt  }
0x6f: {  	_ =	shalt  }
0x70: {  	_ =	shalt  }
0x71: {  	_ =	shalt  }
0x72: {  	_ =	shalt  }
0x73: {  	_ =	shalt  }
0x74: {  	_ =	shalt  }
0x75: {  	_ =	shalt  }
0x76: {  	_ =	shalt  }
0x77: {  	_ =	shalt  }
0x78: {  	_ =	shalt  }
0x79: {  	_ =	shalt  }
0x7a: {  	_ =	shalt  }
0x7b: {  	_ =	shalt  }
0x7c: {  	_ =	shalt  }
0x7d: {  	_ =	shalt  }
0x7e: {  	_ =	shalt  }
0x7f: {  	_ =	shalt  }
0x80: {  	_ =	shalt  }
0x81: {  	_ =	shalt  }
0x82: {  	_ =	shalt  }
0x83: {  	_ =	shalt  }
0x84: {  	_ =	shalt  }
0x85: {  	_ =	shalt  }
0x86: {  	_ =	shalt  }
0x87: {  	_ =	shalt  }
.Lfunc_end0:
.L_simem_size_0:
called_computation.2_lowered:
.L_overlay_start_0:
0x88: {  	s2 =	sld [smem:$0x3FD9]  }
0x89: {  	s3 =	sld [smem:$0x3FFE];
	_ =	sdelay $0x1  }
0x8a: {  	s1 =	srdreg.scid  }
0x8b: {  	s0 =	sand.u32 $0x1, s1  }
0x8c: {  	s17 =	sshll.u32 s0, $0xA;
	s2 =	sadd.s32 s3, s2  }
0x8d: {  	s2 =	sadd.s32 s2, s17  }
0x8e: {  	[smem:$0x3FC0] =	sst s2  }
0x8f: {  	_ = 	snop  }
0x90: {  	s2 =	sld [smem:$0x3FD0];
	(tm) =	ssettm $0x1  }
0x91: {  	s18 =	sld [smem:$0x3FFB];
	_ =	sdelay $0x3  }
0x92: {  	_ =	strace s18  }
0x93: {  	s3 =	sld [smem:$0x3FFC];
	_ =	sdelay $0x3  }
0x94: {  	_ =	strace s3  }
0x95: {  	s3 =	sld [smem:$0x3FFD];
	_ =	sdelay $0x3  }
0x96: {  	_ =	strace s3  }
0x97: {  	_ =	strace $0x8FFFFFFF  }
0x98: {  	s19 =	sld [smem:$0x3FDB];
	_ =	sdelay $0x1  }
0x99: {  	s4 =	simm.s32 $_scs_section_size  }
0x9a: {  	s5 =	simm.s32 $_size__tile_overlayer_lowered;
	s6 =	simm.s32 $_tile_overlayer_lowered  }
0x9b: {  	s22 =	simm.s32 $0x1BFF;
	s21 =	sshll.u32 s6, $0x1;
	s3 =	sadd.s32 s4, s19  }
0x9c: {  	s7 =	simm.s32 $0x0;
	s20 =	sshll.u32 s5, $0x1;
	s5 =	sadd.s32 s21, s3  }
0x9d: {  	[timem:s7], [sflag:s22] =	dma.local [hbm:s5], s20  }
0x9e: {  	_ =	swait.ge [sflag:s22], s20  }
0x9f: {  	s4 =	ssub.s32 $0x0, s20;
	[sflag:s22] =	ssyncset.done $0x0  }
0xa0: {  	[sflag:s22] =	ssyncadd.s32 s4;
	_ =	sdelay $0x1  }
0xa1: {  	s23 =	simm.s32 $0x1B8B  }
0xa2: {  	_ =	swait.ge [sflag:s23], $0x1  }
0xa3: {  	[sflag:s23] =	ssyncset.done $0x0  }
0xa4: {  	s25 =	simm.s32 $0x1B8E;
	s24 =	sld [smem:$0x3FFE];
	[sflag:s23] =	ssyncadd.s32 $0xFFFFFFFF  }
0xa5: {  	s26 =	simm.s32 $execute0_lowered;
	[smem:$0x3FD2] =	sst s25  }
0xa6: {  	s5 =	sshll.u32 s26, $0x1;
	_ =	strace $0x8000004C;
	[dreg:$0x1] =	wrdreg $0xFFFFFFFF  }
0xa7: {  	s28 =	simm.s32 $_size_execute0_lowered;
	s3 =	sadd.s32 s3, s5;
	[dreg:$0x0] =	wrdreg $0x0  }
0xa8: {  	s5 =	sshll.u32 s28, $0x1;
	[dreg:$0x2] =	wrdreg s3  }
0xa9: {  	[dreg:$0x3] =	wrdreg s5  }
0xaa: {  	[dreg:$0x4] =	wrdreg $0xC0  }
0xab: {  	_ =	task [dreg:s7], $0x5FFFF  }
0xac: {  	[dreg:$0x1] =	wrdreg $0xFFFFFFFF  }
0xad: {  	[dreg:$0x0] =	wrdreg $0x60  }
0xae: {  	[dreg:$0x2] =	wrdreg s24  }
0xaf: {  	[dreg:$0x3] =	wrdreg s2  }
0xb0: {  	[dreg:$0x4] =	wrdreg $0x82800  }
0xb1: {  	[dreg:$0x5] =	wrdreg $0x9  }
0xb2: {  	_ =	task.clear_ibuf [dreg:s7], $0x6FFFF;
	_ =	strace $0x9000004C  }
0xb3: {  	s29 =	simm.s32 $0x9;
	_ =	strace $0x8000004E  }
0xb4: {  	_ =	swait.ge [sflag:s29], $0x1  }
0xb5: {  	[sflag:s29] =	ssyncadd.s32 $0xFFFFFFFF  }
0xb6: {  	_ =	strace $0x9000004E  }
0xb7: {  	_ =	sfence  }
0xb8: {  	s30 =	sld [smem:$0x0];
	_ =	sdelay $0x2  }
0xb9: {  	s31 =	sshll.u32 s1, $0xD;
	s1 =	sshrl.u32 s1, $0x2  }
0xba: {  	s3 =	sand.u32 $0x4000, s31;
	s1 =	sadd.s32 s1, s30  }
0xbb: {  	s0 =	sor.u32 s3, s0;
	s1 =	sshll.u32 s1, $0x11  }
0xbc: {  	s0 =	sor.u32 s1, s0  }
0xbd: {  	s0 =	sadd.s32 $0x8F2B, s0  }
0xbe: {  	[sflag:s0] =	ssyncadd.remote.s32 $0x1  }
0xbf: {  	_ =	sfence.sel $0xFFFF  }
0xc0: {  	[dreg:$0x0] =	wrdreg $0xFFFFFFFF;
	(pc) =	sbr.abs _section_cstart, $3  }
0xc1: {  	[dreg:$0x1] =	wrdreg $0xFFFFFFFF  }
0xc2: {  	_ =	task.clear_ibuf [dreg:s7], $0x2FFFF;
	_ =	strace $0x9FFFFFFF  }
0xc3: {  	(tm) =	ssettm $0x7FFFFFFF  }
tec
execute0_lowered:
.L_overlay_start_1:
0x0: {  	(tag) =	ssettag $0x1  }
0x1: {  	s0 =	stileid.u32  }
0x2: {  	s5 =	smul.u32 $0x280, s0;
	_ =	sdelay $0x1  }
0x3: {  	v39 =	vlaneseq.u32;
	s1 =	sadd.s32 $0x200, s5;
	v7 =	vmov s5  }
0x4: {  	s28 =	sadd.s32 $0x80, s5;
	s29 =	sadd.s32 $0x100, s5;
	v33 =	vmov s1;
	v0 =	vor.u32 $0x10, v7;
	v1 =	vor.u32 $0x20, v7  }
0x5: {  	s4 =	sadd.s32 $0x180, s5;
	v5 =	vor.u32 $0x50, v7;
	v13 =	vmov s28;
	v22 =	vmov s29  }
0x6: {  	v28 =	vmov s4;
	v2 =	vbroadcast v0, $0x0;
	v3 =	vbroadcast v1, $0x0  }
0x7: {  	v0 =	vor.u32 $0x30, v7;
	v1 =	vor.u32 $0x40, v7;
	v8 =	vbroadcast v5, $0x0  }
0x8: {  	v11 =	vor.u32 $0x20, v13;
	v12 =	vor.u32 $0x30, v13;
	v14 =	vor.u32 $0x40, v13  }
0x9: {  	v15 =	vor.u32 $0x50, v13;
	v16 =	vor.u32 $0x60, v13;
	v17 =	vor.u32 $0x70, v13  }
0xa: {  	v18 =	vor.u32 $0x10, v22;
	v20 =	vor.u32 $0x30, v22;
	v21 =	vor.u32 $0x40, v22  }
0xb: {  	v23 =	vor.u32 $0x50, v22;
	v24 =	vor.u32 $0x60, v22;
	v26 =	vor.u32 $0x10, v28  }
0xc: {  	v27 =	vor.u32 $0x20, v28;
	v29 =	vor.u32 $0x30, v28;
	v4 =	vbroadcast v0, $0x0  }
0xd: {  	v30 =	vor.u32 $0x40, v28;
	v6 =	vbroadcast v1, $0x0;
	v11 =	vbroadcast v11, $0x0  }
0xe: {  	v31 =	vor.u32 $0x50, v28;
	v12 =	vbroadcast v12, $0x0;
	v14 =	vbroadcast v14, $0x0  }
0xf: {  	v32 =	vor.u32 $0x60, v28;
	v15 =	vbroadcast v15, $0x0;
	v16 =	vbroadcast v16, $0x0  }
0x10: {  	v34 =	vor.u32 $0x70, v28;
	v17 =	vbroadcast v17, $0x0;
	v18 =	vbroadcast v18, $0x0  }
0x11: {  	v35 =	vor.u32 $0x10, v33;
	v20 =	vbroadcast v20, $0x0;
	v21 =	vbroadcast v21, $0x0  }
0x12: {  	v63 =	vor.u32 $0x20, v33;
	v23 =	vbroadcast v23, $0x0;
	v24 =	vbroadcast v24, $0x0  }
0x13: {  	v36 =	vor.u32 $0x30, v33;
	v26 =	vbroadcast v26, $0x0;
	v27 =	vbroadcast v27, $0x0  }
0x14: {  	v37 =	vor.u32 $0x40, v33;
	v29 =	vbroadcast v29, $0x0;
	v30 =	vbroadcast v30, $0x0  }
0x15: {  	v38 =	vor.u32 $0x50, v33;
	v31 =	vbroadcast v31, $0x0;
	v32 =	vbroadcast v32, $0x0  }
0x16: {  	v40 =	vor.u32 $0x60, v33;
	v34 =	vbroadcast v34, $0x0;
	v62 =	vbroadcast v35, $0x0  }
0x17: {  	v41 =	vor.u32 $0x70, v33;
	v35 =	vbroadcast v63, $0x0;
	v36 =	vbroadcast v36, $0x0  }
0x18: {  	v0 =	vor.u32 s1, v39;
	v37 =	vbroadcast v37, $0x0;
	v38 =	vbroadcast v38, $0x0  }
0x19: {  	v1 =	vor.u32 s5, v39;
	v40 =	vbroadcast v40, $0x0;
	v41 =	vbroadcast v41, $0x0  }
0x1a: {  	s6 =	rddreg [dreg:$0x0];
	v2 =	vor.u32 v39, v2;
	v3 =	vor.u32 v39, v3;
	v4 =	vor.u32 v39, v4  }
0x1b: {  	s13 =	rddreg [dreg:$0x1];
	v5 =	vor.u32 v39, v6;
	v6 =	vor.u32 v39, v8;
	v8 =	vor.u32 $0x60, v7  }
0x1c: {  	s2 =	rddreg [dreg:$0x2];
	s7 =	srdreg.scid;
	v7 =	vor.u32 $0x70, v7;
	v11 =	vor.u32 v39, v11;
	v12 =	vor.u32 v39, v12  }
0x1d: {  	s3 =	simm.s32 $0x0;
	s17 =	simm.s32 $0x280;
	s18 =	simm.s32 $0x1;
	v18 =	vor.u32 v39, v18;
	v20 =	vor.u32 v39, v20;
	v21 =	vor.u32 v39, v21  }
0x1e: {  	s19 =	simm.s32 $0x3;
	s20 =	simm.s32 $0x100;
	s21 =	simm.s32 $0x180;
	v26 =	vor.u32 v39, v26;
	v27 =	vor.u32 v39, v27;
	v28 =	vor.u32 v39, v29  }
0x1f: {  	s22 =	simm.s32 $0x4280;
	s23 =	simm.s32 $0x2;
	s7 =	sand.u32 $0x1, s7;
	v29 =	vor.u32 v39, v30;
	v30 =	vor.u32 v39, v31;
	v31 =	vor.u32 v39, v32  }
0x20: {  	s24 =	simm.s32 $0x0;
	[smem:$0x7FF] =	sst s3;
	s30 =	ssub.s32 $0x2, s7;
	v32 =	vor.u32 v39, v34;
	v33 =	vor.u32 v39, v62;
	v34 =	vor.u32 v39, v35  }
0x21: {  	s14 =	sadd.s32 $0x52600, s6;
	s8 =	smul.u32 $0x2800, s7;
	s31 =	sshrl.u32 s30, $0x1;
	v35 =	vor.u32 v39, v36;
	v36 =	vor.u32 v39, v37;
	v37 =	vor.u32 v39, v38  }
0x22: {  	s15 =	sshll.u32 s0, $0x5;
	s16 =	sshll.u32 s7, $0x4;
	s12 =	ssub.s32 s30, s31;
	v8 =	vbroadcast v8, $0x0;
	v9 =	vbroadcast v7, $0x0;
	v7 =	vor.u32 $0x10, v13  }
0x23: {  	s9 =	sor.u32 s16, s15;
	s12 =	smax.u32 s12, $0x1;
	s5 =	sadd.s32 s5, s8;
	v13 =	vor.u32 v39, v14;
	v14 =	vor.u32 v39, v15;
	v15 =	vor.u32 v39, v16  }
0x24: {  	s1 =	rddreg [dreg:$0x3];
	_ =	strace $0x8000004D;
	s5 =	sshll.u32 s5, $0x4;
	v16 =	vor.u32 v39, v17;
	v17 =	vor.u32 $0x20, v22;
	v22 =	vor.u32 $0x70, v22  }
0x25: {  	s11 =	sadd.s32 s5, s6;
	s5 =	sadd.s32 s13, s9;
	s13 =	sadd.s32 s15, s13;
	v38 =	vor.u32 v39, v40;
	v10 =	vbroadcast v7, $0x0;
	v25 =	vbroadcast v22, $0x0  }
0x26: {  	s7 =	sadd.s32 $0x5C400, s11;
	s8 =	sadd.s32 $0x5CC00, s11;
	s10 =	sadd.s32 $0x5DC00, s11;
	v19 =	vbroadcast v17, $0x0;
	v17 =	vor.u32 s29, v39;
	v22 =	vor.u32 v39, v23  }
0x27: {  	s13 =	sadd.s32 s16, s13;
	v23 =	vor.u32 v39, v24;
	v24 =	vor.u32 v39, v25;
	v25 =	vor.u32 s4, v39;
	s4 =	sadd.s32 $0x2600, s6;
	s6 =	sadd.s32 s14, s9  }
0x28: {  	v7 =	vor.u32 v39, v8;
	v8 =	vor.u32 v39, v9;
	v9 =	vor.u32 s28, v39;
	s9 =	sadd.s32 $0x5D400, s11;
	s11 =	sadd.s32 $0x5E400, s11;
	s14 =	sadd.s32 s15, s14  }
0x29: {  	v10 =	vor.u32 v39, v10;
	v19 =	vor.u32 v39, v19;
	s15 =	simm.s32 $0x80;
	v39 =	vor.u32 v39, v41;
	s14 =	sadd.s32 s16, s14;
	s16 =	simm.s32 $0x200  }
.LBB2_1:
0x2a: {  	[tilespmem:$0x200] =	vst v1  }
0x2b: {  	[tilespmem:$0x210] =	vst v2  }
0x2c: {  	[tilespmem:$0x220] =	vst v3  }
0x2d: {  	[tilespmem:$0x230] =	vst v4  }
0x2e: {  	[tilespmem:$0x240] =	vst v5  }
0x2f: {  	[tilespmem:$0x250] =	vst v6  }
0x30: {  	[tilespmem:$0x260] =	vst v7  }
0x31: {  	[tilespmem:$0x270] =	vst v8  }
0x32: {  	[tilespmem:s17], [sflag:$0x1] =	stream.indirect.gather [spmem:s2], $0x80, s16, s15, $0xb8;
	[tilespmem:$0x1C280] =	vst v63  }
0x33: {  	s25 =	sand.u32 $0xFE00, s3;
	_ =	swait.ge [sflag:s18], $0x4000  }
0x34: {  	s26 =	sand.u32 $0x70, s3;
	s25 =	sshrl.u32 s25, $0x2;
	[sflag:s18] =	ssyncset.done $0x0  }
0x35: {  	s25 =	sor.u32 s26, s25;
	[sflag:s18] =	ssyncadd.s32 $0xFFFFC000  }
0x36: {  	v40 =	vld [tilespmem:s25+$0x280];
	_ =	sdelay $0x3  }
0x37: {  	s31 =	simm.s32 $0x40  }
0x38: {  	s28 =	simm.s32 $0x10;
	s29 =	sand.u32 $0xFE00, s31;
	s26 =	simm.s32 $0x80;
	v40 =	vsub.f32 $0.0e+00, v40  }
.LBB2_2:
0x39: {  	p0 =	sne.s32 s26, $0xFFC0;
	s30 =	sand.u32 $0x70, s28;
	s29 =	sshrl.u32 s29, $0x2  }
0x3a: {  	[tilespmem:s25+$0x280] =	vst v40;
	s25 =	sor.u32 s30, s29  }
0x3b: {  	v40 =	vld [tilespmem:s25+$0x280]  }
.Ltmp0:
0x3c: {  	(pc) =	sbr.rel @p0 .LBB2_2-.Ltmp0, $2  }
0x3d: {  	_ =	sdelay $0x2  }
0x3e: {  	s28 =	sadd.s32 $0x10, s28;
	s29 =	sand.u32 $0xFE00, s26;
	s26 =	sadd.s32 $0x40, s26;
	v40 =	vsub.f32 $0.0e+00, v40  }
0x3f: {  	s26 =	sand.u32 $0x70, s28;
	s28 =	sshrl.u32 s29, $0x2  }
0x40: {  	s26 =	sor.u32 s26, s28;
	[tilespmem:s25+$0x280] =	vst v40  }
0x41: {  	v40 =	vld [tilespmem:s26+$0x280];
	_ =	sdelay $0x4  }
0x42: {  	v40 =	vsub.f32 $0.0e+00, v40;
	_ =	sdelay $0x1  }
0x43: {  	[tilespmem:s26+$0x280] =	vst v40  }
0x44: {  	[spmem:s2] =	stream.indirect.scatter.add.f32 [tilespmem:s17], [sflag:$0x3], $0x80, s16, s15, $0xb8;
	[tilespmem:$0x1C280] =	vst v63  }
0x45: {  	_ =	swait.ge [sflag:s19], $0x4000  }
0x46: {  	[sflag:s19] =	ssyncset.done $0x0  }
0x47: {  	[sflag:s19] =	ssyncadd.s32 $0xFFFFC000  }
0x48: {  	[tilespmem:$0x200] =	vst v9  }
0x49: {  	[tilespmem:$0x210] =	vst v10  }
0x4a: {  	[tilespmem:$0x220] =	vst v11  }
0x4b: {  	[tilespmem:$0x230] =	vst v12  }
0x4c: {  	[tilespmem:$0x240] =	vst v13  }
0x4d: {  	[tilespmem:$0x250] =	vst v14  }
0x4e: {  	[tilespmem:$0x260] =	vst v15  }
0x4f: {  	s26 =	simm.s32 $0x0;
	[tilespmem:$0x270] =	vst v16  }
0x50: {  	[tilespmem:s17], [sflag:$0x1] =	stream.indirect.gather [spmem:s2], $0x80, s16, s15, $0xb8;
	[tilespmem:$0x1C280] =	vst v63  }
0x51: {  	s30 =	sand.u32 $0xFE00, s26;
	_ =	swait.ge [sflag:s18], $0x4000  }
0x52: {  	s25 =	sand.u32 $0x70, s26;
	s26 =	sshrl.u32 s30, $0x2;
	[sflag:s18] =	ssyncset.done $0x0  }
0x53: {  	s25 =	sor.u32 s25, s26;
	[sflag:s18] =	ssyncadd.s32 $0xFFFFC000  }
0x54: {  	v63 =	vld [tilespmem:s25+$0x280];
	_ =	sdelay $0x3  }
0x55: {  	s31 =	simm.s32 $0x40  }
0x56: {  	s29 =	sand.u32 $0xFE00, s31;
	s28 =	simm.s32 $0x10;
	s26 =	simm.s32 $0x80;
	v40 =	vsub.f32 $0.0e+00, v63  }
.LBB2_4:
0x57: {  	p0 =	sne.s32 s26, $0xFFC0;
	s30 =	sand.u32 $0x70, s28;
	s29 =	sshrl.u32 s29, $0x2  }
0x58: {  	[tilespmem:s25+$0x280] =	vst v40;
	s25 =	sor.u32 s30, s29  }
0x59: {  	v40 =	vld [tilespmem:s25+$0x280]  }
.Ltmp1:
0x5a: {  	(pc) =	sbr.rel @p0 .LBB2_4-.Ltmp1, $2  }
0x5b: {  	_ =	sdelay $0x2  }
0x5c: {  	s28 =	sadd.s32 $0x10, s28;
	s29 =	sand.u32 $0xFE00, s26;
	s26 =	sadd.s32 $0x40, s26;
	v40 =	vsub.f32 $0.0e+00, v40  }
0x5d: {  	s26 =	sand.u32 $0x70, s28;
	s28 =	sshrl.u32 s29, $0x2  }
0x5e: {  	s26 =	sor.u32 s26, s28;
	[tilespmem:s25+$0x280] =	vst v40  }
0x5f: {  	v40 =	vld [tilespmem:s26+$0x280];
	_ =	sdelay $0x4  }
0x60: {  	v40 =	vsub.f32 $0.0e+00, v40;
	_ =	sdelay $0x1  }
0x61: {  	[tilespmem:s26+$0x280] =	vst v40  }
0x62: {  	[spmem:s2] =	stream.indirect.scatter.add.f32 [tilespmem:s17], [sflag:$0x3], $0x80, s16, s15, $0xb8;
	[tilespmem:$0x1C280] =	vst v63  }
0x63: {  	_ =	swait.ge [sflag:s19], $0x4000  }
0x64: {  	[sflag:s19] =	ssyncset.done $0x0  }
0x65: {  	[sflag:s19] =	ssyncadd.s32 $0xFFFFC000  }
0x66: {  	[tilespmem:$0x200] =	vst v17  }
0x67: {  	[tilespmem:$0x210] =	vst v18  }
0x68: {  	[tilespmem:$0x220] =	vst v19  }
0x69: {  	[tilespmem:$0x230] =	vst v20  }
0x6a: {  	[tilespmem:$0x240] =	vst v21  }
0x6b: {  	[tilespmem:$0x250] =	vst v22  }
0x6c: {  	[tilespmem:$0x260] =	vst v23  }
0x6d: {  	s26 =	simm.s32 $0x0;
	[tilespmem:$0x270] =	vst v24  }
0x6e: {  	[tilespmem:s17], [sflag:$0x1] =	stream.indirect.gather [spmem:s2], $0x80, s16, s15, $0xb8;
	[tilespmem:$0x1C280] =	vst v63  }
0x6f: {  	s30 =	sand.u32 $0xFE00, s26;
	_ =	swait.ge [sflag:s18], $0x4000  }
0x70: {  	s25 =	sand.u32 $0x70, s26;
	s26 =	sshrl.u32 s30, $0x2;
	[sflag:s18] =	ssyncset.done $0x0  }
0x71: {  	s25 =	sor.u32 s25, s26;
	[sflag:s18] =	ssyncadd.s32 $0xFFFFC000  }
0x72: {  	v63 =	vld [tilespmem:s25+$0x280];
	_ =	sdelay $0x3  }
0x73: {  	s31 =	simm.s32 $0x40  }
0x74: {  	s29 =	sand.u32 $0xFE00, s31;
	s28 =	simm.s32 $0x10;
	s26 =	simm.s32 $0x80;
	v40 =	vsub.f32 $0.0e+00, v63  }
.LBB2_6:
0x75: {  	p0 =	sne.s32 s26, $0xFFC0;
	s30 =	sand.u32 $0x70, s28;
	s29 =	sshrl.u32 s29, $0x2  }
0x76: {  	[tilespmem:s25+$0x280] =	vst v40;
	s25 =	sor.u32 s30, s29  }
0x77: {  	v40 =	vld [tilespmem:s25+$0x280]  }
.Ltmp2:
0x78: {  	(pc) =	sbr.rel @p0 .LBB2_6-.Ltmp2, $2  }
0x79: {  	_ =	sdelay $0x2  }
0x7a: {  	s28 =	sadd.s32 $0x10, s28;
	s29 =	sand.u32 $0xFE00, s26;
	s26 =	sadd.s32 $0x40, s26;
	v40 =	vsub.f32 $0.0e+00, v40  }
0x7b: {  	s26 =	sand.u32 $0x70, s28;
	s28 =	sshrl.u32 s29, $0x2  }
0x7c: {  	s26 =	sor.u32 s26, s28;
	[tilespmem:s25+$0x280] =	vst v40  }
0x7d: {  	v40 =	vld [tilespmem:s26+$0x280];
	_ =	sdelay $0x4  }
0x7e: {  	v40 =	vsub.f32 $0.0e+00, v40;
	_ =	sdelay $0x1  }
0x7f: {  	[tilespmem:s26+$0x280] =	vst v40  }
0x80: {  	[spmem:s2] =	stream.indirect.scatter.add.f32 [tilespmem:s17], [sflag:$0x3], $0x80, s16, s15, $0xb8;
	[tilespmem:$0x1C280] =	vst v63  }
0x81: {  	_ =	swait.ge [sflag:s19], $0x4000  }
0x82: {  	[sflag:s19] =	ssyncset.done $0x0  }
0x83: {  	[sflag:s19] =	ssyncadd.s32 $0xFFFFC000  }
0x84: {  	[tilespmem:$0x200] =	vst v25  }
0x85: {  	[tilespmem:$0x210] =	vst v26  }
0x86: {  	[tilespmem:$0x220] =	vst v27  }
0x87: {  	[tilespmem:$0x230] =	vst v28  }
0x88: {  	[tilespmem:$0x240] =	vst v29  }
0x89: {  	[tilespmem:$0x250] =	vst v30  }
0x8a: {  	[tilespmem:$0x260] =	vst v31  }
0x8b: {  	s26 =	simm.s32 $0x0;
	[tilespmem:$0x270] =	vst v32  }
0x8c: {  	[tilespmem:s17], [sflag:$0x1] =	stream.indirect.gather [spmem:s2], $0x80, s16, s15, $0xb8;
	[tilespmem:$0x1C280] =	vst v63  }
0x8d: {  	s30 =	sand.u32 $0xFE00, s26;
	_ =	swait.ge [sflag:s18], $0x4000  }
0x8e: {  	s25 =	sand.u32 $0x70, s26;
	s26 =	sshrl.u32 s30, $0x2;
	[sflag:s18] =	ssyncset.done $0x0  }
0x8f: {  	s25 =	sor.u32 s25, s26;
	[sflag:s18] =	ssyncadd.s32 $0xFFFFC000  }
0x90: {  	v63 =	vld [tilespmem:s25+$0x280];
	_ =	sdelay $0x3  }
0x91: {  	s31 =	simm.s32 $0x40  }
0x92: {  	s29 =	sand.u32 $0xFE00, s31;
	s28 =	simm.s32 $0x10;
	s26 =	simm.s32 $0x80;
	v40 =	vsub.f32 $0.0e+00, v63  }
.LBB2_8:
0x93: {  	p0 =	sne.s32 s26, $0xFFC0;
	s30 =	sand.u32 $0x70, s28;
	s29 =	sshrl.u32 s29, $0x2  }
0x94: {  	[tilespmem:s25+$0x280] =	vst v40;
	s25 =	sor.u32 s30, s29  }
0x95: {  	v40 =	vld [tilespmem:s25+$0x280]  }
.Ltmp3:
0x96: {  	(pc) =	sbr.rel @p0 .LBB2_8-.Ltmp3, $2  }
0x97: {  	_ =	sdelay $0x2  }
0x98: {  	s28 =	sadd.s32 $0x10, s28;
	s29 =	sand.u32 $0xFE00, s26;
	s26 =	sadd.s32 $0x40, s26;
	v40 =	vsub.f32 $0.0e+00, v40  }
0x99: {  	s26 =	sand.u32 $0x70, s28;
	s28 =	sshrl.u32 s29, $0x2  }
0x9a: {  	s26 =	sor.u32 s26, s28;
	[tilespmem:s25+$0x280] =	vst v40  }
0x9b: {  	v40 =	vld [tilespmem:s26+$0x280];
	_ =	sdelay $0x4  }
0x9c: {  	v40 =	vsub.f32 $0.0e+00, v40;
	_ =	sdelay $0x1  }
0x9d: {  	[tilespmem:s26+$0x280] =	vst v40  }
0x9e: {  	[spmem:s2] =	stream.indirect.scatter.add.f32 [tilespmem:s17], [sflag:$0x3], $0x80, s16, s15, $0xb8;
	[tilespmem:$0x1C280] =	vst v63  }
0x9f: {  	_ =	swait.ge [sflag:s19], $0x4000  }
0xa0: {  	[sflag:s19] =	ssyncset.done $0x0  }
0xa1: {  	[sflag:s19] =	ssyncadd.s32 $0xFFFFC000  }
0xa2: {  	[tilespmem:$0x200] =	vst v0  }
0xa3: {  	[tilespmem:$0x210] =	vst v33  }
0xa4: {  	[tilespmem:$0x220] =	vst v34  }
0xa5: {  	[tilespmem:$0x230] =	vst v35  }
0xa6: {  	[tilespmem:$0x240] =	vst v36  }
0xa7: {  	[tilespmem:$0x250] =	vst v37  }
0xa8: {  	[tilespmem:$0x260] =	vst v38  }
0xa9: {  	s26 =	simm.s32 $0x0;
	[tilespmem:$0x270] =	vst v39  }
0xaa: {  	[tilespmem:s17], [sflag:$0x1] =	stream.indirect.gather [spmem:s2], $0x80, s16, s15, $0xb8;
	[tilespmem:$0x1C280] =	vst v63  }
0xab: {  	s30 =	sand.u32 $0xFE00, s26;
	_ =	swait.ge [sflag:s18], $0x4000  }
0xac: {  	s25 =	sand.u32 $0x70, s26;
	s26 =	sshrl.u32 s30, $0x2;
	[sflag:s18] =	ssyncset.done $0x0  }
0xad: {  	s25 =	sor.u32 s25, s26;
	[sflag:s18] =	ssyncadd.s32 $0xFFFFC000  }
0xae: {  	v63 =	vld [tilespmem:s25+$0x280];
	_ =	sdelay $0x3  }
0xaf: {  	s31 =	simm.s32 $0x40  }
0xb0: {  	s29 =	sand.u32 $0xFE00, s31;
	s28 =	simm.s32 $0x10;
	s26 =	simm.s32 $0x80;
	v40 =	vsub.f32 $0.0e+00, v63  }
.LBB2_10:
0xb1: {  	p0 =	sne.s32 s26, $0xFFC0;
	s30 =	sand.u32 $0x70, s28;
	s29 =	sshrl.u32 s29, $0x2  }
0xb2: {  	[tilespmem:s25+$0x280] =	vst v40;
	s25 =	sor.u32 s30, s29  }
0xb3: {  	v40 =	vld [tilespmem:s25+$0x280]  }
.Ltmp4:
0xb4: {  	(pc) =	sbr.rel @p0 .LBB2_10-.Ltmp4, $2  }
0xb5: {  	_ =	sdelay $0x2  }
0xb6: {  	s28 =	sadd.s32 $0x10, s28;
	s29 =	sand.u32 $0xFE00, s26;
	s26 =	sadd.s32 $0x40, s26;
	v40 =	vsub.f32 $0.0e+00, v40  }
0xb7: {  	s26 =	sand.u32 $0x70, s28;
	s28 =	sshrl.u32 s29, $0x2  }
0xb8: {  	s26 =	sor.u32 s26, s28;
	[tilespmem:s25+$0x280] =	vst v40  }
0xb9: {  	v40 =	vld [tilespmem:s26+$0x280];
	_ =	sdelay $0x4  }
0xba: {  	v40 =	vsub.f32 $0.0e+00, v40;
	_ =	sdelay $0x1  }
0xbb: {  	[tilespmem:s26+$0x280] =	vst v40  }
0xbc: {  	[spmem:s2] =	stream.indirect.scatter.add.f32 [tilespmem:s17], [sflag:$0x3], $0x80, s16, s15, $0xb8;
	[tilespmem:$0x1C280] =	vst v63  }
0xbd: {  	_ =	swait.ge [sflag:s19], $0x4000  }
0xbe: {  	[sflag:s19] =	ssyncset.done $0x0  }
0xbf: {  	[sflag:s19] =	ssyncadd.s32 $0xFFFFC000  }
0xc0: {  	s30 =	simm.s32 $0x0;
	[bflag:$0x0] =	sbarrier.arrive $0xFFFF  }
0xc1: {  	[tilespmem:s30], [sflag:$0x3] =	stream.linear.gather [hbm4b:s5+s30], $0x80, $0x38;
	[tilespmem:$0x1C280] =	vst v63  }
0xc2: {  	_ =	swait.ge [sflag:s19], $0x80  }
0xc3: {  	[sflag:s19] =	ssyncset.done $0x0  }
0xc4: {  	[sflag:s19] =	ssyncadd.s32 $0xFFFFFF80  }
0xc5: {  	[tilespmem:s20], [sflag:$0x3] =	stream.linear.gather [hbm4b:s6+s30], $0x80, $0x38;
	[tilespmem:$0x1C280] =	vst v63  }
0xc6: {  	_ =	swait.ge [sflag:s19], $0x80  }
0xc7: {  	[sflag:s19] =	ssyncset.done $0x0  }
0xc8: {  	s25 =	sadd.s32 $0x0, s13;
	[sflag:s19] =	ssyncadd.s32 $0xFFFFFF80  }
0xc9: {  	[tilespmem:s17], [sflag:$0x1] =	stream.indirect.gather [hbm4b:s4+s15], $0x80, s30, s15, $0xb8;
	[tilespmem:$0x1C280] =	vst v63  }
0xca: {  	s31 =	sadd.s32 $0x200, s25  }
0xcb: {  	[tilespmem:s15], [sflag:$0x3] =	stream.linear.gather [hbm4b:s31+s3], $0x80, $0x38;
	[tilespmem:$0x1C280] =	vst v63  }
0xcc: {  	_ =	swait.ge [sflag:s19], $0x80  }
0xcd: {  	s30 =	sadd.s32 $0x0, s14;
	[sflag:s19] =	ssyncset.done $0x0  }
0xce: {  	s28 =	sadd.s32 $0x200, s30;
	[sflag:s19] =	ssyncadd.s32 $0xFFFFFF80  }
0xcf: {  	[tilespmem:s21], [sflag:$0x3] =	stream.linear.gather [hbm4b:s28+s3], $0x80, $0x38;
	[tilespmem:$0x1C280] =	vst v63  }
0xd0: {  	_ =	swait.ge [sflag:s19], $0x80  }
0xd1: {  	[sflag:s19] =	ssyncset.done $0x0  }
0xd2: {  	[sflag:s19] =	ssyncadd.s32 $0xFFFFFF80  }
0xd3: {  	[tilespmem:s22], [sflag:$0x2] =	stream.indirect.gather [hbm4b:s4+s15], $0x80, s15, s15, $0xb8;
	[tilespmem:$0x1C280] =	vst v63  }
0xd4: {  	_ =	swait.ge [sflag:s18], $0x4000  }
0xd5: {  	[sflag:s18] =	ssyncset.done $0x0  }
0xd6: {  	[sflag:s18] =	ssyncadd.s32 $0xFFFFC000  }
0xd7: {  	[spmem:s2] =	stream.indirect.scatter.add.f32 [tilespmem:s17], [sflag:$0x3], $0x80, s20, s15, $0xb8;
	[tilespmem:$0x1C280] =	vst v63  }
0xd8: {  	_ =	swait.ge [sflag:s19], $0x4000  }
0xd9: {  	[sflag:s19] =	ssyncset.done $0x0  }
0xda: {  	s25 =	sadd.s32 $0x400, s25;
	[sflag:s19] =	ssyncadd.s32 $0xFFFFC000  }
0xdb: {  	[tilespmem:s3], [sflag:$0x3] =	stream.linear.gather [hbm4b:s25+s3], $0x80, $0x38;
	[tilespmem:$0x1C280] =	vst v63  }
0xdc: {  	_ =	swait.ge [sflag:s19], $0x80  }
0xdd: {  	[sflag:s19] =	ssyncset.done $0x0  }
0xde: {  	s31 =	sadd.s32 $0x400, s30;
	[sflag:s19] =	ssyncadd.s32 $0xFFFFFF80  }
0xdf: {  	[tilespmem:s20], [sflag:$0x3] =	stream.linear.gather [hbm4b:s31+s3], $0x80, $0x38;
	[tilespmem:$0x1C280] =	vst v63  }
0xe0: {  	_ =	swait.ge [sflag:s19], $0x80  }
0xe1: {  	[sflag:s19] =	ssyncset.done $0x0  }
0xe2: {  	[sflag:s19] =	ssyncadd.s32 $0xFFFFFF80  }
0xe3: {  	[tilespmem:s17], [sflag:$0x1] =	stream.indirect.gather [hbm4b:s4+s15], $0x80, s3, s15, $0xb8;
	[tilespmem:$0x1C280] =	vst v63  }
0xe4: {  	_ =	swait.ge [sflag:s23], $0x4000  }
0xe5: {  	[sflag:s23] =	ssyncset.done $0x0  }
0xe6: {  	[sflag:s23] =	ssyncadd.s32 $0xFFFFC000  }
0xe7: {  	[spmem:s2] =	stream.indirect.scatter.add.f32 [tilespmem:s22], [sflag:$0x3], $0x80, s21, s15, $0xb8;
	[tilespmem:$0x1C280] =	vst v63  }
0xe8: {  	s29 =	simm.s32 $0x800;
	_ =	swait.ge [sflag:s19], $0x4000  }
0xe9: {  	s28 =	sadd.s32 $0x400, s13;
	s25 =	simm.s32 $0x400;
	[sflag:s19] =	ssyncset.done $0x0  }
.LBB2_12:
0xea: {  	s30 =	sadd.s32 $0x200, s28  }
0xeb: {  	[sflag:s19] =	ssyncadd.s32 $0xFFFFC000;
	s31 =	smov.u32 s29;
	s26 =	sadd.s32 $0x400, s29  }
0xec: {  	[tilespmem:s15], [sflag:$0x3] =	stream.linear.gather [hbm4b:s30+s3], $0x80, $0x38;
	[tilespmem:$0x1C280] =	vst v63  }
0xed: {  	p0 =	sne.s32 s29, $0x9800;
	_ =	swait.ge [sflag:s19], $0x80  }
0xee: {  	s29 =	sadd.s32 s25, s14;
	s25 =	smov.u32 s31;
	[sflag:s19] =	ssyncset.done $0x0  }
0xef: {  	s30 =	sadd.s32 $0x200, s29;
	[sflag:s19] =	ssyncadd.s32 $0xFFFFFF80  }
0xf0: {  	[tilespmem:s21], [sflag:$0x3] =	stream.linear.gather [hbm4b:s30+s3], $0x80, $0x38;
	[tilespmem:$0x1C280] =	vst v63  }
0xf1: {  	_ =	swait.ge [sflag:s19], $0x80  }
0xf2: {  	[sflag:s19] =	ssyncset.done $0x0  }
0xf3: {  	[sflag:s19] =	ssyncadd.s32 $0xFFFFFF80  }
0xf4: {  	[tilespmem:s22], [sflag:$0x2] =	stream.indirect.gather [hbm4b:s4+s15], $0x80, s15, s15, $0xb8;
	[tilespmem:$0x1C280] =	vst v63  }
0xf5: {  	_ =	swait.ge [sflag:s18], $0x4000  }
0xf6: {  	[sflag:s18] =	ssyncset.done $0x0  }
0xf7: {  	[sflag:s18] =	ssyncadd.s32 $0xFFFFC000  }
0xf8: {  	[spmem:s2] =	stream.indirect.scatter.add.f32 [tilespmem:s17], [sflag:$0x3], $0x80, s20, s15, $0xb8;
	[tilespmem:$0x1C280] =	vst v63  }
0xf9: {  	_ =	swait.ge [sflag:s19], $0x4000  }
0xfa: {  	[sflag:s19] =	ssyncset.done $0x0  }
0xfb: {  	s28 =	sadd.s32 $0x400, s28;
	[sflag:s19] =	ssyncadd.s32 $0xFFFFC000  }
0xfc: {  	[tilespmem:s3], [sflag:$0x3] =	stream.linear.gather [hbm4b:s28+s3], $0x80, $0x38;
	[tilespmem:$0x1C280] =	vst v63  }
0xfd: {  	_ =	swait.ge [sflag:s19], $0x80  }
0xfe: {  	[sflag:s19] =	ssyncset.done $0x0  }
0xff: {  	s28 =	sadd.s32 $0x400, s29;
	[sflag:s19] =	ssyncadd.s32 $0xFFFFFF80  }
0x100: {  	[tilespmem:s20], [sflag:$0x3] =	stream.linear.gather [hbm4b:s28+s3], $0x80, $0x38;
	[tilespmem:$0x1C280] =	vst v63  }
0x101: {  	_ =	swait.ge [sflag:s19], $0x80  }
0x102: {  	[sflag:s19] =	ssyncset.done $0x0  }
0x103: {  	[sflag:s19] =	ssyncadd.s32 $0xFFFFFF80  }
0x104: {  	[tilespmem:s17], [sflag:$0x1] =	stream.indirect.gather [hbm4b:s4+s15], $0x80, s3, s15, $0xb8;
	[tilespmem:$0x1C280] =	vst v63  }
0x105: {  	_ =	swait.ge [sflag:s23], $0x4000  }
.Ltmp5:
0x106: {  	[sflag:s23] =	ssyncset.done $0x0;
	(pc) =	sbr.rel @p0 .LBB2_12-.Ltmp5, $4  }
0x107: {  	[sflag:s23] =	ssyncadd.s32 $0xFFFFC000  }
0x108: {  	[spmem:s2] =	stream.indirect.scatter.add.f32 [tilespmem:s22], [sflag:$0x3], $0x80, s21, s15, $0xb8;
	[tilespmem:$0x1C280] =	vst v63  }
0x109: {  	_ =	swait.ge [sflag:s19], $0x4000  }
0x10a: {  	s29 =	smov.u32 s26;
	s28 =	sadd.s32 s25, s13;
	[sflag:s19] =	ssyncset.done $0x0  }
0x10b: {  	s26 =	sadd.s32 $0x200, s28;
	[sflag:s19] =	ssyncadd.s32 $0xFFFFC000  }
0x10c: {  	[tilespmem:s15], [sflag:$0x3] =	stream.linear.gather [hbm4b:s26+s3], $0x80, $0x38;
	[tilespmem:$0x1C280] =	vst v63  }
0x10d: {  	_ =	swait.ge [sflag:s19], $0x80  }
0x10e: {  	s25 =	sadd.s32 s25, s14;
	[sflag:s19] =	ssyncset.done $0x0  }
0x10f: {  	s30 =	sadd.s32 $0x200, s25;
	[sflag:s19] =	ssyncadd.s32 $0xFFFFFF80  }
0x110: {  	[tilespmem:s21], [sflag:$0x3] =	stream.linear.gather [hbm4b:s30+s3], $0x80, $0x38;
	[tilespmem:$0x1C280] =	vst v63  }
0x111: {  	_ =	swait.ge [sflag:s19], $0x80  }
0x112: {  	[sflag:s19] =	ssyncset.done $0x0  }
0x113: {  	[sflag:s19] =	ssyncadd.s32 $0xFFFFFF80  }
0x114: {  	[tilespmem:s22], [sflag:$0x2] =	stream.indirect.gather [hbm4b:s4+s15], $0x80, s15, s15, $0xb8;
	[tilespmem:$0x1C280] =	vst v63  }
0x115: {  	_ =	swait.ge [sflag:s18], $0x4000  }
0x116: {  	[sflag:s18] =	ssyncset.done $0x0  }
0x117: {  	[sflag:s18] =	ssyncadd.s32 $0xFFFFC000  }
0x118: {  	[spmem:s2] =	stream.indirect.scatter.add.f32 [tilespmem:s17], [sflag:$0x3], $0x80, s20, s15, $0xb8;
	[tilespmem:$0x1C280] =	vst v63  }
0x119: {  	_ =	swait.ge [sflag:s19], $0x4000  }
0x11a: {  	[sflag:s19] =	ssyncset.done $0x0  }
0x11b: {  	s31 =	sadd.s32 $0x400, s28;
	[sflag:s19] =	ssyncadd.s32 $0xFFFFC000  }
0x11c: {  	[tilespmem:s3], [sflag:$0x3] =	stream.linear.gather [hbm4b:s31+s3], $0x80, $0x38;
	[tilespmem:$0x1C280] =	vst v63  }
0x11d: {  	_ =	swait.ge [sflag:s19], $0x80  }
0x11e: {  	[sflag:s19] =	ssyncset.done $0x0  }
0x11f: {  	s25 =	sadd.s32 $0x400, s25;
	[sflag:s19] =	ssyncadd.s32 $0xFFFFFF80  }
0x120: {  	[tilespmem:s20], [sflag:$0x3] =	stream.linear.gather [hbm4b:s25+s3], $0x80, $0x38;
	[tilespmem:$0x1C280] =	vst v63  }
0x121: {  	_ =	swait.ge [sflag:s19], $0x80  }
0x122: {  	[sflag:s19] =	ssyncset.done $0x0  }
0x123: {  	[sflag:s19] =	ssyncadd.s32 $0xFFFFFF80  }
0x124: {  	[tilespmem:s17], [sflag:$0x1] =	stream.indirect.gather [hbm4b:s4+s15], $0x80, s3, s15, $0xb8;
	[tilespmem:$0x1C280] =	vst v63  }
0x125: {  	_ =	swait.ge [sflag:s23], $0x4000  }
0x126: {  	[sflag:s23] =	ssyncset.done $0x0  }
0x127: {  	[sflag:s23] =	ssyncadd.s32 $0xFFFFC000  }
0x128: {  	[spmem:s2] =	stream.indirect.scatter.add.f32 [tilespmem:s22], [sflag:$0x3], $0x80, s21, s15, $0xb8;
	[tilespmem:$0x1C280] =	vst v63  }
0x129: {  	_ =	swait.ge [sflag:s19], $0x4000  }
0x12a: {  	[sflag:s19] =	ssyncset.done $0x0  }
0x12b: {  	[sflag:s19] =	ssyncadd.s32 $0xFFFFC000  }
0x12c: {  	_ =	swait.ge [sflag:s18], $0x4000  }
0x12d: {  	[sflag:s18] =	ssyncset.done $0x0  }
0x12e: {  	[sflag:s18] =	ssyncadd.s32 $0xFFFFC000  }
0x12f: {  	[spmem:s2] =	stream.indirect.scatter.add.f32 [tilespmem:s17], [sflag:$0x3], $0x80, s20, s15, $0xb8;
	[tilespmem:$0x1C280] =	vst v63  }
0x130: {  	_ =	swait.ge [sflag:s19], $0x4000  }
0x131: {  	[sflag:s19] =	ssyncset.done $0x0  }
0x132: {  	[sflag:s19] =	ssyncadd.s32 $0xFFFFC000  }
0x133: {  	[bflag:$0x0] =	sbarrier.arrive $0xFFFF  }
0x134: {  	[tilespmem:$0x200] =	vst v1  }
0x135: {  	[tilespmem:$0x210] =	vst v2  }
0x136: {  	[tilespmem:$0x220] =	vst v3  }
0x137: {  	[tilespmem:$0x230] =	vst v4  }
0x138: {  	[tilespmem:$0x240] =	vst v5  }
0x139: {  	[tilespmem:$0x250] =	vst v6  }
0x13a: {  	[tilespmem:$0x260] =	vst v7  }
0x13b: {  	[tilespmem:$0x270] =	vst v8  }
0x13c: {  	[tilespmem:s17], [sflag:$0x1] =	stream.indirect.gather [spmem:s2], $0x80, s16, s15, $0xb8;
	[tilespmem:$0x1C280] =	vst v63  }
0x13d: {  	_ =	swait.ge [sflag:s18], $0x4000  }
0x13e: {  	[sflag:s18] =	ssyncset.done $0x0  }
0x13f: {  	[sflag:s18] =	ssyncadd.s32 $0xFFFFC000  }
0x140: {  	[hbm4b:s7+s3] =	stream.linear.scatter [tilespmem:s17], [sflag:$0x3], $0x4000, $0x38;
	[tilespmem:$0x1C280] =	vst v63  }
0x141: {  	_ =	swait.ge [sflag:s19], $0x4000  }
0x142: {  	[sflag:s19] =	ssyncset.done $0x0  }
0x143: {  	[sflag:s19] =	ssyncadd.s32 $0xFFFFC000  }
0x144: {  	[tilespmem:$0x200] =	vst v9  }
0x145: {  	[tilespmem:$0x210] =	vst v10  }
0x146: {  	[tilespmem:$0x220] =	vst v11  }
0x147: {  	[tilespmem:$0x230] =	vst v12  }
0x148: {  	[tilespmem:$0x240] =	vst v13  }
0x149: {  	[tilespmem:$0x250] =	vst v14  }
0x14a: {  	[tilespmem:$0x260] =	vst v15  }
0x14b: {  	[tilespmem:$0x270] =	vst v16  }
0x14c: {  	[tilespmem:s17], [sflag:$0x1] =	stream.indirect.gather [spmem:s2], $0x80, s16, s15, $0xb8;
	[tilespmem:$0x1C280] =	vst v63  }
0x14d: {  	_ =	swait.ge [sflag:s18], $0x4000  }
0x14e: {  	[sflag:s18] =	ssyncset.done $0x0  }
0x14f: {  	[sflag:s18] =	ssyncadd.s32 $0xFFFFC000  }
0x150: {  	[hbm4b:s8+s3] =	stream.linear.scatter [tilespmem:s17], [sflag:$0x3], $0x4000, $0x38;
	[tilespmem:$0x1C280] =	vst v63  }
0x151: {  	_ =	swait.ge [sflag:s19], $0x4000  }
0x152: {  	[sflag:s19] =	ssyncset.done $0x0  }
0x153: {  	[sflag:s19] =	ssyncadd.s32 $0xFFFFC000  }
0x154: {  	[tilespmem:$0x200] =	vst v17  }
0x155: {  	[tilespmem:$0x210] =	vst v18  }
0x156: {  	[tilespmem:$0x220] =	vst v19  }
0x157: {  	[tilespmem:$0x230] =	vst v20  }
0x158: {  	[tilespmem:$0x240] =	vst v21  }
0x159: {  	[tilespmem:$0x250] =	vst v22  }
0x15a: {  	[tilespmem:$0x260] =	vst v23  }
0x15b: {  	[tilespmem:$0x270] =	vst v24  }
0x15c: {  	[tilespmem:s17], [sflag:$0x1] =	stream.indirect.gather [spmem:s2], $0x80, s16, s15, $0xb8;
	[tilespmem:$0x1C280] =	vst v63  }
0x15d: {  	_ =	swait.ge [sflag:s18], $0x4000  }
0x15e: {  	[sflag:s18] =	ssyncset.done $0x0  }
0x15f: {  	[sflag:s18] =	ssyncadd.s32 $0xFFFFC000  }
0x160: {  	[hbm4b:s9+s3] =	stream.linear.scatter [tilespmem:s17], [sflag:$0x3], $0x4000, $0x38;
	[tilespmem:$0x1C280] =	vst v63  }
0x161: {  	_ =	swait.ge [sflag:s19], $0x4000  }
0x162: {  	[sflag:s19] =	ssyncset.done $0x0  }
0x163: {  	[sflag:s19] =	ssyncadd.s32 $0xFFFFC000  }
0x164: {  	[tilespmem:$0x200] =	vst v25  }
0x165: {  	[tilespmem:$0x210] =	vst v26  }
0x166: {  	[tilespmem:$0x220] =	vst v27  }
0x167: {  	[tilespmem:$0x230] =	vst v28  }
0x168: {  	[tilespmem:$0x240] =	vst v29  }
0x169: {  	[tilespmem:$0x250] =	vst v30  }
0x16a: {  	[tilespmem:$0x260] =	vst v31  }
0x16b: {  	[tilespmem:$0x270] =	vst v32  }
0x16c: {  	[tilespmem:s17], [sflag:$0x1] =	stream.indirect.gather [spmem:s2], $0x80, s16, s15, $0xb8;
	[tilespmem:$0x1C280] =	vst v63  }
0x16d: {  	_ =	swait.ge [sflag:s18], $0x4000  }
0x16e: {  	[sflag:s18] =	ssyncset.done $0x0  }
0x16f: {  	[sflag:s18] =	ssyncadd.s32 $0xFFFFC000  }
0x170: {  	[hbm4b:s10+s3] =	stream.linear.scatter [tilespmem:s17], [sflag:$0x3], $0x4000, $0x38;
	[tilespmem:$0x1C280] =	vst v63  }
0x171: {  	_ =	swait.ge [sflag:s19], $0x4000  }
0x172: {  	[sflag:s19] =	ssyncset.done $0x0  }
0x173: {  	[sflag:s19] =	ssyncadd.s32 $0xFFFFC000  }
0x174: {  	[tilespmem:$0x200] =	vst v0  }
0x175: {  	[tilespmem:$0x210] =	vst v33  }
0x176: {  	[tilespmem:$0x220] =	vst v34  }
0x177: {  	[tilespmem:$0x230] =	vst v35  }
0x178: {  	[tilespmem:$0x240] =	vst v36  }
0x179: {  	[tilespmem:$0x250] =	vst v37  }
0x17a: {  	[tilespmem:$0x260] =	vst v38  }
0x17b: {  	[tilespmem:$0x270] =	vst v39  }
0x17c: {  	[tilespmem:s17], [sflag:$0x1] =	stream.indirect.gather [spmem:s2], $0x80, s16, s15, $0xb8;
	[tilespmem:$0x1C280] =	vst v63  }
0x17d: {  	s24 =	sadd.s32 $0x1, s24;
	_ =	swait.ge [sflag:s18], $0x4000  }
0x17e: {  	p0 =	sne.s32 s24, s12;
	[sflag:s18] =	ssyncset.done $0x0  }
.Ltmp6:
0x17f: {  	[sflag:s18] =	ssyncadd.s32 $0xFFFFC000;
	(pc) =	sbr.rel @p0 .LBB2_1-.Ltmp6, $4  }
0x180: {  	[hbm4b:s11+s3] =	stream.linear.scatter [tilespmem:s17], [sflag:$0x3], $0x4000, $0x38;
	[tilespmem:$0x1C280] =	vst v63  }
0x181: {  	_ =	swait.ge [sflag:s19], $0x4000  }
0x182: {  	[sflag:s19] =	ssyncset.done $0x0  }
0x183: {  	[sflag:s19] =	ssyncadd.s32 $0xFFFFC000  }
0x184: {  	_ =	sfence.sel $0x180000  }
0x185: {  	[bflag:$0x0] =	sbarrier.arrive $0xFFFF  }
0x186: {  	p0 =	sne.s32 s0, $0x0;
	_ =	strace $0x9000004D  }
0x187: {  	s0 =	sadd.s32 @!p0 $0x100000, s1;
	[bflag:$0x2] =	sbarrier.arrive $0xFFFF  }
0x188: {  	[sflag:s0] =	ssyncadd.tile.s32 @!p0 $0x1;
	_ =	shalt  }
.Lfunc_end2:
_tile_overlayer_lowered:
.L_overlay_start_2:
0x189: {  	(tag) =	ssettag $0x2  }
0x18a: {  	s0 =	rddreg [dreg:$0x0];
	s2 =	stileid.u32  }
0x18b: {  	s1 =	rddreg [dreg:$0x1];
	p0 =	sne.s32 s2, $0x0  }
0x18c: {  	s3 =	rddreg [dreg:$0x2];
	[bflag:$0x3] =	sbarrier.arrive $0xFFFF;
	s2 =	simm.s32 @!p0 $0x1C03  }
0x18d: {  	[timem:s3], [sflag:s2] =	dma.local @!p0 [hbm:s0], s1  }
0x18e: {  	s0 =	simm.s32 @!p0 $0x3  }
0x18f: {  	_ =	swait.ge @!p0 [sflag:s0], s1  }
0x190: {  	s1 =	ssub.s32 @!p0 $0x0, s1;
	[sflag:s0] =	ssyncset.done @!p0 $0x0  }
0x191: {  	[sflag:s0] =	ssyncadd.s32 @!p0 s1  }
0x192: {  	[bflag:$0x3] =	sbarrier.arrive $0xFFFF  }
0x193: {  	_ =	shalt  }

// kernel: kernel.18.cloned.1.call-start
scs
__scs_entry_jumppad:
0x0: {  	(pc) =	sbr.rel $0x88, $3  }
0x1: {  	(tag) =	ssettag $0x0;
	lr =	simm.s32 $0x1  }
0x2: {  	[smem:$0x3F99] =	sst lr;
	_ =	strace $0xD0000000  }
0x3: {  	_ = 	snop  }
0x4: {  	_ = 	snop  }
0x5: {  	_ = 	snop  }
0x6: {  	_ = 	snop  }
0x7: {  	_ = 	snop  }
__scs_overlays_trampoline_lowered:
0x8: {  	[smem:$0x3FA8] =	sst s0  }
0x9: {  	[smem:$0x3FA9] =	sst s1  }
0xa: {  	[smem:$0x3FAA] =	sst s2  }
0xb: {  	[smem:$0x3FAB] =	sst s3  }
0xc: {  	[smem:$0x3FAC] =	sst s4  }
0xd: {  	[smem:$0x3FAD] =	sst s5  }
0xe: {  	[smem:$0x3FAE] =	sst s6  }
0xf: {  	[smem:$0x3FAF] =	sst s7  }
0x10: {  	[smem:$0x3FB0] =	sst s8  }
0x11: {  	[smem:$0x3FB1] =	sst s9;
	s0 =	simm.s32 @!p0 $0x0  }
0x12: {  	s1 =	sld [smem:$0x3F97];
	s0 =	simm.s32 @p0 $0x1  }
0x13: {  	[smem:$0x3FB2] =	sst s0;
	s0 =	simm.s32 @!p1 $0x0  }
0x14: {  	s2 =	sld [smem:$0x3F96];
	s0 =	simm.s32 @p1 $0x1  }
0x15: {  	[smem:$0x3FB3] =	sst s0;
	s0 =	simm.s32 @!p2 $0x0  }
0x16: {  	s3 =	sld [smem:$0x3FDB];
	s0 =	simm.s32 @p2 $0x1  }
0x17: {  	s4 =	simm.s32 $0x1BF5;
	[smem:$0x3FB5] =	sst s0  }
0x18: {  	s0 =	sld [smem:$0x3F98];
	_ =	swait.ge [sflag:s4], $0x0  }
0x19: {  	s7 =	sld [smem:$0x3F99]  }
0x1a: {  	s8 =	sadd.s32 $0xFFFFE003, lr  }
0x1b: {  	s9 =	sadd.s32 $0xFFFFFEF7, lr;
	s5 =	simm.s32 $0xFFFFFFFF;
	p2 =	slt.u32 s8, $0xFFFFF086  }
0x1c: {  	p1 =	slt.u32 s9, $0xF7A;
	s5 =	simm.s32 @!p2 $0x0  }
0x1d: {  	s5 =	simm.s32 @p1 $0x1;
	p0 =	seq.s32 s7, s2  }
0x1e: {  	s7 =	smul.u32 @!p0 $0xF7A, s2;
	p2 =	seq.s32 @!p0 s5, $0x0  }
0x1f: {  	s9 =	smul.u32 $0xF7A, s1;
	s8 =	simm.s32 @!p0 $0x1BF5;
	p2 =	por !p2, p0  }
0x20: {  	[sflag:s8] =	ssyncset.s32 @!p0 $0xFFFFF086;
	s6 =	sadd.s32 @!p0 s3, s7;
	s7 =	simm.s32 @!p0 $0x108  }
0x21: {  	s3 =	sadd.s32 s3, s9;
	s6 =	sadd.s32 @!p0 $0x88, s6;
	s7 =	simm.s32 @p2 $0x1082  }
0x22: {  	[simem:s7], [sflag:s8] =	dma.local @!p0 [hbm:s6], $0xF7A  }
0x23: {  	s9 =	sor.u32 $0xD0000000, s2;
	s6 =	simm.s32 $0x108;
	_ =	swait.ge @!p0 [sflag:s8], $0x0  }
0x24: {  	s3 =	sadd.s32 $0x88, s3;
	s6 =	simm.s32 @!p1 $0x1082;
	[sflag:s4] =	ssyncset.s32 $0xFFFFF086  }
0x25: {  	[simem:s6], [sflag:s4] =	dma.local [hbm:s3], $0xF7A  }
0x26: {  	[smem:$0x3F99] =	sst s1;
	(tag) =	ssettag s2;
	_ =	strace s9  }
0x27: {  	s1 =	sld [smem:$0x3FA9]  }
0x28: {  	s2 =	sld [smem:$0x3FAA]  }
0x29: {  	s4 =	sld [smem:$0x3FAC]  }
0x2a: {  	p0 =	seq.s32 s5, $0x0;
	s5 =	sld [smem:$0x3FAD]  }
0x2b: {  	s6 =	sld [smem:$0x3FAE]  }
0x2c: {  	s7 =	sld [smem:$0x3FAF]  }
0x2d: {  	s3 =	simm.s32 $0x108;
	s8 =	sld [smem:$0x3FB0]  }
0x2e: {  	s3 =	simm.s32 @!p0 $0x1082;
	s9 =	sld [smem:$0x3FB1]  }
0x2f: {  	lr =	sadd.s32 s0, s3;
	s0 =	sld [smem:$0x3FA8]  }
0x30: {  	s3 =	sld [smem:$0x3FAB]  }
0x31: {  	[smem:$0x3FB4] =	sst s10  }
0x32: {  	s10 =	sld [smem:$0x3FB2];
	_ =	sdelay $0x3  }
0x33: {  	p0 =	seq.s32 s10, $0x1;
	s10 =	sld [smem:$0x3FB4];
	_ =	sdelay $0x3  }
0x34: {  	[smem:$0x3FB4] =	sst s10  }
0x35: {  	s10 =	sld [smem:$0x3FB3];
	_ =	sdelay $0x3  }
0x36: {  	p1 =	seq.s32 s10, $0x1;
	s10 =	sld [smem:$0x3FB4];
	_ =	sdelay $0x3  }
0x37: {  	[smem:$0x3FB4] =	sst s10  }
0x38: {  	s10 =	sld [smem:$0x3FB5]  }
0x39: {  	_ = 	snop;
	(pc) =	sbr.ind lr, $3  }
0x3a: {  	_ = 	snop  }
0x3b: {  	_ = 	snop  }
0x3c: {  	p2 =	seq.s32 s10, $0x1;
	s10 =	sld [smem:$0x3FB4]  }
0x3d: {  	_ =	shalt  }
0x3e: {  	_ =	shalt  }
0x3f: {  	_ =	shalt  }
0x40: {  	_ =	shalt  }
0x41: {  	_ =	shalt  }
0x42: {  	_ =	shalt  }
0x43: {  	_ =	shalt  }
0x44: {  	_ =	shalt  }
0x45: {  	_ =	shalt  }
0x46: {  	_ =	shalt  }
0x47: {  	_ =	shalt  }
0x48: {  	_ =	shalt  }
0x49: {  	_ =	shalt  }
0x4a: {  	_ =	shalt  }
0x4b: {  	_ =	shalt  }
0x4c: {  	_ =	shalt  }
0x4d: {  	_ =	shalt  }
0x4e: {  	_ =	shalt  }
0x4f: {  	_ =	shalt  }
0x50: {  	_ =	shalt  }
0x51: {  	_ =	shalt  }
0x52: {  	_ =	shalt  }
0x53: {  	_ =	shalt  }
0x54: {  	_ =	shalt  }
0x55: {  	_ =	shalt  }
0x56: {  	_ =	shalt  }
0x57: {  	_ =	shalt  }
0x58: {  	_ =	shalt  }
0x59: {  	_ =	shalt  }
0x5a: {  	_ =	shalt  }
0x5b: {  	_ =	shalt  }
0x5c: {  	_ =	shalt  }
0x5d: {  	_ =	shalt  }
0x5e: {  	_ =	shalt  }
0x5f: {  	_ =	shalt  }
0x60: {  	_ =	shalt  }
0x61: {  	_ =	shalt  }
0x62: {  	_ =	shalt  }
0x63: {  	_ =	shalt  }
0x64: {  	_ =	shalt  }
0x65: {  	_ =	shalt  }
0x66: {  	_ =	shalt  }
0x67: {  	_ =	shalt  }
0x68: {  	_ =	shalt  }
0x69: {  	_ =	shalt  }
0x6a: {  	_ =	shalt  }
0x6b: {  	_ =	shalt  }
0x6c: {  	_ =	shalt  }
0x6d: {  	_ =	shalt  }
0x6e: {  	_ =	shalt  }
0x6f: {  	_ =	shalt  }
0x70: {  	_ =	shalt  }
0x71: {  	_ =	shalt  }
0x72: {  	_ =	shalt  }
0x73: {  	_ =	shalt  }
0x74: {  	_ =	shalt  }
0x75: {  	_ =	shalt  }
0x76: {  	_ =	shalt  }
0x77: {  	_ =	shalt  }
0x78: {  	_ =	shalt  }
0x79: {  	_ =	shalt  }
0x7a: {  	_ =	shalt  }
0x7b: {  	_ =	shalt  }
0x7c: {  	_ =	shalt  }
0x7d: {  	_ =	shalt  }
0x7e: {  	_ =	shalt  }
0x7f: {  	_ =	shalt  }
0x80: {  	_ =	shalt  }
0x81: {  	_ =	shalt  }
0x82: {  	_ =	shalt  }
0x83: {  	_ =	shalt  }
0x84: {  	_ =	shalt  }
0x85: {  	_ =	shalt  }
0x86: {  	_ =	shalt  }
0x87: {  	_ =	shalt  }
.Lfunc_end0:
.L_simem_size_0:
called_computation.3_lowered:
.L_overlay_start_0:
0x88: {  	s2 =	sld [smem:$0x3FD9]  }
0x89: {  	s3 =	sld [smem:$0x3FFE];
	_ =	sdelay $0x1  }
0x8a: {  	s1 =	srdreg.scid  }
0x8b: {  	s0 =	sand.u32 $0x1, s1  }
0x8c: {  	s17 =	sshll.u32 s0, $0xA;
	s2 =	sadd.s32 s3, s2  }
0x8d: {  	s2 =	sadd.s32 s2, s17  }
0x8e: {  	[smem:$0x3FC0] =	sst s2  }
0x8f: {  	_ = 	snop  }
0x90: {  	s2 =	sld [smem:$0x3FD0];
	(tm) =	ssettm $0x1  }
0x91: {  	s18 =	sld [smem:$0x3FFB];
	_ =	sdelay $0x3  }
0x92: {  	_ =	strace s18  }
0x93: {  	s3 =	sld [smem:$0x3FFC];
	_ =	sdelay $0x3  }
0x94: {  	_ =	strace s3  }
0x95: {  	s3 =	sld [smem:$0x3FFD];
	_ =	sdelay $0x3  }
0x96: {  	_ =	strace s3  }
0x97: {  	_ =	strace $0x8FFFFFFF  }
0x98: {  	s19 =	sld [smem:$0x3FDB];
	_ =	sdelay $0x1  }
0x99: {  	s4 =	simm.s32 $_scs_section_size  }
0x9a: {  	s5 =	simm.s32 $_size__tile_overlayer_lowered;
	s6 =	simm.s32 $_tile_overlayer_lowered  }
0x9b: {  	s22 =	simm.s32 $0x1BFF;
	s21 =	sshll.u32 s6, $0x1;
	s3 =	sadd.s32 s4, s19  }
0x9c: {  	s7 =	simm.s32 $0x0;
	s20 =	sshll.u32 s5, $0x1;
	s5 =	sadd.s32 s21, s3  }
0x9d: {  	[timem:s7], [sflag:s22] =	dma.local [hbm:s5], s20  }
0x9e: {  	_ =	swait.ge [sflag:s22], s20  }
0x9f: {  	s4 =	ssub.s32 $0x0, s20;
	[sflag:s22] =	ssyncset.done $0x0  }
0xa0: {  	[sflag:s22] =	ssyncadd.s32 s4;
	_ =	sdelay $0x1  }
0xa1: {  	s23 =	simm.s32 $0x1B8B  }
0xa2: {  	_ =	swait.ge [sflag:s23], $0x1  }
0xa3: {  	[sflag:s23] =	ssyncset.done $0x0  }
0xa4: {  	s25 =	simm.s32 $0x1B8E;
	s24 =	sld [smem:$0x3FFE];
	[sflag:s23] =	ssyncadd.s32 $0xFFFFFFFF  }
0xa5: {  	s26 =	simm.s32 $execute0_lowered;
	[smem:$0x3FD2] =	sst s25  }
0xa6: {  	s5 =	sshll.u32 s26, $0x1;
	_ =	strace $0x8000004F;
	[dreg:$0x1] =	wrdreg $0xFFFFFFFF  }
0xa7: {  	s28 =	simm.s32 $_size_execute0_lowered;
	s3 =	sadd.s32 s3, s5;
	[dreg:$0x0] =	wrdreg $0x0  }
0xa8: {  	s5 =	sshll.u32 s28, $0x1;
	[dreg:$0x2] =	wrdreg s3  }
0xa9: {  	[dreg:$0x3] =	wrdreg s5  }
0xaa: {  	[dreg:$0x4] =	wrdreg $0xC0  }
0xab: {  	_ =	task [dreg:s7], $0x5FFFF  }
0xac: {  	[dreg:$0x1] =	wrdreg $0xFFFFFFFF  }
0xad: {  	[dreg:$0x0] =	wrdreg $0x60  }
0xae: {  	[dreg:$0x2] =	wrdreg s24  }
0xaf: {  	[dreg:$0x3] =	wrdreg s2  }
0xb0: {  	[dreg:$0x4] =	wrdreg $0x82800  }
0xb1: {  	[dreg:$0x5] =	wrdreg $0x9  }
0xb2: {  	_ =	task.clear_ibuf [dreg:s7], $0x6FFFF;
	_ =	strace $0x9000004F  }
0xb3: {  	s29 =	simm.s32 $0x9;
	_ =	strace $0x80000051  }
0xb4: {  	_ =	swait.ge [sflag:s29], $0x1  }
0xb5: {  	[sflag:s29] =	ssyncadd.s32 $0xFFFFFFFF  }
0xb6: {  	_ =	strace $0x90000051  }
0xb7: {  	_ =	sfence  }
0xb8: {  	s30 =	sld [smem:$0x0];
	_ =	sdelay $0x2  }
0xb9: {  	s31 =	sshll.u32 s1, $0xD;
	s1 =	sshrl.u32 s1, $0x2  }
0xba: {  	s3 =	sand.u32 $0x4000, s31;
	s1 =	sadd.s32 s1, s30  }
0xbb: {  	s0 =	sor.u32 s3, s0;
	s1 =	sshll.u32 s1, $0x11  }
0xbc: {  	s0 =	sor.u32 s1, s0  }
0xbd: {  	s0 =	sadd.s32 $0x8F2B, s0  }
0xbe: {  	[sflag:s0] =	ssyncadd.remote.s32 $0x1  }
0xbf: {  	_ =	sfence.sel $0xFFFF  }
0xc0: {  	[dreg:$0x0] =	wrdreg $0xFFFFFFFF;
	(pc) =	sbr.abs _section_cstart, $3  }
0xc1: {  	[dreg:$0x1] =	wrdreg $0xFFFFFFFF  }
0xc2: {  	_ =	task.clear_ibuf [dreg:s7], $0x2FFFF;
	_ =	strace $0x9FFFFFFF  }
0xc3: {  	(tm) =	ssettm $0x7FFFFFFF  }
tec
execute0_lowered:
.L_overlay_start_1:
0x0: {  	(tag) =	ssettag $0x1  }
0x1: {  	s0 =	stileid.u32  }
0x2: {  	s5 =	smul.u32 $0x280, s0;
	_ =	sdelay $0x1  }
0x3: {  	v39 =	vlaneseq.u32;
	s1 =	sadd.s32 $0x200, s5;
	v7 =	vmov s5  }
0x4: {  	s28 =	sadd.s32 $0x80, s5;
	s29 =	sadd.s32 $0x100, s5;
	v33 =	vmov s1;
	v0 =	vor.u32 $0x10, v7;
	v1 =	vor.u32 $0x20, v7  }
0x5: {  	s4 =	sadd.s32 $0x180, s5;
	v5 =	vor.u32 $0x50, v7;
	v13 =	vmov s28;
	v22 =	vmov s29  }
0x6: {  	v28 =	vmov s4;
	v2 =	vbroadcast v0, $0x0;
	v3 =	vbroadcast v1, $0x0  }
0x7: {  	v0 =	vor.u32 $0x30, v7;
	v1 =	vor.u32 $0x40, v7;
	v8 =	vbroadcast v5, $0x0  }
0x8: {  	v11 =	vor.u32 $0x20, v13;
	v12 =	vor.u32 $0x30, v13;
	v14 =	vor.u32 $0x40, v13  }
0x9: {  	v15 =	vor.u32 $0x50, v13;
	v16 =	vor.u32 $0x60, v13;
	v17 =	vor.u32 $0x70, v13  }
0xa: {  	v18 =	vor.u32 $0x10, v22;
	v20 =	vor.u32 $0x30, v22;
	v21 =	vor.u32 $0x40, v22  }
0xb: {  	v23 =	vor.u32 $0x50, v22;
	v24 =	vor.u32 $0x60, v22;
	v26 =	vor.u32 $0x10, v28  }
0xc: {  	v27 =	vor.u32 $0x20, v28;
	v29 =	vor.u32 $0x30, v28;
	v4 =	vbroadcast v0, $0x0  }
0xd: {  	v30 =	vor.u32 $0x40, v28;
	v6 =	vbroadcast v1, $0x0;
	v11 =	vbroadcast v11, $0x0  }
0xe: {  	v31 =	vor.u32 $0x50, v28;
	v12 =	vbroadcast v12, $0x0;
	v14 =	vbroadcast v14, $0x0  }
0xf: {  	v32 =	vor.u32 $0x60, v28;
	v15 =	vbroadcast v15, $0x0;
	v16 =	vbroadcast v16, $0x0  }
0x10: {  	v34 =	vor.u32 $0x70, v28;
	v17 =	vbroadcast v17, $0x0;
	v18 =	vbroadcast v18, $0x0  }
0x11: {  	v35 =	vor.u32 $0x10, v33;
	v20 =	vbroadcast v20, $0x0;
	v21 =	vbroadcast v21, $0x0  }
0x12: {  	v63 =	vor.u32 $0x20, v33;
	v23 =	vbroadcast v23, $0x0;
	v24 =	vbroadcast v24, $0x0  }
0x13: {  	v36 =	vor.u32 $0x30, v33;
	v26 =	vbroadcast v26, $0x0;
	v27 =	vbroadcast v27, $0x0  }
0x14: {  	v37 =	vor.u32 $0x40, v33;
	v29 =	vbroadcast v29, $0x0;
	v30 =	vbroadcast v30, $0x0  }
0x15: {  	v38 =	vor.u32 $0x50, v33;
	v31 =	vbroadcast v31, $0x0;
	v32 =	vbroadcast v32, $0x0  }
0x16: {  	v40 =	vor.u32 $0x60, v33;
	v34 =	vbroadcast v34, $0x0;
	v62 =	vbroadcast v35, $0x0  }
0x17: {  	v41 =	vor.u32 $0x70, v33;
	v35 =	vbroadcast v63, $0x0;
	v36 =	vbroadcast v36, $0x0  }
0x18: {  	v0 =	vor.u32 s1, v39;
	v37 =	vbroadcast v37, $0x0;
	v38 =	vbroadcast v38, $0x0  }
0x19: {  	v1 =	vor.u32 s5, v39;
	v40 =	vbroadcast v40, $0x0;
	v41 =	vbroadcast v41, $0x0  }
0x1a: {  	s6 =	rddreg [dreg:$0x0];
	v2 =	vor.u32 v39, v2;
	v3 =	vor.u32 v39, v3;
	v4 =	vor.u32 v39, v4  }
0x1b: {  	s13 =	rddreg [dreg:$0x1];
	v5 =	vor.u32 v39, v6;
	v6 =	vor.u32 v39, v8;
	v8 =	vor.u32 $0x60, v7  }
0x1c: {  	s2 =	rddreg [dreg:$0x2];
	s7 =	srdreg.scid;
	v7 =	vor.u32 $0x70, v7;
	v11 =	vor.u32 v39, v11;
	v12 =	vor.u32 v39, v12  }
0x1d: {  	s3 =	simm.s32 $0x0;
	s17 =	simm.s32 $0x280;
	s18 =	simm.s32 $0x1;
	v18 =	vor.u32 v39, v18;
	v20 =	vor.u32 v39, v20;
	v21 =	vor.u32 v39, v21  }
0x1e: {  	s19 =	simm.s32 $0x3;
	s20 =	simm.s32 $0x100;
	s21 =	simm.s32 $0x180;
	v26 =	vor.u32 v39, v26;
	v27 =	vor.u32 v39, v27;
	v28 =	vor.u32 v39, v29  }
0x1f: {  	s22 =	simm.s32 $0x4280;
	s23 =	simm.s32 $0x2;
	s7 =	sand.u32 $0x1, s7;
	v29 =	vor.u32 v39, v30;
	v30 =	vor.u32 v39, v31;
	v31 =	vor.u32 v39, v32  }
0x20: {  	s24 =	simm.s32 $0x0;
	[smem:$0x7FF] =	sst s3;
	s30 =	ssub.s32 $0x2, s7;
	v32 =	vor.u32 v39, v34;
	v33 =	vor.u32 v39, v62;
	v34 =	vor.u32 v39, v35  }
0x21: {  	s14 =	sadd.s32 $0x52600, s6;
	s8 =	smul.u32 $0x2800, s7;
	s31 =	sshrl.u32 s30, $0x1;
	v35 =	vor.u32 v39, v36;
	v36 =	vor.u32 v39, v37;
	v37 =	vor.u32 v39, v38  }
0x22: {  	s15 =	sshll.u32 s0, $0x5;
	s16 =	sshll.u32 s7, $0x4;
	s12 =	ssub.s32 s30, s31;
	v8 =	vbroadcast v8, $0x0;
	v9 =	vbroadcast v7, $0x0;
	v7 =	vor.u32 $0x10, v13  }
0x23: {  	s9 =	sor.u32 s16, s15;
	s12 =	smax.u32 s12, $0x1;
	s5 =	sadd.s32 s5, s8;
	v13 =	vor.u32 v39, v14;
	v14 =	vor.u32 v39, v15;
	v15 =	vor.u32 v39, v16  }
0x24: {  	s1 =	rddreg [dreg:$0x3];
	_ =	strace $0x80000050;
	s5 =	sshll.u32 s5, $0x4;
	v16 =	vor.u32 v39, v17;
	v17 =	vor.u32 $0x20, v22;
	v22 =	vor.u32 $0x70, v22  }
0x25: {  	s11 =	sadd.s32 s5, s6;
	s5 =	sadd.s32 s13, s9;
	s13 =	sadd.s32 s15, s13;
	v38 =	vor.u32 v39, v40;
	v10 =	vbroadcast v7, $0x0;
	v25 =	vbroadcast v22, $0x0  }
0x26: {  	s7 =	sadd.s32 $0x5C400, s11;
	s8 =	sadd.s32 $0x5CC00, s11;
	s10 =	sadd.s32 $0x5DC00, s11;
	v19 =	vbroadcast v17, $0x0;
	v17 =	vor.u32 s29, v39;
	v22 =	vor.u32 v39, v23  }
0x27: {  	s13 =	sadd.s32 s16, s13;
	v23 =	vor.u32 v39, v24;
	v24 =	vor.u32 v39, v25;
	v25 =	vor.u32 s4, v39;
	s4 =	sadd.s32 $0x2600, s6;
	s6 =	sadd.s32 s14, s9  }
0x28: {  	v7 =	vor.u32 v39, v8;
	v8 =	vor.u32 v39, v9;
	v9 =	vor.u32 s28, v39;
	s9 =	sadd.s32 $0x5D400, s11;
	s11 =	sadd.s32 $0x5E400, s11;
	s14 =	sadd.s32 s15, s14  }
0x29: {  	v10 =	vor.u32 v39, v10;
	v19 =	vor.u32 v39, v19;
	s15 =	simm.s32 $0x80;
	v39 =	vor.u32 v39, v41;
	s14 =	sadd.s32 s16, s14;
	s16 =	simm.s32 $0x200  }
.LBB2_1:
0x2a: {  	[tilespmem:$0x200] =	vst v1  }
0x2b: {  	[tilespmem:$0x210] =	vst v2  }
0x2c: {  	[tilespmem:$0x220] =	vst v3  }
0x2d: {  	[tilespmem:$0x230] =	vst v4  }
0x2e: {  	[tilespmem:$0x240] =	vst v5  }
0x2f: {  	[tilespmem:$0x250] =	vst v6  }
0x30: {  	[tilespmem:$0x260] =	vst v7  }
0x31: {  	[tilespmem:$0x270] =	vst v8  }
0x32: {  	[tilespmem:s17], [sflag:$0x1] =	stream.indirect.gather [spmem:s2], $0x80, s16, s15, $0xb8;
	[tilespmem:$0x1C280] =	vst v63  }
0x33: {  	s25 =	sand.u32 $0xFE00, s3;
	_ =	swait.ge [sflag:s18], $0x4000  }
0x34: {  	s26 =	sand.u32 $0x70, s3;
	s25 =	sshrl.u32 s25, $0x2;
	[sflag:s18] =	ssyncset.done $0x0  }
0x35: {  	s25 =	sor.u32 s26, s25;
	[sflag:s18] =	ssyncadd.s32 $0xFFFFC000  }
0x36: {  	v40 =	vld [tilespmem:s25+$0x280];
	_ =	sdelay $0x3  }
0x37: {  	s31 =	simm.s32 $0x40  }
0x38: {  	s28 =	simm.s32 $0x10;
	s29 =	sand.u32 $0xFE00, s31;
	s26 =	simm.s32 $0x80;
	v40 =	vsub.f32 $0.0e+00, v40  }
.LBB2_2:
0x39: {  	p0 =	sne.s32 s26, $0xFFC0;
	s30 =	sand.u32 $0x70, s28;
	s29 =	sshrl.u32 s29, $0x2  }
0x3a: {  	[tilespmem:s25+$0x280] =	vst v40;
	s25 =	sor.u32 s30, s29  }
0x3b: {  	v40 =	vld [tilespmem:s25+$0x280]  }
.Ltmp0:
0x3c: {  	(pc) =	sbr.rel @p0 .LBB2_2-.Ltmp0, $2  }
0x3d: {  	_ =	sdelay $0x2  }
0x3e: {  	s28 =	sadd.s32 $0x10, s28;
	s29 =	sand.u32 $0xFE00, s26;
	s26 =	sadd.s32 $0x40, s26;
	v40 =	vsub.f32 $0.0e+00, v40  }
0x3f: {  	s26 =	sand.u32 $0x70, s28;
	s28 =	sshrl.u32 s29, $0x2  }
0x40: {  	s26 =	sor.u32 s26, s28;
	[tilespmem:s25+$0x280] =	vst v40  }
0x41: {  	v40 =	vld [tilespmem:s26+$0x280];
	_ =	sdelay $0x4  }
0x42: {  	v40 =	vsub.f32 $0.0e+00, v40;
	_ =	sdelay $0x1  }
0x43: {  	[tilespmem:s26+$0x280] =	vst v40  }
0x44: {  	[spmem:s2] =	stream.indirect.scatter.add.f32 [tilespmem:s17], [sflag:$0x3], $0x80, s16, s15, $0xb8;
	[tilespmem:$0x1C280] =	vst v63  }
0x45: {  	_ =	swait.ge [sflag:s19], $0x4000  }
0x46: {  	[sflag:s19] =	ssyncset.done $0x0  }
0x47: {  	[sflag:s19] =	ssyncadd.s32 $0xFFFFC000  }
0x48: {  	[tilespmem:$0x200] =	vst v9  }
0x49: {  	[tilespmem:$0x210] =	vst v10  }
0x4a: {  	[tilespmem:$0x220] =	vst v11  }
0x4b: {  	[tilespmem:$0x230] =	vst v12  }
0x4c: {  	[tilespmem:$0x240] =	vst v13  }
0x4d: {  	[tilespmem:$0x250] =	vst v14  }
0x4e: {  	[tilespmem:$0x260] =	vst v15  }
0x4f: {  	s26 =	simm.s32 $0x0;
	[tilespmem:$0x270] =	vst v16  }
0x50: {  	[tilespmem:s17], [sflag:$0x1] =	stream.indirect.gather [spmem:s2], $0x80, s16, s15, $0xb8;
	[tilespmem:$0x1C280] =	vst v63  }
0x51: {  	s30 =	sand.u32 $0xFE00, s26;
	_ =	swait.ge [sflag:s18], $0x4000  }
0x52: {  	s25 =	sand.u32 $0x70, s26;
	s26 =	sshrl.u32 s30, $0x2;
	[sflag:s18] =	ssyncset.done $0x0  }
0x53: {  	s25 =	sor.u32 s25, s26;
	[sflag:s18] =	ssyncadd.s32 $0xFFFFC000  }
0x54: {  	v63 =	vld [tilespmem:s25+$0x280];
	_ =	sdelay $0x3  }
0x55: {  	s31 =	simm.s32 $0x40  }
0x56: {  	s29 =	sand.u32 $0xFE00, s31;
	s28 =	simm.s32 $0x10;
	s26 =	simm.s32 $0x80;
	v40 =	vsub.f32 $0.0e+00, v63  }
.LBB2_4:
0x57: {  	p0 =	sne.s32 s26, $0xFFC0;
	s30 =	sand.u32 $0x70, s28;
	s29 =	sshrl.u32 s29, $0x2  }
0x58: {  	[tilespmem:s25+$0x280] =	vst v40;
	s25 =	sor.u32 s30, s29  }
0x59: {  	v40 =	vld [tilespmem:s25+$0x280]  }
.Ltmp1:
0x5a: {  	(pc) =	sbr.rel @p0 .LBB2_4-.Ltmp1, $2  }
0x5b: {  	_ =	sdelay $0x2  }
0x5c: {  	s28 =	sadd.s32 $0x10, s28;
	s29 =	sand.u32 $0xFE00, s26;
	s26 =	sadd.s32 $0x40, s26;
	v40 =	vsub.f32 $0.0e+00, v40  }
0x5d: {  	s26 =	sand.u32 $0x70, s28;
	s28 =	sshrl.u32 s29, $0x2  }
0x5e: {  	s26 =	sor.u32 s26, s28;
	[tilespmem:s25+$0x280] =	vst v40  }
0x5f: {  	v40 =	vld [tilespmem:s26+$0x280];
	_ =	sdelay $0x4  }
0x60: {  	v40 =	vsub.f32 $0.0e+00, v40;
	_ =	sdelay $0x1  }
0x61: {  	[tilespmem:s26+$0x280] =	vst v40  }
0x62: {  	[spmem:s2] =	stream.indirect.scatter.add.f32 [tilespmem:s17], [sflag:$0x3], $0x80, s16, s15, $0xb8;
	[tilespmem:$0x1C280] =	vst v63  }
0x63: {  	_ =	swait.ge [sflag:s19], $0x4000  }
0x64: {  	[sflag:s19] =	ssyncset.done $0x0  }
0x65: {  	[sflag:s19] =	ssyncadd.s32 $0xFFFFC000  }
0x66: {  	[tilespmem:$0x200] =	vst v17  }
0x67: {  	[tilespmem:$0x210] =	vst v18  }
0x68: {  	[tilespmem:$0x220] =	vst v19  }
0x69: {  	[tilespmem:$0x230] =	vst v20  }
0x6a: {  	[tilespmem:$0x240] =	vst v21  }
0x6b: {  	[tilespmem:$0x250] =	vst v22  }
0x6c: {  	[tilespmem:$0x260] =	vst v23  }
0x6d: {  	s26 =	simm.s32 $0x0;
	[tilespmem:$0x270] =	vst v24  }
0x6e: {  	[tilespmem:s17], [sflag:$0x1] =	stream.indirect.gather [spmem:s2], $0x80, s16, s15, $0xb8;
	[tilespmem:$0x1C280] =	vst v63  }
0x6f: {  	s30 =	sand.u32 $0xFE00, s26;
	_ =	swait.ge [sflag:s18], $0x4000  }
0x70: {  	s25 =	sand.u32 $0x70, s26;
	s26 =	sshrl.u32 s30, $0x2;
	[sflag:s18] =	ssyncset.done $0x0  }
0x71: {  	s25 =	sor.u32 s25, s26;
	[sflag:s18] =	ssyncadd.s32 $0xFFFFC000  }
0x72: {  	v63 =	vld [tilespmem:s25+$0x280];
	_ =	sdelay $0x3  }
0x73: {  	s31 =	simm.s32 $0x40  }
0x74: {  	s29 =	sand.u32 $0xFE00, s31;
	s28 =	simm.s32 $0x10;
	s26 =	simm.s32 $0x80;
	v40 =	vsub.f32 $0.0e+00, v63  }
.LBB2_6:
0x75: {  	p0 =	sne.s32 s26, $0xFFC0;
	s30 =	sand.u32 $0x70, s28;
	s29 =	sshrl.u32 s29, $0x2  }
0x76: {  	[tilespmem:s25+$0x280] =	vst v40;
	s25 =	sor.u32 s30, s29  }
0x77: {  	v40 =	vld [tilespmem:s25+$0x280]  }
.Ltmp2:
0x78: {  	(pc) =	sbr.rel @p0 .LBB2_6-.Ltmp2, $2  }
0x79: {  	_ =	sdelay $0x2  }
0x7a: {  	s28 =	sadd.s32 $0x10, s28;
	s29 =	sand.u32 $0xFE00, s26;
	s26 =	sadd.s32 $0x40, s26;
	v40 =	vsub.f32 $0.0e+00, v40  }
0x7b: {  	s26 =	sand.u32 $0x70, s28;
	s28 =	sshrl.u32 s29, $0x2  }
0x7c: {  	s26 =	sor.u32 s26, s28;
	[tilespmem:s25+$0x280] =	vst v40  }
0x7d: {  	v40 =	vld [tilespmem:s26+$0x280];
	_ =	sdelay $0x4  }
0x7e: {  	v40 =	vsub.f32 $0.0e+00, v40;
	_ =	sdelay $0x1  }
0x7f: {  	[tilespmem:s26+$0x280] =	vst v40  }
0x80: {  	[spmem:s2] =	stream.indirect.scatter.add.f32 [tilespmem:s17], [sflag:$0x3], $0x80, s16, s15, $0xb8;
	[tilespmem:$0x1C280] =	vst v63  }
0x81: {  	_ =	swait.ge [sflag:s19], $0x4000  }
0x82: {  	[sflag:s19] =	ssyncset.done $0x0  }
0x83: {  	[sflag:s19] =	ssyncadd.s32 $0xFFFFC000  }
0x84: {  	[tilespmem:$0x200] =	vst v25  }
0x85: {  	[tilespmem:$0x210] =	vst v26  }
0x86: {  	[tilespmem:$0x220] =	vst v27  }
0x87: {  	[tilespmem:$0x230] =	vst v28  }
0x88: {  	[tilespmem:$0x240] =	vst v29  }
0x89: {  	[tilespmem:$0x250] =	vst v30  }
0x8a: {  	[tilespmem:$0x260] =	vst v31  }
0x8b: {  	s26 =	simm.s32 $0x0;
	[tilespmem:$0x270] =	vst v32  }
0x8c: {  	[tilespmem:s17], [sflag:$0x1] =	stream.indirect.gather [spmem:s2], $0x80, s16, s15, $0xb8;
	[tilespmem:$0x1C280] =	vst v63  }
0x8d: {  	s30 =	sand.u32 $0xFE00, s26;
	_ =	swait.ge [sflag:s18], $0x4000  }
0x8e: {  	s25 =	sand.u32 $0x70, s26;
	s26 =	sshrl.u32 s30, $0x2;
	[sflag:s18] =	ssyncset.done $0x0  }
0x8f: {  	s25 =	sor.u32 s25, s26;
	[sflag:s18] =	ssyncadd.s32 $0xFFFFC000  }
0x90: {  	v63 =	vld [tilespmem:s25+$0x280];
	_ =	sdelay $0x3  }
0x91: {  	s31 =	simm.s32 $0x40  }
0x92: {  	s29 =	sand.u32 $0xFE00, s31;
	s28 =	simm.s32 $0x10;
	s26 =	simm.s32 $0x80;
	v40 =	vsub.f32 $0.0e+00, v63  }
.LBB2_8:
0x93: {  	p0 =	sne.s32 s26, $0xFFC0;
	s30 =	sand.u32 $0x70, s28;
	s29 =	sshrl.u32 s29, $0x2  }
0x94: {  	[tilespmem:s25+$0x280] =	vst v40;
	s25 =	sor.u32 s30, s29  }
0x95: {  	v40 =	vld [tilespmem:s25+$0x280]  }
.Ltmp3:
0x96: {  	(pc) =	sbr.rel @p0 .LBB2_8-.Ltmp3, $2  }
0x97: {  	_ =	sdelay $0x2  }
0x98: {  	s28 =	sadd.s32 $0x10, s28;
	s29 =	sand.u32 $0xFE00, s26;
	s26 =	sadd.s32 $0x40, s26;
	v40 =	vsub.f32 $0.0e+00, v40  }
0x99: {  	s26 =	sand.u32 $0x70, s28;
	s28 =	sshrl.u32 s29, $0x2  }
0x9a: {  	s26 =	sor.u32 s26, s28;
	[tilespmem:s25+$0x280] =	vst v40  }
0x9b: {  	v40 =	vld [tilespmem:s26+$0x280];
	_ =	sdelay $0x4  }
0x9c: {  	v40 =	vsub.f32 $0.0e+00, v40;
	_ =	sdelay $0x1  }
0x9d: {  	[tilespmem:s26+$0x280] =	vst v40  }
0x9e: {  	[spmem:s2] =	stream.indirect.scatter.add.f32 [tilespmem:s17], [sflag:$0x3], $0x80, s16, s15, $0xb8;
	[tilespmem:$0x1C280] =	vst v63  }
0x9f: {  	_ =	swait.ge [sflag:s19], $0x4000  }
0xa0: {  	[sflag:s19] =	ssyncset.done $0x0  }
0xa1: {  	[sflag:s19] =	ssyncadd.s32 $0xFFFFC000  }
0xa2: {  	[tilespmem:$0x200] =	vst v0  }
0xa3: {  	[tilespmem:$0x210] =	vst v33  }
0xa4: {  	[tilespmem:$0x220] =	vst v34  }
0xa5: {  	[tilespmem:$0x230] =	vst v35  }
0xa6: {  	[tilespmem:$0x240] =	vst v36  }
0xa7: {  	[tilespmem:$0x250] =	vst v37  }
0xa8: {  	[tilespmem:$0x260] =	vst v38  }
0xa9: {  	s26 =	simm.s32 $0x0;
	[tilespmem:$0x270] =	vst v39  }
0xaa: {  	[tilespmem:s17], [sflag:$0x1] =	stream.indirect.gather [spmem:s2], $0x80, s16, s15, $0xb8;
	[tilespmem:$0x1C280] =	vst v63  }
0xab: {  	s30 =	sand.u32 $0xFE00, s26;
	_ =	swait.ge [sflag:s18], $0x4000  }
0xac: {  	s25 =	sand.u32 $0x70, s26;
	s26 =	sshrl.u32 s30, $0x2;
	[sflag:s18] =	ssyncset.done $0x0  }
0xad: {  	s25 =	sor.u32 s25, s26;
	[sflag:s18] =	ssyncadd.s32 $0xFFFFC000  }
0xae: {  	v63 =	vld [tilespmem:s25+$0x280];
	_ =	sdelay $0x3  }
0xaf: {  	s31 =	simm.s32 $0x40  }
0xb0: {  	s29 =	sand.u32 $0xFE00, s31;
	s28 =	simm.s32 $0x10;
	s26 =	simm.s32 $0x80;
	v40 =	vsub.f32 $0.0e+00, v63  }
.LBB2_10:
0xb1: {  	p0 =	sne.s32 s26, $0xFFC0;
	s30 =	sand.u32 $0x70, s28;
	s29 =	sshrl.u32 s29, $0x2  }
0xb2: {  	[tilespmem:s25+$0x280] =	vst v40;
	s25 =	sor.u32 s30, s29  }
0xb3: {  	v40 =	vld [tilespmem:s25+$0x280]  }
.Ltmp4:
0xb4: {  	(pc) =	sbr.rel @p0 .LBB2_10-.Ltmp4, $2  }
0xb5: {  	_ =	sdelay $0x2  }
0xb6: {  	s28 =	sadd.s32 $0x10, s28;
	s29 =	sand.u32 $0xFE00, s26;
	s26 =	sadd.s32 $0x40, s26;
	v40 =	vsub.f32 $0.0e+00, v40  }
0xb7: {  	s26 =	sand.u32 $0x70, s28;
	s28 =	sshrl.u32 s29, $0x2  }
0xb8: {  	s26 =	sor.u32 s26, s28;
	[tilespmem:s25+$0x280] =	vst v40  }
0xb9: {  	v40 =	vld [tilespmem:s26+$0x280];
	_ =	sdelay $0x4  }
0xba: {  	v40 =	vsub.f32 $0.0e+00, v40;
	_ =	sdelay $0x1  }
0xbb: {  	[tilespmem:s26+$0x280] =	vst v40  }
0xbc: {  	[spmem:s2] =	stream.indirect.scatter.add.f32 [tilespmem:s17], [sflag:$0x3], $0x80, s16, s15, $0xb8;
	[tilespmem:$0x1C280] =	vst v63  }
0xbd: {  	_ =	swait.ge [sflag:s19], $0x4000  }
0xbe: {  	[sflag:s19] =	ssyncset.done $0x0  }
0xbf: {  	[sflag:s19] =	ssyncadd.s32 $0xFFFFC000  }
0xc0: {  	s30 =	simm.s32 $0x0;
	[bflag:$0x0] =	sbarrier.arrive $0xFFFF  }
0xc1: {  	[tilespmem:s30], [sflag:$0x3] =	stream.linear.gather [hbm4b:s5+s30], $0x80, $0x38;
	[tilespmem:$0x1C280] =	vst v63  }
0xc2: {  	_ =	swait.ge [sflag:s19], $0x80  }
0xc3: {  	[sflag:s19] =	ssyncset.done $0x0  }
0xc4: {  	[sflag:s19] =	ssyncadd.s32 $0xFFFFFF80  }
0xc5: {  	[tilespmem:s20], [sflag:$0x3] =	stream.linear.gather [hbm4b:s6+s30], $0x80, $0x38;
	[tilespmem:$0x1C280] =	vst v63  }
0xc6: {  	_ =	swait.ge [sflag:s19], $0x80  }
0xc7: {  	[sflag:s19] =	ssyncset.done $0x0  }
0xc8: {  	s25 =	sadd.s32 $0x0, s13;
	[sflag:s19] =	ssyncadd.s32 $0xFFFFFF80  }
0xc9: {  	[tilespmem:s17], [sflag:$0x1] =	stream.indirect.gather [hbm4b:s4+s15], $0x80, s30, s15, $0xb8;
	[tilespmem:$0x1C280] =	vst v63  }
0xca: {  	s31 =	sadd.s32 $0x200, s25  }
0xcb: {  	[tilespmem:s15], [sflag:$0x3] =	stream.linear.gather [hbm4b:s31+s3], $0x80, $0x38;
	[tilespmem:$0x1C280] =	vst v63  }
0xcc: {  	_ =	swait.ge [sflag:s19], $0x80  }
0xcd: {  	s30 =	sadd.s32 $0x0, s14;
	[sflag:s19] =	ssyncset.done $0x0  }
0xce: {  	s28 =	sadd.s32 $0x200, s30;
	[sflag:s19] =	ssyncadd.s32 $0xFFFFFF80  }
0xcf: {  	[tilespmem:s21], [sflag:$0x3] =	stream.linear.gather [hbm4b:s28+s3], $0x80, $0x38;
	[tilespmem:$0x1C280] =	vst v63  }
0xd0: {  	_ =	swait.ge [sflag:s19], $0x80  }
0xd1: {  	[sflag:s19] =	ssyncset.done $0x0  }
0xd2: {  	[sflag:s19] =	ssyncadd.s32 $0xFFFFFF80  }
0xd3: {  	[tilespmem:s22], [sflag:$0x2] =	stream.indirect.gather [hbm4b:s4+s15], $0x80, s15, s15, $0xb8;
	[tilespmem:$0x1C280] =	vst v63  }
0xd4: {  	_ =	swait.ge [sflag:s18], $0x4000  }
0xd5: {  	[sflag:s18] =	ssyncset.done $0x0  }
0xd6: {  	[sflag:s18] =	ssyncadd.s32 $0xFFFFC000  }
0xd7: {  	[spmem:s2] =	stream.indirect.scatter.add.f32 [tilespmem:s17], [sflag:$0x3], $0x80, s20, s15, $0xb8;
	[tilespmem:$0x1C280] =	vst v63  }
0xd8: {  	_ =	swait.ge [sflag:s19], $0x4000  }
0xd9: {  	[sflag:s19] =	ssyncset.done $0x0  }
0xda: {  	s25 =	sadd.s32 $0x400, s25;
	[sflag:s19] =	ssyncadd.s32 $0xFFFFC000  }
0xdb: {  	[tilespmem:s3], [sflag:$0x3] =	stream.linear.gather [hbm4b:s25+s3], $0x80, $0x38;
	[tilespmem:$0x1C280] =	vst v63  }
0xdc: {  	_ =	swait.ge [sflag:s19], $0x80  }
0xdd: {  	[sflag:s19] =	ssyncset.done $0x0  }
0xde: {  	s31 =	sadd.s32 $0x400, s30;
	[sflag:s19] =	ssyncadd.s32 $0xFFFFFF80  }
0xdf: {  	[tilespmem:s20], [sflag:$0x3] =	stream.linear.gather [hbm4b:s31+s3], $0x80, $0x38;
	[tilespmem:$0x1C280] =	vst v63  }
0xe0: {  	_ =	swait.ge [sflag:s19], $0x80  }
0xe1: {  	[sflag:s19] =	ssyncset.done $0x0  }
0xe2: {  	[sflag:s19] =	ssyncadd.s32 $0xFFFFFF80  }
0xe3: {  	[tilespmem:s17], [sflag:$0x1] =	stream.indirect.gather [hbm4b:s4+s15], $0x80, s3, s15, $0xb8;
	[tilespmem:$0x1C280] =	vst v63  }
0xe4: {  	_ =	swait.ge [sflag:s23], $0x4000  }
0xe5: {  	[sflag:s23] =	ssyncset.done $0x0  }
0xe6: {  	[sflag:s23] =	ssyncadd.s32 $0xFFFFC000  }
0xe7: {  	[spmem:s2] =	stream.indirect.scatter.add.f32 [tilespmem:s22], [sflag:$0x3], $0x80, s21, s15, $0xb8;
	[tilespmem:$0x1C280] =	vst v63  }
0xe8: {  	s29 =	simm.s32 $0x800;
	_ =	swait.ge [sflag:s19], $0x4000  }
0xe9: {  	s28 =	sadd.s32 $0x400, s13;
	s25 =	simm.s32 $0x400;
	[sflag:s19] =	ssyncset.done $0x0  }
.LBB2_12:
0xea: {  	s30 =	sadd.s32 $0x200, s28  }
0xeb: {  	[sflag:s19] =	ssyncadd.s32 $0xFFFFC000;
	s31 =	smov.u32 s29;
	s26 =	sadd.s32 $0x400, s29  }
0xec: {  	[tilespmem:s15], [sflag:$0x3] =	stream.linear.gather [hbm4b:s30+s3], $0x80, $0x38;
	[tilespmem:$0x1C280] =	vst v63  }
0xed: {  	p0 =	sne.s32 s29, $0x9800;
	_ =	swait.ge [sflag:s19], $0x80  }
0xee: {  	s29 =	sadd.s32 s25, s14;
	s25 =	smov.u32 s31;
	[sflag:s19] =	ssyncset.done $0x0  }
0xef: {  	s30 =	sadd.s32 $0x200, s29;
	[sflag:s19] =	ssyncadd.s32 $0xFFFFFF80  }
0xf0: {  	[tilespmem:s21], [sflag:$0x3] =	stream.linear.gather [hbm4b:s30+s3], $0x80, $0x38;
	[tilespmem:$0x1C280] =	vst v63  }
0xf1: {  	_ =	swait.ge [sflag:s19], $0x80  }
0xf2: {  	[sflag:s19] =	ssyncset.done $0x0  }
0xf3: {  	[sflag:s19] =	ssyncadd.s32 $0xFFFFFF80  }
0xf4: {  	[tilespmem:s22], [sflag:$0x2] =	stream.indirect.gather [hbm4b:s4+s15], $0x80, s15, s15, $0xb8;
	[tilespmem:$0x1C280] =	vst v63  }
0xf5: {  	_ =	swait.ge [sflag:s18], $0x4000  }
0xf6: {  	[sflag:s18] =	ssyncset.done $0x0  }
0xf7: {  	[sflag:s18] =	ssyncadd.s32 $0xFFFFC000  }
0xf8: {  	[spmem:s2] =	stream.indirect.scatter.add.f32 [tilespmem:s17], [sflag:$0x3], $0x80, s20, s15, $0xb8;
	[tilespmem:$0x1C280] =	vst v63  }
0xf9: {  	_ =	swait.ge [sflag:s19], $0x4000  }
0xfa: {  	[sflag:s19] =	ssyncset.done $0x0  }
0xfb: {  	s28 =	sadd.s32 $0x400, s28;
	[sflag:s19] =	ssyncadd.s32 $0xFFFFC000  }
0xfc: {  	[tilespmem:s3], [sflag:$0x3] =	stream.linear.gather [hbm4b:s28+s3], $0x80, $0x38;
	[tilespmem:$0x1C280] =	vst v63  }
0xfd: {  	_ =	swait.ge [sflag:s19], $0x80  }
0xfe: {  	[sflag:s19] =	ssyncset.done $0x0  }
0xff: {  	s28 =	sadd.s32 $0x400, s29;
	[sflag:s19] =	ssyncadd.s32 $0xFFFFFF80  }
0x100: {  	[tilespmem:s20], [sflag:$0x3] =	stream.linear.gather [hbm4b:s28+s3], $0x80, $0x38;
	[tilespmem:$0x1C280] =	vst v63  }
0x101: {  	_ =	swait.ge [sflag:s19], $0x80  }
0x102: {  	[sflag:s19] =	ssyncset.done $0x0  }
0x103: {  	[sflag:s19] =	ssyncadd.s32 $0xFFFFFF80  }
0x104: {  	[tilespmem:s17], [sflag:$0x1] =	stream.indirect.gather [hbm4b:s4+s15], $0x80, s3, s15, $0xb8;
	[tilespmem:$0x1C280] =	vst v63  }
0x105: {  	_ =	swait.ge [sflag:s23], $0x4000  }
.Ltmp5:
0x106: {  	[sflag:s23] =	ssyncset.done $0x0;
	(pc) =	sbr.rel @p0 .LBB2_12-.Ltmp5, $4  }
0x107: {  	[sflag:s23] =	ssyncadd.s32 $0xFFFFC000  }
0x108: {  	[spmem:s2] =	stream.indirect.scatter.add.f32 [tilespmem:s22], [sflag:$0x3], $0x80, s21, s15, $0xb8;
	[tilespmem:$0x1C280] =	vst v63  }
0x109: {  	_ =	swait.ge [sflag:s19], $0x4000  }
0x10a: {  	s29 =	smov.u32 s26;
	s28 =	sadd.s32 s25, s13;
	[sflag:s19] =	ssyncset.done $0x0  }
0x10b: {  	s26 =	sadd.s32 $0x200, s28;
	[sflag:s19] =	ssyncadd.s32 $0xFFFFC000  }
0x10c: {  	[tilespmem:s15], [sflag:$0x3] =	stream.linear.gather [hbm4b:s26+s3], $0x80, $0x38;
	[tilespmem:$0x1C280] =	vst v63  }
0x10d: {  	_ =	swait.ge [sflag:s19], $0x80  }
0x10e: {  	s25 =	sadd.s32 s25, s14;
	[sflag:s19] =	ssyncset.done $0x0  }
0x10f: {  	s30 =	sadd.s32 $0x200, s25;
	[sflag:s19] =	ssyncadd.s32 $0xFFFFFF80  }
0x110: {  	[tilespmem:s21], [sflag:$0x3] =	stream.linear.gather [hbm4b:s30+s3], $0x80, $0x38;
	[tilespmem:$0x1C280] =	vst v63  }
0x111: {  	_ =	swait.ge [sflag:s19], $0x80  }
0x112: {  	[sflag:s19] =	ssyncset.done $0x0  }
0x113: {  	[sflag:s19] =	ssyncadd.s32 $0xFFFFFF80  }
0x114: {  	[tilespmem:s22], [sflag:$0x2] =	stream.indirect.gather [hbm4b:s4+s15], $0x80, s15, s15, $0xb8;
	[tilespmem:$0x1C280] =	vst v63  }
0x115: {  	_ =	swait.ge [sflag:s18], $0x4000  }
0x116: {  	[sflag:s18] =	ssyncset.done $0x0  }
0x117: {  	[sflag:s18] =	ssyncadd.s32 $0xFFFFC000  }
0x118: {  	[spmem:s2] =	stream.indirect.scatter.add.f32 [tilespmem:s17], [sflag:$0x3], $0x80, s20, s15, $0xb8;
	[tilespmem:$0x1C280] =	vst v63  }
0x119: {  	_ =	swait.ge [sflag:s19], $0x4000  }
0x11a: {  	[sflag:s19] =	ssyncset.done $0x0  }
0x11b: {  	s31 =	sadd.s32 $0x400, s28;
	[sflag:s19] =	ssyncadd.s32 $0xFFFFC000  }
0x11c: {  	[tilespmem:s3], [sflag:$0x3] =	stream.linear.gather [hbm4b:s31+s3], $0x80, $0x38;
	[tilespmem:$0x1C280] =	vst v63  }
0x11d: {  	_ =	swait.ge [sflag:s19], $0x80  }
0x11e: {  	[sflag:s19] =	ssyncset.done $0x0  }
0x11f: {  	s25 =	sadd.s32 $0x400, s25;
	[sflag:s19] =	ssyncadd.s32 $0xFFFFFF80  }
0x120: {  	[tilespmem:s20], [sflag:$0x3] =	stream.linear.gather [hbm4b:s25+s3], $0x80, $0x38;
	[tilespmem:$0x1C280] =	vst v63  }
0x121: {  	_ =	swait.ge [sflag:s19], $0x80  }
0x122: {  	[sflag:s19] =	ssyncset.done $0x0  }
0x123: {  	[sflag:s19] =	ssyncadd.s32 $0xFFFFFF80  }
0x124: {  	[tilespmem:s17], [sflag:$0x1] =	stream.indirect.gather [hbm4b:s4+s15], $0x80, s3, s15, $0xb8;
	[tilespmem:$0x1C280] =	vst v63  }
0x125: {  	_ =	swait.ge [sflag:s23], $0x4000  }
0x126: {  	[sflag:s23] =	ssyncset.done $0x0  }
0x127: {  	[sflag:s23] =	ssyncadd.s32 $0xFFFFC000  }
0x128: {  	[spmem:s2] =	stream.indirect.scatter.add.f32 [tilespmem:s22], [sflag:$0x3], $0x80, s21, s15, $0xb8;
	[tilespmem:$0x1C280] =	vst v63  }
0x129: {  	_ =	swait.ge [sflag:s19], $0x4000  }
0x12a: {  	[sflag:s19] =	ssyncset.done $0x0  }
0x12b: {  	[sflag:s19] =	ssyncadd.s32 $0xFFFFC000  }
0x12c: {  	_ =	swait.ge [sflag:s18], $0x4000  }
0x12d: {  	[sflag:s18] =	ssyncset.done $0x0  }
0x12e: {  	[sflag:s18] =	ssyncadd.s32 $0xFFFFC000  }
0x12f: {  	[spmem:s2] =	stream.indirect.scatter.add.f32 [tilespmem:s17], [sflag:$0x3], $0x80, s20, s15, $0xb8;
	[tilespmem:$0x1C280] =	vst v63  }
0x130: {  	_ =	swait.ge [sflag:s19], $0x4000  }
0x131: {  	[sflag:s19] =	ssyncset.done $0x0  }
0x132: {  	[sflag:s19] =	ssyncadd.s32 $0xFFFFC000  }
0x133: {  	[bflag:$0x0] =	sbarrier.arrive $0xFFFF  }
0x134: {  	[tilespmem:$0x200] =	vst v1  }
0x135: {  	[tilespmem:$0x210] =	vst v2  }
0x136: {  	[tilespmem:$0x220] =	vst v3  }
0x137: {  	[tilespmem:$0x230] =	vst v4  }
0x138: {  	[tilespmem:$0x240] =	vst v5  }
0x139: {  	[tilespmem:$0x250] =	vst v6  }
0x13a: {  	[tilespmem:$0x260] =	vst v7  }
0x13b: {  	[tilespmem:$0x270] =	vst v8  }
0x13c: {  	[tilespmem:s17], [sflag:$0x1] =	stream.indirect.gather [spmem:s2], $0x80, s16, s15, $0xb8;
	[tilespmem:$0x1C280] =	vst v63  }
0x13d: {  	_ =	swait.ge [sflag:s18], $0x4000  }
0x13e: {  	[sflag:s18] =	ssyncset.done $0x0  }
0x13f: {  	[sflag:s18] =	ssyncadd.s32 $0xFFFFC000  }
0x140: {  	[hbm4b:s7+s3] =	stream.linear.scatter [tilespmem:s17], [sflag:$0x3], $0x4000, $0x38;
	[tilespmem:$0x1C280] =	vst v63  }
0x141: {  	_ =	swait.ge [sflag:s19], $0x4000  }
0x142: {  	[sflag:s19] =	ssyncset.done $0x0  }
0x143: {  	[sflag:s19] =	ssyncadd.s32 $0xFFFFC000  }
0x144: {  	[tilespmem:$0x200] =	vst v9  }
0x145: {  	[tilespmem:$0x210] =	vst v10  }
0x146: {  	[tilespmem:$0x220] =	vst v11  }
0x147: {  	[tilespmem:$0x230] =	vst v12  }
0x148: {  	[tilespmem:$0x240] =	vst v13  }
0x149: {  	[tilespmem:$0x250] =	vst v14  }
0x14a: {  	[tilespmem:$0x260] =	vst v15  }
0x14b: {  	[tilespmem:$0x270] =	vst v16  }
0x14c: {  	[tilespmem:s17], [sflag:$0x1] =	stream.indirect.gather [spmem:s2], $0x80, s16, s15, $0xb8;
	[tilespmem:$0x1C280] =	vst v63  }
0x14d: {  	_ =	swait.ge [sflag:s18], $0x4000  }
0x14e: {  	[sflag:s18] =	ssyncset.done $0x0  }
0x14f: {  	[sflag:s18] =	ssyncadd.s32 $0xFFFFC000  }
0x150: {  	[hbm4b:s8+s3] =	stream.linear.scatter [tilespmem:s17], [sflag:$0x3], $0x4000, $0x38;
	[tilespmem:$0x1C280] =	vst v63  }
0x151: {  	_ =	swait.ge [sflag:s19], $0x4000  }
0x152: {  	[sflag:s19] =	ssyncset.done $0x0  }
0x153: {  	[sflag:s19] =	ssyncadd.s32 $0xFFFFC000  }
0x154: {  	[tilespmem:$0x200] =	vst v17  }
0x155: {  	[tilespmem:$0x210] =	vst v18  }
0x156: {  	[tilespmem:$0x220] =	vst v19  }
0x157: {  	[tilespmem:$0x230] =	vst v20  }
0x158: {  	[tilespmem:$0x240] =	vst v21  }
0x159: {  	[tilespmem:$0x250] =	vst v22  }
0x15a: {  	[tilespmem:$0x260] =	vst v23  }
0x15b: {  	[tilespmem:$0x270] =	vst v24  }
0x15c: {  	[tilespmem:s17], [sflag:$0x1] =	stream.indirect.gather [spmem:s2], $0x80, s16, s15, $0xb8;
	[tilespmem:$0x1C280] =	vst v63  }
0x15d: {  	_ =	swait.ge [sflag:s18], $0x4000  }
0x15e: {  	[sflag:s18] =	ssyncset.done $0x0  }
0x15f: {  	[sflag:s18] =	ssyncadd.s32 $0xFFFFC000  }
0x160: {  	[hbm4b:s9+s3] =	stream.linear.scatter [tilespmem:s17], [sflag:$0x3], $0x4000, $0x38;
	[tilespmem:$0x1C280] =	vst v63  }
0x161: {  	_ =	swait.ge [sflag:s19], $0x4000  }
0x162: {  	[sflag:s19] =	ssyncset.done $0x0  }
0x163: {  	[sflag:s19] =	ssyncadd.s32 $0xFFFFC000  }
0x164: {  	[tilespmem:$0x200] =	vst v25  }
0x165: {  	[tilespmem:$0x210] =	vst v26  }
0x166: {  	[tilespmem:$0x220] =	vst v27  }
0x167: {  	[tilespmem:$0x230] =	vst v28  }
0x168: {  	[tilespmem:$0x240] =	vst v29  }
0x169: {  	[tilespmem:$0x250] =	vst v30  }
0x16a: {  	[tilespmem:$0x260] =	vst v31  }
0x16b: {  	[tilespmem:$0x270] =	vst v32  }
0x16c: {  	[tilespmem:s17], [sflag:$0x1] =	stream.indirect.gather [spmem:s2], $0x80, s16, s15, $0xb8;
	[tilespmem:$0x1C280] =	vst v63  }
0x16d: {  	_ =	swait.ge [sflag:s18], $0x4000  }
0x16e: {  	[sflag:s18] =	ssyncset.done $0x0  }
0x16f: {  	[sflag:s18] =	ssyncadd.s32 $0xFFFFC000  }
0x170: {  	[hbm4b:s10+s3] =	stream.linear.scatter [tilespmem:s17], [sflag:$0x3], $0x4000, $0x38;
	[tilespmem:$0x1C280] =	vst v63  }
0x171: {  	_ =	swait.ge [sflag:s19], $0x4000  }
0x172: {  	[sflag:s19] =	ssyncset.done $0x0  }
0x173: {  	[sflag:s19] =	ssyncadd.s32 $0xFFFFC000  }
0x174: {  	[tilespmem:$0x200] =	vst v0  }
0x175: {  	[tilespmem:$0x210] =	vst v33  }
0x176: {  	[tilespmem:$0x220] =	vst v34  }
0x177: {  	[tilespmem:$0x230] =	vst v35  }
0x178: {  	[tilespmem:$0x240] =	vst v36  }
0x179: {  	[tilespmem:$0x250] =	vst v37  }
0x17a: {  	[tilespmem:$0x260] =	vst v38  }
0x17b: {  	[tilespmem:$0x270] =	vst v39  }
0x17c: {  	[tilespmem:s17], [sflag:$0x1] =	stream.indirect.gather [spmem:s2], $0x80, s16, s15, $0xb8;
	[tilespmem:$0x1C280] =	vst v63  }
0x17d: {  	s24 =	sadd.s32 $0x1, s24;
	_ =	swait.ge [sflag:s18], $0x4000  }
0x17e: {  	p0 =	sne.s32 s24, s12;
	[sflag:s18] =	ssyncset.done $0x0  }
.Ltmp6:
0x17f: {  	[sflag:s18] =	ssyncadd.s32 $0xFFFFC000;
	(pc) =	sbr.rel @p0 .LBB2_1-.Ltmp6, $4  }
0x180: {  	[hbm4b:s11+s3] =	stream.linear.scatter [tilespmem:s17], [sflag:$0x3], $0x4000, $0x38;
	[tilespmem:$0x1C280] =	vst v63  }
0x181: {  	_ =	swait.ge [sflag:s19], $0x4000  }
0x182: {  	[sflag:s19] =	ssyncset.done $0x0  }
0x183: {  	[sflag:s19] =	ssyncadd.s32 $0xFFFFC000  }
0x184: {  	_ =	sfence.sel $0x180000  }
0x185: {  	[bflag:$0x0] =	sbarrier.arrive $0xFFFF  }
0x186: {  	p0 =	sne.s32 s0, $0x0;
	_ =	strace $0x90000050  }
0x187: {  	s0 =	sadd.s32 @!p0 $0x100000, s1;
	[bflag:$0x2] =	sbarrier.arrive $0xFFFF  }
0x188: {  	[sflag:s0] =	ssyncadd.tile.s32 @!p0 $0x1;
	_ =	shalt  }
.Lfunc_end2:
_tile_overlayer_lowered:
.L_overlay_start_2:
0x189: {  	(tag) =	ssettag $0x2  }
0x18a: {  	s0 =	rddreg [dreg:$0x0];
	s2 =	stileid.u32  }
0x18b: {  	s1 =	rddreg [dreg:$0x1];
	p0 =	sne.s32 s2, $0x0  }
0x18c: {  	s3 =	rddreg [dreg:$0x2];
	[bflag:$0x3] =	sbarrier.arrive $0xFFFF;
	s2 =	simm.s32 @!p0 $0x1C03  }
0x18d: {  	[timem:s3], [sflag:s2] =	dma.local @!p0 [hbm:s0], s1  }
0x18e: {  	s0 =	simm.s32 @!p0 $0x3  }
0x18f: {  	_ =	swait.ge @!p0 [sflag:s0], s1  }
0x190: {  	s1 =	ssub.s32 @!p0 $0x0, s1;
	[sflag:s0] =	ssyncset.done @!p0 $0x0  }
0x191: {  	[sflag:s0] =	ssyncadd.s32 @!p0 s1  }
0x192: {  	[bflag:$0x3] =	sbarrier.arrive $0xFFFF  }
0x193: {  	_ =	shalt  }

// kernel: kernel.9.cloned.1.call-start
scs
__scs_entry_jumppad:
0x0: {  	(pc) =	sbr.rel $0x88, $3  }
0x1: {  	(tag) =	ssettag $0x0;
	lr =	simm.s32 $0x1  }
0x2: {  	[smem:$0x3F99] =	sst lr;
	_ =	strace $0xD0000000  }
0x3: {  	_ = 	snop  }
0x4: {  	_ = 	snop  }
0x5: {  	_ = 	snop  }
0x6: {  	_ = 	snop  }
0x7: {  	_ = 	snop  }
__scs_overlays_trampoline_lowered:
0x8: {  	[smem:$0x3FA8] =	sst s0  }
0x9: {  	[smem:$0x3FA9] =	sst s1  }
0xa: {  	[smem:$0x3FAA] =	sst s2  }
0xb: {  	[smem:$0x3FAB] =	sst s3  }
0xc: {  	[smem:$0x3FAC] =	sst s4  }
0xd: {  	[smem:$0x3FAD] =	sst s5  }
0xe: {  	[smem:$0x3FAE] =	sst s6  }
0xf: {  	[smem:$0x3FAF] =	sst s7  }
0x10: {  	[smem:$0x3FB0] =	sst s8  }
0x11: {  	[smem:$0x3FB1] =	sst s9;
	s0 =	simm.s32 @!p0 $0x0  }
0x12: {  	s1 =	sld [smem:$0x3F97];
	s0 =	simm.s32 @p0 $0x1  }
0x13: {  	[smem:$0x3FB2] =	sst s0;
	s0 =	simm.s32 @!p1 $0x0  }
0x14: {  	s2 =	sld [smem:$0x3F96];
	s0 =	simm.s32 @p1 $0x1  }
0x15: {  	[smem:$0x3FB3] =	sst s0;
	s0 =	simm.s32 @!p2 $0x0  }
0x16: {  	s3 =	sld [smem:$0x3FDB];
	s0 =	simm.s32 @p2 $0x1  }
0x17: {  	s4 =	simm.s32 $0x1BF5;
	[smem:$0x3FB5] =	sst s0  }
0x18: {  	s0 =	sld [smem:$0x3F98];
	_ =	swait.ge [sflag:s4], $0x0  }
0x19: {  	s7 =	sld [smem:$0x3F99]  }
0x1a: {  	s8 =	sadd.s32 $0xFFFFE003, lr  }
0x1b: {  	s9 =	sadd.s32 $0xFFFFFEF7, lr;
	s5 =	simm.s32 $0xFFFFFFFF;
	p2 =	slt.u32 s8, $0xFFFFF086  }
0x1c: {  	p1 =	slt.u32 s9, $0xF7A;
	s5 =	simm.s32 @!p2 $0x0  }
0x1d: {  	s5 =	simm.s32 @p1 $0x1;
	p0 =	seq.s32 s7, s2  }
0x1e: {  	s7 =	smul.u32 @!p0 $0xF7A, s2;
	p2 =	seq.s32 @!p0 s5, $0x0  }
0x1f: {  	s9 =	smul.u32 $0xF7A, s1;
	s8 =	simm.s32 @!p0 $0x1BF5;
	p2 =	por !p2, p0  }
0x20: {  	[sflag:s8] =	ssyncset.s32 @!p0 $0xFFFFF086;
	s6 =	sadd.s32 @!p0 s3, s7;
	s7 =	simm.s32 @!p0 $0x108  }
0x21: {  	s3 =	sadd.s32 s3, s9;
	s6 =	sadd.s32 @!p0 $0x88, s6;
	s7 =	simm.s32 @p2 $0x1082  }
0x22: {  	[simem:s7], [sflag:s8] =	dma.local @!p0 [hbm:s6], $0xF7A  }
0x23: {  	s9 =	sor.u32 $0xD0000000, s2;
	s6 =	simm.s32 $0x108;
	_ =	swait.ge @!p0 [sflag:s8], $0x0  }
0x24: {  	s3 =	sadd.s32 $0x88, s3;
	s6 =	simm.s32 @!p1 $0x1082;
	[sflag:s4] =	ssyncset.s32 $0xFFFFF086  }
0x25: {  	[simem:s6], [sflag:s4] =	dma.local [hbm:s3], $0xF7A  }
0x26: {  	[smem:$0x3F99] =	sst s1;
	(tag) =	ssettag s2;
	_ =	strace s9  }
0x27: {  	s1 =	sld [smem:$0x3FA9]  }
0x28: {  	s2 =	sld [smem:$0x3FAA]  }
0x29: {  	s4 =	sld [smem:$0x3FAC]  }
0x2a: {  	p0 =	seq.s32 s5, $0x0;
	s5 =	sld [smem:$0x3FAD]  }
0x2b: {  	s6 =	sld [smem:$0x3FAE]  }
0x2c: {  	s7 =	sld [smem:$0x3FAF]  }
0x2d: {  	s3 =	simm.s32 $0x108;
	s8 =	sld [smem:$0x3FB0]  }
0x2e: {  	s3 =	simm.s32 @!p0 $0x1082;
	s9 =	sld [smem:$0x3FB1]  }
0x2f: {  	lr =	sadd.s32 s0, s3;
	s0 =	sld [smem:$0x3FA8]  }
0x30: {  	s3 =	sld [smem:$0x3FAB]  }
0x31: {  	[smem:$0x3FB4] =	sst s10  }
0x32: {  	s10 =	sld [smem:$0x3FB2];
	_ =	sdelay $0x3  }
0x33: {  	p0 =	seq.s32 s10, $0x1;
	s10 =	sld [smem:$0x3FB4];
	_ =	sdelay $0x3  }
0x34: {  	[smem:$0x3FB4] =	sst s10  }
0x35: {  	s10 =	sld [smem:$0x3FB3];
	_ =	sdelay $0x3  }
0x36: {  	p1 =	seq.s32 s10, $0x1;
	s10 =	sld [smem:$0x3FB4];
	_ =	sdelay $0x3  }
0x37: {  	[smem:$0x3FB4] =	sst s10  }
0x38: {  	s10 =	sld [smem:$0x3FB5]  }
0x39: {  	_ = 	snop;
	(pc) =	sbr.ind lr, $3  }
0x3a: {  	_ = 	snop  }
0x3b: {  	_ = 	snop  }
0x3c: {  	p2 =	seq.s32 s10, $0x1;
	s10 =	sld [smem:$0x3FB4]  }
0x3d: {  	_ =	shalt  }
0x3e: {  	_ =	shalt  }
0x3f: {  	_ =	shalt  }
0x40: {  	_ =	shalt  }
0x41: {  	_ =	shalt  }
0x42: {  	_ =	shalt  }
0x43: {  	_ =	shalt  }
0x44: {  	_ =	shalt  }
0x45: {  	_ =	shalt  }
0x46: {  	_ =	shalt  }
0x47: {  	_ =	shalt  }
0x48: {  	_ =	shalt  }
0x49: {  	_ =	shalt  }
0x4a: {  	_ =	shalt  }
0x4b: {  	_ =	shalt  }
0x4c: {  	_ =	shalt  }
0x4d: {  	_ =	shalt  }
0x4e: {  	_ =	shalt  }
0x4f: {  	_ =	shalt  }
0x50: {  	_ =	shalt  }
0x51: {  	_ =	shalt  }
0x52: {  	_ =	shalt  }
0x53: {  	_ =	shalt  }
0x54: {  	_ =	shalt  }
0x55: {  	_ =	shalt  }
0x56: {  	_ =	shalt  }
0x57: {  	_ =	shalt  }
0x58: {  	_ =	shalt  }
0x59: {  	_ =	shalt  }
0x5a: {  	_ =	shalt  }
0x5b: {  	_ =	shalt  }
0x5c: {  	_ =	shalt  }
0x5d: {  	_ =	shalt  }
0x5e: {  	_ =	shalt  }
0x5f: {  	_ =	shalt  }
0x60: {  	_ =	shalt  }
0x61: {  	_ =	shalt  }
0x62: {  	_ =	shalt  }
0x63: {  	_ =	shalt  }
0x64: {  	_ =	shalt  }
0x65: {  	_ =	shalt  }
0x66: {  	_ =	shalt  }
0x67: {  	_ =	shalt  }
0x68: {  	_ =	shalt  }
0x69: {  	_ =	shalt  }
0x6a: {  	_ =	shalt  }
0x6b: {  	_ =	shalt  }
0x6c: {  	_ =	shalt  }
0x6d: {  	_ =	shalt  }
0x6e: {  	_ =	shalt  }
0x6f: {  	_ =	shalt  }
0x70: {  	_ =	shalt  }
0x71: {  	_ =	shalt  }
0x72: {  	_ =	shalt  }
0x73: {  	_ =	shalt  }
0x74: {  	_ =	shalt  }
0x75: {  	_ =	shalt  }
0x76: {  	_ =	shalt  }
0x77: {  	_ =	shalt  }
0x78: {  	_ =	shalt  }
0x79: {  	_ =	shalt  }
0x7a: {  	_ =	shalt  }
0x7b: {  	_ =	shalt  }
0x7c: {  	_ =	shalt  }
0x7d: {  	_ =	shalt  }
0x7e: {  	_ =	shalt  }
0x7f: {  	_ =	shalt  }
0x80: {  	_ =	shalt  }
0x81: {  	_ =	shalt  }
0x82: {  	_ =	shalt  }
0x83: {  	_ =	shalt  }
0x84: {  	_ =	shalt  }
0x85: {  	_ =	shalt  }
0x86: {  	_ =	shalt  }
0x87: {  	_ =	shalt  }
.Lfunc_end0:
.L_simem_size_0:
called_computation_lowered:
.L_overlay_start_0:
0x88: {  	s2 =	sld [smem:$0x3FD9]  }
0x89: {  	s3 =	sld [smem:$0x3FFE];
	_ =	sdelay $0x1  }
0x8a: {  	s1 =	srdreg.scid  }
0x8b: {  	s0 =	sand.u32 $0x1, s1  }
0x8c: {  	s18 =	sshll.u32 s0, $0xA;
	s2 =	sadd.s32 s3, s2  }
0x8d: {  	s2 =	sadd.s32 s2, s18  }
0x8e: {  	[smem:$0x3FC0] =	sst s2  }
0x8f: {  	_ = 	snop  }
0x90: {  	s2 =	sld [smem:$0x3FD0];
	(tm) =	ssettm $0x1  }
0x91: {  	s19 =	sld [smem:$0x3FFB];
	_ =	sdelay $0x3  }
0x92: {  	_ =	strace s19  }
0x93: {  	s3 =	sld [smem:$0x3FFC];
	_ =	sdelay $0x3  }
0x94: {  	_ =	strace s3  }
0x95: {  	s3 =	sld [smem:$0x3FFD];
	_ =	sdelay $0x3  }
0x96: {  	_ =	strace s3  }
0x97: {  	_ =	strace $0x8FFFFFFF  }
0x98: {  	s20 =	sld [smem:$0x3FDB];
	_ =	sdelay $0x1  }
0x99: {  	s4 =	simm.s32 $_scs_section_size  }
0x9a: {  	s5 =	simm.s32 $_size__tile_overlayer_lowered;
	s6 =	simm.s32 $_tile_overlayer_lowered  }
0x9b: {  	s23 =	simm.s32 $0x1BFF;
	s22 =	sshll.u32 s6, $0x1;
	s3 =	sadd.s32 s4, s20  }
0x9c: {  	s7 =	simm.s32 $0x0;
	s21 =	sshll.u32 s5, $0x1;
	s5 =	sadd.s32 s22, s3  }
0x9d: {  	[timem:s7], [sflag:s23] =	dma.local [hbm:s5], s21  }
0x9e: {  	_ =	swait.ge [sflag:s23], s21  }
0x9f: {  	s4 =	ssub.s32 $0x0, s21;
	[sflag:s23] =	ssyncset.done $0x0  }
0xa0: {  	[sflag:s23] =	ssyncadd.s32 s4;
	_ =	sdelay $0x1  }
0xa1: {  	s24 =	simm.s32 $0x1B8B  }
0xa2: {  	_ =	swait.ge [sflag:s24], $0x1  }
0xa3: {  	[sflag:s24] =	ssyncset.done $0x0  }
0xa4: {  	s25 =	simm.s32 $0x1B8E;
	[sflag:s24] =	ssyncadd.s32 $0xFFFFFFFF  }
0xa5: {  	s26 =	simm.s32 $execute0_lowered;
	[smem:$0x3FD2] =	sst s25  }
0xa6: {  	s4 =	sshll.u32 s26, $0x1;
	_ =	strace $0x80000046;
	[dreg:$0x1] =	wrdreg $0xFFFFFFFF  }
0xa7: {  	s28 =	simm.s32 $_size_execute0_lowered;
	s3 =	sadd.s32 s3, s4;
	[dreg:$0x0] =	wrdreg $0x0  }
0xa8: {  	s4 =	sshll.u32 s28, $0x1;
	[dreg:$0x2] =	wrdreg s3  }
0xa9: {  	[dreg:$0x3] =	wrdreg s4  }
0xaa: {  	[dreg:$0x4] =	wrdreg $0xC0  }
0xab: {  	_ =	task [dreg:s7], $0x5FFFF  }
0xac: {  	[dreg:$0x1] =	wrdreg $0xFFFFFFFF  }
0xad: {  	[dreg:$0x0] =	wrdreg $0x60  }
0xae: {  	[dreg:$0x2] =	wrdreg s2  }
0xaf: {  	[dreg:$0x3] =	wrdreg $0x40800  }
0xb0: {  	[dreg:$0x4] =	wrdreg $0x9  }
0xb1: {  	_ =	task.clear_ibuf [dreg:s7], $0x5FFFF;
	_ =	strace $0x90000046  }
0xb2: {  	s29 =	simm.s32 $0x9;
	_ =	strace $0x80000048  }
0xb3: {  	_ =	swait.ge [sflag:s29], $0x1  }
0xb4: {  	[sflag:s29] =	ssyncadd.s32 $0xFFFFFFFF  }
0xb5: {  	_ =	strace $0x90000048  }
0xb6: {  	_ =	sfence  }
0xb7: {  	s30 =	sld [smem:$0x0];
	_ =	sdelay $0x2  }
0xb8: {  	s31 =	sshll.u32 s1, $0xD;
	s1 =	sshrl.u32 s1, $0x2  }
0xb9: {  	s3 =	sand.u32 $0x4000, s31;
	s1 =	sadd.s32 s1, s30  }
0xba: {  	s0 =	sor.u32 s3, s0;
	s1 =	sshll.u32 s1, $0x11  }
0xbb: {  	s0 =	sor.u32 s1, s0  }
0xbc: {  	s0 =	sadd.s32 $0x8F2B, s0  }
0xbd: {  	[sflag:s0] =	ssyncadd.remote.s32 $0x1  }
0xbe: {  	_ =	sfence.sel $0xFFFF  }
0xbf: {  	[dreg:$0x0] =	wrdreg $0xFFFFFFFF;
	(pc) =	sbr.abs _section_cstart, $3  }
0xc0: {  	[dreg:$0x1] =	wrdreg $0xFFFFFFFF  }
0xc1: {  	_ =	task.clear_ibuf [dreg:s7], $0x2FFFF;
	_ =	strace $0x9FFFFFFF  }
0xc2: {  	(tm) =	ssettm $0x7FFFFFFF  }
0xc3: {  	_ =	shalt  }
tec
execute0_lowered:
.L_overlay_start_1:
0x0: {  	(tag) =	ssettag $0x1  }
0x1: {  	s0 =	stileid.u32  }
0x2: {  	s1 =	smul.u32 $0x300, s0;
	_ =	sdelay $0x1  }
0x3: {  	v35 =	vlaneseq.u32;
	v5 =	vmov s1  }
0x4: {  	s2 =	sor.u32 $0x80, s1;
	v0 =	vor.u32 $0x10, v5;
	v3 =	vor.u32 $0x30, v5;
	v4 =	vor.u32 $0x40, v5  }
0x5: {  	s26 =	sadd.s32 $0x100, s1;
	s28 =	sadd.s32 $0x180, s1;
	s29 =	sadd.s32 $0x200, s1;
	v6 =	vor.u32 $0x50, v5;
	v7 =	vor.u32 $0x60, v5;
	v11 =	vmov s2  }
0x6: {  	v22 =	vmov s26;
	v28 =	vmov s28;
	v36 =	vmov s29  }
0x7: {  	v1 =	vbroadcast v0, $0x0;
	v0 =	vor.u32 $0x20, v5;
	v3 =	vbroadcast v3, $0x0  }
0x8: {  	v4 =	vbroadcast v4, $0x0;
	v6 =	vbroadcast v6, $0x0;
	v5 =	vor.u32 $0x70, v5  }
0x9: {  	v7 =	vbroadcast v7, $0x0;
	v9 =	vor.u32 $0x10, v11;
	v10 =	vor.u32 $0x20, v11  }
0xa: {  	v12 =	vor.u32 $0x30, v11;
	v13 =	vor.u32 $0x40, v11;
	v14 =	vor.u32 $0x50, v11  }
0xb: {  	v15 =	vor.u32 $0x60, v11;
	v16 =	vor.u32 $0x70, v11;
	v17 =	vor.u32 $0x20, v22  }
0xc: {  	v21 =	vor.u32 $0x50, v22;
	v25 =	vor.u32 $0x20, v28;
	v30 =	vor.u32 $0x50, v28  }
0xd: {  	v31 =	vor.u32 $0x60, v28;
	v32 =	vor.u32 $0x70, v28;
	v2 =	vbroadcast v0, $0x0  }
0xe: {  	v33 =	vor.u32 $0x10, v36;
	v8 =	vbroadcast v5, $0x0;
	v9 =	vbroadcast v9, $0x0  }
0xf: {  	v34 =	vor.u32 $0x20, v36;
	v10 =	vbroadcast v10, $0x0;
	v12 =	vbroadcast v12, $0x0  }
0x10: {  	v37 =	vor.u32 $0x30, v36;
	v13 =	vbroadcast v13, $0x0;
	v14 =	vbroadcast v14, $0x0  }
0x11: {  	v38 =	vor.u32 $0x40, v36;
	v15 =	vbroadcast v15, $0x0;
	v16 =	vbroadcast v16, $0x0  }
0x12: {  	v39 =	vor.u32 $0x50, v36;
	v19 =	vbroadcast v17, $0x0;
	v21 =	vbroadcast v21, $0x0  }
0x13: {  	v40 =	vor.u32 $0x60, v36;
	v27 =	vbroadcast v25, $0x0;
	v30 =	vbroadcast v30, $0x0  }
0x14: {  	v36 =	vor.u32 $0x70, v36;
	v31 =	vbroadcast v31, $0x0;
	v32 =	vbroadcast v32, $0x0  }
0x15: {  	v0 =	vor.u32 s1, v35;
	v33 =	vbroadcast v33, $0x0;
	v34 =	vbroadcast v34, $0x0  }
0x16: {  	v17 =	vor.u32 $0x40, v22;
	v37 =	vbroadcast v37, $0x0;
	v38 =	vbroadcast v38, $0x0  }
0x17: {  	v25 =	vor.u32 $0x30, v28;
	v39 =	vbroadcast v39, $0x0;
	v40 =	vbroadcast v40, $0x0  }
0x18: {  	v41 =	vbroadcast v36, $0x0;
	v1 =	vor.u32 v35, v1;
	v3 =	vor.u32 v35, v3  }
0x19: {  	s1 =	sadd.s32 $0x280, s1;
	v4 =	vor.u32 v35, v4;
	v5 =	vor.u32 v35, v6;
	v6 =	vor.u32 v35, v7  }
0x1a: {  	v23 =	vbroadcast v17, $0x0;
	v29 =	vbroadcast v25, $0x0;
	v43 =	vmov s1  }
0x1b: {  	v2 =	vor.u32 v35, v2;
	v7 =	vor.u32 v35, v8;
	v8 =	vor.u32 s2, v35  }
0x1c: {  	v9 =	vor.u32 v35, v9;
	v10 =	vor.u32 v35, v10;
	v11 =	vor.u32 v35, v12  }
0x1d: {  	v12 =	vor.u32 v35, v13;
	v13 =	vor.u32 v35, v14;
	v14 =	vor.u32 v35, v15  }
0x1e: {  	v15 =	vor.u32 v35, v16;
	v16 =	vor.u32 $0x10, v22;
	v21 =	vor.u32 v35, v21  }
0x1f: {  	v33 =	vor.u32 v35, v33;
	v34 =	vor.u32 v35, v34;
	v42 =	vor.u32 $0x10, v43  }
0x20: {  	v36 =	vor.u32 v35, v37;
	v37 =	vor.u32 v35, v38;
	v38 =	vor.u32 v35, v39  }
0x21: {  	v39 =	vor.u32 v35, v40;
	v40 =	vor.u32 v35, v41;
	v41 =	vor.u32 s1, v35  }
0x22: {  	v44 =	vor.u32 $0x20, v43;
	v45 =	vor.u32 $0x30, v43;
	v46 =	vor.u32 $0x40, v43  }
0x23: {  	v47 =	vor.u32 $0x50, v43;
	v18 =	vbroadcast v16, $0x0;
	v42 =	vbroadcast v42, $0x0  }
0x24: {  	v16 =	vor.u32 $0x30, v22;
	v44 =	vbroadcast v44, $0x0;
	v45 =	vbroadcast v45, $0x0  }
0x25: {  	v48 =	vor.u32 $0x60, v43;
	v46 =	vbroadcast v46, $0x0;
	v20 =	vbroadcast v16, $0x0  }
0x26: {  	v49 =	vor.u32 $0x70, v43;
	v47 =	vbroadcast v47, $0x0;
	v48 =	vbroadcast v48, $0x0  }
0x27: {  	v17 =	vor.u32 v35, v18;
	v18 =	vor.u32 v35, v19;
	v19 =	vor.u32 v35, v20  }
0x28: {  	v20 =	vor.u32 v35, v23;
	v23 =	vor.u32 $0x60, v22;
	v22 =	vor.u32 $0x70, v22  }
0x29: {  	v49 =	vbroadcast v49, $0x0;
	v24 =	vbroadcast v22, $0x0;
	v22 =	vor.u32 $0x10, v28  }
0x2a: {  	v16 =	vor.u32 s26, v35;
	v42 =	vor.u32 v35, v42;
	v26 =	vbroadcast v22, $0x0  }
0x2b: {  	s30 =	srdreg.scid;
	v43 =	vor.u32 v35, v44;
	v44 =	vor.u32 v35, v45;
	v45 =	vor.u32 v35, v46  }
0x2c: {  	s4 =	sand.u32 $0x1, s30;
	v46 =	vor.u32 v35, v47;
	v23 =	vbroadcast v23, $0x0;
	v25 =	vor.u32 v35, v26  }
0x2d: {  	s3 =	rddreg [dreg:$0x1];
	s5 =	ssub.s32 $0x2, s4;
	v26 =	vor.u32 v35, v27;
	v27 =	vor.u32 v35, v29;
	v29 =	vor.u32 $0x40, v28  }
0x2e: {  	s7 =	simm.s32 $0x1;
	s31 =	sor.u32 s0, s4;
	s6 =	sshrl.u32 s5, $0x1;
	v47 =	vor.u32 v35, v48;
	v48 =	vimm.f32 $0.0e+00;
	v29 =	vbroadcast v29, $0x0  }
0x2f: {  	s8 =	simm.s32 $0x0;
	p0 =	sne.s32 s31, $0x0;
	s5 =	ssub.s32 s5, s6;
	v22 =	vor.u32 v35, v23;
	v23 =	vor.u32 v35, v24;
	v24 =	vor.u32 s28, v35  }
0x30: {  	s6 =	simm.s32 $0x80;
	s4 =	smax.u32 s5, $0x1;
	s1 =	rddreg [dreg:$0x0];
	v28 =	vor.u32 v35, v29;
	v29 =	vor.u32 v35, v30;
	v30 =	vor.u32 v35, v31  }
0x31: {  	s5 =	simm.s32 $0x0;
	s2 =	rddreg [dreg:$0x2];
	_ =	strace $0x80000047;
	v31 =	vor.u32 v35, v32;
	v32 =	vor.u32 s29, v35;
	v35 =	vor.u32 v35, v49  }
.LBB2_1:
0x32: {  	s9 =	sand.u32 $0xFE00, s5  }
0x33: {  	s10 =	sand.u32 $0x70, s5;
	s11 =	sshrl.u32 s9, $0x2  }
0x34: {  	s9 =	simm.s32 $0x40;
	s11 =	sor.u32 s10, s11;
	s10 =	simm.s32 $0x0  }
.LBB2_2:
0x35: {  	p1 =	sne.s32 s9, $0xFFC0  }
0x36: {  	[tilespmem:s11+$0x80] =	vst v48;
	s10 =	sadd.s32 $0x10, s10;
	s11 =	smov.u32 s9;
	s9 =	sadd.s32 $0x40, s9  }
.Ltmp0:
0x37: {  	(pc) =	sbr.rel @p1 .LBB2_2-.Ltmp0, $4  }
0x38: {  	_ = 	snop  }
0x39: {  	s11 =	sand.u32 $0xFE00, s11  }
0x3a: {  	s12 =	sand.u32 $0x70, s10;
	s11 =	sshrl.u32 s11, $0x2  }
0x3b: {  	s11 =	sor.u32 s12, s11  }
0x3c: {  	[tilespmem:s11+$0x80] =	vst v48  }
0x3d: {  	[tilespmem:$0x0] =	vst v0  }
0x3e: {  	[tilespmem:$0x10] =	vst v1  }
0x3f: {  	[tilespmem:$0x20] =	vst v2  }
0x40: {  	[tilespmem:$0x30] =	vst v3  }
0x41: {  	[tilespmem:$0x40] =	vst v4  }
0x42: {  	[tilespmem:$0x50] =	vst v5  }
0x43: {  	[tilespmem:$0x60] =	vst v6  }
0x44: {  	[tilespmem:$0x70] =	vst v7  }
0x45: {  	[spmem:s3] =	stream.indirect.scatter [tilespmem:s6], [sflag:$0x1], $0x80, s5, s6, $0xb8;
	[tilespmem:$0x1C080] =	vst v63  }
0x46: {  	_ =	swait.ge [sflag:s7], $0x4000  }
0x47: {  	[sflag:s7] =	ssyncset.done $0x0  }
0x48: {  	[sflag:s7] =	ssyncadd.s32 $0xFFFFC000  }
0x49: {  	[tilespmem:$0x0] =	vst v8  }
0x4a: {  	[tilespmem:$0x10] =	vst v9  }
0x4b: {  	[tilespmem:$0x20] =	vst v10  }
0x4c: {  	[tilespmem:$0x30] =	vst v11  }
0x4d: {  	[tilespmem:$0x40] =	vst v12  }
0x4e: {  	[tilespmem:$0x50] =	vst v13  }
0x4f: {  	[tilespmem:$0x60] =	vst v14  }
0x50: {  	[tilespmem:$0x70] =	vst v15  }
0x51: {  	[spmem:s3] =	stream.indirect.scatter [tilespmem:s6], [sflag:$0x1], $0x80, s5, s6, $0xb8;
	[tilespmem:$0x1C080] =	vst v63  }
0x52: {  	_ =	swait.ge [sflag:s7], $0x4000  }
0x53: {  	[sflag:s7] =	ssyncset.done $0x0  }
0x54: {  	[sflag:s7] =	ssyncadd.s32 $0xFFFFC000  }
0x55: {  	[tilespmem:$0x0] =	vst v16  }
0x56: {  	[tilespmem:$0x10] =	vst v17  }
0x57: {  	[tilespmem:$0x20] =	vst v18  }
0x58: {  	[tilespmem:$0x30] =	vst v19  }
0x59: {  	[tilespmem:$0x40] =	vst v20  }
0x5a: {  	[tilespmem:$0x50] =	vst v21  }
0x5b: {  	[tilespmem:$0x60] =	vst v22  }
0x5c: {  	[tilespmem:$0x70] =	vst v23  }
0x5d: {  	[spmem:s3] =	stream.indirect.scatter [tilespmem:s6], [sflag:$0x1], $0x80, s5, s6, $0xb8;
	[tilespmem:$0x1C080] =	vst v63  }
0x5e: {  	_ =	swait.ge [sflag:s7], $0x4000  }
0x5f: {  	[sflag:s7] =	ssyncset.done $0x0  }
0x60: {  	[sflag:s7] =	ssyncadd.s32 $0xFFFFC000  }
0x61: {  	[tilespmem:$0x0] =	vst v24  }
0x62: {  	[tilespmem:$0x10] =	vst v25  }
0x63: {  	[tilespmem:$0x20] =	vst v26  }
0x64: {  	[tilespmem:$0x30] =	vst v27  }
0x65: {  	[tilespmem:$0x40] =	vst v28  }
0x66: {  	[tilespmem:$0x50] =	vst v29  }
0x67: {  	[tilespmem:$0x60] =	vst v30  }
0x68: {  	[tilespmem:$0x70] =	vst v31  }
0x69: {  	[spmem:s3] =	stream.indirect.scatter [tilespmem:s6], [sflag:$0x1], $0x80, s5, s6, $0xb8;
	[tilespmem:$0x1C080] =	vst v63  }
0x6a: {  	_ =	swait.ge [sflag:s7], $0x4000  }
0x6b: {  	[sflag:s7] =	ssyncset.done $0x0  }
0x6c: {  	[sflag:s7] =	ssyncadd.s32 $0xFFFFC000  }
0x6d: {  	[tilespmem:$0x0] =	vst v32  }
0x6e: {  	[tilespmem:$0x10] =	vst v33  }
0x6f: {  	[tilespmem:$0x20] =	vst v34  }
0x70: {  	[tilespmem:$0x30] =	vst v36  }
0x71: {  	[tilespmem:$0x40] =	vst v37  }
0x72: {  	[tilespmem:$0x50] =	vst v38  }
0x73: {  	[tilespmem:$0x60] =	vst v39  }
0x74: {  	[tilespmem:$0x70] =	vst v40  }
0x75: {  	[spmem:s3] =	stream.indirect.scatter [tilespmem:s6], [sflag:$0x1], $0x80, s5, s6, $0xb8;
	[tilespmem:$0x1C080] =	vst v63  }
0x76: {  	_ =	swait.ge [sflag:s7], $0x4000  }
0x77: {  	[sflag:s7] =	ssyncset.done $0x0  }
0x78: {  	[sflag:s7] =	ssyncadd.s32 $0xFFFFC000  }
0x79: {  	[tilespmem:$0x0] =	vst v41  }
0x7a: {  	[tilespmem:$0x10] =	vst v42  }
0x7b: {  	[tilespmem:$0x20] =	vst v43  }
0x7c: {  	[tilespmem:$0x30] =	vst v44  }
0x7d: {  	[tilespmem:$0x40] =	vst v45  }
0x7e: {  	[tilespmem:$0x50] =	vst v46  }
0x7f: {  	[tilespmem:$0x60] =	vst v47  }
0x80: {  	[tilespmem:$0x70] =	vst v35  }
0x81: {  	[spmem:s3] =	stream.indirect.scatter [tilespmem:s6], [sflag:$0x1], $0x80, s5, s6, $0xb8;
	[tilespmem:$0x1C080] =	vst v63  }
0x82: {  	_ =	swait.ge [sflag:s7], $0x4000  }
0x83: {  	s9 =	simm.s32 @!p0 $0x0;
	s8 =	sadd.s32 $0x1, s8;
	[sflag:s7] =	ssyncset.done $0x0  }
0x84: {  	s10 =	simm.s32 @!p0 $0x80;
	p1 =	sne.s32 s8, s4;
	[sflag:s7] =	ssyncadd.s32 $0xFFFFC000  }
0x85: {  	[hbm4b:s1+s9] =	stream.linear.scatter @!p0 [tilespmem:s10], [sflag:$0x1], $0x8, $0x38;
	[tilespmem:$0x1C080] =	vst v63  }
.Ltmp1:
0x86: {  	_ = 	snop;
	(pc) =	sbr.rel @p1 .LBB2_1-.Ltmp1, $4  }
0x87: {  	s9 =	simm.s32 @!p0 $0x1  }
0x88: {  	_ =	swait.ge @!p0 [sflag:s9], $0x8  }
0x89: {  	[sflag:s9] =	ssyncset.done @!p0 $0x0  }
0x8a: {  	[sflag:s9] =	ssyncadd.s32 @!p0 $0xFFFFFFF8  }
0x8b: {  	_ =	sfence.sel $0x180000  }
0x8c: {  	[bflag:$0x0] =	sbarrier.arrive $0xFFFF  }
0x8d: {  	p0 =	sne.s32 s0, $0x0;
	_ =	strace $0x90000047  }
0x8e: {  	s0 =	sadd.s32 @!p0 $0x100000, s2;
	[bflag:$0x2] =	sbarrier.arrive $0xFFFF  }
0x8f: {  	[sflag:s0] =	ssyncadd.tile.s32 @!p0 $0x1;
	_ =	shalt  }
.Lfunc_end2:
_tile_overlayer_lowered:
.L_overlay_start_2:
0x90: {  	(tag) =	ssettag $0x2  }
0x91: {  	s0 =	rddreg [dreg:$0x0];
	s2 =	stileid.u32  }
0x92: {  	s1 =	rddreg [dreg:$0x1];
	p0 =	sne.s32 s2, $0x0  }
0x93: {  	s3 =	rddreg [dreg:$0x2];
	[bflag:$0x3] =	sbarrier.arrive $0xFFFF;
	s2 =	simm.s32 @!p0 $0x1C01  }
0x94: {  	[timem:s3], [sflag:s2] =	dma.local @!p0 [hbm:s0], s1  }
0x95: {  	s0 =	simm.s32 @!p0 $0x1  }
0x96: {  	_ =	swait.ge @!p0 [sflag:s0], s1  }
0x97: {  	s1 =	ssub.s32 @!p0 $0x0, s1;
	[sflag:s0] =	ssyncset.done @!p0 $0x0  }
0x98: {  	[sflag:s0] =	ssyncadd.s32 @!p0 s1  }
0x99: {  	[bflag:$0x3] =	sbarrier.arrive $0xFFFF  }
0x9a: {  	_ =	shalt  }

</sc_bundles>
